<compile_context>
chip_gen: v7x
topology: tpu7x:2x2x1
jax: 0.10.2.dev20260603
libtpu: 0.0.44.dev20260713+nightly
codegen_flags: <defaults>
</compile_context>

<pallas_src>
import functools

import jax
import jax.numpy as jnp
from jax import lax
from jax.experimental import pallas as pl
from jax.experimental.pallas import tpu as pltpu
from jax.experimental.pallas import tpu_sc as plsc

D = 128
L = 16
CHUNK = 128
MM_BLOCK = 2000


def _mm_body(xy_ref, w_ref, out_ref, *, half_blocks):
    sign = jnp.where(pl.program_id(0) < half_blocks, 1.0, -1.0)
    out_ref[...] = sign * jnp.dot(
        xy_ref[...], w_ref[...], preferred_element_type=jnp.float32
    )


def _node_table(xy, W):
    n2 = xy.shape[0]
    nblk = n2 // MM_BLOCK
    return pl.pallas_call(
        functools.partial(_mm_body, half_blocks=nblk // 2),
        grid=(nblk,),
        in_specs=[
            pl.BlockSpec((MM_BLOCK, D), lambda i: (i, 0)),
            pl.BlockSpec((D, D), lambda i: (0, 0)),
        ],
        out_specs=pl.BlockSpec((MM_BLOCK, D), lambda i: (i, 0)),
        out_shape=jax.ShapeDtypeStruct((n2, D), jnp.float32),
    )(xy, W)


def _edge_body(n_nodes, nchunks, nc_lo, nextra, npairs,
               table_hbm, edge_hbm, out_hbm,
               idx0, idx1, rows_ua, rows_ub, rows_va, rows_vb,
               dvbig, abuf, stage, sema, semb):
    info = plsc.get_sparse_core_info()
    wid = lax.axis_index("s") * info.num_cores + lax.axis_index("c")
    nc_w = nc_lo + jnp.where(wid < nextra, 1, 0)
    s_w = nc_lo * wid + jnp.minimum(wid, nextra)
    eb = s_w * CHUNK
    n_lo = nc_lo * CHUNK
    rows_us, rows_vs = (rows_ua, rows_ub), (rows_va, rows_vb)
    sems = (sema, semb)

    pltpu.sync_copy(edge_hbm.at[0, pl.ds(eb, n_lo)], idx0.at[pl.ds(0, n_lo)])
    pltpu.sync_copy(edge_hbm.at[1, pl.ds(eb, n_lo)], idx1.at[pl.ds(0, n_lo)])

    @pl.when(wid < nextra)
    def _():
        pltpu.sync_copy(edge_hbm.at[0, pl.ds(eb + n_lo, CHUNK)],
                        idx0.at[pl.ds(n_lo, CHUNK)])
        pltpu.sync_copy(edge_hbm.at[1, pl.ds(eb + n_lo, CHUNK)],
                        idx1.at[pl.ds(n_lo, CHUNK)])

    def _off(j, _):
        sl = pl.ds(j * L, L)
        idx1[sl] = idx1[sl] + n_nodes
        return 0

    lax.fori_loop(0, (n_lo + CHUNK) // L, _off, 0)

    def start(b, t):
        pltpu.async_copy(table_hbm.at[idx0.at[pl.ds(t * CHUNK, CHUNK)]],
                         rows_us[b], sems[b])
        pltpu.async_copy(table_hbm.at[idx1.at[pl.ds(t * CHUNK, CHUNK)]],
                         rows_vs[b], sems[b])

    def wait(b, t):
        pltpu.make_async_copy(table_hbm.at[idx0.at[pl.ds(t * CHUNK, CHUNK)]],
                              rows_us[b], sems[b]).wait()
        pltpu.make_async_copy(table_hbm.at[idx1.at[pl.ds(t * CHUNK, CHUNK)]],
                              rows_vs[b], sems[b]).wait()

    def compute(b, t):
        rows_u, rows_v = rows_us[b], rows_vs[b]

        lanes = lax.iota(jnp.int32, L)

        def estep(q, _, rows_u=rows_u, rows_v=rows_v, t=t):
            zv = jnp.zeros((L,), jnp.float32)
            for i in range(L):
                e = q * L + i
                acc = jnp.zeros((L,), jnp.float32)
                for j in range(D // L):
                    sl = pl.ds(j * L, L)
                    d = rows_u[e, sl] + rows_v[e, sl]
                    acc = acc + d * d
                acc = acc + lax.rev(acc, (0,))
                ss = [acc[l] for l in range(L // 2)]
                while len(ss) > 1:
                    ss = [a + b for a, b in zip(ss[0::2], ss[1::2])]
                zv = jnp.where(lanes == i, ss[0], zv)
            z = jnp.maximum(zv, jnp.float32(1e-20))
            iz = lax.bitcast_convert_type(z, jnp.int32)
            r = lax.bitcast_convert_type(jnp.int32(0x5F3759DF) - (iz >> 1),
                                         jnp.float32)
            for _u in range(3):
                r = r * (1.5 - 0.5 * z * r * r)
            dvbig[pl.ds(t * CHUNK + q * L, L)] = jnp.exp(-0.5 * z * r)
            return 0

        lax.fori_loop(0, CHUNK // L, estep, 0)

    @pl.when(nc_w > 0)
    def _():
        start(0, 0)

    @pl.when(nc_w > 1)
    def _():
        start(1, 1)

    def pair(i, _):
        for b in range(2):
            t = 2 * i + b

            @pl.when(t < nc_w)
            def _(b=b, t=t):
                wait(b, t)
                compute(b, t)

                @pl.when(t + 2 < nc_w)
                def _():
                    start(b, t + 2)

        return 0

    lax.fori_loop(0, npairs, pair, 0)

    pltpu.sync_copy(dvbig.at[pl.ds(0, n_lo)], out_hbm.at[pl.ds(eb, n_lo)])

    @pl.when(wid < nextra)
    def _():
        pltpu.sync_copy(dvbig.at[pl.ds(n_lo, CHUNK)],
                        out_hbm.at[pl.ds(eb + n_lo, CHUNK)])


def _edge_distances(table, edge):
    n2 = table.shape[0]
    e = edge.shape[1]
    assert e % CHUNK == 0
    nchunks = e // CHUNK
    info = plsc.get_sparse_core_info()
    nworkers = info.num_cores * info.num_subcores
    nc_lo = nchunks // nworkers
    nextra = nchunks - nc_lo * nworkers
    nc_max = nc_lo + (1 if nextra else 0)
    npairs = (nc_max + 1) // 2
    nbuf = nc_max * CHUNK
    mesh = plsc.VectorSubcoreMesh(core_axis_name="c", subcore_axis_name="s")
    body = functools.partial(
        _edge_body, n2 // 2, nchunks, nc_lo, nextra, npairs)
    return pl.kernel(
        body,
        out_type=jax.ShapeDtypeStruct((e,), jnp.float32),
        mesh=mesh,
        scratch_types=[
            pltpu.VMEM((nbuf,), jnp.int32),
            pltpu.VMEM((nbuf,), jnp.int32),
            pltpu.VMEM((CHUNK, D), jnp.float32),
            pltpu.VMEM((CHUNK, D), jnp.float32),
            pltpu.VMEM((CHUNK, D), jnp.float32),
            pltpu.VMEM((CHUNK, D), jnp.float32),
            pltpu.VMEM((nbuf + L,), jnp.float32),
            pltpu.VMEM((CHUNK * L,), jnp.float32),
            pltpu.VMEM((L * 32,), jnp.float32),
            pltpu.SemaphoreType.DMA,
            pltpu.SemaphoreType.DMA,
        ],
    )(table, edge)


def kernel(x, y, edge, W):
    xy = jnp.concatenate([x, y], axis=0)
    table = _node_table(xy, W)
    return _edge_distances(table, edge)

# --- scband reference (transcript-rebuilt; emitter-appended) ---
"""Pipeline reference for scband-generalized-mahalanobis-68204080660525 (READ-ONLY COPY).

The authoritative reference and input builder live on the scoring server;
editing this copy changes nothing except your own understanding.
"""

import jax, jax.numpy as jnp
import numpy as np

N = 10000
E = 320000
D_IN = 128
SIGMA = 1.0


def setup_inputs(seed: int = 0) -> dict:
    key = jax.random.key(seed)
    k1, k2, k3, k4 = jax.random.split(key, 4)
    x = jax.random.normal(k1, (N, D_IN), dtype=jnp.float32)
    y = jax.random.normal(k2, (N, D_IN), dtype=jnp.float32)
    edge = jax.random.randint(k3, (2, E), 0, N, dtype=jnp.int32)
    # learned parameter W (torch leaves it uninitialized; use a sane scaled init)
    W = jax.random.normal(k4, (D_IN, D_IN), dtype=jnp.float32) * (1.0 / np.sqrt(D_IN))
    return {"x": x, "y": y, "edge": edge, "W": W}


def reference(x, y, edge, W):
    # M = W @ W.T (PSD metric matrix)
    M = W @ W.T
    # gather endpoint features along edges (SparseCore gather)
    d = jnp.take(x, edge[0], axis=0) - jnp.take(y, edge[1], axis=0)
    # generalized Mahalanobis distance per edge
    Dv = jnp.sqrt(jnp.sum((d @ M) * d, axis=1))
    Dv = jnp.exp(-Dv / (2.0 * SIGMA ** 2))
    # torch returns sparse COO tensor (edge indices, values Dv); values are the output
    return Dv

if __name__ == "__main__":
    import jax
    _d = setup_inputs()
    print(jax.jit(kernel)(*tuple(_d.values())))

</pallas_src>

<mosaic_0001>
#map = affine_map<(d0, d1) -> (0, 0)>
#map1 = affine_map<(d0, d1) -> (0)>
module attributes {stable_mosaic.version = 14 : i64} {
  func.func @_edge_body(%arg0: i32, %arg1: i32, %arg2: memref<20000x128xf32, #tpu.memory_space<hbm>>, %arg3: memref<2x320000xi32, #tpu.memory_space<hbm>>, %arg4: memref<320000xf32, #tpu.memory_space<hbm>>, %arg5: memref<10112xi32, #tpu.memory_space<vmem>>, %arg6: memref<10112xi32, #tpu.memory_space<vmem>>, %arg7: memref<128x128xf32, #tpu.memory_space<vmem>>, %arg8: memref<128x128xf32, #tpu.memory_space<vmem>>, %arg9: memref<128x128xf32, #tpu.memory_space<vmem>>, %arg10: memref<128x128xf32, #tpu.memory_space<vmem>>, %arg11: memref<10128xf32, #tpu.memory_space<vmem>>, %arg12: memref<2048xf32, #tpu.memory_space<vmem>>, %arg13: memref<512xf32, #tpu.memory_space<vmem>>, %arg14: memref<!tpu.dma_semaphore, #tpu.memory_space<semaphore_mem>>, %arg15: memref<!tpu.dma_semaphore, #tpu.memory_space<semaphore_mem>>) attributes {dimension_semantics = [#tpu.dimension_semantics<core_parallel>, #tpu.dimension_semantics<subcore_parallel>], iteration_bounds = array<i64: 2, 16>, scalar_prefetch = 0 : i64, scratch_operands = 11 : i64, tpu.core_type = #tpu.core_type<sc_vector_subcore>, window_params = [{transform_indices = #map}, {transform_indices = #map}, {transform_indices = #map1}]} {
    %mul3A = arith.constant 2 : i32
    %mul3A_0 = arith.muli %arg1, %mul3A : i32
    %add3A = arith.addi %mul3A_0, %arg0 : i32
    %lt3A = arith.constant 4 : i32
    %lt3A_1 = arith.cmpi slt, %add3A, %lt3A : i32
    %jit3A = arith.constant 1 : i32
    %jit3A_2 = arith.constant 0 : i32
    %select_n3A = arith.select %lt3A_1, %jit3A, %jit3A_2 : i32
    %add3A_3 = arith.constant 78 : i32
    %add3A_4 = arith.addi %add3A_3, %select_n3A : i32
    %mul3A_5 = arith.constant 78 : i32
    %mul3A_6 = arith.muli %mul3A_5, %add3A : i32
    %min3A = arith.constant 4 : i32
    %min3A_7 = arith.minsi %add3A, %min3A : i32
    %add3A_8 = arith.addi %mul3A_6, %min3A_7 : i32
    %mul3A_9 = arith.constant 128 : i32
    %mul3A_10 = arith.muli %add3A_8, %mul3A_9 : i32
    %run_scoped3A = arith.constant 0 : i32
    "tpu.region"() ({
      %run_scoped3A_42 = tpu.sem_alloc : memref<!tpu.dma_semaphore, #tpu.memory_space<semaphore_mem>>
      %dma_start3A = arith.constant 0 : i32
      %dma_start3A_43 = tpu.memref_slice %arg5[%dma_start3A] : memref<10112xi32, #tpu.memory_space<vmem>> -> memref<9984xi32, #tpu.memory_space<vmem>>
      %dma_start3A_44 = tpu.memref_slice %arg3[%run_scoped3A, %mul3A_10] : memref<2x320000xi32, #tpu.memory_space<hbm>> -> memref<1x9984xi32, #tpu.memory_space<hbm>>
      %dma_start3A_45 = tpu.memref_squeeze %dma_start3A_44 : memref<1x9984xi32, #tpu.memory_space<hbm>> -> memref<9984xi32, #tpu.memory_space<hbm>>
      %dma_start3A_46 = arith.constant 0 : i32
      %dma_start3A_47 = tpu.memref_slice %arg5[%dma_start3A_46] : memref<10112xi32, #tpu.memory_space<vmem>> -> memref<9984xi32, #tpu.memory_space<vmem>>
      %dma_start3A_48 = tpu.memref_slice %arg3[%run_scoped3A, %mul3A_10] : memref<2x320000xi32, #tpu.memory_space<hbm>> -> memref<1x9984xi32, #tpu.memory_space<hbm>>
      %dma_start3A_49 = tpu.memref_squeeze %dma_start3A_48 : memref<1x9984xi32, #tpu.memory_space<hbm>> -> memref<9984xi32, #tpu.memory_space<hbm>>
      tpu.enqueue_dma source(%dma_start3A_49 : memref<9984xi32, #tpu.memory_space<hbm>>) target(%dma_start3A_47 : memref<9984xi32, #tpu.memory_space<vmem>>) target_semaphore(%run_scoped3A_42 : memref<!tpu.dma_semaphore, #tpu.memory_space<semaphore_mem>>)
      %dma_wait3A = arith.constant 0 : i32
      %dma_wait3A_50 = tpu.memref_slice %arg5[%dma_wait3A] : memref<10112xi32, #tpu.memory_space<vmem>> -> memref<9984xi32, #tpu.memory_space<vmem>>
      %dma_wait3A_51 = tpu.memref_slice %arg3[%run_scoped3A, %mul3A_10] : memref<2x320000xi32, #tpu.memory_space<hbm>> -> memref<1x9984xi32, #tpu.memory_space<hbm>>
      %dma_wait3A_52 = tpu.memref_squeeze %dma_wait3A_51 : memref<1x9984xi32, #tpu.memory_space<hbm>> -> memref<9984xi32, #tpu.memory_space<hbm>>
      %dma_wait3A_53 = arith.constant 0 : i32
      %dma_wait3A_54 = tpu.memref_slice %arg5[%dma_wait3A_53] : memref<10112xi32, #tpu.memory_space<vmem>> -> memref<9984xi32, #tpu.memory_space<vmem>>
      %dma_wait3A_55 = tpu.memref_slice %arg3[%run_scoped3A, %mul3A_10] : memref<2x320000xi32, #tpu.memory_space<hbm>> -> memref<1x9984xi32, #tpu.memory_space<hbm>>
      %dma_wait3A_56 = tpu.memref_squeeze %dma_wait3A_55 : memref<1x9984xi32, #tpu.memory_space<hbm>> -> memref<9984xi32, #tpu.memory_space<hbm>>
      tpu.wait_dma2 semaphore(%run_scoped3A_42 : memref<!tpu.dma_semaphore, #tpu.memory_space<semaphore_mem>>) src(%dma_wait3A_56 : memref<9984xi32, #tpu.memory_space<hbm>>) dst(%dma_wait3A_54 : memref<9984xi32, #tpu.memory_space<vmem>>)
      tpu.yield
    }) : () -> ()
    %run_scoped3A_11 = arith.constant 1 : i32
    "tpu.region"() ({
      %run_scoped3A_42 = tpu.sem_alloc : memref<!tpu.dma_semaphore, #tpu.memory_space<semaphore_mem>>
      %dma_start3A = arith.constant 0 : i32
      %dma_start3A_43 = tpu.memref_slice %arg6[%dma_start3A] : memref<10112xi32, #tpu.memory_space<vmem>> -> memref<9984xi32, #tpu.memory_space<vmem>>
      %dma_start3A_44 = tpu.memref_slice %arg3[%run_scoped3A_11, %mul3A_10] : memref<2x320000xi32, #tpu.memory_space<hbm>> -> memref<1x9984xi32, #tpu.memory_space<hbm>>
      %dma_start3A_45 = tpu.memref_squeeze %dma_start3A_44 : memref<1x9984xi32, #tpu.memory_space<hbm>> -> memref<9984xi32, #tpu.memory_space<hbm>>
      %dma_start3A_46 = arith.constant 0 : i32
      %dma_start3A_47 = tpu.memref_slice %arg6[%dma_start3A_46] : memref<10112xi32, #tpu.memory_space<vmem>> -> memref<9984xi32, #tpu.memory_space<vmem>>
      %dma_start3A_48 = tpu.memref_slice %arg3[%run_scoped3A_11, %mul3A_10] : memref<2x320000xi32, #tpu.memory_space<hbm>> -> memref<1x9984xi32, #tpu.memory_space<hbm>>
      %dma_start3A_49 = tpu.memref_squeeze %dma_start3A_48 : memref<1x9984xi32, #tpu.memory_space<hbm>> -> memref<9984xi32, #tpu.memory_space<hbm>>
      tpu.enqueue_dma source(%dma_start3A_49 : memref<9984xi32, #tpu.memory_space<hbm>>) target(%dma_start3A_47 : memref<9984xi32, #tpu.memory_space<vmem>>) target_semaphore(%run_scoped3A_42 : memref<!tpu.dma_semaphore, #tpu.memory_space<semaphore_mem>>)
      %dma_wait3A = arith.constant 0 : i32
      %dma_wait3A_50 = tpu.memref_slice %arg6[%dma_wait3A] : memref<10112xi32, #tpu.memory_space<vmem>> -> memref<9984xi32, #tpu.memory_space<vmem>>
      %dma_wait3A_51 = tpu.memref_slice %arg3[%run_scoped3A_11, %mul3A_10] : memref<2x320000xi32, #tpu.memory_space<hbm>> -> memref<1x9984xi32, #tpu.memory_space<hbm>>
      %dma_wait3A_52 = tpu.memref_squeeze %dma_wait3A_51 : memref<1x9984xi32, #tpu.memory_space<hbm>> -> memref<9984xi32, #tpu.memory_space<hbm>>
      %dma_wait3A_53 = arith.constant 0 : i32
      %dma_wait3A_54 = tpu.memref_slice %arg6[%dma_wait3A_53] : memref<10112xi32, #tpu.memory_space<vmem>> -> memref<9984xi32, #tpu.memory_space<vmem>>
      %dma_wait3A_55 = tpu.memref_slice %arg3[%run_scoped3A_11, %mul3A_10] : memref<2x320000xi32, #tpu.memory_space<hbm>> -> memref<1x9984xi32, #tpu.memory_space<hbm>>
      %dma_wait3A_56 = tpu.memref_squeeze %dma_wait3A_55 : memref<1x9984xi32, #tpu.memory_space<hbm>> -> memref<9984xi32, #tpu.memory_space<hbm>>
      tpu.wait_dma2 semaphore(%run_scoped3A_42 : memref<!tpu.dma_semaphore, #tpu.memory_space<semaphore_mem>>) src(%dma_wait3A_56 : memref<9984xi32, #tpu.memory_space<hbm>>) dst(%dma_wait3A_54 : memref<9984xi32, #tpu.memory_space<vmem>>)
      tpu.yield
    }) : () -> ()
    %lt3A_12 = arith.constant 4 : i32
    %lt3A_13 = arith.cmpi slt, %add3A, %lt3A_12 : i32
    %convert_element_type3A = arith.extui %lt3A_13 : i1 to i32
    %cond3A = arith.constant 0 : i32
    %cond3A_14 = arith.cmpi ne, %convert_element_type3A, %cond3A : i32
    scf.if %cond3A_14 {
      %add3A_42 = arith.constant 9984 : i32
      %add3A_43 = arith.addi %mul3A_10, %add3A_42 : i32
      %run_scoped3A_44 = arith.constant 0 : i32
      "tpu.region"() ({
        %run_scoped3A_48 = tpu.sem_alloc : memref<!tpu.dma_semaphore, #tpu.memory_space<semaphore_mem>>
        %dma_start3A = arith.constant 9984 : i32
        %dma_start3A_49 = tpu.memref_slice %arg5[%dma_start3A] : memref<10112xi32, #tpu.memory_space<vmem>> -> memref<128xi32, #tpu.memory_space<vmem>>
        %dma_start3A_50 = tpu.memref_slice %arg3[%run_scoped3A_44, %add3A_43] : memref<2x320000xi32, #tpu.memory_space<hbm>> -> memref<1x128xi32, #tpu.memory_space<hbm>>
        %dma_start3A_51 = tpu.memref_squeeze %dma_start3A_50 : memref<1x128xi32, #tpu.memory_space<hbm>> -> memref<128xi32, #tpu.memory_space<hbm>>
        %dma_start3A_52 = arith.constant 9984 : i32
        %dma_start3A_53 = tpu.memref_slice %arg5[%dma_start3A_52] : memref<10112xi32, #tpu.memory_space<vmem>> -> memref<128xi32, #tpu.memory_space<vmem>>
        %dma_start3A_54 = tpu.memref_slice %arg3[%run_scoped3A_44, %add3A_43] : memref<2x320000xi32, #tpu.memory_space<hbm>> -> memref<1x128xi32, #tpu.memory_space<hbm>>
        %dma_start3A_55 = tpu.memref_squeeze %dma_start3A_54 : memref<1x128xi32, #tpu.memory_space<hbm>> -> memref<128xi32, #tpu.memory_space<hbm>>
        tpu.enqueue_dma source(%dma_start3A_55 : memref<128xi32, #tpu.memory_space<hbm>>) target(%dma_start3A_53 : memref<128xi32, #tpu.memory_space<vmem>>) target_semaphore(%run_scoped3A_48 : memref<!tpu.dma_semaphore, #tpu.memory_space<semaphore_mem>>)
        %dma_wait3A = arith.constant 9984 : i32
        %dma_wait3A_56 = tpu.memref_slice %arg5[%dma_wait3A] : memref<10112xi32, #tpu.memory_space<vmem>> -> memref<128xi32, #tpu.memory_space<vmem>>
        %dma_wait3A_57 = tpu.memref_slice %arg3[%run_scoped3A_44, %add3A_43] : memref<2x320000xi32, #tpu.memory_space<hbm>> -> memref<1x128xi32, #tpu.memory_space<hbm>>
        %dma_wait3A_58 = tpu.memref_squeeze %dma_wait3A_57 : memref<1x128xi32, #tpu.memory_space<hbm>> -> memref<128xi32, #tpu.memory_space<hbm>>
        %dma_wait3A_59 = arith.constant 9984 : i32
        %dma_wait3A_60 = tpu.memref_slice %arg5[%dma_wait3A_59] : memref<10112xi32, #tpu.memory_space<vmem>> -> memref<128xi32, #tpu.memory_space<vmem>>
        %dma_wait3A_61 = tpu.memref_slice %arg3[%run_scoped3A_44, %add3A_43] : memref<2x320000xi32, #tpu.memory_space<hbm>> -> memref<1x128xi32, #tpu.memory_space<hbm>>
        %dma_wait3A_62 = tpu.memref_squeeze %dma_wait3A_61 : memref<1x128xi32, #tpu.memory_space<hbm>> -> memref<128xi32, #tpu.memory_space<hbm>>
        tpu.wait_dma2 semaphore(%run_scoped3A_48 : memref<!tpu.dma_semaphore, #tpu.memory_space<semaphore_mem>>) src(%dma_wait3A_62 : memref<128xi32, #tpu.memory_space<hbm>>) dst(%dma_wait3A_60 : memref<128xi32, #tpu.memory_space<vmem>>)
        tpu.yield
      }) : () -> ()
      %add3A_45 = arith.constant 9984 : i32
      %add3A_46 = arith.addi %mul3A_10, %add3A_45 : i32
      %run_scoped3A_47 = arith.constant 1 : i32
      "tpu.region"() ({
        %run_scoped3A_48 = tpu.sem_alloc : memref<!tpu.dma_semaphore, #tpu.memory_space<semaphore_mem>>
        %dma_start3A = arith.constant 9984 : i32
        %dma_start3A_49 = tpu.memref_slice %arg6[%dma_start3A] : memref<10112xi32, #tpu.memory_space<vmem>> -> memref<128xi32, #tpu.memory_space<vmem>>
        %dma_start3A_50 = tpu.memref_slice %arg3[%run_scoped3A_47, %add3A_46] : memref<2x320000xi32, #tpu.memory_space<hbm>> -> memref<1x128xi32, #tpu.memory_space<hbm>>
        %dma_start3A_51 = tpu.memref_squeeze %dma_start3A_50 : memref<1x128xi32, #tpu.memory_space<hbm>> -> memref<128xi32, #tpu.memory_space<hbm>>
        %dma_start3A_52 = arith.constant 9984 : i32
        %dma_start3A_53 = tpu.memref_slice %arg6[%dma_start3A_52] : memref<10112xi32, #tpu.memory_space<vmem>> -> memref<128xi32, #tpu.memory_space<vmem>>
        %dma_start3A_54 = tpu.memref_slice %arg3[%run_scoped3A_47, %add3A_46] : memref<2x320000xi32, #tpu.memory_space<hbm>> -> memref<1x128xi32, #tpu.memory_space<hbm>>
        %dma_start3A_55 = tpu.memref_squeeze %dma_start3A_54 : memref<1x128xi32, #tpu.memory_space<hbm>> -> memref<128xi32, #tpu.memory_space<hbm>>
        tpu.enqueue_dma source(%dma_start3A_55 : memref<128xi32, #tpu.memory_space<hbm>>) target(%dma_start3A_53 : memref<128xi32, #tpu.memory_space<vmem>>) target_semaphore(%run_scoped3A_48 : memref<!tpu.dma_semaphore, #tpu.memory_space<semaphore_mem>>)
        %dma_wait3A = arith.constant 9984 : i32
        %dma_wait3A_56 = tpu.memref_slice %arg6[%dma_wait3A] : memref<10112xi32, #tpu.memory_space<vmem>> -> memref<128xi32, #tpu.memory_space<vmem>>
        %dma_wait3A_57 = tpu.memref_slice %arg3[%run_scoped3A_47, %add3A_46] : memref<2x320000xi32, #tpu.memory_space<hbm>> -> memref<1x128xi32, #tpu.memory_space<hbm>>
        %dma_wait3A_58 = tpu.memref_squeeze %dma_wait3A_57 : memref<1x128xi32, #tpu.memory_space<hbm>> -> memref<128xi32, #tpu.memory_space<hbm>>
        %dma_wait3A_59 = arith.constant 9984 : i32
        %dma_wait3A_60 = tpu.memref_slice %arg6[%dma_wait3A_59] : memref<10112xi32, #tpu.memory_space<vmem>> -> memref<128xi32, #tpu.memory_space<vmem>>
        %dma_wait3A_61 = tpu.memref_slice %arg3[%run_scoped3A_47, %add3A_46] : memref<2x320000xi32, #tpu.memory_space<hbm>> -> memref<1x128xi32, #tpu.memory_space<hbm>>
        %dma_wait3A_62 = tpu.memref_squeeze %dma_wait3A_61 : memref<1x128xi32, #tpu.memory_space<hbm>> -> memref<128xi32, #tpu.memory_space<hbm>>
        tpu.wait_dma2 semaphore(%run_scoped3A_48 : memref<!tpu.dma_semaphore, #tpu.memory_space<semaphore_mem>>) src(%dma_wait3A_62 : memref<128xi32, #tpu.memory_space<hbm>>) dst(%dma_wait3A_60 : memref<128xi32, #tpu.memory_space<vmem>>)
        tpu.yield
      }) : () -> ()
    } else {
    }
    %scan3A = arith.constant 0 : i32
    %scan3A_15 = arith.constant 0 : i32
    %scan3A_16 = arith.constant 632 : i32
    %scan3A_17 = arith.addi %scan3A_15, %scan3A_16 : i32
    %scan3A_18 = arith.constant 1 : i32
    %scan3A_19 = scf.for %scan3A_42 = %scan3A_15 to %scan3A_17 step %scan3A_18 iter_args(%scan3A_43 = %scan3A) -> (i32)  : i32 {
      %mul3A_44 = arith.constant 16 : i32
      %mul3A_45 = arith.muli %scan3A_42, %mul3A_44 : i32
      %get3A = arith.index_cast %mul3A_45 : i32 to index
      %get3A_46 = tpu.vector_load %arg6[%get3A] {strides = array<i32>} : memref<10112xi32, #tpu.memory_space<vmem>>, vector<16xi32>,
      %get3A_47 = vector.shape_cast %get3A_46 : vector<16xi32> to vector<16xi32>
      %add3A_48 = arith.constant 10000 : i32
      %add3A_49 = vector.broadcast %add3A_48 : i32 to vector<16xi32>
      %add3A_50 = arith.addi %get3A_47, %add3A_49 : vector<16xi32>
      %swap3A = arith.index_cast %mul3A_45 : i32 to index
      %swap3A_51 = tpu.vector_load %arg6[%swap3A] {strides = array<i32>} : memref<10112xi32, #tpu.memory_space<vmem>>, vector<16xi32>,
      %swap3A_52 = vector.shape_cast %swap3A_51 : vector<16xi32> to vector<16xi32>
      %swap3A_53 = vector.shape_cast %add3A_50 : vector<16xi32> to vector<16xi32>
      tpu.vector_store %arg6[%swap3A], %swap3A_53 {strides = array<i32>} : memref<10112xi32, #tpu.memory_space<vmem>>, vector<16xi32>,
      %scan3A_54 = arith.constant 0 : i32
      scf.yield %scan3A_54 : i32
    }
    %scan3A_20 = arith.constant 632 : i32
    %gt3A = arith.constant 0 : i32
    %gt3A_21 = arith.cmpi sgt, %add3A_4, %gt3A : i32
    %convert_element_type3A_22 = arith.extui %gt3A_21 : i1 to i32
    %cond3A_23 = arith.constant 0 : i32
    %cond3A_24 = arith.cmpi ne, %convert_element_type3A_22, %cond3A_23 : i32
    scf.if %cond3A_24 {
      %dma_start3A = arith.constant 0 : i32
      %dma_start3A_42 = tpu.memref_slice %arg5[%dma_start3A] : memref<10112xi32, #tpu.memory_space<vmem>> -> memref<128xi32, #tpu.memory_space<vmem>>
      %dma_start3A_43 = arith.constant 0 : i32
      %dma_start3A_44 = arith.constant 0 : i32
      %dma_start3A_45 = tpu.memref_slice %arg2[%dma_start3A_43, %dma_start3A_44] : memref<20000x128xf32, #tpu.memory_space<hbm>> -> memref<20000x128xf32, #tpu.memory_space<hbm>>
      tpu.enqueue_indirect_dma source(%dma_start3A_45 : memref<20000x128xf32, #tpu.memory_space<hbm>>) target(%arg7 : memref<128x128xf32, #tpu.memory_space<vmem>>) offsets(%dma_start3A_42 : memref<128xi32, #tpu.memory_space<vmem>>) semaphore(%arg14 : memref<!tpu.dma_semaphore, #tpu.memory_space<semaphore_mem>>)
      %dma_start3A_46 = arith.constant 0 : i32
      %dma_start3A_47 = tpu.memref_slice %arg6[%dma_start3A_46] : memref<10112xi32, #tpu.memory_space<vmem>> -> memref<128xi32, #tpu.memory_space<vmem>>
      %dma_start3A_48 = arith.constant 0 : i32
      %dma_start3A_49 = arith.constant 0 : i32
      %dma_start3A_50 = tpu.memref_slice %arg2[%dma_start3A_48, %dma_start3A_49] : memref<20000x128xf32, #tpu.memory_space<hbm>> -> memref<20000x128xf32, #tpu.memory_space<hbm>>
      tpu.enqueue_indirect_dma source(%dma_start3A_50 : memref<20000x128xf32, #tpu.memory_space<hbm>>) target(%arg9 : memref<128x128xf32, #tpu.memory_space<vmem>>) offsets(%dma_start3A_47 : memref<128xi32, #tpu.memory_space<vmem>>) semaphore(%arg14 : memref<!tpu.dma_semaphore, #tpu.memory_space<semaphore_mem>>)
    } else {
    }
    %gt3A_25 = arith.constant 1 : i32
    %gt3A_26 = arith.cmpi sgt, %add3A_4, %gt3A_25 : i32
    %convert_element_type3A_27 = arith.extui %gt3A_26 : i1 to i32
    %cond3A_28 = arith.constant 0 : i32
    %cond3A_29 = arith.cmpi ne, %convert_element_type3A_27, %cond3A_28 : i32
    scf.if %cond3A_29 {
      %dma_start3A = arith.constant 128 : i32
      %dma_start3A_42 = tpu.memref_slice %arg5[%dma_start3A] : memref<10112xi32, #tpu.memory_space<vmem>> -> memref<128xi32, #tpu.memory_space<vmem>>
      %dma_start3A_43 = arith.constant 0 : i32
      %dma_start3A_44 = arith.constant 0 : i32
      %dma_start3A_45 = tpu.memref_slice %arg2[%dma_start3A_43, %dma_start3A_44] : memref<20000x128xf32, #tpu.memory_space<hbm>> -> memref<20000x128xf32, #tpu.memory_space<hbm>>
      tpu.enqueue_indirect_dma source(%dma_start3A_45 : memref<20000x128xf32, #tpu.memory_space<hbm>>) target(%arg8 : memref<128x128xf32, #tpu.memory_space<vmem>>) offsets(%dma_start3A_42 : memref<128xi32, #tpu.memory_space<vmem>>) semaphore(%arg15 : memref<!tpu.dma_semaphore, #tpu.memory_space<semaphore_mem>>)
      %dma_start3A_46 = arith.constant 128 : i32
      %dma_start3A_47 = tpu.memref_slice %arg6[%dma_start3A_46] : memref<10112xi32, #tpu.memory_space<vmem>> -> memref<128xi32, #tpu.memory_space<vmem>>
      %dma_start3A_48 = arith.constant 0 : i32
      %dma_start3A_49 = arith.constant 0 : i32
      %dma_start3A_50 = tpu.memref_slice %arg2[%dma_start3A_48, %dma_start3A_49] : memref<20000x128xf32, #tpu.memory_space<hbm>> -> memref<20000x128xf32, #tpu.memory_space<hbm>>
      tpu.enqueue_indirect_dma source(%dma_start3A_50 : memref<20000x128xf32, #tpu.memory_space<hbm>>) target(%arg10 : memref<128x128xf32, #tpu.memory_space<vmem>>) offsets(%dma_start3A_47 : memref<128xi32, #tpu.memory_space<vmem>>) semaphore(%arg15 : memref<!tpu.dma_semaphore, #tpu.memory_space<semaphore_mem>>)
    } else {
    }
    %scan3A_30 = arith.constant 0 : i32
    %scan3A_31 = arith.constant 0 : i32
    %scan3A_32 = arith.constant 40 : i32
    %scan3A_33 = arith.addi %scan3A_31, %scan3A_32 : i32
    %scan3A_34 = arith.constant 1 : i32
    %scan3A_35 = scf.for %scan3A_42 = %scan3A_31 to %scan3A_33 step %scan3A_34 iter_args(%scan3A_43 = %scan3A_30) -> (i32)  : i32 {
      %mul3A_44 = arith.constant 2 : i32
      %mul3A_45 = arith.muli %mul3A_44, %scan3A_42 : i32
      %add3A_46 = arith.constant 0 : i32
      %add3A_47 = arith.addi %mul3A_45, %add3A_46 : i32
      %lt3A_48 = arith.cmpi slt, %add3A_47, %add3A_4 : i32
      %convert_element_type3A_49 = arith.extui %lt3A_48 : i1 to i32
      %cond3A_50 = arith.constant 0 : i32
      %cond3A_51 = arith.cmpi ne, %convert_element_type3A_49, %cond3A_50 : i32
      scf.if %cond3A_51 {
        %mul3A_61 = arith.constant 128 : i32
        %mul3A_62 = arith.muli %add3A_47, %mul3A_61 : i32
        %dma_wait3A = tpu.memref_slice %arg5[%mul3A_62] : memref<10112xi32, #tpu.memory_space<vmem>> -> memref<128xi32, #tpu.memory_space<vmem>>
        %dma_wait3A_63 = arith.constant 0 : i32
        %dma_wait3A_64 = arith.constant 0 : i32
        %dma_wait3A_65 = tpu.memref_slice %arg2[%dma_wait3A_63, %dma_wait3A_64] : memref<20000x128xf32, #tpu.memory_space<hbm>> -> memref<20000x128xf32, #tpu.memory_space<hbm>>
        tpu.wait_indirect_dma semaphore(%arg14 : memref<!tpu.dma_semaphore, #tpu.memory_space<semaphore_mem>>) src(%dma_wait3A_65 : memref<20000x128xf32, #tpu.memory_space<hbm>>) dst(%arg7 : memref<128x128xf32, #tpu.memory_space<vmem>>)
        %mul3A_66 = arith.constant 128 : i32
        %mul3A_67 = arith.muli %add3A_47, %mul3A_66 : i32
        %dma_wait3A_68 = tpu.memref_slice %arg6[%mul3A_67] : memref<10112xi32, #tpu.memory_space<vmem>> -> memref<128xi32, #tpu.memory_space<vmem>>
        %dma_wait3A_69 = arith.constant 0 : i32
        %dma_wait3A_70 = arith.constant 0 : i32
        %dma_wait3A_71 = tpu.memref_slice %arg2[%dma_wait3A_69, %dma_wait3A_70] : memref<20000x128xf32, #tpu.memory_space<hbm>> -> memref<20000x128xf32, #tpu.memory_space<hbm>>
        tpu.wait_indirect_dma semaphore(%arg14 : memref<!tpu.dma_semaphore, #tpu.memory_space<semaphore_mem>>) src(%dma_wait3A_71 : memref<20000x128xf32, #tpu.memory_space<hbm>>) dst(%arg9 : memref<128x128xf32, #tpu.memory_space<vmem>>)
        %iota3A = tpu.iota {dimensions = array<i32: 0>} : vector<16xi32>
        %scan3A_72 = arith.constant 0 : i32
        %scan3A_73 = arith.constant 0 : i32
        %scan3A_74 = arith.constant 8 : i32
        %scan3A_75 = arith.addi %scan3A_73, %scan3A_74 : i32
        %scan3A_76 = arith.constant 1 : i32
        %scan3A_77 = scf.for %scan3A_85 = %scan3A_73 to %scan3A_75 step %scan3A_76 iter_args(%scan3A_86 = %scan3A_72) -> (i32)  : i32 {
          %broadcast_in_dim3A = arith.constant 0.000000e+00 : f32
          %broadcast_in_dim3A_87 = vector.broadcast %broadcast_in_dim3A : f32 to vector<16xf32>
          %mul3A_88 = arith.constant 16 : i32
          %mul3A_89 = arith.muli %scan3A_85, %mul3A_88 : i32
          %add3A_90 = arith.constant 0 : i32
          %add3A_91 = arith.addi %mul3A_89, %add3A_90 : i32
          %broadcast_in_dim3A_92 = arith.constant 0.000000e+00 : f32
          %broadcast_in_dim3A_93 = vector.broadcast %broadcast_in_dim3A_92 : f32 to vector<16xf32>
          %get3A = arith.index_cast %add3A_91 : i32 to index
          %get3A_94 = arith.constant 0 : index
          %get3A_95 = tpu.vector_load %arg7[%get3A, %get3A_94] {strides = array<i32>} : memref<128x128xf32, #tpu.memory_space<vmem>>, vector<1x16xf32>,
          %get3A_96 = vector.shape_cast %get3A_95 : vector<1x16xf32> to vector<16xf32>
          %get3A_97 = arith.index_cast %add3A_91 : i32 to index
          %get3A_98 = arith.constant 0 : index
          %get3A_99 = tpu.vector_load %arg9[%get3A_97, %get3A_98] {strides = array<i32>} : memref<128x128xf32, #tpu.memory_space<vmem>>, vector<1x16xf32>,
          %get3A_100 = vector.shape_cast %get3A_99 : vector<1x16xf32> to vector<16xf32>
          %add3A_101 = arith.addf %get3A_96, %get3A_100 : vector<16xf32>
          %mul3A_102 = arith.mulf %add3A_101, %add3A_101 : vector<16xf32>
          %add3A_103 = arith.addf %broadcast_in_dim3A_93, %mul3A_102 : vector<16xf32>
          %get3A_104 = arith.index_cast %add3A_91 : i32 to index
          %get3A_105 = arith.constant 16 : index
          %get3A_106 = tpu.vector_load %arg7[%get3A_104, %get3A_105] {strides = array<i32>} : memref<128x128xf32, #tpu.memory_space<vmem>>, vector<1x16xf32>,
          %get3A_107 = vector.shape_cast %get3A_106 : vector<1x16xf32> to vector<16xf32>
          %get3A_108 = arith.index_cast %add3A_91 : i32 to index
          %get3A_109 = arith.constant 16 : index
          %get3A_110 = tpu.vector_load %arg9[%get3A_108, %get3A_109] {strides = array<i32>} : memref<128x128xf32, #tpu.memory_space<vmem>>, vector<1x16xf32>,
          %get3A_111 = vector.shape_cast %get3A_110 : vector<1x16xf32> to vector<16xf32>
          %add3A_112 = arith.addf %get3A_107, %get3A_111 : vector<16xf32>
          %mul3A_113 = arith.mulf %add3A_112, %add3A_112 : vector<16xf32>
          %add3A_114 = arith.addf %add3A_103, %mul3A_113 : vector<16xf32>
          %get3A_115 = arith.index_cast %add3A_91 : i32 to index
          %get3A_116 = arith.constant 32 : index
          %get3A_117 = tpu.vector_load %arg7[%get3A_115, %get3A_116] {strides = array<i32>} : memref<128x128xf32, #tpu.memory_space<vmem>>, vector<1x16xf32>,
          %get3A_118 = vector.shape_cast %get3A_117 : vector<1x16xf32> to vector<16xf32>
          %get3A_119 = arith.index_cast %add3A_91 : i32 to index
          %get3A_120 = arith.constant 32 : index
          %get3A_121 = tpu.vector_load %arg9[%get3A_119, %get3A_120] {strides = array<i32>} : memref<128x128xf32, #tpu.memory_space<vmem>>, vector<1x16xf32>,
          %get3A_122 = vector.shape_cast %get3A_121 : vector<1x16xf32> to vector<16xf32>
          %add3A_123 = arith.addf %get3A_118, %get3A_122 : vector<16xf32>
          %mul3A_124 = arith.mulf %add3A_123, %add3A_123 : vector<16xf32>
          %add3A_125 = arith.addf %add3A_114, %mul3A_124 : vector<16xf32>
          %get3A_126 = arith.index_cast %add3A_91 : i32 to index
          %get3A_127 = arith.constant 48 : index
          %get3A_128 = tpu.vector_load %arg7[%get3A_126, %get3A_127] {strides = array<i32>} : memref<128x128xf32, #tpu.memory_space<vmem>>, vector<1x16xf32>,
          %get3A_129 = vector.shape_cast %get3A_128 : vector<1x16xf32> to vector<16xf32>
          %get3A_130 = arith.index_cast %add3A_91 : i32 to index
          %get3A_131 = arith.constant 48 : index
          %get3A_132 = tpu.vector_load %arg9[%get3A_130, %get3A_131] {strides = array<i32>} : memref<128x128xf32, #tpu.memory_space<vmem>>, vector<1x16xf32>,
          %get3A_133 = vector.shape_cast %get3A_132 : vector<1x16xf32> to vector<16xf32>
          %add3A_134 = arith.addf %get3A_129, %get3A_133 : vector<16xf32>
          %mul3A_135 = arith.mulf %add3A_134, %add3A_134 : vector<16xf32>
          %add3A_136 = arith.addf %add3A_125, %mul3A_135 : vector<16xf32>
          %get3A_137 = arith.index_cast %add3A_91 : i32 to index
          %get3A_138 = arith.constant 64 : index
          %get3A_139 = tpu.vector_load %arg7[%get3A_137, %get3A_138] {strides = array<i32>} : memref<128x128xf32, #tpu.memory_space<vmem>>, vector<1x16xf32>,
          %get3A_140 = vector.shape_cast %get3A_139 : vector<1x16xf32> to vector<16xf32>
          %get3A_141 = arith.index_cast %add3A_91 : i32 to index
          %get3A_142 = arith.constant 64 : index
          %get3A_143 = tpu.vector_load %arg9[%get3A_141, %get3A_142] {strides = array<i32>} : memref<128x128xf32, #tpu.memory_space<vmem>>, vector<1x16xf32>,
          %get3A_144 = vector.shape_cast %get3A_143 : vector<1x16xf32> to vector<16xf32>
          %add3A_145 = arith.addf %get3A_140, %get3A_144 : vector<16xf32>
          %mul3A_146 = arith.mulf %add3A_145, %add3A_145 : vector<16xf32>
          %add3A_147 = arith.addf %add3A_136, %mul3A_146 : vector<16xf32>
          %get3A_148 = arith.index_cast %add3A_91 : i32 to index
          %get3A_149 = arith.constant 80 : index
          %get3A_150 = tpu.vector_load %arg7[%get3A_148, %get3A_149] {strides = array<i32>} : memref<128x128xf32, #tpu.memory_space<vmem>>, vector<1x16xf32>,
          %get3A_151 = vector.shape_cast %get3A_150 : vector<1x16xf32> to vector<16xf32>
          %get3A_152 = arith.index_cast %add3A_91 : i32 to index
          %get3A_153 = arith.constant 80 : index
          %get3A_154 = tpu.vector_load %arg9[%get3A_152, %get3A_153] {strides = array<i32>} : memref<128x128xf32, #tpu.memory_space<vmem>>, vector<1x16xf32>,
          %get3A_155 = vector.shape_cast %get3A_154 : vector<1x16xf32> to vector<16xf32>
          %add3A_156 = arith.addf %get3A_151, %get3A_155 : vector<16xf32>
          %mul3A_157 = arith.mulf %add3A_156, %add3A_156 : vector<16xf32>
          %add3A_158 = arith.addf %add3A_147, %mul3A_157 : vector<16xf32>
          %get3A_159 = arith.index_cast %add3A_91 : i32 to index
          %get3A_160 = arith.constant 96 : index
          %get3A_161 = tpu.vector_load %arg7[%get3A_159, %get3A_160] {strides = array<i32>} : memref<128x128xf32, #tpu.memory_space<vmem>>, vector<1x16xf32>,
          %get3A_162 = vector.shape_cast %get3A_161 : vector<1x16xf32> to vector<16xf32>
          %get3A_163 = arith.index_cast %add3A_91 : i32 to index
          %get3A_164 = arith.constant 96 : index
          %get3A_165 = tpu.vector_load %arg9[%get3A_163, %get3A_164] {strides = array<i32>} : memref<128x128xf32, #tpu.memory_space<vmem>>, vector<1x16xf32>,
          %get3A_166 = vector.shape_cast %get3A_165 : vector<1x16xf32> to vector<16xf32>
          %add3A_167 = arith.addf %get3A_162, %get3A_166 : vector<16xf32>
          %mul3A_168 = arith.mulf %add3A_167, %add3A_167 : vector<16xf32>
          %add3A_169 = arith.addf %add3A_158, %mul3A_168 : vector<16xf32>
          %get3A_170 = arith.index_cast %add3A_91 : i32 to index
          %get3A_171 = arith.constant 112 : index
          %get3A_172 = tpu.vector_load %arg7[%get3A_170, %get3A_171] {strides = array<i32>} : memref<128x128xf32, #tpu.memory_space<vmem>>, vector<1x16xf32>,
          %get3A_173 = vector.shape_cast %get3A_172 : vector<1x16xf32> to vector<16xf32>
          %get3A_174 = arith.index_cast %add3A_91 : i32 to index
          %get3A_175 = arith.constant 112 : index
          %get3A_176 = tpu.vector_load %arg9[%get3A_174, %get3A_175] {strides = array<i32>} : memref<128x128xf32, #tpu.memory_space<vmem>>, vector<1x16xf32>,
          %get3A_177 = vector.shape_cast %get3A_176 : vector<1x16xf32> to vector<16xf32>
          %add3A_178 = arith.addf %get3A_173, %get3A_177 : vector<16xf32>
          %mul3A_179 = arith.mulf %add3A_178, %add3A_178 : vector<16xf32>
          %add3A_180 = arith.addf %add3A_169, %mul3A_179 : vector<16xf32>
          %rev3A = arith.constant 15 : i32
          %rev3A_181 = vector.broadcast %rev3A : i32 to vector<16xi32>
          %rev3A_182 = tpu.iota {dimensions = array<i32: 0>} : vector<16xi32>
          %rev3A_183 = arith.subi %rev3A_181, %rev3A_182 : vector<16xi32>
          %rev3A_184 = tpu.dynamic_gather %add3A_180[%rev3A_183] in [0] : vector<16xf32>, vector<16xi32> -> vector<16xf32>
          %add3A_185 = arith.addf %add3A_180, %rev3A_184 : vector<16xf32>
          %slice3A = vector.extract_strided_slice %add3A_185 {offsets = [0], sizes = [1], strides = [1]} : vector<16xf32> to vector<1xf32>
          %squeeze3A = vector.extract %slice3A[0] : f32 from vector<1xf32>
          %slice3A_186 = vector.extract_strided_slice %add3A_185 {offsets = [1], sizes = [1], strides = [1]} : vector<16xf32> to vector<1xf32>
          %squeeze3A_187 = vector.extract %slice3A_186[0] : f32 from vector<1xf32>
          %slice3A_188 = vector.extract_strided_slice %add3A_185 {offsets = [2], sizes = [1], strides = [1]} : vector<16xf32> to vector<1xf32>
          %squeeze3A_189 = vector.extract %slice3A_188[0] : f32 from vector<1xf32>
          %slice3A_190 = vector.extract_strided_slice %add3A_185 {offsets = [3], sizes = [1], strides = [1]} : vector<16xf32> to vector<1xf32>
          %squeeze3A_191 = vector.extract %slice3A_190[0] : f32 from vector<1xf32>
          %slice3A_192 = vector.extract_strided_slice %add3A_185 {offsets = [4], sizes = [1], strides = [1]} : vector<16xf32> to vector<1xf32>
          %squeeze3A_193 = vector.extract %slice3A_192[0] : f32 from vector<1xf32>
          %slice3A_194 = vector.extract_strided_slice %add3A_185 {offsets = [5], sizes = [1], strides = [1]} : vector<16xf32> to vector<1xf32>
          %squeeze3A_195 = vector.extract %slice3A_194[0] : f32 from vector<1xf32>
          %slice3A_196 = vector.extract_strided_slice %add3A_185 {offsets = [6], sizes = [1], strides = [1]} : vector<16xf32> to vector<1xf32>
          %squeeze3A_197 = vector.extract %slice3A_196[0] : f32 from vector<1xf32>
          %slice3A_198 = vector.extract_strided_slice %add3A_185 {offsets = [7], sizes = [1], strides = [1]} : vector<16xf32> to vector<1xf32>
          %squeeze3A_199 = vector.extract %slice3A_198[0] : f32 from vector<1xf32>
          %add3A_200 = arith.addf %squeeze3A, %squeeze3A_187 : f32
          %add3A_201 = arith.addf %squeeze3A_189, %squeeze3A_191 : f32
          %add3A_202 = arith.addf %squeeze3A_193, %squeeze3A_195 : f32
          %add3A_203 = arith.addf %squeeze3A_197, %squeeze3A_199 : f32
          %add3A_204 = arith.addf %add3A_200, %add3A_201 : f32
          %add3A_205 = arith.addf %add3A_202, %add3A_203 : f32
          %add3A_206 = arith.addf %add3A_204, %add3A_205 : f32
          %eq3A = arith.constant 0 : i32
          %eq3A_207 = vector.broadcast %eq3A : i32 to vector<16xi32>
          %eq3A_208 = arith.cmpi eq, %iota3A, %eq3A_207 : vector<16xi32>
          %broadcast_in_dim3A_209 = vector.broadcast %add3A_206 : f32 to vector<16xf32>
          %select_n3A_210 = arith.select %eq3A_208, %broadcast_in_dim3A_209, %broadcast_in_dim3A_87 : vector<16xi1>, vector<16xf32>
          %mul3A_211 = arith.constant 16 : i32
          %mul3A_212 = arith.muli %scan3A_85, %mul3A_211 : i32
          %add3A_213 = arith.constant 1 : i32
          %add3A_214 = arith.addi %mul3A_212, %add3A_213 : i32
          %broadcast_in_dim3A_215 = arith.constant 0.000000e+00 : f32
          %broadcast_in_dim3A_216 = vector.broadcast %broadcast_in_dim3A_215 : f32 to vector<16xf32>
          %get3A_217 = arith.index_cast %add3A_214 : i32 to index
          %get3A_218 = arith.constant 0 : index
          %get3A_219 = tpu.vector_load %arg7[%get3A_217, %get3A_218] {strides = array<i32>} : memref<128x128xf32, #tpu.memory_space<vmem>>, vector<1x16xf32>,
          %get3A_220 = vector.shape_cast %get3A_219 : vector<1x16xf32> to vector<16xf32>
          %get3A_221 = arith.index_cast %add3A_214 : i32 to index
          %get3A_222 = arith.constant 0 : index
          %get3A_223 = tpu.vector_load %arg9[%get3A_221, %get3A_222] {strides = array<i32>} : memref<128x128xf32, #tpu.memory_space<vmem>>, vector<1x16xf32>,
          %get3A_224 = vector.shape_cast %get3A_223 : vector<1x16xf32> to vector<16xf32>
          %add3A_225 = arith.addf %get3A_220, %get3A_224 : vector<16xf32>
          %mul3A_226 = arith.mulf %add3A_225, %add3A_225 : vector<16xf32>
          %add3A_227 = arith.addf %broadcast_in_dim3A_216, %mul3A_226 : vector<16xf32>
          %get3A_228 = arith.index_cast %add3A_214 : i32 to index
          %get3A_229 = arith.constant 16 : index
          %get3A_230 = tpu.vector_load %arg7[%get3A_228, %get3A_229] {strides = array<i32>} : memref<128x128xf32, #tpu.memory_space<vmem>>, vector<1x16xf32>,
          %get3A_231 = vector.shape_cast %get3A_230 : vector<1x16xf32> to vector<16xf32>
          %get3A_232 = arith.index_cast %add3A_214 : i32 to index
          %get3A_233 = arith.constant 16 : index
          %get3A_234 = tpu.vector_load %arg9[%get3A_232, %get3A_233] {strides = array<i32>} : memref<128x128xf32, #tpu.memory_space<vmem>>, vector<1x16xf32>,
          %get3A_235 = vector.shape_cast %get3A_234 : vector<1x16xf32> to vector<16xf32>
          %add3A_236 = arith.addf %get3A_231, %get3A_235 : vector<16xf32>
          %mul3A_237 = arith.mulf %add3A_236, %add3A_236 : vector<16xf32>
          %add3A_238 = arith.addf %add3A_227, %mul3A_237 : vector<16xf32>
          %get3A_239 = arith.index_cast %add3A_214 : i32 to index
          %get3A_240 = arith.constant 32 : index
          %get3A_241 = tpu.vector_load %arg7[%get3A_239, %get3A_240] {strides = array<i32>} : memref<128x128xf32, #tpu.memory_space<vmem>>, vector<1x16xf32>,
          %get3A_242 = vector.shape_cast %get3A_241 : vector<1x16xf32> to vector<16xf32>
          %get3A_243 = arith.index_cast %add3A_214 : i32 to index
          %get3A_244 = arith.constant 32 : index
          %get3A_245 = tpu.vector_load %arg9[%get3A_243, %get3A_244] {strides = array<i32>} : memref<128x128xf32, #tpu.memory_space<vmem>>, vector<1x16xf32>,
          %get3A_246 = vector.shape_cast %get3A_245 : vector<1x16xf32> to vector<16xf32>
          %add3A_247 = arith.addf %get3A_242, %get3A_246 : vector<16xf32>
          %mul3A_248 = arith.mulf %add3A_247, %add3A_247 : vector<16xf32>
          %add3A_249 = arith.addf %add3A_238, %mul3A_248 : vector<16xf32>
          %get3A_250 = arith.index_cast %add3A_214 : i32 to index
          %get3A_251 = arith.constant 48 : index
          %get3A_252 = tpu.vector_load %arg7[%get3A_250, %get3A_251] {strides = array<i32>} : memref<128x128xf32, #tpu.memory_space<vmem>>, vector<1x16xf32>,
          %get3A_253 = vector.shape_cast %get3A_252 : vector<1x16xf32> to vector<16xf32>
          %get3A_254 = arith.index_cast %add3A_214 : i32 to index
          %get3A_255 = arith.constant 48 : index
          %get3A_256 = tpu.vector_load %arg9[%get3A_254, %get3A_255] {strides = array<i32>} : memref<128x128xf32, #tpu.memory_space<vmem>>, vector<1x16xf32>,
          %get3A_257 = vector.shape_cast %get3A_256 : vector<1x16xf32> to vector<16xf32>
          %add3A_258 = arith.addf %get3A_253, %get3A_257 : vector<16xf32>
          %mul3A_259 = arith.mulf %add3A_258, %add3A_258 : vector<16xf32>
          %add3A_260 = arith.addf %add3A_249, %mul3A_259 : vector<16xf32>
          %get3A_261 = arith.index_cast %add3A_214 : i32 to index
          %get3A_262 = arith.constant 64 : index
          %get3A_263 = tpu.vector_load %arg7[%get3A_261, %get3A_262] {strides = array<i32>} : memref<128x128xf32, #tpu.memory_space<vmem>>, vector<1x16xf32>,
          %get3A_264 = vector.shape_cast %get3A_263 : vector<1x16xf32> to vector<16xf32>
          %get3A_265 = arith.index_cast %add3A_214 : i32 to index
          %get3A_266 = arith.constant 64 : index
          %get3A_267 = tpu.vector_load %arg9[%get3A_265, %get3A_266] {strides = array<i32>} : memref<128x128xf32, #tpu.memory_space<vmem>>, vector<1x16xf32>,
          %get3A_268 = vector.shape_cast %get3A_267 : vector<1x16xf32> to vector<16xf32>
          %add3A_269 = arith.addf %get3A_264, %get3A_268 : vector<16xf32>
          %mul3A_270 = arith.mulf %add3A_269, %add3A_269 : vector<16xf32>
          %add3A_271 = arith.addf %add3A_260, %mul3A_270 : vector<16xf32>
          %get3A_272 = arith.index_cast %add3A_214 : i32 to index
          %get3A_273 = arith.constant 80 : index
          %get3A_274 = tpu.vector_load %arg7[%get3A_272, %get3A_273] {strides = array<i32>} : memref<128x128xf32, #tpu.memory_space<vmem>>, vector<1x16xf32>,
          %get3A_275 = vector.shape_cast %get3A_274 : vector<1x16xf32> to vector<16xf32>
          %get3A_276 = arith.index_cast %add3A_214 : i32 to index
          %get3A_277 = arith.constant 80 : index
          %get3A_278 = tpu.vector_load %arg9[%get3A_276, %get3A_277] {strides = array<i32>} : memref<128x128xf32, #tpu.memory_space<vmem>>, vector<1x16xf32>,
          %get3A_279 = vector.shape_cast %get3A_278 : vector<1x16xf32> to vector<16xf32>
          %add3A_280 = arith.addf %get3A_275, %get3A_279 : vector<16xf32>
          %mul3A_281 = arith.mulf %add3A_280, %add3A_280 : vector<16xf32>
          %add3A_282 = arith.addf %add3A_271, %mul3A_281 : vector<16xf32>
          %get3A_283 = arith.index_cast %add3A_214 : i32 to index
          %get3A_284 = arith.constant 96 : index
          %get3A_285 = tpu.vector_load %arg7[%get3A_283, %get3A_284] {strides = array<i32>} : memref<128x128xf32, #tpu.memory_space<vmem>>, vector<1x16xf32>,
          %get3A_286 = vector.shape_cast %get3A_285 : vector<1x16xf32> to vector<16xf32>
          %get3A_287 = arith.index_cast %add3A_214 : i32 to index
          %get3A_288 = arith.constant 96 : index
          %get3A_289 = tpu.vector_load %arg9[%get3A_287, %get3A_288] {strides = array<i32>} : memref<128x128xf32, #tpu.memory_space<vmem>>, vector<1x16xf32>,
          %get3A_290 = vector.shape_cast %get3A_289 : vector<1x16xf32> to vector<16xf32>
          %add3A_291 = arith.addf %get3A_286, %get3A_290 : vector<16xf32>
          %mul3A_292 = arith.mulf %add3A_291, %add3A_291 : vector<16xf32>
          %add3A_293 = arith.addf %add3A_282, %mul3A_292 : vector<16xf32>
          %get3A_294 = arith.index_cast %add3A_214 : i32 to index
          %get3A_295 = arith.constant 112 : index
          %get3A_296 = tpu.vector_load %arg7[%get3A_294, %get3A_295] {strides = array<i32>} : memref<128x128xf32, #tpu.memory_space<vmem>>, vector<1x16xf32>,
          %get3A_297 = vector.shape_cast %get3A_296 : vector<1x16xf32> to vector<16xf32>
          %get3A_298 = arith.index_cast %add3A_214 : i32 to index
          %get3A_299 = arith.constant 112 : index
          %get3A_300 = tpu.vector_load %arg9[%get3A_298, %get3A_299] {strides = array<i32>} : memref<128x128xf32, #tpu.memory_space<vmem>>, vector<1x16xf32>,
          %get3A_301 = vector.shape_cast %get3A_300 : vector<1x16xf32> to vector<16xf32>
          %add3A_302 = arith.addf %get3A_297, %get3A_301 : vector<16xf32>
          %mul3A_303 = arith.mulf %add3A_302, %add3A_302 : vector<16xf32>
          %add3A_304 = arith.addf %add3A_293, %mul3A_303 : vector<16xf32>
          %rev3A_305 = arith.constant 15 : i32
          %rev3A_306 = vector.broadcast %rev3A_305 : i32 to vector<16xi32>
          %rev3A_307 = tpu.iota {dimensions = array<i32: 0>} : vector<16xi32>
          %rev3A_308 = arith.subi %rev3A_306, %rev3A_307 : vector<16xi32>
          %rev3A_309 = tpu.dynamic_gather %add3A_304[%rev3A_308] in [0] : vector<16xf32>, vector<16xi32> -> vector<16xf32>
          %add3A_310 = arith.addf %add3A_304, %rev3A_309 : vector<16xf32>
          %slice3A_311 = vector.extract_strided_slice %add3A_310 {offsets = [0], sizes = [1], strides = [1]} : vector<16xf32> to vector<1xf32>
          %squeeze3A_312 = vector.extract %slice3A_311[0] : f32 from vector<1xf32>
          %slice3A_313 = vector.extract_strided_slice %add3A_310 {offsets = [1], sizes = [1], strides = [1]} : vector<16xf32> to vector<1xf32>
          %squeeze3A_314 = vector.extract %slice3A_313[0] : f32 from vector<1xf32>
          %slice3A_315 = vector.extract_strided_slice %add3A_310 {offsets = [2], sizes = [1], strides = [1]} : vector<16xf32> to vector<1xf32>
          %squeeze3A_316 = vector.extract %slice3A_315[0] : f32 from vector<1xf32>
          %slice3A_317 = vector.extract_strided_slice %add3A_310 {offsets = [3], sizes = [1], strides = [1]} : vector<16xf32> to vector<1xf32>
          %squeeze3A_318 = vector.extract %slice3A_317[0] : f32 from vector<1xf32>
          %slice3A_319 = vector.extract_strided_slice %add3A_310 {offsets = [4], sizes = [1], strides = [1]} : vector<16xf32> to vector<1xf32>
          %squeeze3A_320 = vector.extract %slice3A_319[0] : f32 from vector<1xf32>
          %slice3A_321 = vector.extract_strided_slice %add3A_310 {offsets = [5], sizes = [1], strides = [1]} : vector<16xf32> to vector<1xf32>
          %squeeze3A_322 = vector.extract %slice3A_321[0] : f32 from vector<1xf32>
          %slice3A_323 = vector.extract_strided_slice %add3A_310 {offsets = [6], sizes = [1], strides = [1]} : vector<16xf32> to vector<1xf32>
          %squeeze3A_324 = vector.extract %slice3A_323[0] : f32 from vector<1xf32>
          %slice3A_325 = vector.extract_strided_slice %add3A_310 {offsets = [7], sizes = [1], strides = [1]} : vector<16xf32> to vector<1xf32>
          %squeeze3A_326 = vector.extract %slice3A_325[0] : f32 from vector<1xf32>
          %add3A_327 = arith.addf %squeeze3A_312, %squeeze3A_314 : f32
          %add3A_328 = arith.addf %squeeze3A_316, %squeeze3A_318 : f32
          %add3A_329 = arith.addf %squeeze3A_320, %squeeze3A_322 : f32
          %add3A_330 = arith.addf %squeeze3A_324, %squeeze3A_326 : f32
          %add3A_331 = arith.addf %add3A_327, %add3A_328 : f32
          %add3A_332 = arith.addf %add3A_329, %add3A_330 : f32
          %add3A_333 = arith.addf %add3A_331, %add3A_332 : f32
          %eq3A_334 = arith.constant 1 : i32
          %eq3A_335 = vector.broadcast %eq3A_334 : i32 to vector<16xi32>
          %eq3A_336 = arith.cmpi eq, %iota3A, %eq3A_335 : vector<16xi32>
          %broadcast_in_dim3A_337 = vector.broadcast %add3A_333 : f32 to vector<16xf32>
          %select_n3A_338 = arith.select %eq3A_336, %broadcast_in_dim3A_337, %select_n3A_210 : vector<16xi1>, vector<16xf32>
          %mul3A_339 = arith.constant 16 : i32
          %mul3A_340 = arith.muli %scan3A_85, %mul3A_339 : i32
          %add3A_341 = arith.constant 2 : i32
          %add3A_342 = arith.addi %mul3A_340, %add3A_341 : i32
          %broadcast_in_dim3A_343 = arith.constant 0.000000e+00 : f32
          %broadcast_in_dim3A_344 = vector.broadcast %broadcast_in_dim3A_343 : f32 to vector<16xf32>
          %get3A_345 = arith.index_cast %add3A_342 : i32 to index
          %get3A_346 = arith.constant 0 : index
          %get3A_347 = tpu.vector_load %arg7[%get3A_345, %get3A_346] {strides = array<i32>} : memref<128x128xf32, #tpu.memory_space<vmem>>, vector<1x16xf32>,
          %get3A_348 = vector.shape_cast %get3A_347 : vector<1x16xf32> to vector<16xf32>
          %get3A_349 = arith.index_cast %add3A_342 : i32 to index
          %get3A_350 = arith.constant 0 : index
          %get3A_351 = tpu.vector_load %arg9[%get3A_349, %get3A_350] {strides = array<i32>} : memref<128x128xf32, #tpu.memory_space<vmem>>, vector<1x16xf32>,
          %get3A_352 = vector.shape_cast %get3A_351 : vector<1x16xf32> to vector<16xf32>
          %add3A_353 = arith.addf %get3A_348, %get3A_352 : vector<16xf32>
          %mul3A_354 = arith.mulf %add3A_353, %add3A_353 : vector<16xf32>
          %add3A_355 = arith.addf %broadcast_in_dim3A_344, %mul3A_354 : vector<16xf32>
          %get3A_356 = arith.index_cast %add3A_342 : i32 to index
          %get3A_357 = arith.constant 16 : index
          %get3A_358 = tpu.vector_load %arg7[%get3A_356, %get3A_357] {strides = array<i32>} : memref<128x128xf32, #tpu.memory_space<vmem>>, vector<1x16xf32>,
          %get3A_359 = vector.shape_cast %get3A_358 : vector<1x16xf32> to vector<16xf32>
          %get3A_360 = arith.index_cast %add3A_342 : i32 to index
          %get3A_361 = arith.constant 16 : index
          %get3A_362 = tpu.vector_load %arg9[%get3A_360, %get3A_361] {strides = array<i32>} : memref<128x128xf32, #tpu.memory_space<vmem>>, vector<1x16xf32>,
          %get3A_363 = vector.shape_cast %get3A_362 : vector<1x16xf32> to vector<16xf32>
          %add3A_364 = arith.addf %get3A_359, %get3A_363 : vector<16xf32>
          %mul3A_365 = arith.mulf %add3A_364, %add3A_364 : vector<16xf32>
          %add3A_366 = arith.addf %add3A_355, %mul3A_365 : vector<16xf32>
          %get3A_367 = arith.index_cast %add3A_342 : i32 to index
          %get3A_368 = arith.constant 32 : index
          %get3A_369 = tpu.vector_load %arg7[%get3A_367, %get3A_368] {strides = array<i32>} : memref<128x128xf32, #tpu.memory_space<vmem>>, vector<1x16xf32>,
          %get3A_370 = vector.shape_cast %get3A_369 : vector<1x16xf32> to vector<16xf32>
          %get3A_371 = arith.index_cast %add3A_342 : i32 to index
          %get3A_372 = arith.constant 32 : index
          %get3A_373 = tpu.vector_load %arg9[%get3A_371, %get3A_372] {strides = array<i32>} : memref<128x128xf32, #tpu.memory_space<vmem>>, vector<1x16xf32>,
          %get3A_374 = vector.shape_cast %get3A_373 : vector<1x16xf32> to vector<16xf32>
          %add3A_375 = arith.addf %get3A_370, %get3A_374 : vector<16xf32>
          %mul3A_376 = arith.mulf %add3A_375, %add3A_375 : vector<16xf32>
          %add3A_377 = arith.addf %add3A_366, %mul3A_376 : vector<16xf32>
          %get3A_378 = arith.index_cast %add3A_342 : i32 to index
          %get3A_379 = arith.constant 48 : index
          %get3A_380 = tpu.vector_load %arg7[%get3A_378, %get3A_379] {strides = array<i32>} : memref<128x128xf32, #tpu.memory_space<vmem>>, vector<1x16xf32>,
          %get3A_381 = vector.shape_cast %get3A_380 : vector<1x16xf32> to vector<16xf32>
          %get3A_382 = arith.index_cast %add3A_342 : i32 to index
          %get3A_383 = arith.constant 48 : index
          %get3A_384 = tpu.vector_load %arg9[%get3A_382, %get3A_383] {strides = array<i32>} : memref<128x128xf32, #tpu.memory_space<vmem>>, vector<1x16xf32>,
          %get3A_385 = vector.shape_cast %get3A_384 : vector<1x16xf32> to vector<16xf32>
          %add3A_386 = arith.addf %get3A_381, %get3A_385 : vector<16xf32>
          %mul3A_387 = arith.mulf %add3A_386, %add3A_386 : vector<16xf32>
          %add3A_388 = arith.addf %add3A_377, %mul3A_387 : vector<16xf32>
          %get3A_389 = arith.index_cast %add3A_342 : i32 to index
          %get3A_390 = arith.constant 64 : index
          %get3A_391 = tpu.vector_load %arg7[%get3A_389, %get3A_390] {strides = array<i32>} : memref<128x128xf32, #tpu.memory_space<vmem>>, vector<1x16xf32>,
          %get3A_392 = vector.shape_cast %get3A_391 : vector<1x16xf32> to vector<16xf32>
          %get3A_393 = arith.index_cast %add3A_342 : i32 to index
          %get3A_394 = arith.constant 64 : index
          %get3A_395 = tpu.vector_load %arg9[%get3A_393, %get3A_394] {strides = array<i32>} : memref<128x128xf32, #tpu.memory_space<vmem>>, vector<1x16xf32>,
          %get3A_396 = vector.shape_cast %get3A_395 : vector<1x16xf32> to vector<16xf32>
          %add3A_397 = arith.addf %get3A_392, %get3A_396 : vector<16xf32>
          %mul3A_398 = arith.mulf %add3A_397, %add3A_397 : vector<16xf32>
          %add3A_399 = arith.addf %add3A_388, %mul3A_398 : vector<16xf32>
          %get3A_400 = arith.index_cast %add3A_342 : i32 to index
          %get3A_401 = arith.constant 80 : index
          %get3A_402 = tpu.vector_load %arg7[%get3A_400, %get3A_401] {strides = array<i32>} : memref<128x128xf32, #tpu.memory_space<vmem>>, vector<1x16xf32>,
          %get3A_403 = vector.shape_cast %get3A_402 : vector<1x16xf32> to vector<16xf32>
          %get3A_404 = arith.index_cast %add3A_342 : i32 to index
          %get3A_405 = arith.constant 80 : index
          %get3A_406 = tpu.vector_load %arg9[%get3A_404, %get3A_405] {strides = array<i32>} : memref<128x128xf32, #tpu.memory_space<vmem>>, vector<1x16xf32>,
          %get3A_407 = vector.shape_cast %get3A_406 : vector<1x16xf32> to vector<16xf32>
          %add3A_408 = arith.addf %get3A_403, %get3A_407 : vector<16xf32>
          %mul3A_409 = arith.mulf %add3A_408, %add3A_408 : vector<16xf32>
          %add3A_410 = arith.addf %add3A_399, %mul3A_409 : vector<16xf32>
          %get3A_411 = arith.index_cast %add3A_342 : i32 to index
          %get3A_412 = arith.constant 96 : index
          %get3A_413 = tpu.vector_load %arg7[%get3A_411, %get3A_412] {strides = array<i32>} : memref<128x128xf32, #tpu.memory_space<vmem>>, vector<1x16xf32>,
          %get3A_414 = vector.shape_cast %get3A_413 : vector<1x16xf32> to vector<16xf32>
          %get3A_415 = arith.index_cast %add3A_342 : i32 to index
          %get3A_416 = arith.constant 96 : index
          %get3A_417 = tpu.vector_load %arg9[%get3A_415, %get3A_416] {strides = array<i32>} : memref<128x128xf32, #tpu.memory_space<vmem>>, vector<1x16xf32>,
          %get3A_418 = vector.shape_cast %get3A_417 : vector<1x16xf32> to vector<16xf32>
          %add3A_419 = arith.addf %get3A_414, %get3A_418 : vector<16xf32>
          %mul3A_420 = arith.mulf %add3A_419, %add3A_419 : vector<16xf32>
          %add3A_421 = arith.addf %add3A_410, %mul3A_420 : vector<16xf32>
          %get3A_422 = arith.index_cast %add3A_342 : i32 to index
          %get3A_423 = arith.constant 112 : index
          %get3A_424 = tpu.vector_load %arg7[%get3A_422, %get3A_423] {strides = array<i32>} : memref<128x128xf32, #tpu.memory_space<vmem>>, vector<1x16xf32>,
          %get3A_425 = vector.shape_cast %get3A_424 : vector<1x16xf32> to vector<16xf32>
          %get3A_426 = arith.index_cast %add3A_342 : i32 to index
          %get3A_427 = arith.constant 112 : index
          %get3A_428 = tpu.vector_load %arg9[%get3A_426, %get3A_427] {strides = array<i32>} : memref<128x128xf32, #tpu.memory_space<vmem>>, vector<1x16xf32>,
          %get3A_429 = vector.shape_cast %get3A_428 : vector<1x16xf32> to vector<16xf32>
          %add3A_430 = arith.addf %get3A_425, %get3A_429 : vector<16xf32>
          %mul3A_431 = arith.mulf %add3A_430, %add3A_430 : vector<16xf32>
          %add3A_432 = arith.addf %add3A_421, %mul3A_431 : vector<16xf32>
          %rev3A_433 = arith.constant 15 : i32
          %rev3A_434 = vector.broadcast %rev3A_433 : i32 to vector<16xi32>
          %rev3A_435 = tpu.iota {dimensions = array<i32: 0>} : vector<16xi32>
          %rev3A_436 = arith.subi %rev3A_434, %rev3A_435 : vector<16xi32>
          %rev3A_437 = tpu.dynamic_gather %add3A_432[%rev3A_436] in [0] : vector<16xf32>, vector<16xi32> -> vector<16xf32>
          %add3A_438 = arith.addf %add3A_432, %rev3A_437 : vector<16xf32>
          %slice3A_439 = vector.extract_strided_slice %add3A_438 {offsets = [0], sizes = [1], strides = [1]} : vector<16xf32> to vector<1xf32>
          %squeeze3A_440 = vector.extract %slice3A_439[0] : f32 from vector<1xf32>
          %slice3A_441 = vector.extract_strided_slice %add3A_438 {offsets = [1], sizes = [1], strides = [1]} : vector<16xf32> to vector<1xf32>
          %squeeze3A_442 = vector.extract %slice3A_441[0] : f32 from vector<1xf32>
          %slice3A_443 = vector.extract_strided_slice %add3A_438 {offsets = [2], sizes = [1], strides = [1]} : vector<16xf32> to vector<1xf32>
          %squeeze3A_444 = vector.extract %slice3A_443[0] : f32 from vector<1xf32>
          %slice3A_445 = vector.extract_strided_slice %add3A_438 {offsets = [3], sizes = [1], strides = [1]} : vector<16xf32> to vector<1xf32>
          %squeeze3A_446 = vector.extract %slice3A_445[0] : f32 from vector<1xf32>
          %slice3A_447 = vector.extract_strided_slice %add3A_438 {offsets = [4], sizes = [1], strides = [1]} : vector<16xf32> to vector<1xf32>
          %squeeze3A_448 = vector.extract %slice3A_447[0] : f32 from vector<1xf32>
          %slice3A_449 = vector.extract_strided_slice %add3A_438 {offsets = [5], sizes = [1], strides = [1]} : vector<16xf32> to vector<1xf32>
          %squeeze3A_450 = vector.extract %slice3A_449[0] : f32 from vector<1xf32>
          %slice3A_451 = vector.extract_strided_slice %add3A_438 {offsets = [6], sizes = [1], strides = [1]} : vector<16xf32> to vector<1xf32>
          %squeeze3A_452 = vector.extract %slice3A_451[0] : f32 from vector<1xf32>
          %slice3A_453 = vector.extract_strided_slice %add3A_438 {offsets = [7], sizes = [1], strides = [1]} : vector<16xf32> to vector<1xf32>
          %squeeze3A_454 = vector.extract %slice3A_453[0] : f32 from vector<1xf32>
          %add3A_455 = arith.addf %squeeze3A_440, %squeeze3A_442 : f32
          %add3A_456 = arith.addf %squeeze3A_444, %squeeze3A_446 : f32
          %add3A_457 = arith.addf %squeeze3A_448, %squeeze3A_450 : f32
          %add3A_458 = arith.addf %squeeze3A_452, %squeeze3A_454 : f32
          %add3A_459 = arith.addf %add3A_455, %add3A_456 : f32
          %add3A_460 = arith.addf %add3A_457, %add3A_458 : f32
          %add3A_461 = arith.addf %add3A_459, %add3A_460 : f32
          %eq3A_462 = arith.constant 2 : i32
          %eq3A_463 = vector.broadcast %eq3A_462 : i32 to vector<16xi32>
          %eq3A_464 = arith.cmpi eq, %iota3A, %eq3A_463 : vector<16xi32>
          %broadcast_in_dim3A_465 = vector.broadcast %add3A_461 : f32 to vector<16xf32>
          %select_n3A_466 = arith.select %eq3A_464, %broadcast_in_dim3A_465, %select_n3A_338 : vector<16xi1>, vector<16xf32>
          %mul3A_467 = arith.constant 16 : i32
          %mul3A_468 = arith.muli %scan3A_85, %mul3A_467 : i32
          %add3A_469 = arith.constant 3 : i32
          %add3A_470 = arith.addi %mul3A_468, %add3A_469 : i32
          %broadcast_in_dim3A_471 = arith.constant 0.000000e+00 : f32
          %broadcast_in_dim3A_472 = vector.broadcast %broadcast_in_dim3A_471 : f32 to vector<16xf32>
          %get3A_473 = arith.index_cast %add3A_470 : i32 to index
          %get3A_474 = arith.constant 0 : index
          %get3A_475 = tpu.vector_load %arg7[%get3A_473, %get3A_474] {strides = array<i32>} : memref<128x128xf32, #tpu.memory_space<vmem>>, vector<1x16xf32>,
          %get3A_476 = vector.shape_cast %get3A_475 : vector<1x16xf32> to vector<16xf32>
          %get3A_477 = arith.index_cast %add3A_470 : i32 to index
          %get3A_478 = arith.constant 0 : index
          %get3A_479 = tpu.vector_load %arg9[%get3A_477, %get3A_478] {strides = array<i32>} : memref<128x128xf32, #tpu.memory_space<vmem>>, vector<1x16xf32>,
          %get3A_480 = vector.shape_cast %get3A_479 : vector<1x16xf32> to vector<16xf32>
          %add3A_481 = arith.addf %get3A_476, %get3A_480 : vector<16xf32>
          %mul3A_482 = arith.mulf %add3A_481, %add3A_481 : vector<16xf32>
          %add3A_483 = arith.addf %broadcast_in_dim3A_472, %mul3A_482 : vector<16xf32>
          %get3A_484 = arith.index_cast %add3A_470 : i32 to index
          %get3A_485 = arith.constant 16 : index
          %get3A_486 = tpu.vector_load %arg7[%get3A_484, %get3A_485] {strides = array<i32>} : memref<128x128xf32, #tpu.memory_space<vmem>>, vector<1x16xf32>,
          %get3A_487 = vector.shape_cast %get3A_486 : vector<1x16xf32> to vector<16xf32>
          %get3A_488 = arith.index_cast %add3A_470 : i32 to index
          %get3A_489 = arith.constant 16 : index
          %get3A_490 = tpu.vector_load %arg9[%get3A_488, %get3A_489] {strides = array<i32>} : memref<128x128xf32, #tpu.memory_space<vmem>>, vector<1x16xf32>,
          %get3A_491 = vector.shape_cast %get3A_490 : vector<1x16xf32> to vector<16xf32>
          %add3A_492 = arith.addf %get3A_487, %get3A_491 : vector<16xf32>
          %mul3A_493 = arith.mulf %add3A_492, %add3A_492 : vector<16xf32>
          %add3A_494 = arith.addf %add3A_483, %mul3A_493 : vector<16xf32>
          %get3A_495 = arith.index_cast %add3A_470 : i32 to index
          %get3A_496 = arith.constant 32 : index
          %get3A_497 = tpu.vector_load %arg7[%get3A_495, %get3A_496] {strides = array<i32>} : memref<128x128xf32, #tpu.memory_space<vmem>>, vector<1x16xf32>,
          %get3A_498 = vector.shape_cast %get3A_497 : vector<1x16xf32> to vector<16xf32>
          %get3A_499 = arith.index_cast %add3A_470 : i32 to index
          %get3A_500 = arith.constant 32 : index
          %get3A_501 = tpu.vector_load %arg9[%get3A_499, %get3A_500] {strides = array<i32>} : memref<128x128xf32, #tpu.memory_space<vmem>>, vector<1x16xf32>,
          %get3A_502 = vector.shape_cast %get3A_501 : vector<1x16xf32> to vector<16xf32>
          %add3A_503 = arith.addf %get3A_498, %get3A_502 : vector<16xf32>
          %mul3A_504 = arith.mulf %add3A_503, %add3A_503 : vector<16xf32>
          %add3A_505 = arith.addf %add3A_494, %mul3A_504 : vector<16xf32>
          %get3A_506 = arith.index_cast %add3A_470 : i32 to index
          %get3A_507 = arith.constant 48 : index
          %get3A_508 = tpu.vector_load %arg7[%get3A_506, %get3A_507] {strides = array<i32>} : memref<128x128xf32, #tpu.memory_space<vmem>>, vector<1x16xf32>,
          %get3A_509 = vector.shape_cast %get3A_508 : vector<1x16xf32> to vector<16xf32>
          %get3A_510 = arith.index_cast %add3A_470 : i32 to index
          %get3A_511 = arith.constant 48 : index
          %get3A_512 = tpu.vector_load %arg9[%get3A_510, %get3A_511] {strides = array<i32>} : memref<128x128xf32, #tpu.memory_space<vmem>>, vector<1x16xf32>,
          %get3A_513 = vector.shape_cast %get3A_512 : vector<1x16xf32> to vector<16xf32>
          %add3A_514 = arith.addf %get3A_509, %get3A_513 : vector<16xf32>
          %mul3A_515 = arith.mulf %add3A_514, %add3A_514 : vector<16xf32>
          %add3A_516 = arith.addf %add3A_505, %mul3A_515 : vector<16xf32>
          %get3A_517 = arith.index_cast %add3A_470 : i32 to index
          %get3A_518 = arith.constant 64 : index
          %get3A_519 = tpu.vector_load %arg7[%get3A_517, %get3A_518] {strides = array<i32>} : memref<128x128xf32, #tpu.memory_space<vmem>>, vector<1x16xf32>,
          %get3A_520 = vector.shape_cast %get3A_519 : vector<1x16xf32> to vector<16xf32>
          %get3A_521 = arith.index_cast %add3A_470 : i32 to index
          %get3A_522 = arith.constant 64 : index
          %get3A_523 = tpu.vector_load %arg9[%get3A_521, %get3A_522] {strides = array<i32>} : memref<128x128xf32, #tpu.memory_space<vmem>>, vector<1x16xf32>,
          %get3A_524 = vector.shape_cast %get3A_523 : vector<1x16xf32> to vector<16xf32>
          %add3A_525 = arith.addf %get3A_520, %get3A_524 : vector<16xf32>
          %mul3A_526 = arith.mulf %add3A_525, %add3A_525 : vector<16xf32>
          %add3A_527 = arith.addf %add3A_516, %mul3A_526 : vector<16xf32>
          %get3A_528 = arith.index_cast %add3A_470 : i32 to index
          %get3A_529 = arith.constant 80 : index
          %get3A_530 = tpu.vector_load %arg7[%get3A_528, %get3A_529] {strides = array<i32>} : memref<128x128xf32, #tpu.memory_space<vmem>>, vector<1x16xf32>,
          %get3A_531 = vector.shape_cast %get3A_530 : vector<1x16xf32> to vector<16xf32>
          %get3A_532 = arith.index_cast %add3A_470 : i32 to index
          %get3A_533 = arith.constant 80 : index
          %get3A_534 = tpu.vector_load %arg9[%get3A_532, %get3A_533] {strides = array<i32>} : memref<128x128xf32, #tpu.memory_space<vmem>>, vector<1x16xf32>,
          %get3A_535 = vector.shape_cast %get3A_534 : vector<1x16xf32> to vector<16xf32>
          %add3A_536 = arith.addf %get3A_531, %get3A_535 : vector<16xf32>
          %mul3A_537 = arith.mulf %add3A_536, %add3A_536 : vector<16xf32>
          %add3A_538 = arith.addf %add3A_527, %mul3A_537 : vector<16xf32>
          %get3A_539 = arith.index_cast %add3A_470 : i32 to index
          %get3A_540 = arith.constant 96 : index
          %get3A_541 = tpu.vector_load %arg7[%get3A_539, %get3A_540] {strides = array<i32>} : memref<128x128xf32, #tpu.memory_space<vmem>>, vector<1x16xf32>,
          %get3A_542 = vector.shape_cast %get3A_541 : vector<1x16xf32> to vector<16xf32>
          %get3A_543 = arith.index_cast %add3A_470 : i32 to index
          %get3A_544 = arith.constant 96 : index
          %get3A_545 = tpu.vector_load %arg9[%get3A_543, %get3A_544] {strides = array<i32>} : memref<128x128xf32, #tpu.memory_space<vmem>>, vector<1x16xf32>,
          %get3A_546 = vector.shape_cast %get3A_545 : vector<1x16xf32> to vector<16xf32>
          %add3A_547 = arith.addf %get3A_542, %get3A_546 : vector<16xf32>
          %mul3A_548 = arith.mulf %add3A_547, %add3A_547 : vector<16xf32>
          %add3A_549 = arith.addf %add3A_538, %mul3A_548 : vector<16xf32>
          %get3A_550 = arith.index_cast %add3A_470 : i32 to index
          %get3A_551 = arith.constant 112 : index
          %get3A_552 = tpu.vector_load %arg7[%get3A_550, %get3A_551] {strides = array<i32>} : memref<128x128xf32, #tpu.memory_space<vmem>>, vector<1x16xf32>,
          %get3A_553 = vector.shape_cast %get3A_552 : vector<1x16xf32> to vector<16xf32>
          %get3A_554 = arith.index_cast %add3A_470 : i32 to index
          %get3A_555 = arith.constant 112 : index
          %get3A_556 = tpu.vector_load %arg9[%get3A_554, %get3A_555] {strides = array<i32>} : memref<128x128xf32, #tpu.memory_space<vmem>>, vector<1x16xf32>,
          %get3A_557 = vector.shape_cast %get3A_556 : vector<1x16xf32> to vector<16xf32>
          %add3A_558 = arith.addf %get3A_553, %get3A_557 : vector<16xf32>
          %mul3A_559 = arith.mulf %add3A_558, %add3A_558 : vector<16xf32>
          %add3A_560 = arith.addf %add3A_549, %mul3A_559 : vector<16xf32>
          %rev3A_561 = arith.constant 15 : i32
          %rev3A_562 = vector.broadcast %rev3A_561 : i32 to vector<16xi32>
          %rev3A_563 = tpu.iota {dimensions = array<i32: 0>} : vector<16xi32>
          %rev3A_564 = arith.subi %rev3A_562, %rev3A_563 : vector<16xi32>
          %rev3A_565 = tpu.dynamic_gather %add3A_560[%rev3A_564] in [0] : vector<16xf32>, vector<16xi32> -> vector<16xf32>
          %add3A_566 = arith.addf %add3A_560, %rev3A_565 : vector<16xf32>
          %slice3A_567 = vector.extract_strided_slice %add3A_566 {offsets = [0], sizes = [1], strides = [1]} : vector<16xf32> to vector<1xf32>
          %squeeze3A_568 = vector.extract %slice3A_567[0] : f32 from vector<1xf32>
          %slice3A_569 = vector.extract_strided_slice %add3A_566 {offsets = [1], sizes = [1], strides = [1]} : vector<16xf32> to vector<1xf32>
          %squeeze3A_570 = vector.extract %slice3A_569[0] : f32 from vector<1xf32>
          %slice3A_571 = vector.extract_strided_slice %add3A_566 {offsets = [2], sizes = [1], strides = [1]} : vector<16xf32> to vector<1xf32>
          %squeeze3A_572 = vector.extract %slice3A_571[0] : f32 from vector<1xf32>
          %slice3A_573 = vector.extract_strided_slice %add3A_566 {offsets = [3], sizes = [1], strides = [1]} : vector<16xf32> to vector<1xf32>
          %squeeze3A_574 = vector.extract %slice3A_573[0] : f32 from vector<1xf32>
          %slice3A_575 = vector.extract_strided_slice %add3A_566 {offsets = [4], sizes = [1], strides = [1]} : vector<16xf32> to vector<1xf32>
          %squeeze3A_576 = vector.extract %slice3A_575[0] : f32 from vector<1xf32>
          %slice3A_577 = vector.extract_strided_slice %add3A_566 {offsets = [5], sizes = [1], strides = [1]} : vector<16xf32> to vector<1xf32>
          %squeeze3A_578 = vector.extract %slice3A_577[0] : f32 from vector<1xf32>
          %slice3A_579 = vector.extract_strided_slice %add3A_566 {offsets = [6], sizes = [1], strides = [1]} : vector<16xf32> to vector<1xf32>
          %squeeze3A_580 = vector.extract %slice3A_579[0] : f32 from vector<1xf32>
          %slice3A_581 = vector.extract_strided_slice %add3A_566 {offsets = [7], sizes = [1], strides = [1]} : vector<16xf32> to vector<1xf32>
          %squeeze3A_582 = vector.extract %slice3A_581[0] : f32 from vector<1xf32>
          %add3A_583 = arith.addf %squeeze3A_568, %squeeze3A_570 : f32
          %add3A_584 = arith.addf %squeeze3A_572, %squeeze3A_574 : f32
          %add3A_585 = arith.addf %squeeze3A_576, %squeeze3A_578 : f32
          %add3A_586 = arith.addf %squeeze3A_580, %squeeze3A_582 : f32
          %add3A_587 = arith.addf %add3A_583, %add3A_584 : f32
          %add3A_588 = arith.addf %add3A_585, %add3A_586 : f32
          %add3A_589 = arith.addf %add3A_587, %add3A_588 : f32
          %eq3A_590 = arith.constant 3 : i32
          %eq3A_591 = vector.broadcast %eq3A_590 : i32 to vector<16xi32>
          %eq3A_592 = arith.cmpi eq, %iota3A, %eq3A_591 : vector<16xi32>
          %broadcast_in_dim3A_593 = vector.broadcast %add3A_589 : f32 to vector<16xf32>
          %select_n3A_594 = arith.select %eq3A_592, %broadcast_in_dim3A_593, %select_n3A_466 : vector<16xi1>, vector<16xf32>
          %mul3A_595 = arith.constant 16 : i32
          %mul3A_596 = arith.muli %scan3A_85, %mul3A_595 : i32
          %add3A_597 = arith.constant 4 : i32
          %add3A_598 = arith.addi %mul3A_596, %add3A_597 : i32
          %broadcast_in_dim3A_599 = arith.constant 0.000000e+00 : f32
          %broadcast_in_dim3A_600 = vector.broadcast %broadcast_in_dim3A_599 : f32 to vector<16xf32>
          %get3A_601 = arith.index_cast %add3A_598 : i32 to index
          %get3A_602 = arith.constant 0 : index
          %get3A_603 = tpu.vector_load %arg7[%get3A_601, %get3A_602] {strides = array<i32>} : memref<128x128xf32, #tpu.memory_space<vmem>>, vector<1x16xf32>,
          %get3A_604 = vector.shape_cast %get3A_603 : vector<1x16xf32> to vector<16xf32>
          %get3A_605 = arith.index_cast %add3A_598 : i32 to index
          %get3A_606 = arith.constant 0 : index
          %get3A_607 = tpu.vector_load %arg9[%get3A_605, %get3A_606] {strides = array<i32>} : memref<128x128xf32, #tpu.memory_space<vmem>>, vector<1x16xf32>,
          %get3A_608 = vector.shape_cast %get3A_607 : vector<1x16xf32> to vector<16xf32>
          %add3A_609 = arith.addf %get3A_604, %get3A_608 : vector<16xf32>
          %mul3A_610 = arith.mulf %add3A_609, %add3A_609 : vector<16xf32>
          %add3A_611 = arith.addf %broadcast_in_dim3A_600, %mul3A_610 : vector<16xf32>
          %get3A_612 = arith.index_cast %add3A_598 : i32 to index
          %get3A_613 = arith.constant 16 : index
          %get3A_614 = tpu.vector_load %arg7[%get3A_612, %get3A_613] {strides = array<i32>} : memref<128x128xf32, #tpu.memory_space<vmem>>, vector<1x16xf32>,
          %get3A_615 = vector.shape_cast %get3A_614 : vector<1x16xf32> to vector<16xf32>
          %get3A_616 = arith.index_cast %add3A_598 : i32 to index
          %get3A_617 = arith.constant 16 : index
          %get3A_618 = tpu.vector_load %arg9[%get3A_616, %get3A_617] {strides = array<i32>} : memref<128x128xf32, #tpu.memory_space<vmem>>, vector<1x16xf32>,
          %get3A_619 = vector.shape_cast %get3A_618 : vector<1x16xf32> to vector<16xf32>
          %add3A_620 = arith.addf %get3A_615, %get3A_619 : vector<16xf32>
          %mul3A_621 = arith.mulf %add3A_620, %add3A_620 : vector<16xf32>
          %add3A_622 = arith.addf %add3A_611, %mul3A_621 : vector<16xf32>
          %get3A_623 = arith.index_cast %add3A_598 : i32 to index
          %get3A_624 = arith.constant 32 : index
          %get3A_625 = tpu.vector_load %arg7[%get3A_623, %get3A_624] {strides = array<i32>} : memref<128x128xf32, #tpu.memory_space<vmem>>, vector<1x16xf32>,
          %get3A_626 = vector.shape_cast %get3A_625 : vector<1x16xf32> to vector<16xf32>
          %get3A_627 = arith.index_cast %add3A_598 : i32 to index
          %get3A_628 = arith.constant 32 : index
          %get3A_629 = tpu.vector_load %arg9[%get3A_627, %get3A_628] {strides = array<i32>} : memref<128x128xf32, #tpu.memory_space<vmem>>, vector<1x16xf32>,
          %get3A_630 = vector.shape_cast %get3A_629 : vector<1x16xf32> to vector<16xf32>
          %add3A_631 = arith.addf %get3A_626, %get3A_630 : vector<16xf32>
          %mul3A_632 = arith.mulf %add3A_631, %add3A_631 : vector<16xf32>
          %add3A_633 = arith.addf %add3A_622, %mul3A_632 : vector<16xf32>
          %get3A_634 = arith.index_cast %add3A_598 : i32 to index
          %get3A_635 = arith.constant 48 : index
          %get3A_636 = tpu.vector_load %arg7[%get3A_634, %get3A_635] {strides = array<i32>} : memref<128x128xf32, #tpu.memory_space<vmem>>, vector<1x16xf32>,
          %get3A_637 = vector.shape_cast %get3A_636 : vector<1x16xf32> to vector<16xf32>
          %get3A_638 = arith.index_cast %add3A_598 : i32 to index
          %get3A_639 = arith.constant 48 : index
          %get3A_640 = tpu.vector_load %arg9[%get3A_638, %get3A_639] {strides = array<i32>} : memref<128x128xf32, #tpu.memory_space<vmem>>, vector<1x16xf32>,
          %get3A_641 = vector.shape_cast %get3A_640 : vector<1x16xf32> to vector<16xf32>
          %add3A_642 = arith.addf %get3A_637, %get3A_641 : vector<16xf32>
          %mul3A_643 = arith.mulf %add3A_642, %add3A_642 : vector<16xf32>
          %add3A_644 = arith.addf %add3A_633, %mul3A_643 : vector<16xf32>
          %get3A_645 = arith.index_cast %add3A_598 : i32 to index
          %get3A_646 = arith.constant 64 : index
          %get3A_647 = tpu.vector_load %arg7[%get3A_645, %get3A_646] {strides = array<i32>} : memref<128x128xf32, #tpu.memory_space<vmem>>, vector<1x16xf32>,
          %get3A_648 = vector.shape_cast %get3A_647 : vector<1x16xf32> to vector<16xf32>
          %get3A_649 = arith.index_cast %add3A_598 : i32 to index
          %get3A_650 = arith.constant 64 : index
          %get3A_651 = tpu.vector_load %arg9[%get3A_649, %get3A_650] {strides = array<i32>} : memref<128x128xf32, #tpu.memory_space<vmem>>, vector<1x16xf32>,
          %get3A_652 = vector.shape_cast %get3A_651 : vector<1x16xf32> to vector<16xf32>
          %add3A_653 = arith.addf %get3A_648, %get3A_652 : vector<16xf32>
          %mul3A_654 = arith.mulf %add3A_653, %add3A_653 : vector<16xf32>
          %add3A_655 = arith.addf %add3A_644, %mul3A_654 : vector<16xf32>
          %get3A_656 = arith.index_cast %add3A_598 : i32 to index
          %get3A_657 = arith.constant 80 : index
          %get3A_658 = tpu.vector_load %arg7[%get3A_656, %get3A_657] {strides = array<i32>} : memref<128x128xf32, #tpu.memory_space<vmem>>, vector<1x16xf32>,
          %get3A_659 = vector.shape_cast %get3A_658 : vector<1x16xf32> to vector<16xf32>
          %get3A_660 = arith.index_cast %add3A_598 : i32 to index
          %get3A_661 = arith.constant 80 : index
          %get3A_662 = tpu.vector_load %arg9[%get3A_660, %get3A_661] {strides = array<i32>} : memref<128x128xf32, #tpu.memory_space<vmem>>, vector<1x16xf32>,
          %get3A_663 = vector.shape_cast %get3A_662 : vector<1x16xf32> to vector<16xf32>
          %add3A_664 = arith.addf %get3A_659, %get3A_663 : vector<16xf32>
          %mul3A_665 = arith.mulf %add3A_664, %add3A_664 : vector<16xf32>
          %add3A_666 = arith.addf %add3A_655, %mul3A_665 : vector<16xf32>
          %get3A_667 = arith.index_cast %add3A_598 : i32 to index
          %get3A_668 = arith.constant 96 : index
          %get3A_669 = tpu.vector_load %arg7[%get3A_667, %get3A_668] {strides = array<i32>} : memref<128x128xf32, #tpu.memory_space<vmem>>, vector<1x16xf32>,
          %get3A_670 = vector.shape_cast %get3A_669 : vector<1x16xf32> to vector<16xf32>
          %get3A_671 = arith.index_cast %add3A_598 : i32 to index
          %get3A_672 = arith.constant 96 : index
          %get3A_673 = tpu.vector_load %arg9[%get3A_671, %get3A_672] {strides = array<i32>} : memref<128x128xf32, #tpu.memory_space<vmem>>, vector<1x16xf32>,
          %get3A_674 = vector.shape_cast %get3A_673 : vector<1x16xf32> to vector<16xf32>
          %add3A_675 = arith.addf %get3A_670, %get3A_674 : vector<16xf32>
          %mul3A_676 = arith.mulf %add3A_675, %add3A_675 : vector<16xf32>
          %add3A_677 = arith.addf %add3A_666, %mul3A_676 : vector<16xf32>
          %get3A_678 = arith.index_cast %add3A_598 : i32 to index
          %get3A_679 = arith.constant 112 : index
          %get3A_680 = tpu.vector_load %arg7[%get3A_678, %get3A_679] {strides = array<i32>} : memref<128x128xf32, #tpu.memory_space<vmem>>, vector<1x16xf32>,
          %get3A_681 = vector.shape_cast %get3A_680 : vector<1x16xf32> to vector<16xf32>
          %get3A_682 = arith.index_cast %add3A_598 : i32 to index
          %get3A_683 = arith.constant 112 : index
          %get3A_684 = tpu.vector_load %arg9[%get3A_682, %get3A_683] {strides = array<i32>} : memref<128x128xf32, #tpu.memory_space<vmem>>, vector<1x16xf32>,
          %get3A_685 = vector.shape_cast %get3A_684 : vector<1x16xf32> to vector<16xf32>
          %add3A_686 = arith.addf %get3A_681, %get3A_685 : vector<16xf32>
          %mul3A_687 = arith.mulf %add3A_686, %add3A_686 : vector<16xf32>
          %add3A_688 = arith.addf %add3A_677, %mul3A_687 : vector<16xf32>
          %rev3A_689 = arith.constant 15 : i32
          %rev3A_690 = vector.broadcast %rev3A_689 : i32 to vector<16xi32>
          %rev3A_691 = tpu.iota {dimensions = array<i32: 0>} : vector<16xi32>
          %rev3A_692 = arith.subi %rev3A_690, %rev3A_691 : vector<16xi32>
          %rev3A_693 = tpu.dynamic_gather %add3A_688[%rev3A_692] in [0] : vector<16xf32>, vector<16xi32> -> vector<16xf32>
          %add3A_694 = arith.addf %add3A_688, %rev3A_693 : vector<16xf32>
          %slice3A_695 = vector.extract_strided_slice %add3A_694 {offsets = [0], sizes = [1], strides = [1]} : vector<16xf32> to vector<1xf32>
          %squeeze3A_696 = vector.extract %slice3A_695[0] : f32 from vector<1xf32>
          %slice3A_697 = vector.extract_strided_slice %add3A_694 {offsets = [1], sizes = [1], strides = [1]} : vector<16xf32> to vector<1xf32>
          %squeeze3A_698 = vector.extract %slice3A_697[0] : f32 from vector<1xf32>
          %slice3A_699 = vector.extract_strided_slice %add3A_694 {offsets = [2], sizes = [1], strides = [1]} : vector<16xf32> to vector<1xf32>
          %squeeze3A_700 = vector.extract %slice3A_699[0] : f32 from vector<1xf32>
          %slice3A_701 = vector.extract_strided_slice %add3A_694 {offsets = [3], sizes = [1], strides = [1]} : vector<16xf32> to vector<1xf32>
          %squeeze3A_702 = vector.extract %slice3A_701[0] : f32 from vector<1xf32>
          %slice3A_703 = vector.extract_strided_slice %add3A_694 {offsets = [4], sizes = [1], strides = [1]} : vector<16xf32> to vector<1xf32>
          %squeeze3A_704 = vector.extract %slice3A_703[0] : f32 from vector<1xf32>
          %slice3A_705 = vector.extract_strided_slice %add3A_694 {offsets = [5], sizes = [1], strides = [1]} : vector<16xf32> to vector<1xf32>
          %squeeze3A_706 = vector.extract %slice3A_705[0] : f32 from vector<1xf32>
          %slice3A_707 = vector.extract_strided_slice %add3A_694 {offsets = [6], sizes = [1], strides = [1]} : vector<16xf32> to vector<1xf32>
          %squeeze3A_708 = vector.extract %slice3A_707[0] : f32 from vector<1xf32>
          %slice3A_709 = vector.extract_strided_slice %add3A_694 {offsets = [7], sizes = [1], strides = [1]} : vector<16xf32> to vector<1xf32>
          %squeeze3A_710 = vector.extract %slice3A_709[0] : f32 from vector<1xf32>
          %add3A_711 = arith.addf %squeeze3A_696, %squeeze3A_698 : f32
          %add3A_712 = arith.addf %squeeze3A_700, %squeeze3A_702 : f32
          %add3A_713 = arith.addf %squeeze3A_704, %squeeze3A_706 : f32
          %add3A_714 = arith.addf %squeeze3A_708, %squeeze3A_710 : f32
          %add3A_715 = arith.addf %add3A_711, %add3A_712 : f32
          %add3A_716 = arith.addf %add3A_713, %add3A_714 : f32
          %add3A_717 = arith.addf %add3A_715, %add3A_716 : f32
          %eq3A_718 = arith.constant 4 : i32
          %eq3A_719 = vector.broadcast %eq3A_718 : i32 to vector<16xi32>
          %eq3A_720 = arith.cmpi eq, %iota3A, %eq3A_719 : vector<16xi32>
          %broadcast_in_dim3A_721 = vector.broadcast %add3A_717 : f32 to vector<16xf32>
          %select_n3A_722 = arith.select %eq3A_720, %broadcast_in_dim3A_721, %select_n3A_594 : vector<16xi1>, vector<16xf32>
          %mul3A_723 = arith.constant 16 : i32
          %mul3A_724 = arith.muli %scan3A_85, %mul3A_723 : i32
          %add3A_725 = arith.constant 5 : i32
          %add3A_726 = arith.addi %mul3A_724, %add3A_725 : i32
          %broadcast_in_dim3A_727 = arith.constant 0.000000e+00 : f32
          %broadcast_in_dim3A_728 = vector.broadcast %broadcast_in_dim3A_727 : f32 to vector<16xf32>
          %get3A_729 = arith.index_cast %add3A_726 : i32 to index
          %get3A_730 = arith.constant 0 : index
          %get3A_731 = tpu.vector_load %arg7[%get3A_729, %get3A_730] {strides = array<i32>} : memref<128x128xf32, #tpu.memory_space<vmem>>, vector<1x16xf32>,
          %get3A_732 = vector.shape_cast %get3A_731 : vector<1x16xf32> to vector<16xf32>
          %get3A_733 = arith.index_cast %add3A_726 : i32 to index
          %get3A_734 = arith.constant 0 : index
          %get3A_735 = tpu.vector_load %arg9[%get3A_733, %get3A_734] {strides = array<i32>} : memref<128x128xf32, #tpu.memory_space<vmem>>, vector<1x16xf32>,
          %get3A_736 = vector.shape_cast %get3A_735 : vector<1x16xf32> to vector<16xf32>
          %add3A_737 = arith.addf %get3A_732, %get3A_736 : vector<16xf32>
          %mul3A_738 = arith.mulf %add3A_737, %add3A_737 : vector<16xf32>
          %add3A_739 = arith.addf %broadcast_in_dim3A_728, %mul3A_738 : vector<16xf32>
          %get3A_740 = arith.index_cast %add3A_726 : i32 to index
          %get3A_741 = arith.constant 16 : index
          %get3A_742 = tpu.vector_load %arg7[%get3A_740, %get3A_741] {strides = array<i32>} : memref<128x128xf32, #tpu.memory_space<vmem>>, vector<1x16xf32>,
          %get3A_743 = vector.shape_cast %get3A_742 : vector<1x16xf32> to vector<16xf32>
          %get3A_744 = arith.index_cast %add3A_726 : i32 to index
          %get3A_745 = arith.constant 16 : index
          %get3A_746 = tpu.vector_load %arg9[%get3A_744, %get3A_745] {strides = array<i32>} : memref<128x128xf32, #tpu.memory_space<vmem>>, vector<1x16xf32>,
          %get3A_747 = vector.shape_cast %get3A_746 : vector<1x16xf32> to vector<16xf32>
          %add3A_748 = arith.addf %get3A_743, %get3A_747 : vector<16xf32>
          %mul3A_749 = arith.mulf %add3A_748, %add3A_748 : vector<16xf32>
          %add3A_750 = arith.addf %add3A_739, %mul3A_749 : vector<16xf32>
          %get3A_751 = arith.index_cast %add3A_726 : i32 to index
          %get3A_752 = arith.constant 32 : index
          %get3A_753 = tpu.vector_load %arg7[%get3A_751, %get3A_752] {strides = array<i32>} : memref<128x128xf32, #tpu.memory_space<vmem>>, vector<1x16xf32>,
          %get3A_754 = vector.shape_cast %get3A_753 : vector<1x16xf32> to vector<16xf32>
          %get3A_755 = arith.index_cast %add3A_726 : i32 to index
          %get3A_756 = arith.constant 32 : index
          %get3A_757 = tpu.vector_load %arg9[%get3A_755, %get3A_756] {strides = array<i32>} : memref<128x128xf32, #tpu.memory_space<vmem>>, vector<1x16xf32>,
          %get3A_758 = vector.shape_cast %get3A_757 : vector<1x16xf32> to vector<16xf32>
          %add3A_759 = arith.addf %get3A_754, %get3A_758 : vector<16xf32>
          %mul3A_760 = arith.mulf %add3A_759, %add3A_759 : vector<16xf32>
          %add3A_761 = arith.addf %add3A_750, %mul3A_760 : vector<16xf32>
          %get3A_762 = arith.index_cast %add3A_726 : i32 to index
          %get3A_763 = arith.constant 48 : index
          %get3A_764 = tpu.vector_load %arg7[%get3A_762, %get3A_763] {strides = array<i32>} : memref<128x128xf32, #tpu.memory_space<vmem>>, vector<1x16xf32>,
          %get3A_765 = vector.shape_cast %get3A_764 : vector<1x16xf32> to vector<16xf32>
          %get3A_766 = arith.index_cast %add3A_726 : i32 to index
          %get3A_767 = arith.constant 48 : index
          %get3A_768 = tpu.vector_load %arg9[%get3A_766, %get3A_767] {strides = array<i32>} : memref<128x128xf32, #tpu.memory_space<vmem>>, vector<1x16xf32>,
          %get3A_769 = vector.shape_cast %get3A_768 : vector<1x16xf32> to vector<16xf32>
          %add3A_770 = arith.addf %get3A_765, %get3A_769 : vector<16xf32>
          %mul3A_771 = arith.mulf %add3A_770, %add3A_770 : vector<16xf32>
          %add3A_772 = arith.addf %add3A_761, %mul3A_771 : vector<16xf32>
          %get3A_773 = arith.index_cast %add3A_726 : i32 to index
          %get3A_774 = arith.constant 64 : index
          %get3A_775 = tpu.vector_load %arg7[%get3A_773, %get3A_774] {strides = array<i32>} : memref<128x128xf32, #tpu.memory_space<vmem>>, vector<1x16xf32>,
          %get3A_776 = vector.shape_cast %get3A_775 : vector<1x16xf32> to vector<16xf32>
          %get3A_777 = arith.index_cast %add3A_726 : i32 to index
          %get3A_778 = arith.constant 64 : index
          %get3A_779 = tpu.vector_load %arg9[%get3A_777, %get3A_778] {strides = array<i32>} : memref<128x128xf32, #tpu.memory_space<vmem>>, vector<1x16xf32>,
          %get3A_780 = vector.shape_cast %get3A_779 : vector<1x16xf32> to vector<16xf32>
          %add3A_781 = arith.addf %get3A_776, %get3A_780 : vector<16xf32>
          %mul3A_782 = arith.mulf %add3A_781, %add3A_781 : vector<16xf32>
          %add3A_783 = arith.addf %add3A_772, %mul3A_782 : vector<16xf32>
          %get3A_784 = arith.index_cast %add3A_726 : i32 to index
          %get3A_785 = arith.constant 80 : index
          %get3A_786 = tpu.vector_load %arg7[%get3A_784, %get3A_785] {strides = array<i32>} : memref<128x128xf32, #tpu.memory_space<vmem>>, vector<1x16xf32>,
          %get3A_787 = vector.shape_cast %get3A_786 : vector<1x16xf32> to vector<16xf32>
          %get3A_788 = arith.index_cast %add3A_726 : i32 to index
          %get3A_789 = arith.constant 80 : index
          %get3A_790 = tpu.vector_load %arg9[%get3A_788, %get3A_789] {strides = array<i32>} : memref<128x128xf32, #tpu.memory_space<vmem>>, vector<1x16xf32>,
          %get3A_791 = vector.shape_cast %get3A_790 : vector<1x16xf32> to vector<16xf32>
          %add3A_792 = arith.addf %get3A_787, %get3A_791 : vector<16xf32>
          %mul3A_793 = arith.mulf %add3A_792, %add3A_792 : vector<16xf32>
          %add3A_794 = arith.addf %add3A_783, %mul3A_793 : vector<16xf32>
          %get3A_795 = arith.index_cast %add3A_726 : i32 to index
          %get3A_796 = arith.constant 96 : index
          %get3A_797 = tpu.vector_load %arg7[%get3A_795, %get3A_796] {strides = array<i32>} : memref<128x128xf32, #tpu.memory_space<vmem>>, vector<1x16xf32>,
          %get3A_798 = vector.shape_cast %get3A_797 : vector<1x16xf32> to vector<16xf32>
          %get3A_799 = arith.index_cast %add3A_726 : i32 to index
          %get3A_800 = arith.constant 96 : index
          %get3A_801 = tpu.vector_load %arg9[%get3A_799, %get3A_800] {strides = array<i32>} : memref<128x128xf32, #tpu.memory_space<vmem>>, vector<1x16xf32>,
          %get3A_802 = vector.shape_cast %get3A_801 : vector<1x16xf32> to vector<16xf32>
          %add3A_803 = arith.addf %get3A_798, %get3A_802 : vector<16xf32>
          %mul3A_804 = arith.mulf %add3A_803, %add3A_803 : vector<16xf32>
          %add3A_805 = arith.addf %add3A_794, %mul3A_804 : vector<16xf32>
          %get3A_806 = arith.index_cast %add3A_726 : i32 to index
          %get3A_807 = arith.constant 112 : index
          %get3A_808 = tpu.vector_load %arg7[%get3A_806, %get3A_807] {strides = array<i32>} : memref<128x128xf32, #tpu.memory_space<vmem>>, vector<1x16xf32>,
          %get3A_809 = vector.shape_cast %get3A_808 : vector<1x16xf32> to vector<16xf32>
          %get3A_810 = arith.index_cast %add3A_726 : i32 to index
          %get3A_811 = arith.constant 112 : index
          %get3A_812 = tpu.vector_load %arg9[%get3A_810, %get3A_811] {strides = array<i32>} : memref<128x128xf32, #tpu.memory_space<vmem>>, vector<1x16xf32>,
          %get3A_813 = vector.shape_cast %get3A_812 : vector<1x16xf32> to vector<16xf32>
          %add3A_814 = arith.addf %get3A_809, %get3A_813 : vector<16xf32>
          %mul3A_815 = arith.mulf %add3A_814, %add3A_814 : vector<16xf32>
          %add3A_816 = arith.addf %add3A_805, %mul3A_815 : vector<16xf32>
          %rev3A_817 = arith.constant 15 : i32
          %rev3A_818 = vector.broadcast %rev3A_817 : i32 to vector<16xi32>
          %rev3A_819 = tpu.iota {dimensions = array<i32: 0>} : vector<16xi32>
          %rev3A_820 = arith.subi %rev3A_818, %rev3A_819 : vector<16xi32>
          %rev3A_821 = tpu.dynamic_gather %add3A_816[%rev3A_820] in [0] : vector<16xf32>, vector<16xi32> -> vector<16xf32>
          %add3A_822 = arith.addf %add3A_816, %rev3A_821 : vector<16xf32>
          %slice3A_823 = vector.extract_strided_slice %add3A_822 {offsets = [0], sizes = [1], strides = [1]} : vector<16xf32> to vector<1xf32>
          %squeeze3A_824 = vector.extract %slice3A_823[0] : f32 from vector<1xf32>
          %slice3A_825 = vector.extract_strided_slice %add3A_822 {offsets = [1], sizes = [1], strides = [1]} : vector<16xf32> to vector<1xf32>
          %squeeze3A_826 = vector.extract %slice3A_825[0] : f32 from vector<1xf32>
          %slice3A_827 = vector.extract_strided_slice %add3A_822 {offsets = [2], sizes = [1], strides = [1]} : vector<16xf32> to vector<1xf32>
          %squeeze3A_828 = vector.extract %slice3A_827[0] : f32 from vector<1xf32>
          %slice3A_829 = vector.extract_strided_slice %add3A_822 {offsets = [3], sizes = [1], strides = [1]} : vector<16xf32> to vector<1xf32>
          %squeeze3A_830 = vector.extract %slice3A_829[0] : f32 from vector<1xf32>
          %slice3A_831 = vector.extract_strided_slice %add3A_822 {offsets = [4], sizes = [1], strides = [1]} : vector<16xf32> to vector<1xf32>
          %squeeze3A_832 = vector.extract %slice3A_831[0] : f32 from vector<1xf32>
          %slice3A_833 = vector.extract_strided_slice %add3A_822 {offsets = [5], sizes = [1], strides = [1]} : vector<16xf32> to vector<1xf32>
          %squeeze3A_834 = vector.extract %slice3A_833[0] : f32 from vector<1xf32>
          %slice3A_835 = vector.extract_strided_slice %add3A_822 {offsets = [6], sizes = [1], strides = [1]} : vector<16xf32> to vector<1xf32>
          %squeeze3A_836 = vector.extract %slice3A_835[0] : f32 from vector<1xf32>
          %slice3A_837 = vector.extract_strided_slice %add3A_822 {offsets = [7], sizes = [1], strides = [1]} : vector<16xf32> to vector<1xf32>
          %squeeze3A_838 = vector.extract %slice3A_837[0] : f32 from vector<1xf32>
          %add3A_839 = arith.addf %squeeze3A_824, %squeeze3A_826 : f32
          %add3A_840 = arith.addf %squeeze3A_828, %squeeze3A_830 : f32
          %add3A_841 = arith.addf %squeeze3A_832, %squeeze3A_834 : f32
          %add3A_842 = arith.addf %squeeze3A_836, %squeeze3A_838 : f32
          %add3A_843 = arith.addf %add3A_839, %add3A_840 : f32
          %add3A_844 = arith.addf %add3A_841, %add3A_842 : f32
          %add3A_845 = arith.addf %add3A_843, %add3A_844 : f32
          %eq3A_846 = arith.constant 5 : i32
          %eq3A_847 = vector.broadcast %eq3A_846 : i32 to vector<16xi32>
          %eq3A_848 = arith.cmpi eq, %iota3A, %eq3A_847 : vector<16xi32>
          %broadcast_in_dim3A_849 = vector.broadcast %add3A_845 : f32 to vector<16xf32>
          %select_n3A_850 = arith.select %eq3A_848, %broadcast_in_dim3A_849, %select_n3A_722 : vector<16xi1>, vector<16xf32>
          %mul3A_851 = arith.constant 16 : i32
          %mul3A_852 = arith.muli %scan3A_85, %mul3A_851 : i32
          %add3A_853 = arith.constant 6 : i32
          %add3A_854 = arith.addi %mul3A_852, %add3A_853 : i32
          %broadcast_in_dim3A_855 = arith.constant 0.000000e+00 : f32
          %broadcast_in_dim3A_856 = vector.broadcast %broadcast_in_dim3A_855 : f32 to vector<16xf32>
          %get3A_857 = arith.index_cast %add3A_854 : i32 to index
          %get3A_858 = arith.constant 0 : index
          %get3A_859 = tpu.vector_load %arg7[%get3A_857, %get3A_858] {strides = array<i32>} : memref<128x128xf32, #tpu.memory_space<vmem>>, vector<1x16xf32>,
          %get3A_860 = vector.shape_cast %get3A_859 : vector<1x16xf32> to vector<16xf32>
          %get3A_861 = arith.index_cast %add3A_854 : i32 to index
          %get3A_862 = arith.constant 0 : index
          %get3A_863 = tpu.vector_load %arg9[%get3A_861, %get3A_862] {strides = array<i32>} : memref<128x128xf32, #tpu.memory_space<vmem>>, vector<1x16xf32>,
          %get3A_864 = vector.shape_cast %get3A_863 : vector<1x16xf32> to vector<16xf32>
          %add3A_865 = arith.addf %get3A_860, %get3A_864 : vector<16xf32>
          %mul3A_866 = arith.mulf %add3A_865, %add3A_865 : vector<16xf32>
          %add3A_867 = arith.addf %broadcast_in_dim3A_856, %mul3A_866 : vector<16xf32>
          %get3A_868 = arith.index_cast %add3A_854 : i32 to index
          %get3A_869 = arith.constant 16 : index
          %get3A_870 = tpu.vector_load %arg7[%get3A_868, %get3A_869] {strides = array<i32>} : memref<128x128xf32, #tpu.memory_space<vmem>>, vector<1x16xf32>,
          %get3A_871 = vector.shape_cast %get3A_870 : vector<1x16xf32> to vector<16xf32>
          %get3A_872 = arith.index_cast %add3A_854 : i32 to index
          %get3A_873 = arith.constant 16 : index
          %get3A_874 = tpu.vector_load %arg9[%get3A_872, %get3A_873] {strides = array<i32>} : memref<128x128xf32, #tpu.memory_space<vmem>>, vector<1x16xf32>,
          %get3A_875 = vector.shape_cast %get3A_874 : vector<1x16xf32> to vector<16xf32>
          %add3A_876 = arith.addf %get3A_871, %get3A_875 : vector<16xf32>
          %mul3A_877 = arith.mulf %add3A_876, %add3A_876 : vector<16xf32>
          %add3A_878 = arith.addf %add3A_867, %mul3A_877 : vector<16xf32>
          %get3A_879 = arith.index_cast %add3A_854 : i32 to index
          %get3A_880 = arith.constant 32 : index
          %get3A_881 = tpu.vector_load %arg7[%get3A_879, %get3A_880] {strides = array<i32>} : memref<128x128xf32, #tpu.memory_space<vmem>>, vector<1x16xf32>,
          %get3A_882 = vector.shape_cast %get3A_881 : vector<1x16xf32> to vector<16xf32>
          %get3A_883 = arith.index_cast %add3A_854 : i32 to index
          %get3A_884 = arith.constant 32 : index
          %get3A_885 = tpu.vector_load %arg9[%get3A_883, %get3A_884] {strides = array<i32>} : memref<128x128xf32, #tpu.memory_space<vmem>>, vector<1x16xf32>,
          %get3A_886 = vector.shape_cast %get3A_885 : vector<1x16xf32> to vector<16xf32>
          %add3A_887 = arith.addf %get3A_882, %get3A_886 : vector<16xf32>
          %mul3A_888 = arith.mulf %add3A_887, %add3A_887 : vector<16xf32>
          %add3A_889 = arith.addf %add3A_878, %mul3A_888 : vector<16xf32>
          %get3A_890 = arith.index_cast %add3A_854 : i32 to index
          %get3A_891 = arith.constant 48 : index
          %get3A_892 = tpu.vector_load %arg7[%get3A_890, %get3A_891] {strides = array<i32>} : memref<128x128xf32, #tpu.memory_space<vmem>>, vector<1x16xf32>,
          %get3A_893 = vector.shape_cast %get3A_892 : vector<1x16xf32> to vector<16xf32>
          %get3A_894 = arith.index_cast %add3A_854 : i32 to index
          %get3A_895 = arith.constant 48 : index
          %get3A_896 = tpu.vector_load %arg9[%get3A_894, %get3A_895] {strides = array<i32>} : memref<128x128xf32, #tpu.memory_space<vmem>>, vector<1x16xf32>,
          %get3A_897 = vector.shape_cast %get3A_896 : vector<1x16xf32> to vector<16xf32>
          %add3A_898 = arith.addf %get3A_893, %get3A_897 : vector<16xf32>
          %mul3A_899 = arith.mulf %add3A_898, %add3A_898 : vector<16xf32>
          %add3A_900 = arith.addf %add3A_889, %mul3A_899 : vector<16xf32>
          %get3A_901 = arith.index_cast %add3A_854 : i32 to index
          %get3A_902 = arith.constant 64 : index
          %get3A_903 = tpu.vector_load %arg7[%get3A_901, %get3A_902] {strides = array<i32>} : memref<128x128xf32, #tpu.memory_space<vmem>>, vector<1x16xf32>,
          %get3A_904 = vector.shape_cast %get3A_903 : vector<1x16xf32> to vector<16xf32>
          %get3A_905 = arith.index_cast %add3A_854 : i32 to index
          %get3A_906 = arith.constant 64 : index
          %get3A_907 = tpu.vector_load %arg9[%get3A_905, %get3A_906] {strides = array<i32>} : memref<128x128xf32, #tpu.memory_space<vmem>>, vector<1x16xf32>,
          %get3A_908 = vector.shape_cast %get3A_907 : vector<1x16xf32> to vector<16xf32>
          %add3A_909 = arith.addf %get3A_904, %get3A_908 : vector<16xf32>
          %mul3A_910 = arith.mulf %add3A_909, %add3A_909 : vector<16xf32>
          %add3A_911 = arith.addf %add3A_900, %mul3A_910 : vector<16xf32>
          %get3A_912 = arith.index_cast %add3A_854 : i32 to index
          %get3A_913 = arith.constant 80 : index
          %get3A_914 = tpu.vector_load %arg7[%get3A_912, %get3A_913] {strides = array<i32>} : memref<128x128xf32, #tpu.memory_space<vmem>>, vector<1x16xf32>,
          %get3A_915 = vector.shape_cast %get3A_914 : vector<1x16xf32> to vector<16xf32>
          %get3A_916 = arith.index_cast %add3A_854 : i32 to index
          %get3A_917 = arith.constant 80 : index
          %get3A_918 = tpu.vector_load %arg9[%get3A_916, %get3A_917] {strides = array<i32>} : memref<128x128xf32, #tpu.memory_space<vmem>>, vector<1x16xf32>,
          %get3A_919 = vector.shape_cast %get3A_918 : vector<1x16xf32> to vector<16xf32>
          %add3A_920 = arith.addf %get3A_915, %get3A_919 : vector<16xf32>
          %mul3A_921 = arith.mulf %add3A_920, %add3A_920 : vector<16xf32>
          %add3A_922 = arith.addf %add3A_911, %mul3A_921 : vector<16xf32>
          %get3A_923 = arith.index_cast %add3A_854 : i32 to index
          %get3A_924 = arith.constant 96 : index
          %get3A_925 = tpu.vector_load %arg7[%get3A_923, %get3A_924] {strides = array<i32>} : memref<128x128xf32, #tpu.memory_space<vmem>>, vector<1x16xf32>,
          %get3A_926 = vector.shape_cast %get3A_925 : vector<1x16xf32> to vector<16xf32>
          %get3A_927 = arith.index_cast %add3A_854 : i32 to index
          %get3A_928 = arith.constant 96 : index
          %get3A_929 = tpu.vector_load %arg9[%get3A_927, %get3A_928] {strides = array<i32>} : memref<128x128xf32, #tpu.memory_space<vmem>>, vector<1x16xf32>,
          %get3A_930 = vector.shape_cast %get3A_929 : vector<1x16xf32> to vector<16xf32>
          %add3A_931 = arith.addf %get3A_926, %get3A_930 : vector<16xf32>
          %mul3A_932 = arith.mulf %add3A_931, %add3A_931 : vector<16xf32>
          %add3A_933 = arith.addf %add3A_922, %mul3A_932 : vector<16xf32>
          %get3A_934 = arith.index_cast %add3A_854 : i32 to index
          %get3A_935 = arith.constant 112 : index
          %get3A_936 = tpu.vector_load %arg7[%get3A_934, %get3A_935] {strides = array<i32>} : memref<128x128xf32, #tpu.memory_space<vmem>>, vector<1x16xf32>,
          %get3A_937 = vector.shape_cast %get3A_936 : vector<1x16xf32> to vector<16xf32>
          %get3A_938 = arith.index_cast %add3A_854 : i32 to index
          %get3A_939 = arith.constant 112 : index
          %get3A_940 = tpu.vector_load %arg9[%get3A_938, %get3A_939] {strides = array<i32>} : memref<128x128xf32, #tpu.memory_space<vmem>>, vector<1x16xf32>,
          %get3A_941 = vector.shape_cast %get3A_940 : vector<1x16xf32> to vector<16xf32>
          %add3A_942 = arith.addf %get3A_937, %get3A_941 : vector<16xf32>
          %mul3A_943 = arith.mulf %add3A_942, %add3A_942 : vector<16xf32>
          %add3A_944 = arith.addf %add3A_933, %mul3A_943 : vector<16xf32>
          %rev3A_945 = arith.constant 15 : i32
          %rev3A_946 = vector.broadcast %rev3A_945 : i32 to vector<16xi32>
          %rev3A_947 = tpu.iota {dimensions = array<i32: 0>} : vector<16xi32>
          %rev3A_948 = arith.subi %rev3A_946, %rev3A_947 : vector<16xi32>
          %rev3A_949 = tpu.dynamic_gather %add3A_944[%rev3A_948] in [0] : vector<16xf32>, vector<16xi32> -> vector<16xf32>
          %add3A_950 = arith.addf %add3A_944, %rev3A_949 : vector<16xf32>
          %slice3A_951 = vector.extract_strided_slice %add3A_950 {offsets = [0], sizes = [1], strides = [1]} : vector<16xf32> to vector<1xf32>
          %squeeze3A_952 = vector.extract %slice3A_951[0] : f32 from vector<1xf32>
          %slice3A_953 = vector.extract_strided_slice %add3A_950 {offsets = [1], sizes = [1], strides = [1]} : vector<16xf32> to vector<1xf32>
          %squeeze3A_954 = vector.extract %slice3A_953[0] : f32 from vector<1xf32>
          %slice3A_955 = vector.extract_strided_slice %add3A_950 {offsets = [2], sizes = [1], strides = [1]} : vector<16xf32> to vector<1xf32>
          %squeeze3A_956 = vector.extract %slice3A_955[0] : f32 from vector<1xf32>
          %slice3A_957 = vector.extract_strided_slice %add3A_950 {offsets = [3], sizes = [1], strides = [1]} : vector<16xf32> to vector<1xf32>
          %squeeze3A_958 = vector.extract %slice3A_957[0] : f32 from vector<1xf32>
          %slice3A_959 = vector.extract_strided_slice %add3A_950 {offsets = [4], sizes = [1], strides = [1]} : vector<16xf32> to vector<1xf32>
          %squeeze3A_960 = vector.extract %slice3A_959[0] : f32 from vector<1xf32>
          %slice3A_961 = vector.extract_strided_slice %add3A_950 {offsets = [5], sizes = [1], strides = [1]} : vector<16xf32> to vector<1xf32>
          %squeeze3A_962 = vector.extract %slice3A_961[0] : f32 from vector<1xf32>
          %slice3A_963 = vector.extract_strided_slice %add3A_950 {offsets = [6], sizes = [1], strides = [1]} : vector<16xf32> to vector<1xf32>
          %squeeze3A_964 = vector.extract %slice3A_963[0] : f32 from vector<1xf32>
          %slice3A_965 = vector.extract_strided_slice %add3A_950 {offsets = [7], sizes = [1], strides = [1]} : vector<16xf32> to vector<1xf32>
          %squeeze3A_966 = vector.extract %slice3A_965[0] : f32 from vector<1xf32>
          %add3A_967 = arith.addf %squeeze3A_952, %squeeze3A_954 : f32
          %add3A_968 = arith.addf %squeeze3A_956, %squeeze3A_958 : f32
          %add3A_969 = arith.addf %squeeze3A_960, %squeeze3A_962 : f32
          %add3A_970 = arith.addf %squeeze3A_964, %squeeze3A_966 : f32
          %add3A_971 = arith.addf %add3A_967, %add3A_968 : f32
          %add3A_972 = arith.addf %add3A_969, %add3A_970 : f32
          %add3A_973 = arith.addf %add3A_971, %add3A_972 : f32
          %eq3A_974 = arith.constant 6 : i32
          %eq3A_975 = vector.broadcast %eq3A_974 : i32 to vector<16xi32>
          %eq3A_976 = arith.cmpi eq, %iota3A, %eq3A_975 : vector<16xi32>
          %broadcast_in_dim3A_977 = vector.broadcast %add3A_973 : f32 to vector<16xf32>
          %select_n3A_978 = arith.select %eq3A_976, %broadcast_in_dim3A_977, %select_n3A_850 : vector<16xi1>, vector<16xf32>
          %mul3A_979 = arith.constant 16 : i32
          %mul3A_980 = arith.muli %scan3A_85, %mul3A_979 : i32
          %add3A_981 = arith.constant 7 : i32
          %add3A_982 = arith.addi %mul3A_980, %add3A_981 : i32
          %broadcast_in_dim3A_983 = arith.constant 0.000000e+00 : f32
          %broadcast_in_dim3A_984 = vector.broadcast %broadcast_in_dim3A_983 : f32 to vector<16xf32>
          %get3A_985 = arith.index_cast %add3A_982 : i32 to index
          %get3A_986 = arith.constant 0 : index
          %get3A_987 = tpu.vector_load %arg7[%get3A_985, %get3A_986] {strides = array<i32>} : memref<128x128xf32, #tpu.memory_space<vmem>>, vector<1x16xf32>,
          %get3A_988 = vector.shape_cast %get3A_987 : vector<1x16xf32> to vector<16xf32>
          %get3A_989 = arith.index_cast %add3A_982 : i32 to index
          %get3A_990 = arith.constant 0 : index
          %get3A_991 = tpu.vector_load %arg9[%get3A_989, %get3A_990] {strides = array<i32>} : memref<128x128xf32, #tpu.memory_space<vmem>>, vector<1x16xf32>,
          %get3A_992 = vector.shape_cast %get3A_991 : vector<1x16xf32> to vector<16xf32>
          %add3A_993 = arith.addf %get3A_988, %get3A_992 : vector<16xf32>
          %mul3A_994 = arith.mulf %add3A_993, %add3A_993 : vector<16xf32>
          %add3A_995 = arith.addf %broadcast_in_dim3A_984, %mul3A_994 : vector<16xf32>
          %get3A_996 = arith.index_cast %add3A_982 : i32 to index
          %get3A_997 = arith.constant 16 : index
          %get3A_998 = tpu.vector_load %arg7[%get3A_996, %get3A_997] {strides = array<i32>} : memref<128x128xf32, #tpu.memory_space<vmem>>, vector<1x16xf32>,
          %get3A_999 = vector.shape_cast %get3A_998 : vector<1x16xf32> to vector<16xf32>
          %get3A_1000 = arith.index_cast %add3A_982 : i32 to index
          %get3A_1001 = arith.constant 16 : index
          %get3A_1002 = tpu.vector_load %arg9[%get3A_1000, %get3A_1001] {strides = array<i32>} : memref<128x128xf32, #tpu.memory_space<vmem>>, vector<1x16xf32>,
          %get3A_1003 = vector.shape_cast %get3A_1002 : vector<1x16xf32> to vector<16xf32>
          %add3A_1004 = arith.addf %get3A_999, %get3A_1003 : vector<16xf32>
          %mul3A_1005 = arith.mulf %add3A_1004, %add3A_1004 : vector<16xf32>
          %add3A_1006 = arith.addf %add3A_995, %mul3A_1005 : vector<16xf32>
          %get3A_1007 = arith.index_cast %add3A_982 : i32 to index
          %get3A_1008 = arith.constant 32 : index
          %get3A_1009 = tpu.vector_load %arg7[%get3A_1007, %get3A_1008] {strides = array<i32>} : memref<128x128xf32, #tpu.memory_space<vmem>>, vector<1x16xf32>,
          %get3A_1010 = vector.shape_cast %get3A_1009 : vector<1x16xf32> to vector<16xf32>
          %get3A_1011 = arith.index_cast %add3A_982 : i32 to index
          %get3A_1012 = arith.constant 32 : index
          %get3A_1013 = tpu.vector_load %arg9[%get3A_1011, %get3A_1012] {strides = array<i32>} : memref<128x128xf32, #tpu.memory_space<vmem>>, vector<1x16xf32>,
          %get3A_1014 = vector.shape_cast %get3A_1013 : vector<1x16xf32> to vector<16xf32>
          %add3A_1015 = arith.addf %get3A_1010, %get3A_1014 : vector<16xf32>
          %mul3A_1016 = arith.mulf %add3A_1015, %add3A_1015 : vector<16xf32>
          %add3A_1017 = arith.addf %add3A_1006, %mul3A_1016 : vector<16xf32>
          %get3A_1018 = arith.index_cast %add3A_982 : i32 to index
          %get3A_1019 = arith.constant 48 : index
          %get3A_1020 = tpu.vector_load %arg7[%get3A_1018, %get3A_1019] {strides = array<i32>} : memref<128x128xf32, #tpu.memory_space<vmem>>, vector<1x16xf32>,
          %get3A_1021 = vector.shape_cast %get3A_1020 : vector<1x16xf32> to vector<16xf32>
          %get3A_1022 = arith.index_cast %add3A_982 : i32 to index
          %get3A_1023 = arith.constant 48 : index
          %get3A_1024 = tpu.vector_load %arg9[%get3A_1022, %get3A_1023] {strides = array<i32>} : memref<128x128xf32, #tpu.memory_space<vmem>>, vector<1x16xf32>,
          %get3A_1025 = vector.shape_cast %get3A_1024 : vector<1x16xf32> to vector<16xf32>
          %add3A_1026 = arith.addf %get3A_1021, %get3A_1025 : vector<16xf32>
          %mul3A_1027 = arith.mulf %add3A_1026, %add3A_1026 : vector<16xf32>
          %add3A_1028 = arith.addf %add3A_1017, %mul3A_1027 : vector<16xf32>
          %get3A_1029 = arith.index_cast %add3A_982 : i32 to index
          %get3A_1030 = arith.constant 64 : index
          %get3A_1031 = tpu.vector_load %arg7[%get3A_1029, %get3A_1030] {strides = array<i32>} : memref<128x128xf32, #tpu.memory_space<vmem>>, vector<1x16xf32>,
          %get3A_1032 = vector.shape_cast %get3A_1031 : vector<1x16xf32> to vector<16xf32>
          %get3A_1033 = arith.index_cast %add3A_982 : i32 to index
          %get3A_1034 = arith.constant 64 : index
          %get3A_1035 = tpu.vector_load %arg9[%get3A_1033, %get3A_1034] {strides = array<i32>} : memref<128x128xf32, #tpu.memory_space<vmem>>, vector<1x16xf32>,
          %get3A_1036 = vector.shape_cast %get3A_1035 : vector<1x16xf32> to vector<16xf32>
          %add3A_1037 = arith.addf %get3A_1032, %get3A_1036 : vector<16xf32>
          %mul3A_1038 = arith.mulf %add3A_1037, %add3A_1037 : vector<16xf32>
          %add3A_1039 = arith.addf %add3A_1028, %mul3A_1038 : vector<16xf32>
          %get3A_1040 = arith.index_cast %add3A_982 : i32 to index
          %get3A_1041 = arith.constant 80 : index
          %get3A_1042 = tpu.vector_load %arg7[%get3A_1040, %get3A_1041] {strides = array<i32>} : memref<128x128xf32, #tpu.memory_space<vmem>>, vector<1x16xf32>,
          %get3A_1043 = vector.shape_cast %get3A_1042 : vector<1x16xf32> to vector<16xf32>
          %get3A_1044 = arith.index_cast %add3A_982 : i32 to index
          %get3A_1045 = arith.constant 80 : index
          %get3A_1046 = tpu.vector_load %arg9[%get3A_1044, %get3A_1045] {strides = array<i32>} : memref<128x128xf32, #tpu.memory_space<vmem>>, vector<1x16xf32>,
          %get3A_1047 = vector.shape_cast %get3A_1046 : vector<1x16xf32> to vector<16xf32>
          %add3A_1048 = arith.addf %get3A_1043, %get3A_1047 : vector<16xf32>
          %mul3A_1049 = arith.mulf %add3A_1048, %add3A_1048 : vector<16xf32>
          %add3A_1050 = arith.addf %add3A_1039, %mul3A_1049 : vector<16xf32>
          %get3A_1051 = arith.index_cast %add3A_982 : i32 to index
          %get3A_1052 = arith.constant 96 : index
          %get3A_1053 = tpu.vector_load %arg7[%get3A_1051, %get3A_1052] {strides = array<i32>} : memref<128x128xf32, #tpu.memory_space<vmem>>, vector<1x16xf32>,
          %get3A_1054 = vector.shape_cast %get3A_1053 : vector<1x16xf32> to vector<16xf32>
          %get3A_1055 = arith.index_cast %add3A_982 : i32 to index
          %get3A_1056 = arith.constant 96 : index
          %get3A_1057 = tpu.vector_load %arg9[%get3A_1055, %get3A_1056] {strides = array<i32>} : memref<128x128xf32, #tpu.memory_space<vmem>>, vector<1x16xf32>,
          %get3A_1058 = vector.shape_cast %get3A_1057 : vector<1x16xf32> to vector<16xf32>
          %add3A_1059 = arith.addf %get3A_1054, %get3A_1058 : vector<16xf32>
          %mul3A_1060 = arith.mulf %add3A_1059, %add3A_1059 : vector<16xf32>
          %add3A_1061 = arith.addf %add3A_1050, %mul3A_1060 : vector<16xf32>
          %get3A_1062 = arith.index_cast %add3A_982 : i32 to index
          %get3A_1063 = arith.constant 112 : index
          %get3A_1064 = tpu.vector_load %arg7[%get3A_1062, %get3A_1063] {strides = array<i32>} : memref<128x128xf32, #tpu.memory_space<vmem>>, vector<1x16xf32>,
          %get3A_1065 = vector.shape_cast %get3A_1064 : vector<1x16xf32> to vector<16xf32>
          %get3A_1066 = arith.index_cast %add3A_982 : i32 to index
          %get3A_1067 = arith.constant 112 : index
          %get3A_1068 = tpu.vector_load %arg9[%get3A_1066, %get3A_1067] {strides = array<i32>} : memref<128x128xf32, #tpu.memory_space<vmem>>, vector<1x16xf32>,
          %get3A_1069 = vector.shape_cast %get3A_1068 : vector<1x16xf32> to vector<16xf32>
          %add3A_1070 = arith.addf %get3A_1065, %get3A_1069 : vector<16xf32>
          %mul3A_1071 = arith.mulf %add3A_1070, %add3A_1070 : vector<16xf32>
          %add3A_1072 = arith.addf %add3A_1061, %mul3A_1071 : vector<16xf32>
          %rev3A_1073 = arith.constant 15 : i32
          %rev3A_1074 = vector.broadcast %rev3A_1073 : i32 to vector<16xi32>
          %rev3A_1075 = tpu.iota {dimensions = array<i32: 0>} : vector<16xi32>
          %rev3A_1076 = arith.subi %rev3A_1074, %rev3A_1075 : vector<16xi32>
          %rev3A_1077 = tpu.dynamic_gather %add3A_1072[%rev3A_1076] in [0] : vector<16xf32>, vector<16xi32> -> vector<16xf32>
          %add3A_1078 = arith.addf %add3A_1072, %rev3A_1077 : vector<16xf32>
          %slice3A_1079 = vector.extract_strided_slice %add3A_1078 {offsets = [0], sizes = [1], strides = [1]} : vector<16xf32> to vector<1xf32>
          %squeeze3A_1080 = vector.extract %slice3A_1079[0] : f32 from vector<1xf32>
          %slice3A_1081 = vector.extract_strided_slice %add3A_1078 {offsets = [1], sizes = [1], strides = [1]} : vector<16xf32> to vector<1xf32>
          %squeeze3A_1082 = vector.extract %slice3A_1081[0] : f32 from vector<1xf32>
          %slice3A_1083 = vector.extract_strided_slice %add3A_1078 {offsets = [2], sizes = [1], strides = [1]} : vector<16xf32> to vector<1xf32>
          %squeeze3A_1084 = vector.extract %slice3A_1083[0] : f32 from vector<1xf32>
          %slice3A_1085 = vector.extract_strided_slice %add3A_1078 {offsets = [3], sizes = [1], strides = [1]} : vector<16xf32> to vector<1xf32>
          %squeeze3A_1086 = vector.extract %slice3A_1085[0] : f32 from vector<1xf32>
          %slice3A_1087 = vector.extract_strided_slice %add3A_1078 {offsets = [4], sizes = [1], strides = [1]} : vector<16xf32> to vector<1xf32>
          %squeeze3A_1088 = vector.extract %slice3A_1087[0] : f32 from vector<1xf32>
          %slice3A_1089 = vector.extract_strided_slice %add3A_1078 {offsets = [5], sizes = [1], strides = [1]} : vector<16xf32> to vector<1xf32>
          %squeeze3A_1090 = vector.extract %slice3A_1089[0] : f32 from vector<1xf32>
          %slice3A_1091 = vector.extract_strided_slice %add3A_1078 {offsets = [6], sizes = [1], strides = [1]} : vector<16xf32> to vector<1xf32>
          %squeeze3A_1092 = vector.extract %slice3A_1091[0] : f32 from vector<1xf32>
          %slice3A_1093 = vector.extract_strided_slice %add3A_1078 {offsets = [7], sizes = [1], strides = [1]} : vector<16xf32> to vector<1xf32>
          %squeeze3A_1094 = vector.extract %slice3A_1093[0] : f32 from vector<1xf32>
          %add3A_1095 = arith.addf %squeeze3A_1080, %squeeze3A_1082 : f32
          %add3A_1096 = arith.addf %squeeze3A_1084, %squeeze3A_1086 : f32
          %add3A_1097 = arith.addf %squeeze3A_1088, %squeeze3A_1090 : f32
          %add3A_1098 = arith.addf %squeeze3A_1092, %squeeze3A_1094 : f32
          %add3A_1099 = arith.addf %add3A_1095, %add3A_1096 : f32
          %add3A_1100 = arith.addf %add3A_1097, %add3A_1098 : f32
          %add3A_1101 = arith.addf %add3A_1099, %add3A_1100 : f32
          %eq3A_1102 = arith.constant 7 : i32
          %eq3A_1103 = vector.broadcast %eq3A_1102 : i32 to vector<16xi32>
          %eq3A_1104 = arith.cmpi eq, %iota3A, %eq3A_1103 : vector<16xi32>
          %broadcast_in_dim3A_1105 = vector.broadcast %add3A_1101 : f32 to vector<16xf32>
          %select_n3A_1106 = arith.select %eq3A_1104, %broadcast_in_dim3A_1105, %select_n3A_978 : vector<16xi1>, vector<16xf32>
          %mul3A_1107 = arith.constant 16 : i32
          %mul3A_1108 = arith.muli %scan3A_85, %mul3A_1107 : i32
          %add3A_1109 = arith.constant 8 : i32
          %add3A_1110 = arith.addi %mul3A_1108, %add3A_1109 : i32
          %broadcast_in_dim3A_1111 = arith.constant 0.000000e+00 : f32
          %broadcast_in_dim3A_1112 = vector.broadcast %broadcast_in_dim3A_1111 : f32 to vector<16xf32>
          %get3A_1113 = arith.index_cast %add3A_1110 : i32 to index
          %get3A_1114 = arith.constant 0 : index
          %get3A_1115 = tpu.vector_load %arg7[%get3A_1113, %get3A_1114] {strides = array<i32>} : memref<128x128xf32, #tpu.memory_space<vmem>>, vector<1x16xf32>,
          %get3A_1116 = vector.shape_cast %get3A_1115 : vector<1x16xf32> to vector<16xf32>
          %get3A_1117 = arith.index_cast %add3A_1110 : i32 to index
          %get3A_1118 = arith.constant 0 : index
          %get3A_1119 = tpu.vector_load %arg9[%get3A_1117, %get3A_1118] {strides = array<i32>} : memref<128x128xf32, #tpu.memory_space<vmem>>, vector<1x16xf32>,
          %get3A_1120 = vector.shape_cast %get3A_1119 : vector<1x16xf32> to vector<16xf32>
          %add3A_1121 = arith.addf %get3A_1116, %get3A_1120 : vector<16xf32>
          %mul3A_1122 = arith.mulf %add3A_1121, %add3A_1121 : vector<16xf32>
          %add3A_1123 = arith.addf %broadcast_in_dim3A_1112, %mul3A_1122 : vector<16xf32>
          %get3A_1124 = arith.index_cast %add3A_1110 : i32 to index
          %get3A_1125 = arith.constant 16 : index
          %get3A_1126 = tpu.vector_load %arg7[%get3A_1124, %get3A_1125] {strides = array<i32>} : memref<128x128xf32, #tpu.memory_space<vmem>>, vector<1x16xf32>,
          %get3A_1127 = vector.shape_cast %get3A_1126 : vector<1x16xf32> to vector<16xf32>
          %get3A_1128 = arith.index_cast %add3A_1110 : i32 to index
          %get3A_1129 = arith.constant 16 : index
          %get3A_1130 = tpu.vector_load %arg9[%get3A_1128, %get3A_1129] {strides = array<i32>} : memref<128x128xf32, #tpu.memory_space<vmem>>, vector<1x16xf32>,
          %get3A_1131 = vector.shape_cast %get3A_1130 : vector<1x16xf32> to vector<16xf32>
          %add3A_1132 = arith.addf %get3A_1127, %get3A_1131 : vector<16xf32>
          %mul3A_1133 = arith.mulf %add3A_1132, %add3A_1132 : vector<16xf32>
          %add3A_1134 = arith.addf %add3A_1123, %mul3A_1133 : vector<16xf32>
          %get3A_1135 = arith.index_cast %add3A_1110 : i32 to index
          %get3A_1136 = arith.constant 32 : index
          %get3A_1137 = tpu.vector_load %arg7[%get3A_1135, %get3A_1136] {strides = array<i32>} : memref<128x128xf32, #tpu.memory_space<vmem>>, vector<1x16xf32>,
          %get3A_1138 = vector.shape_cast %get3A_1137 : vector<1x16xf32> to vector<16xf32>
          %get3A_1139 = arith.index_cast %add3A_1110 : i32 to index
          %get3A_1140 = arith.constant 32 : index
          %get3A_1141 = tpu.vector_load %arg9[%get3A_1139, %get3A_1140] {strides = array<i32>} : memref<128x128xf32, #tpu.memory_space<vmem>>, vector<1x16xf32>,
          %get3A_1142 = vector.shape_cast %get3A_1141 : vector<1x16xf32> to vector<16xf32>
          %add3A_1143 = arith.addf %get3A_1138, %get3A_1142 : vector<16xf32>
          %mul3A_1144 = arith.mulf %add3A_1143, %add3A_1143 : vector<16xf32>
          %add3A_1145 = arith.addf %add3A_1134, %mul3A_1144 : vector<16xf32>
          %get3A_1146 = arith.index_cast %add3A_1110 : i32 to index
          %get3A_1147 = arith.constant 48 : index
          %get3A_1148 = tpu.vector_load %arg7[%get3A_1146, %get3A_1147] {strides = array<i32>} : memref<128x128xf32, #tpu.memory_space<vmem>>, vector<1x16xf32>,
          %get3A_1149 = vector.shape_cast %get3A_1148 : vector<1x16xf32> to vector<16xf32>
          %get3A_1150 = arith.index_cast %add3A_1110 : i32 to index
          %get3A_1151 = arith.constant 48 : index
          %get3A_1152 = tpu.vector_load %arg9[%get3A_1150, %get3A_1151] {strides = array<i32>} : memref<128x128xf32, #tpu.memory_space<vmem>>, vector<1x16xf32>,
          %get3A_1153 = vector.shape_cast %get3A_1152 : vector<1x16xf32> to vector<16xf32>
          %add3A_1154 = arith.addf %get3A_1149, %get3A_1153 : vector<16xf32>
          %mul3A_1155 = arith.mulf %add3A_1154, %add3A_1154 : vector<16xf32>
          %add3A_1156 = arith.addf %add3A_1145, %mul3A_1155 : vector<16xf32>
          %get3A_1157 = arith.index_cast %add3A_1110 : i32 to index
          %get3A_1158 = arith.constant 64 : index
          %get3A_1159 = tpu.vector_load %arg7[%get3A_1157, %get3A_1158] {strides = array<i32>} : memref<128x128xf32, #tpu.memory_space<vmem>>, vector<1x16xf32>,
          %get3A_1160 = vector.shape_cast %get3A_1159 : vector<1x16xf32> to vector<16xf32>
          %get3A_1161 = arith.index_cast %add3A_1110 : i32 to index
          %get3A_1162 = arith.constant 64 : index
          %get3A_1163 = tpu.vector_load %arg9[%get3A_1161, %get3A_1162] {strides = array<i32>} : memref<128x128xf32, #tpu.memory_space<vmem>>, vector<1x16xf32>,
          %get3A_1164 = vector.shape_cast %get3A_1163 : vector<1x16xf32> to vector<16xf32>
          %add3A_1165 = arith.addf %get3A_1160, %get3A_1164 : vector<16xf32>
          %mul3A_1166 = arith.mulf %add3A_1165, %add3A_1165 : vector<16xf32>
          %add3A_1167 = arith.addf %add3A_1156, %mul3A_1166 : vector<16xf32>
          %get3A_1168 = arith.index_cast %add3A_1110 : i32 to index
          %get3A_1169 = arith.constant 80 : index
          %get3A_1170 = tpu.vector_load %arg7[%get3A_1168, %get3A_1169] {strides = array<i32>} : memref<128x128xf32, #tpu.memory_space<vmem>>, vector<1x16xf32>,
          %get3A_1171 = vector.shape_cast %get3A_1170 : vector<1x16xf32> to vector<16xf32>
          %get3A_1172 = arith.index_cast %add3A_1110 : i32 to index
          %get3A_1173 = arith.constant 80 : index
          %get3A_1174 = tpu.vector_load %arg9[%get3A_1172, %get3A_1173] {strides = array<i32>} : memref<128x128xf32, #tpu.memory_space<vmem>>, vector<1x16xf32>,
          %get3A_1175 = vector.shape_cast %get3A_1174 : vector<1x16xf32> to vector<16xf32>
          %add3A_1176 = arith.addf %get3A_1171, %get3A_1175 : vector<16xf32>
          %mul3A_1177 = arith.mulf %add3A_1176, %add3A_1176 : vector<16xf32>
          %add3A_1178 = arith.addf %add3A_1167, %mul3A_1177 : vector<16xf32>
          %get3A_1179 = arith.index_cast %add3A_1110 : i32 to index
          %get3A_1180 = arith.constant 96 : index
          %get3A_1181 = tpu.vector_load %arg7[%get3A_1179, %get3A_1180] {strides = array<i32>} : memref<128x128xf32, #tpu.memory_space<vmem>>, vector<1x16xf32>,
          %get3A_1182 = vector.shape_cast %get3A_1181 : vector<1x16xf32> to vector<16xf32>
          %get3A_1183 = arith.index_cast %add3A_1110 : i32 to index
          %get3A_1184 = arith.constant 96 : index
          %get3A_1185 = tpu.vector_load %arg9[%get3A_1183, %get3A_1184] {strides = array<i32>} : memref<128x128xf32, #tpu.memory_space<vmem>>, vector<1x16xf32>,
          %get3A_1186 = vector.shape_cast %get3A_1185 : vector<1x16xf32> to vector<16xf32>
          %add3A_1187 = arith.addf %get3A_1182, %get3A_1186 : vector<16xf32>
          %mul3A_1188 = arith.mulf %add3A_1187, %add3A_1187 : vector<16xf32>
          %add3A_1189 = arith.addf %add3A_1178, %mul3A_1188 : vector<16xf32>
          %get3A_1190 = arith.index_cast %add3A_1110 : i32 to index
          %get3A_1191 = arith.constant 112 : index
          %get3A_1192 = tpu.vector_load %arg7[%get3A_1190, %get3A_1191] {strides = array<i32>} : memref<128x128xf32, #tpu.memory_space<vmem>>, vector<1x16xf32>,
          %get3A_1193 = vector.shape_cast %get3A_1192 : vector<1x16xf32> to vector<16xf32>
          %get3A_1194 = arith.index_cast %add3A_1110 : i32 to index
          %get3A_1195 = arith.constant 112 : index
          %get3A_1196 = tpu.vector_load %arg9[%get3A_1194, %get3A_1195] {strides = array<i32>} : memref<128x128xf32, #tpu.memory_space<vmem>>, vector<1x16xf32>,
          %get3A_1197 = vector.shape_cast %get3A_1196 : vector<1x16xf32> to vector<16xf32>
          %add3A_1198 = arith.addf %get3A_1193, %get3A_1197 : vector<16xf32>
          %mul3A_1199 = arith.mulf %add3A_1198, %add3A_1198 : vector<16xf32>
          %add3A_1200 = arith.addf %add3A_1189, %mul3A_1199 : vector<16xf32>
          %rev3A_1201 = arith.constant 15 : i32
          %rev3A_1202 = vector.broadcast %rev3A_1201 : i32 to vector<16xi32>
          %rev3A_1203 = tpu.iota {dimensions = array<i32: 0>} : vector<16xi32>
          %rev3A_1204 = arith.subi %rev3A_1202, %rev3A_1203 : vector<16xi32>
          %rev3A_1205 = tpu.dynamic_gather %add3A_1200[%rev3A_1204] in [0] : vector<16xf32>, vector<16xi32> -> vector<16xf32>
          %add3A_1206 = arith.addf %add3A_1200, %rev3A_1205 : vector<16xf32>
          %slice3A_1207 = vector.extract_strided_slice %add3A_1206 {offsets = [0], sizes = [1], strides = [1]} : vector<16xf32> to vector<1xf32>
          %squeeze3A_1208 = vector.extract %slice3A_1207[0] : f32 from vector<1xf32>
          %slice3A_1209 = vector.extract_strided_slice %add3A_1206 {offsets = [1], sizes = [1], strides = [1]} : vector<16xf32> to vector<1xf32>
          %squeeze3A_1210 = vector.extract %slice3A_1209[0] : f32 from vector<1xf32>
          %slice3A_1211 = vector.extract_strided_slice %add3A_1206 {offsets = [2], sizes = [1], strides = [1]} : vector<16xf32> to vector<1xf32>
          %squeeze3A_1212 = vector.extract %slice3A_1211[0] : f32 from vector<1xf32>
          %slice3A_1213 = vector.extract_strided_slice %add3A_1206 {offsets = [3], sizes = [1], strides = [1]} : vector<16xf32> to vector<1xf32>
          %squeeze3A_1214 = vector.extract %slice3A_1213[0] : f32 from vector<1xf32>
          %slice3A_1215 = vector.extract_strided_slice %add3A_1206 {offsets = [4], sizes = [1], strides = [1]} : vector<16xf32> to vector<1xf32>
          %squeeze3A_1216 = vector.extract %slice3A_1215[0] : f32 from vector<1xf32>
          %slice3A_1217 = vector.extract_strided_slice %add3A_1206 {offsets = [5], sizes = [1], strides = [1]} : vector<16xf32> to vector<1xf32>
          %squeeze3A_1218 = vector.extract %slice3A_1217[0] : f32 from vector<1xf32>
          %slice3A_1219 = vector.extract_strided_slice %add3A_1206 {offsets = [6], sizes = [1], strides = [1]} : vector<16xf32> to vector<1xf32>
          %squeeze3A_1220 = vector.extract %slice3A_1219[0] : f32 from vector<1xf32>
          %slice3A_1221 = vector.extract_strided_slice %add3A_1206 {offsets = [7], sizes = [1], strides = [1]} : vector<16xf32> to vector<1xf32>
          %squeeze3A_1222 = vector.extract %slice3A_1221[0] : f32 from vector<1xf32>
          %add3A_1223 = arith.addf %squeeze3A_1208, %squeeze3A_1210 : f32
          %add3A_1224 = arith.addf %squeeze3A_1212, %squeeze3A_1214 : f32
          %add3A_1225 = arith.addf %squeeze3A_1216, %squeeze3A_1218 : f32
          %add3A_1226 = arith.addf %squeeze3A_1220, %squeeze3A_1222 : f32
          %add3A_1227 = arith.addf %add3A_1223, %add3A_1224 : f32
          %add3A_1228 = arith.addf %add3A_1225, %add3A_1226 : f32
          %add3A_1229 = arith.addf %add3A_1227, %add3A_1228 : f32
          %eq3A_1230 = arith.constant 8 : i32
          %eq3A_1231 = vector.broadcast %eq3A_1230 : i32 to vector<16xi32>
          %eq3A_1232 = arith.cmpi eq, %iota3A, %eq3A_1231 : vector<16xi32>
          %broadcast_in_dim3A_1233 = vector.broadcast %add3A_1229 : f32 to vector<16xf32>
          %select_n3A_1234 = arith.select %eq3A_1232, %broadcast_in_dim3A_1233, %select_n3A_1106 : vector<16xi1>, vector<16xf32>
          %mul3A_1235 = arith.constant 16 : i32
          %mul3A_1236 = arith.muli %scan3A_85, %mul3A_1235 : i32
          %add3A_1237 = arith.constant 9 : i32
          %add3A_1238 = arith.addi %mul3A_1236, %add3A_1237 : i32
          %broadcast_in_dim3A_1239 = arith.constant 0.000000e+00 : f32
          %broadcast_in_dim3A_1240 = vector.broadcast %broadcast_in_dim3A_1239 : f32 to vector<16xf32>
          %get3A_1241 = arith.index_cast %add3A_1238 : i32 to index
          %get3A_1242 = arith.constant 0 : index
          %get3A_1243 = tpu.vector_load %arg7[%get3A_1241, %get3A_1242] {strides = array<i32>} : memref<128x128xf32, #tpu.memory_space<vmem>>, vector<1x16xf32>,
          %get3A_1244 = vector.shape_cast %get3A_1243 : vector<1x16xf32> to vector<16xf32>
          %get3A_1245 = arith.index_cast %add3A_1238 : i32 to index
          %get3A_1246 = arith.constant 0 : index
          %get3A_1247 = tpu.vector_load %arg9[%get3A_1245, %get3A_1246] {strides = array<i32>} : memref<128x128xf32, #tpu.memory_space<vmem>>, vector<1x16xf32>,
          %get3A_1248 = vector.shape_cast %get3A_1247 : vector<1x16xf32> to vector<16xf32>
          %add3A_1249 = arith.addf %get3A_1244, %get3A_1248 : vector<16xf32>
          %mul3A_1250 = arith.mulf %add3A_1249, %add3A_1249 : vector<16xf32>
          %add3A_1251 = arith.addf %broadcast_in_dim3A_1240, %mul3A_1250 : vector<16xf32>
          %get3A_1252 = arith.index_cast %add3A_1238 : i32 to index
          %get3A_1253 = arith.constant 16 : index
          %get3A_1254 = tpu.vector_load %arg7[%get3A_1252, %get3A_1253] {strides = array<i32>} : memref<128x128xf32, #tpu.memory_space<vmem>>, vector<1x16xf32>,
          %get3A_1255 = vector.shape_cast %get3A_1254 : vector<1x16xf32> to vector<16xf32>
          %get3A_1256 = arith.index_cast %add3A_1238 : i32 to index
          %get3A_1257 = arith.constant 16 : index
          %get3A_1258 = tpu.vector_load %arg9[%get3A_1256, %get3A_1257] {strides = array<i32>} : memref<128x128xf32, #tpu.memory_space<vmem>>, vector<1x16xf32>,
          %get3A_1259 = vector.shape_cast %get3A_1258 : vector<1x16xf32> to vector<16xf32>
          %add3A_1260 = arith.addf %get3A_1255, %get3A_1259 : vector<16xf32>
          %mul3A_1261 = arith.mulf %add3A_1260, %add3A_1260 : vector<16xf32>
          %add3A_1262 = arith.addf %add3A_1251, %mul3A_1261 : vector<16xf32>
          %get3A_1263 = arith.index_cast %add3A_1238 : i32 to index
          %get3A_1264 = arith.constant 32 : index
          %get3A_1265 = tpu.vector_load %arg7[%get3A_1263, %get3A_1264] {strides = array<i32>} : memref<128x128xf32, #tpu.memory_space<vmem>>, vector<1x16xf32>,
          %get3A_1266 = vector.shape_cast %get3A_1265 : vector<1x16xf32> to vector<16xf32>
          %get3A_1267 = arith.index_cast %add3A_1238 : i32 to index
          %get3A_1268 = arith.constant 32 : index
          %get3A_1269 = tpu.vector_load %arg9[%get3A_1267, %get3A_1268] {strides = array<i32>} : memref<128x128xf32, #tpu.memory_space<vmem>>, vector<1x16xf32>,
          %get3A_1270 = vector.shape_cast %get3A_1269 : vector<1x16xf32> to vector<16xf32>
          %add3A_1271 = arith.addf %get3A_1266, %get3A_1270 : vector<16xf32>
          %mul3A_1272 = arith.mulf %add3A_1271, %add3A_1271 : vector<16xf32>
          %add3A_1273 = arith.addf %add3A_1262, %mul3A_1272 : vector<16xf32>
          %get3A_1274 = arith.index_cast %add3A_1238 : i32 to index
          %get3A_1275 = arith.constant 48 : index
          %get3A_1276 = tpu.vector_load %arg7[%get3A_1274, %get3A_1275] {strides = array<i32>} : memref<128x128xf32, #tpu.memory_space<vmem>>, vector<1x16xf32>,
          %get3A_1277 = vector.shape_cast %get3A_1276 : vector<1x16xf32> to vector<16xf32>
          %get3A_1278 = arith.index_cast %add3A_1238 : i32 to index
          %get3A_1279 = arith.constant 48 : index
          %get3A_1280 = tpu.vector_load %arg9[%get3A_1278, %get3A_1279] {strides = array<i32>} : memref<128x128xf32, #tpu.memory_space<vmem>>, vector<1x16xf32>,
          %get3A_1281 = vector.shape_cast %get3A_1280 : vector<1x16xf32> to vector<16xf32>
          %add3A_1282 = arith.addf %get3A_1277, %get3A_1281 : vector<16xf32>
          %mul3A_1283 = arith.mulf %add3A_1282, %add3A_1282 : vector<16xf32>
          %add3A_1284 = arith.addf %add3A_1273, %mul3A_1283 : vector<16xf32>
          %get3A_1285 = arith.index_cast %add3A_1238 : i32 to index
          %get3A_1286 = arith.constant 64 : index
          %get3A_1287 = tpu.vector_load %arg7[%get3A_1285, %get3A_1286] {strides = array<i32>} : memref<128x128xf32, #tpu.memory_space<vmem>>, vector<1x16xf32>,
          %get3A_1288 = vector.shape_cast %get3A_1287 : vector<1x16xf32> to vector<16xf32>
          %get3A_1289 = arith.index_cast %add3A_1238 : i32 to index
          %get3A_1290 = arith.constant 64 : index
          %get3A_1291 = tpu.vector_load %arg9[%get3A_1289, %get3A_1290] {strides = array<i32>} : memref<128x128xf32, #tpu.memory_space<vmem>>, vector<1x16xf32>,
          %get3A_1292 = vector.shape_cast %get3A_1291 : vector<1x16xf32> to vector<16xf32>
          %add3A_1293 = arith.addf %get3A_1288, %get3A_1292 : vector<16xf32>
          %mul3A_1294 = arith.mulf %add3A_1293, %add3A_1293 : vector<16xf32>
          %add3A_1295 = arith.addf %add3A_1284, %mul3A_1294 : vector<16xf32>
          %get3A_1296 = arith.index_cast %add3A_1238 : i32 to index
          %get3A_1297 = arith.constant 80 : index
          %get3A_1298 = tpu.vector_load %arg7[%get3A_1296, %get3A_1297] {strides = array<i32>} : memref<128x128xf32, #tpu.memory_space<vmem>>, vector<1x16xf32>,
          %get3A_1299 = vector.shape_cast %get3A_1298 : vector<1x16xf32> to vector<16xf32>
          %get3A_1300 = arith.index_cast %add3A_1238 : i32 to index
          %get3A_1301 = arith.constant 80 : index
          %get3A_1302 = tpu.vector_load %arg9[%get3A_1300, %get3A_1301] {strides = array<i32>} : memref<128x128xf32, #tpu.memory_space<vmem>>, vector<1x16xf32>,
          %get3A_1303 = vector.shape_cast %get3A_1302 : vector<1x16xf32> to vector<16xf32>
          %add3A_1304 = arith.addf %get3A_1299, %get3A_1303 : vector<16xf32>
          %mul3A_1305 = arith.mulf %add3A_1304, %add3A_1304 : vector<16xf32>
          %add3A_1306 = arith.addf %add3A_1295, %mul3A_1305 : vector<16xf32>
          %get3A_1307 = arith.index_cast %add3A_1238 : i32 to index
          %get3A_1308 = arith.constant 96 : index
          %get3A_1309 = tpu.vector_load %arg7[%get3A_1307, %get3A_1308] {strides = array<i32>} : memref<128x128xf32, #tpu.memory_space<vmem>>, vector<1x16xf32>,
          %get3A_1310 = vector.shape_cast %get3A_1309 : vector<1x16xf32> to vector<16xf32>
          %get3A_1311 = arith.index_cast %add3A_1238 : i32 to index
          %get3A_1312 = arith.constant 96 : index
          %get3A_1313 = tpu.vector_load %arg9[%get3A_1311, %get3A_1312] {strides = array<i32>} : memref<128x128xf32, #tpu.memory_space<vmem>>, vector<1x16xf32>,
          %get3A_1314 = vector.shape_cast %get3A_1313 : vector<1x16xf32> to vector<16xf32>
          %add3A_1315 = arith.addf %get3A_1310, %get3A_1314 : vector<16xf32>
          %mul3A_1316 = arith.mulf %add3A_1315, %add3A_1315 : vector<16xf32>
          %add3A_1317 = arith.addf %add3A_1306, %mul3A_1316 : vector<16xf32>
          %get3A_1318 = arith.index_cast %add3A_1238 : i32 to index
          %get3A_1319 = arith.constant 112 : index
          %get3A_1320 = tpu.vector_load %arg7[%get3A_1318, %get3A_1319] {strides = array<i32>} : memref<128x128xf32, #tpu.memory_space<vmem>>, vector<1x16xf32>,
          %get3A_1321 = vector.shape_cast %get3A_1320 : vector<1x16xf32> to vector<16xf32>
          %get3A_1322 = arith.index_cast %add3A_1238 : i32 to index
          %get3A_1323 = arith.constant 112 : index
          %get3A_1324 = tpu.vector_load %arg9[%get3A_1322, %get3A_1323] {strides = array<i32>} : memref<128x128xf32, #tpu.memory_space<vmem>>, vector<1x16xf32>,
          %get3A_1325 = vector.shape_cast %get3A_1324 : vector<1x16xf32> to vector<16xf32>
          %add3A_1326 = arith.addf %get3A_1321, %get3A_1325 : vector<16xf32>
          %mul3A_1327 = arith.mulf %add3A_1326, %add3A_1326 : vector<16xf32>
          %add3A_1328 = arith.addf %add3A_1317, %mul3A_1327 : vector<16xf32>
          %rev3A_1329 = arith.constant 15 : i32
          %rev3A_1330 = vector.broadcast %rev3A_1329 : i32 to vector<16xi32>
          %rev3A_1331 = tpu.iota {dimensions = array<i32: 0>} : vector<16xi32>
          %rev3A_1332 = arith.subi %rev3A_1330, %rev3A_1331 : vector<16xi32>
          %rev3A_1333 = tpu.dynamic_gather %add3A_1328[%rev3A_1332] in [0] : vector<16xf32>, vector<16xi32> -> vector<16xf32>
          %add3A_1334 = arith.addf %add3A_1328, %rev3A_1333 : vector<16xf32>
          %slice3A_1335 = vector.extract_strided_slice %add3A_1334 {offsets = [0], sizes = [1], strides = [1]} : vector<16xf32> to vector<1xf32>
          %squeeze3A_1336 = vector.extract %slice3A_1335[0] : f32 from vector<1xf32>
          %slice3A_1337 = vector.extract_strided_slice %add3A_1334 {offsets = [1], sizes = [1], strides = [1]} : vector<16xf32> to vector<1xf32>
          %squeeze3A_1338 = vector.extract %slice3A_1337[0] : f32 from vector<1xf32>
          %slice3A_1339 = vector.extract_strided_slice %add3A_1334 {offsets = [2], sizes = [1], strides = [1]} : vector<16xf32> to vector<1xf32>
          %squeeze3A_1340 = vector.extract %slice3A_1339[0] : f32 from vector<1xf32>
          %slice3A_1341 = vector.extract_strided_slice %add3A_1334 {offsets = [3], sizes = [1], strides = [1]} : vector<16xf32> to vector<1xf32>
          %squeeze3A_1342 = vector.extract %slice3A_1341[0] : f32 from vector<1xf32>
          %slice3A_1343 = vector.extract_strided_slice %add3A_1334 {offsets = [4], sizes = [1], strides = [1]} : vector<16xf32> to vector<1xf32>
          %squeeze3A_1344 = vector.extract %slice3A_1343[0] : f32 from vector<1xf32>
          %slice3A_1345 = vector.extract_strided_slice %add3A_1334 {offsets = [5], sizes = [1], strides = [1]} : vector<16xf32> to vector<1xf32>
          %squeeze3A_1346 = vector.extract %slice3A_1345[0] : f32 from vector<1xf32>
          %slice3A_1347 = vector.extract_strided_slice %add3A_1334 {offsets = [6], sizes = [1], strides = [1]} : vector<16xf32> to vector<1xf32>
          %squeeze3A_1348 = vector.extract %slice3A_1347[0] : f32 from vector<1xf32>
          %slice3A_1349 = vector.extract_strided_slice %add3A_1334 {offsets = [7], sizes = [1], strides = [1]} : vector<16xf32> to vector<1xf32>
          %squeeze3A_1350 = vector.extract %slice3A_1349[0] : f32 from vector<1xf32>
          %add3A_1351 = arith.addf %squeeze3A_1336, %squeeze3A_1338 : f32
          %add3A_1352 = arith.addf %squeeze3A_1340, %squeeze3A_1342 : f32
          %add3A_1353 = arith.addf %squeeze3A_1344, %squeeze3A_1346 : f32
          %add3A_1354 = arith.addf %squeeze3A_1348, %squeeze3A_1350 : f32
          %add3A_1355 = arith.addf %add3A_1351, %add3A_1352 : f32
          %add3A_1356 = arith.addf %add3A_1353, %add3A_1354 : f32
          %add3A_1357 = arith.addf %add3A_1355, %add3A_1356 : f32
          %eq3A_1358 = arith.constant 9 : i32
          %eq3A_1359 = vector.broadcast %eq3A_1358 : i32 to vector<16xi32>
          %eq3A_1360 = arith.cmpi eq, %iota3A, %eq3A_1359 : vector<16xi32>
          %broadcast_in_dim3A_1361 = vector.broadcast %add3A_1357 : f32 to vector<16xf32>
          %select_n3A_1362 = arith.select %eq3A_1360, %broadcast_in_dim3A_1361, %select_n3A_1234 : vector<16xi1>, vector<16xf32>
          %mul3A_1363 = arith.constant 16 : i32
          %mul3A_1364 = arith.muli %scan3A_85, %mul3A_1363 : i32
          %add3A_1365 = arith.constant 10 : i32
          %add3A_1366 = arith.addi %mul3A_1364, %add3A_1365 : i32
          %broadcast_in_dim3A_1367 = arith.constant 0.000000e+00 : f32
          %broadcast_in_dim3A_1368 = vector.broadcast %broadcast_in_dim3A_1367 : f32 to vector<16xf32>
          %get3A_1369 = arith.index_cast %add3A_1366 : i32 to index
          %get3A_1370 = arith.constant 0 : index
          %get3A_1371 = tpu.vector_load %arg7[%get3A_1369, %get3A_1370] {strides = array<i32>} : memref<128x128xf32, #tpu.memory_space<vmem>>, vector<1x16xf32>,
          %get3A_1372 = vector.shape_cast %get3A_1371 : vector<1x16xf32> to vector<16xf32>
          %get3A_1373 = arith.index_cast %add3A_1366 : i32 to index
          %get3A_1374 = arith.constant 0 : index
          %get3A_1375 = tpu.vector_load %arg9[%get3A_1373, %get3A_1374] {strides = array<i32>} : memref<128x128xf32, #tpu.memory_space<vmem>>, vector<1x16xf32>,
          %get3A_1376 = vector.shape_cast %get3A_1375 : vector<1x16xf32> to vector<16xf32>
          %add3A_1377 = arith.addf %get3A_1372, %get3A_1376 : vector<16xf32>
          %mul3A_1378 = arith.mulf %add3A_1377, %add3A_1377 : vector<16xf32>
          %add3A_1379 = arith.addf %broadcast_in_dim3A_1368, %mul3A_1378 : vector<16xf32>
          %get3A_1380 = arith.index_cast %add3A_1366 : i32 to index
          %get3A_1381 = arith.constant 16 : index
          %get3A_1382 = tpu.vector_load %arg7[%get3A_1380, %get3A_1381] {strides = array<i32>} : memref<128x128xf32, #tpu.memory_space<vmem>>, vector<1x16xf32>,
          %get3A_1383 = vector.shape_cast %get3A_1382 : vector<1x16xf32> to vector<16xf32>
          %get3A_1384 = arith.index_cast %add3A_1366 : i32 to index
          %get3A_1385 = arith.constant 16 : index
          %get3A_1386 = tpu.vector_load %arg9[%get3A_1384, %get3A_1385] {strides = array<i32>} : memref<128x128xf32, #tpu.memory_space<vmem>>, vector<1x16xf32>,
          %get3A_1387 = vector.shape_cast %get3A_1386 : vector<1x16xf32> to vector<16xf32>
          %add3A_1388 = arith.addf %get3A_1383, %get3A_1387 : vector<16xf32>
          %mul3A_1389 = arith.mulf %add3A_1388, %add3A_1388 : vector<16xf32>
          %add3A_1390 = arith.addf %add3A_1379, %mul3A_1389 : vector<16xf32>
          %get3A_1391 = arith.index_cast %add3A_1366 : i32 to index
          %get3A_1392 = arith.constant 32 : index
          %get3A_1393 = tpu.vector_load %arg7[%get3A_1391, %get3A_1392] {strides = array<i32>} : memref<128x128xf32, #tpu.memory_space<vmem>>, vector<1x16xf32>,
          %get3A_1394 = vector.shape_cast %get3A_1393 : vector<1x16xf32> to vector<16xf32>
          %get3A_1395 = arith.index_cast %add3A_1366 : i32 to index
          %get3A_1396 = arith.constant 32 : index
          %get3A_1397 = tpu.vector_load %arg9[%get3A_1395, %get3A_1396] {strides = array<i32>} : memref<128x128xf32, #tpu.memory_space<vmem>>, vector<1x16xf32>,
          %get3A_1398 = vector.shape_cast %get3A_1397 : vector<1x16xf32> to vector<16xf32>
          %add3A_1399 = arith.addf %get3A_1394, %get3A_1398 : vector<16xf32>
          %mul3A_1400 = arith.mulf %add3A_1399, %add3A_1399 : vector<16xf32>
          %add3A_1401 = arith.addf %add3A_1390, %mul3A_1400 : vector<16xf32>
          %get3A_1402 = arith.index_cast %add3A_1366 : i32 to index
          %get3A_1403 = arith.constant 48 : index
          %get3A_1404 = tpu.vector_load %arg7[%get3A_1402, %get3A_1403] {strides = array<i32>} : memref<128x128xf32, #tpu.memory_space<vmem>>, vector<1x16xf32>,
          %get3A_1405 = vector.shape_cast %get3A_1404 : vector<1x16xf32> to vector<16xf32>
          %get3A_1406 = arith.index_cast %add3A_1366 : i32 to index
          %get3A_1407 = arith.constant 48 : index
          %get3A_1408 = tpu.vector_load %arg9[%get3A_1406, %get3A_1407] {strides = array<i32>} : memref<128x128xf32, #tpu.memory_space<vmem>>, vector<1x16xf32>,
          %get3A_1409 = vector.shape_cast %get3A_1408 : vector<1x16xf32> to vector<16xf32>
          %add3A_1410 = arith.addf %get3A_1405, %get3A_1409 : vector<16xf32>
          %mul3A_1411 = arith.mulf %add3A_1410, %add3A_1410 : vector<16xf32>
          %add3A_1412 = arith.addf %add3A_1401, %mul3A_1411 : vector<16xf32>
          %get3A_1413 = arith.index_cast %add3A_1366 : i32 to index
          %get3A_1414 = arith.constant 64 : index
          %get3A_1415 = tpu.vector_load %arg7[%get3A_1413, %get3A_1414] {strides = array<i32>} : memref<128x128xf32, #tpu.memory_space<vmem>>, vector<1x16xf32>,
          %get3A_1416 = vector.shape_cast %get3A_1415 : vector<1x16xf32> to vector<16xf32>
          %get3A_1417 = arith.index_cast %add3A_1366 : i32 to index
          %get3A_1418 = arith.constant 64 : index
          %get3A_1419 = tpu.vector_load %arg9[%get3A_1417, %get3A_1418] {strides = array<i32>} : memref<128x128xf32, #tpu.memory_space<vmem>>, vector<1x16xf32>,
          %get3A_1420 = vector.shape_cast %get3A_1419 : vector<1x16xf32> to vector<16xf32>
          %add3A_1421 = arith.addf %get3A_1416, %get3A_1420 : vector<16xf32>
          %mul3A_1422 = arith.mulf %add3A_1421, %add3A_1421 : vector<16xf32>
          %add3A_1423 = arith.addf %add3A_1412, %mul3A_1422 : vector<16xf32>
          %get3A_1424 = arith.index_cast %add3A_1366 : i32 to index
          %get3A_1425 = arith.constant 80 : index
          %get3A_1426 = tpu.vector_load %arg7[%get3A_1424, %get3A_1425] {strides = array<i32>} : memref<128x128xf32, #tpu.memory_space<vmem>>, vector<1x16xf32>,
          %get3A_1427 = vector.shape_cast %get3A_1426 : vector<1x16xf32> to vector<16xf32>
          %get3A_1428 = arith.index_cast %add3A_1366 : i32 to index
          %get3A_1429 = arith.constant 80 : index
          %get3A_1430 = tpu.vector_load %arg9[%get3A_1428, %get3A_1429] {strides = array<i32>} : memref<128x128xf32, #tpu.memory_space<vmem>>, vector<1x16xf32>,
          %get3A_1431 = vector.shape_cast %get3A_1430 : vector<1x16xf32> to vector<16xf32>
          %add3A_1432 = arith.addf %get3A_1427, %get3A_1431 : vector<16xf32>
          %mul3A_1433 = arith.mulf %add3A_1432, %add3A_1432 : vector<16xf32>
          %add3A_1434 = arith.addf %add3A_1423, %mul3A_1433 : vector<16xf32>
          %get3A_1435 = arith.index_cast %add3A_1366 : i32 to index
          %get3A_1436 = arith.constant 96 : index
          %get3A_1437 = tpu.vector_load %arg7[%get3A_1435, %get3A_1436] {strides = array<i32>} : memref<128x128xf32, #tpu.memory_space<vmem>>, vector<1x16xf32>,
          %get3A_1438 = vector.shape_cast %get3A_1437 : vector<1x16xf32> to vector<16xf32>
          %get3A_1439 = arith.index_cast %add3A_1366 : i32 to index
          %get3A_1440 = arith.constant 96 : index
          %get3A_1441 = tpu.vector_load %arg9[%get3A_1439, %get3A_1440] {strides = array<i32>} : memref<128x128xf32, #tpu.memory_space<vmem>>, vector<1x16xf32>,
          %get3A_1442 = vector.shape_cast %get3A_1441 : vector<1x16xf32> to vector<16xf32>
          %add3A_1443 = arith.addf %get3A_1438, %get3A_1442 : vector<16xf32>
          %mul3A_1444 = arith.mulf %add3A_1443, %add3A_1443 : vector<16xf32>
          %add3A_1445 = arith.addf %add3A_1434, %mul3A_1444 : vector<16xf32>
          %get3A_1446 = arith.index_cast %add3A_1366 : i32 to index
          %get3A_1447 = arith.constant 112 : index
          %get3A_1448 = tpu.vector_load %arg7[%get3A_1446, %get3A_1447] {strides = array<i32>} : memref<128x128xf32, #tpu.memory_space<vmem>>, vector<1x16xf32>,
          %get3A_1449 = vector.shape_cast %get3A_1448 : vector<1x16xf32> to vector<16xf32>
          %get3A_1450 = arith.index_cast %add3A_1366 : i32 to index
          %get3A_1451 = arith.constant 112 : index
          %get3A_1452 = tpu.vector_load %arg9[%get3A_1450, %get3A_1451] {strides = array<i32>} : memref<128x128xf32, #tpu.memory_space<vmem>>, vector<1x16xf32>,
          %get3A_1453 = vector.shape_cast %get3A_1452 : vector<1x16xf32> to vector<16xf32>
          %add3A_1454 = arith.addf %get3A_1449, %get3A_1453 : vector<16xf32>
          %mul3A_1455 = arith.mulf %add3A_1454, %add3A_1454 : vector<16xf32>
          %add3A_1456 = arith.addf %add3A_1445, %mul3A_1455 : vector<16xf32>
          %rev3A_1457 = arith.constant 15 : i32
          %rev3A_1458 = vector.broadcast %rev3A_1457 : i32 to vector<16xi32>
          %rev3A_1459 = tpu.iota {dimensions = array<i32: 0>} : vector<16xi32>
          %rev3A_1460 = arith.subi %rev3A_1458, %rev3A_1459 : vector<16xi32>
          %rev3A_1461 = tpu.dynamic_gather %add3A_1456[%rev3A_1460] in [0] : vector<16xf32>, vector<16xi32> -> vector<16xf32>
          %add3A_1462 = arith.addf %add3A_1456, %rev3A_1461 : vector<16xf32>
          %slice3A_1463 = vector.extract_strided_slice %add3A_1462 {offsets = [0], sizes = [1], strides = [1]} : vector<16xf32> to vector<1xf32>
          %squeeze3A_1464 = vector.extract %slice3A_1463[0] : f32 from vector<1xf32>
          %slice3A_1465 = vector.extract_strided_slice %add3A_1462 {offsets = [1], sizes = [1], strides = [1]} : vector<16xf32> to vector<1xf32>
          %squeeze3A_1466 = vector.extract %slice3A_1465[0] : f32 from vector<1xf32>
          %slice3A_1467 = vector.extract_strided_slice %add3A_1462 {offsets = [2], sizes = [1], strides = [1]} : vector<16xf32> to vector<1xf32>
          %squeeze3A_1468 = vector.extract %slice3A_1467[0] : f32 from vector<1xf32>
          %slice3A_1469 = vector.extract_strided_slice %add3A_1462 {offsets = [3], sizes = [1], strides = [1]} : vector<16xf32> to vector<1xf32>
          %squeeze3A_1470 = vector.extract %slice3A_1469[0] : f32 from vector<1xf32>
          %slice3A_1471 = vector.extract_strided_slice %add3A_1462 {offsets = [4], sizes = [1], strides = [1]} : vector<16xf32> to vector<1xf32>
          %squeeze3A_1472 = vector.extract %slice3A_1471[0] : f32 from vector<1xf32>
          %slice3A_1473 = vector.extract_strided_slice %add3A_1462 {offsets = [5], sizes = [1], strides = [1]} : vector<16xf32> to vector<1xf32>
          %squeeze3A_1474 = vector.extract %slice3A_1473[0] : f32 from vector<1xf32>
          %slice3A_1475 = vector.extract_strided_slice %add3A_1462 {offsets = [6], sizes = [1], strides = [1]} : vector<16xf32> to vector<1xf32>
          %squeeze3A_1476 = vector.extract %slice3A_1475[0] : f32 from vector<1xf32>
          %slice3A_1477 = vector.extract_strided_slice %add3A_1462 {offsets = [7], sizes = [1], strides = [1]} : vector<16xf32> to vector<1xf32>
          %squeeze3A_1478 = vector.extract %slice3A_1477[0] : f32 from vector<1xf32>
          %add3A_1479 = arith.addf %squeeze3A_1464, %squeeze3A_1466 : f32
          %add3A_1480 = arith.addf %squeeze3A_1468, %squeeze3A_1470 : f32
          %add3A_1481 = arith.addf %squeeze3A_1472, %squeeze3A_1474 : f32
          %add3A_1482 = arith.addf %squeeze3A_1476, %squeeze3A_1478 : f32
          %add3A_1483 = arith.addf %add3A_1479, %add3A_1480 : f32
          %add3A_1484 = arith.addf %add3A_1481, %add3A_1482 : f32
          %add3A_1485 = arith.addf %add3A_1483, %add3A_1484 : f32
          %eq3A_1486 = arith.constant 10 : i32
          %eq3A_1487 = vector.broadcast %eq3A_1486 : i32 to vector<16xi32>
          %eq3A_1488 = arith.cmpi eq, %iota3A, %eq3A_1487 : vector<16xi32>
          %broadcast_in_dim3A_1489 = vector.broadcast %add3A_1485 : f32 to vector<16xf32>
          %select_n3A_1490 = arith.select %eq3A_1488, %broadcast_in_dim3A_1489, %select_n3A_1362 : vector<16xi1>, vector<16xf32>
          %mul3A_1491 = arith.constant 16 : i32
          %mul3A_1492 = arith.muli %scan3A_85, %mul3A_1491 : i32
          %add3A_1493 = arith.constant 11 : i32
          %add3A_1494 = arith.addi %mul3A_1492, %add3A_1493 : i32
          %broadcast_in_dim3A_1495 = arith.constant 0.000000e+00 : f32
          %broadcast_in_dim3A_1496 = vector.broadcast %broadcast_in_dim3A_1495 : f32 to vector<16xf32>
          %get3A_1497 = arith.index_cast %add3A_1494 : i32 to index
          %get3A_1498 = arith.constant 0 : index
          %get3A_1499 = tpu.vector_load %arg7[%get3A_1497, %get3A_1498] {strides = array<i32>} : memref<128x128xf32, #tpu.memory_space<vmem>>, vector<1x16xf32>,
          %get3A_1500 = vector.shape_cast %get3A_1499 : vector<1x16xf32> to vector<16xf32>
          %get3A_1501 = arith.index_cast %add3A_1494 : i32 to index
          %get3A_1502 = arith.constant 0 : index
          %get3A_1503 = tpu.vector_load %arg9[%get3A_1501, %get3A_1502] {strides = array<i32>} : memref<128x128xf32, #tpu.memory_space<vmem>>, vector<1x16xf32>,
          %get3A_1504 = vector.shape_cast %get3A_1503 : vector<1x16xf32> to vector<16xf32>
          %add3A_1505 = arith.addf %get3A_1500, %get3A_1504 : vector<16xf32>
          %mul3A_1506 = arith.mulf %add3A_1505, %add3A_1505 : vector<16xf32>
          %add3A_1507 = arith.addf %broadcast_in_dim3A_1496, %mul3A_1506 : vector<16xf32>
          %get3A_1508 = arith.index_cast %add3A_1494 : i32 to index
          %get3A_1509 = arith.constant 16 : index
          %get3A_1510 = tpu.vector_load %arg7[%get3A_1508, %get3A_1509] {strides = array<i32>} : memref<128x128xf32, #tpu.memory_space<vmem>>, vector<1x16xf32>,
          %get3A_1511 = vector.shape_cast %get3A_1510 : vector<1x16xf32> to vector<16xf32>
          %get3A_1512 = arith.index_cast %add3A_1494 : i32 to index
          %get3A_1513 = arith.constant 16 : index
          %get3A_1514 = tpu.vector_load %arg9[%get3A_1512, %get3A_1513] {strides = array<i32>} : memref<128x128xf32, #tpu.memory_space<vmem>>, vector<1x16xf32>,
          %get3A_1515 = vector.shape_cast %get3A_1514 : vector<1x16xf32> to vector<16xf32>
          %add3A_1516 = arith.addf %get3A_1511, %get3A_1515 : vector<16xf32>
          %mul3A_1517 = arith.mulf %add3A_1516, %add3A_1516 : vector<16xf32>
          %add3A_1518 = arith.addf %add3A_1507, %mul3A_1517 : vector<16xf32>
          %get3A_1519 = arith.index_cast %add3A_1494 : i32 to index
          %get3A_1520 = arith.constant 32 : index
          %get3A_1521 = tpu.vector_load %arg7[%get3A_1519, %get3A_1520] {strides = array<i32>} : memref<128x128xf32, #tpu.memory_space<vmem>>, vector<1x16xf32>,
          %get3A_1522 = vector.shape_cast %get3A_1521 : vector<1x16xf32> to vector<16xf32>
          %get3A_1523 = arith.index_cast %add3A_1494 : i32 to index
          %get3A_1524 = arith.constant 32 : index
          %get3A_1525 = tpu.vector_load %arg9[%get3A_1523, %get3A_1524] {strides = array<i32>} : memref<128x128xf32, #tpu.memory_space<vmem>>, vector<1x16xf32>,
          %get3A_1526 = vector.shape_cast %get3A_1525 : vector<1x16xf32> to vector<16xf32>
          %add3A_1527 = arith.addf %get3A_1522, %get3A_1526 : vector<16xf32>
          %mul3A_1528 = arith.mulf %add3A_1527, %add3A_1527 : vector<16xf32>
          %add3A_1529 = arith.addf %add3A_1518, %mul3A_1528 : vector<16xf32>
          %get3A_1530 = arith.index_cast %add3A_1494 : i32 to index
          %get3A_1531 = arith.constant 48 : index
          %get3A_1532 = tpu.vector_load %arg7[%get3A_1530, %get3A_1531] {strides = array<i32>} : memref<128x128xf32, #tpu.memory_space<vmem>>, vector<1x16xf32>,
          %get3A_1533 = vector.shape_cast %get3A_1532 : vector<1x16xf32> to vector<16xf32>
          %get3A_1534 = arith.index_cast %add3A_1494 : i32 to index
          %get3A_1535 = arith.constant 48 : index
          %get3A_1536 = tpu.vector_load %arg9[%get3A_1534, %get3A_1535] {strides = array<i32>} : memref<128x128xf32, #tpu.memory_space<vmem>>, vector<1x16xf32>,
          %get3A_1537 = vector.shape_cast %get3A_1536 : vector<1x16xf32> to vector<16xf32>
          %add3A_1538 = arith.addf %get3A_1533, %get3A_1537 : vector<16xf32>
          %mul3A_1539 = arith.mulf %add3A_1538, %add3A_1538 : vector<16xf32>
          %add3A_1540 = arith.addf %add3A_1529, %mul3A_1539 : vector<16xf32>
          %get3A_1541 = arith.index_cast %add3A_1494 : i32 to index
          %get3A_1542 = arith.constant 64 : index
          %get3A_1543 = tpu.vector_load %arg7[%get3A_1541, %get3A_1542] {strides = array<i32>} : memref<128x128xf32, #tpu.memory_space<vmem>>, vector<1x16xf32>,
          %get3A_1544 = vector.shape_cast %get3A_1543 : vector<1x16xf32> to vector<16xf32>
          %get3A_1545 = arith.index_cast %add3A_1494 : i32 to index
          %get3A_1546 = arith.constant 64 : index
          %get3A_1547 = tpu.vector_load %arg9[%get3A_1545, %get3A_1546] {strides = array<i32>} : memref<128x128xf32, #tpu.memory_space<vmem>>, vector<1x16xf32>,
          %get3A_1548 = vector.shape_cast %get3A_1547 : vector<1x16xf32> to vector<16xf32>
          %add3A_1549 = arith.addf %get3A_1544, %get3A_1548 : vector<16xf32>
          %mul3A_1550 = arith.mulf %add3A_1549, %add3A_1549 : vector<16xf32>
          %add3A_1551 = arith.addf %add3A_1540, %mul3A_1550 : vector<16xf32>
          %get3A_1552 = arith.index_cast %add3A_1494 : i32 to index
          %get3A_1553 = arith.constant 80 : index
          %get3A_1554 = tpu.vector_load %arg7[%get3A_1552, %get3A_1553] {strides = array<i32>} : memref<128x128xf32, #tpu.memory_space<vmem>>, vector<1x16xf32>,
          %get3A_1555 = vector.shape_cast %get3A_1554 : vector<1x16xf32> to vector<16xf32>
          %get3A_1556 = arith.index_cast %add3A_1494 : i32 to index
          %get3A_1557 = arith.constant 80 : index
          %get3A_1558 = tpu.vector_load %arg9[%get3A_1556, %get3A_1557] {strides = array<i32>} : memref<128x128xf32, #tpu.memory_space<vmem>>, vector<1x16xf32>,
          %get3A_1559 = vector.shape_cast %get3A_1558 : vector<1x16xf32> to vector<16xf32>
          %add3A_1560 = arith.addf %get3A_1555, %get3A_1559 : vector<16xf32>
          %mul3A_1561 = arith.mulf %add3A_1560, %add3A_1560 : vector<16xf32>
          %add3A_1562 = arith.addf %add3A_1551, %mul3A_1561 : vector<16xf32>
          %get3A_1563 = arith.index_cast %add3A_1494 : i32 to index
          %get3A_1564 = arith.constant 96 : index
          %get3A_1565 = tpu.vector_load %arg7[%get3A_1563, %get3A_1564] {strides = array<i32>} : memref<128x128xf32, #tpu.memory_space<vmem>>, vector<1x16xf32>,
          %get3A_1566 = vector.shape_cast %get3A_1565 : vector<1x16xf32> to vector<16xf32>
          %get3A_1567 = arith.index_cast %add3A_1494 : i32 to index
          %get3A_1568 = arith.constant 96 : index
          %get3A_1569 = tpu.vector_load %arg9[%get3A_1567, %get3A_1568] {strides = array<i32>} : memref<128x128xf32, #tpu.memory_space<vmem>>, vector<1x16xf32>,
          %get3A_1570 = vector.shape_cast %get3A_1569 : vector<1x16xf32> to vector<16xf32>
          %add3A_1571 = arith.addf %get3A_1566, %get3A_1570 : vector<16xf32>
          %mul3A_1572 = arith.mulf %add3A_1571, %add3A_1571 : vector<16xf32>
          %add3A_1573 = arith.addf %add3A_1562, %mul3A_1572 : vector<16xf32>
          %get3A_1574 = arith.index_cast %add3A_1494 : i32 to index
          %get3A_1575 = arith.constant 112 : index
          %get3A_1576 = tpu.vector_load %arg7[%get3A_1574, %get3A_1575] {strides = array<i32>} : memref<128x128xf32, #tpu.memory_space<vmem>>, vector<1x16xf32>,
          %get3A_1577 = vector.shape_cast %get3A_1576 : vector<1x16xf32> to vector<16xf32>
          %get3A_1578 = arith.index_cast %add3A_1494 : i32 to index
          %get3A_1579 = arith.constant 112 : index
          %get3A_1580 = tpu.vector_load %arg9[%get3A_1578, %get3A_1579] {strides = array<i32>} : memref<128x128xf32, #tpu.memory_space<vmem>>, vector<1x16xf32>,
          %get3A_1581 = vector.shape_cast %get3A_1580 : vector<1x16xf32> to vector<16xf32>
          %add3A_1582 = arith.addf %get3A_1577, %get3A_1581 : vector<16xf32>
          %mul3A_1583 = arith.mulf %add3A_1582, %add3A_1582 : vector<16xf32>
          %add3A_1584 = arith.addf %add3A_1573, %mul3A_1583 : vector<16xf32>
          %rev3A_1585 = arith.constant 15 : i32
          %rev3A_1586 = vector.broadcast %rev3A_1585 : i32 to vector<16xi32>
          %rev3A_1587 = tpu.iota {dimensions = array<i32: 0>} : vector<16xi32>
          %rev3A_1588 = arith.subi %rev3A_1586, %rev3A_1587 : vector<16xi32>
          %rev3A_1589 = tpu.dynamic_gather %add3A_1584[%rev3A_1588] in [0] : vector<16xf32>, vector<16xi32> -> vector<16xf32>
          %add3A_1590 = arith.addf %add3A_1584, %rev3A_1589 : vector<16xf32>
          %slice3A_1591 = vector.extract_strided_slice %add3A_1590 {offsets = [0], sizes = [1], strides = [1]} : vector<16xf32> to vector<1xf32>
          %squeeze3A_1592 = vector.extract %slice3A_1591[0] : f32 from vector<1xf32>
          %slice3A_1593 = vector.extract_strided_slice %add3A_1590 {offsets = [1], sizes = [1], strides = [1]} : vector<16xf32> to vector<1xf32>
          %squeeze3A_1594 = vector.extract %slice3A_1593[0] : f32 from vector<1xf32>
          %slice3A_1595 = vector.extract_strided_slice %add3A_1590 {offsets = [2], sizes = [1], strides = [1]} : vector<16xf32> to vector<1xf32>
          %squeeze3A_1596 = vector.extract %slice3A_1595[0] : f32 from vector<1xf32>
          %slice3A_1597 = vector.extract_strided_slice %add3A_1590 {offsets = [3], sizes = [1], strides = [1]} : vector<16xf32> to vector<1xf32>
          %squeeze3A_1598 = vector.extract %slice3A_1597[0] : f32 from vector<1xf32>
          %slice3A_1599 = vector.extract_strided_slice %add3A_1590 {offsets = [4], sizes = [1], strides = [1]} : vector<16xf32> to vector<1xf32>
          %squeeze3A_1600 = vector.extract %slice3A_1599[0] : f32 from vector<1xf32>
          %slice3A_1601 = vector.extract_strided_slice %add3A_1590 {offsets = [5], sizes = [1], strides = [1]} : vector<16xf32> to vector<1xf32>
          %squeeze3A_1602 = vector.extract %slice3A_1601[0] : f32 from vector<1xf32>
          %slice3A_1603 = vector.extract_strided_slice %add3A_1590 {offsets = [6], sizes = [1], strides = [1]} : vector<16xf32> to vector<1xf32>
          %squeeze3A_1604 = vector.extract %slice3A_1603[0] : f32 from vector<1xf32>
          %slice3A_1605 = vector.extract_strided_slice %add3A_1590 {offsets = [7], sizes = [1], strides = [1]} : vector<16xf32> to vector<1xf32>
          %squeeze3A_1606 = vector.extract %slice3A_1605[0] : f32 from vector<1xf32>
          %add3A_1607 = arith.addf %squeeze3A_1592, %squeeze3A_1594 : f32
          %add3A_1608 = arith.addf %squeeze3A_1596, %squeeze3A_1598 : f32
          %add3A_1609 = arith.addf %squeeze3A_1600, %squeeze3A_1602 : f32
          %add3A_1610 = arith.addf %squeeze3A_1604, %squeeze3A_1606 : f32
          %add3A_1611 = arith.addf %add3A_1607, %add3A_1608 : f32
          %add3A_1612 = arith.addf %add3A_1609, %add3A_1610 : f32
          %add3A_1613 = arith.addf %add3A_1611, %add3A_1612 : f32
          %eq3A_1614 = arith.constant 11 : i32
          %eq3A_1615 = vector.broadcast %eq3A_1614 : i32 to vector<16xi32>
          %eq3A_1616 = arith.cmpi eq, %iota3A, %eq3A_1615 : vector<16xi32>
          %broadcast_in_dim3A_1617 = vector.broadcast %add3A_1613 : f32 to vector<16xf32>
          %select_n3A_1618 = arith.select %eq3A_1616, %broadcast_in_dim3A_1617, %select_n3A_1490 : vector<16xi1>, vector<16xf32>
          %mul3A_1619 = arith.constant 16 : i32
          %mul3A_1620 = arith.muli %scan3A_85, %mul3A_1619 : i32
          %add3A_1621 = arith.constant 12 : i32
          %add3A_1622 = arith.addi %mul3A_1620, %add3A_1621 : i32
          %broadcast_in_dim3A_1623 = arith.constant 0.000000e+00 : f32
          %broadcast_in_dim3A_1624 = vector.broadcast %broadcast_in_dim3A_1623 : f32 to vector<16xf32>
          %get3A_1625 = arith.index_cast %add3A_1622 : i32 to index
          %get3A_1626 = arith.constant 0 : index
          %get3A_1627 = tpu.vector_load %arg7[%get3A_1625, %get3A_1626] {strides = array<i32>} : memref<128x128xf32, #tpu.memory_space<vmem>>, vector<1x16xf32>,
          %get3A_1628 = vector.shape_cast %get3A_1627 : vector<1x16xf32> to vector<16xf32>
          %get3A_1629 = arith.index_cast %add3A_1622 : i32 to index
          %get3A_1630 = arith.constant 0 : index
          %get3A_1631 = tpu.vector_load %arg9[%get3A_1629, %get3A_1630] {strides = array<i32>} : memref<128x128xf32, #tpu.memory_space<vmem>>, vector<1x16xf32>,
          %get3A_1632 = vector.shape_cast %get3A_1631 : vector<1x16xf32> to vector<16xf32>
          %add3A_1633 = arith.addf %get3A_1628, %get3A_1632 : vector<16xf32>
          %mul3A_1634 = arith.mulf %add3A_1633, %add3A_1633 : vector<16xf32>
          %add3A_1635 = arith.addf %broadcast_in_dim3A_1624, %mul3A_1634 : vector<16xf32>
          %get3A_1636 = arith.index_cast %add3A_1622 : i32 to index
          %get3A_1637 = arith.constant 16 : index
          %get3A_1638 = tpu.vector_load %arg7[%get3A_1636, %get3A_1637] {strides = array<i32>} : memref<128x128xf32, #tpu.memory_space<vmem>>, vector<1x16xf32>,
          %get3A_1639 = vector.shape_cast %get3A_1638 : vector<1x16xf32> to vector<16xf32>
          %get3A_1640 = arith.index_cast %add3A_1622 : i32 to index
          %get3A_1641 = arith.constant 16 : index
          %get3A_1642 = tpu.vector_load %arg9[%get3A_1640, %get3A_1641] {strides = array<i32>} : memref<128x128xf32, #tpu.memory_space<vmem>>, vector<1x16xf32>,
          %get3A_1643 = vector.shape_cast %get3A_1642 : vector<1x16xf32> to vector<16xf32>
          %add3A_1644 = arith.addf %get3A_1639, %get3A_1643 : vector<16xf32>
          %mul3A_1645 = arith.mulf %add3A_1644, %add3A_1644 : vector<16xf32>
          %add3A_1646 = arith.addf %add3A_1635, %mul3A_1645 : vector<16xf32>
          %get3A_1647 = arith.index_cast %add3A_1622 : i32 to index
          %get3A_1648 = arith.constant 32 : index
          %get3A_1649 = tpu.vector_load %arg7[%get3A_1647, %get3A_1648] {strides = array<i32>} : memref<128x128xf32, #tpu.memory_space<vmem>>, vector<1x16xf32>,
          %get3A_1650 = vector.shape_cast %get3A_1649 : vector<1x16xf32> to vector<16xf32>
          %get3A_1651 = arith.index_cast %add3A_1622 : i32 to index
          %get3A_1652 = arith.constant 32 : index
          %get3A_1653 = tpu.vector_load %arg9[%get3A_1651, %get3A_1652] {strides = array<i32>} : memref<128x128xf32, #tpu.memory_space<vmem>>, vector<1x16xf32>,
          %get3A_1654 = vector.shape_cast %get3A_1653 : vector<1x16xf32> to vector<16xf32>
          %add3A_1655 = arith.addf %get3A_1650, %get3A_1654 : vector<16xf32>
          %mul3A_1656 = arith.mulf %add3A_1655, %add3A_1655 : vector<16xf32>
          %add3A_1657 = arith.addf %add3A_1646, %mul3A_1656 : vector<16xf32>
          %get3A_1658 = arith.index_cast %add3A_1622 : i32 to index
          %get3A_1659 = arith.constant 48 : index
          %get3A_1660 = tpu.vector_load %arg7[%get3A_1658, %get3A_1659] {strides = array<i32>} : memref<128x128xf32, #tpu.memory_space<vmem>>, vector<1x16xf32>,
          %get3A_1661 = vector.shape_cast %get3A_1660 : vector<1x16xf32> to vector<16xf32>
          %get3A_1662 = arith.index_cast %add3A_1622 : i32 to index
          %get3A_1663 = arith.constant 48 : index
          %get3A_1664 = tpu.vector_load %arg9[%get3A_1662, %get3A_1663] {strides = array<i32>} : memref<128x128xf32, #tpu.memory_space<vmem>>, vector<1x16xf32>,
          %get3A_1665 = vector.shape_cast %get3A_1664 : vector<1x16xf32> to vector<16xf32>
          %add3A_1666 = arith.addf %get3A_1661, %get3A_1665 : vector<16xf32>
          %mul3A_1667 = arith.mulf %add3A_1666, %add3A_1666 : vector<16xf32>
          %add3A_1668 = arith.addf %add3A_1657, %mul3A_1667 : vector<16xf32>
          %get3A_1669 = arith.index_cast %add3A_1622 : i32 to index
          %get3A_1670 = arith.constant 64 : index
          %get3A_1671 = tpu.vector_load %arg7[%get3A_1669, %get3A_1670] {strides = array<i32>} : memref<128x128xf32, #tpu.memory_space<vmem>>, vector<1x16xf32>,
          %get3A_1672 = vector.shape_cast %get3A_1671 : vector<1x16xf32> to vector<16xf32>
          %get3A_1673 = arith.index_cast %add3A_1622 : i32 to index
          %get3A_1674 = arith.constant 64 : index
          %get3A_1675 = tpu.vector_load %arg9[%get3A_1673, %get3A_1674] {strides = array<i32>} : memref<128x128xf32, #tpu.memory_space<vmem>>, vector<1x16xf32>,
          %get3A_1676 = vector.shape_cast %get3A_1675 : vector<1x16xf32> to vector<16xf32>
          %add3A_1677 = arith.addf %get3A_1672, %get3A_1676 : vector<16xf32>
          %mul3A_1678 = arith.mulf %add3A_1677, %add3A_1677 : vector<16xf32>
          %add3A_1679 = arith.addf %add3A_1668, %mul3A_1678 : vector<16xf32>
          %get3A_1680 = arith.index_cast %add3A_1622 : i32 to index
          %get3A_1681 = arith.constant 80 : index
          %get3A_1682 = tpu.vector_load %arg7[%get3A_1680, %get3A_1681] {strides = array<i32>} : memref<128x128xf32, #tpu.memory_space<vmem>>, vector<1x16xf32>,
          %get3A_1683 = vector.shape_cast %get3A_1682 : vector<1x16xf32> to vector<16xf32>
          %get3A_1684 = arith.index_cast %add3A_1622 : i32 to index
          %get3A_1685 = arith.constant 80 : index
          %get3A_1686 = tpu.vector_load %arg9[%get3A_1684, %get3A_1685] {strides = array<i32>} : memref<128x128xf32, #tpu.memory_space<vmem>>, vector<1x16xf32>,
          %get3A_1687 = vector.shape_cast %get3A_1686 : vector<1x16xf32> to vector<16xf32>
          %add3A_1688 = arith.addf %get3A_1683, %get3A_1687 : vector<16xf32>
          %mul3A_1689 = arith.mulf %add3A_1688, %add3A_1688 : vector<16xf32>
          %add3A_1690 = arith.addf %add3A_1679, %mul3A_1689 : vector<16xf32>
          %get3A_1691 = arith.index_cast %add3A_1622 : i32 to index
          %get3A_1692 = arith.constant 96 : index
          %get3A_1693 = tpu.vector_load %arg7[%get3A_1691, %get3A_1692] {strides = array<i32>} : memref<128x128xf32, #tpu.memory_space<vmem>>, vector<1x16xf32>,
          %get3A_1694 = vector.shape_cast %get3A_1693 : vector<1x16xf32> to vector<16xf32>
          %get3A_1695 = arith.index_cast %add3A_1622 : i32 to index
          %get3A_1696 = arith.constant 96 : index
          %get3A_1697 = tpu.vector_load %arg9[%get3A_1695, %get3A_1696] {strides = array<i32>} : memref<128x128xf32, #tpu.memory_space<vmem>>, vector<1x16xf32>,
          %get3A_1698 = vector.shape_cast %get3A_1697 : vector<1x16xf32> to vector<16xf32>
          %add3A_1699 = arith.addf %get3A_1694, %get3A_1698 : vector<16xf32>
          %mul3A_1700 = arith.mulf %add3A_1699, %add3A_1699 : vector<16xf32>
          %add3A_1701 = arith.addf %add3A_1690, %mul3A_1700 : vector<16xf32>
          %get3A_1702 = arith.index_cast %add3A_1622 : i32 to index
          %get3A_1703 = arith.constant 112 : index
          %get3A_1704 = tpu.vector_load %arg7[%get3A_1702, %get3A_1703] {strides = array<i32>} : memref<128x128xf32, #tpu.memory_space<vmem>>, vector<1x16xf32>,
          %get3A_1705 = vector.shape_cast %get3A_1704 : vector<1x16xf32> to vector<16xf32>
          %get3A_1706 = arith.index_cast %add3A_1622 : i32 to index
          %get3A_1707 = arith.constant 112 : index
          %get3A_1708 = tpu.vector_load %arg9[%get3A_1706, %get3A_1707] {strides = array<i32>} : memref<128x128xf32, #tpu.memory_space<vmem>>, vector<1x16xf32>,
          %get3A_1709 = vector.shape_cast %get3A_1708 : vector<1x16xf32> to vector<16xf32>
          %add3A_1710 = arith.addf %get3A_1705, %get3A_1709 : vector<16xf32>
          %mul3A_1711 = arith.mulf %add3A_1710, %add3A_1710 : vector<16xf32>
          %add3A_1712 = arith.addf %add3A_1701, %mul3A_1711 : vector<16xf32>
          %rev3A_1713 = arith.constant 15 : i32
          %rev3A_1714 = vector.broadcast %rev3A_1713 : i32 to vector<16xi32>
          %rev3A_1715 = tpu.iota {dimensions = array<i32: 0>} : vector<16xi32>
          %rev3A_1716 = arith.subi %rev3A_1714, %rev3A_1715 : vector<16xi32>
          %rev3A_1717 = tpu.dynamic_gather %add3A_1712[%rev3A_1716] in [0] : vector<16xf32>, vector<16xi32> -> vector<16xf32>
          %add3A_1718 = arith.addf %add3A_1712, %rev3A_1717 : vector<16xf32>
          %slice3A_1719 = vector.extract_strided_slice %add3A_1718 {offsets = [0], sizes = [1], strides = [1]} : vector<16xf32> to vector<1xf32>
          %squeeze3A_1720 = vector.extract %slice3A_1719[0] : f32 from vector<1xf32>
          %slice3A_1721 = vector.extract_strided_slice %add3A_1718 {offsets = [1], sizes = [1], strides = [1]} : vector<16xf32> to vector<1xf32>
          %squeeze3A_1722 = vector.extract %slice3A_1721[0] : f32 from vector<1xf32>
          %slice3A_1723 = vector.extract_strided_slice %add3A_1718 {offsets = [2], sizes = [1], strides = [1]} : vector<16xf32> to vector<1xf32>
          %squeeze3A_1724 = vector.extract %slice3A_1723[0] : f32 from vector<1xf32>
          %slice3A_1725 = vector.extract_strided_slice %add3A_1718 {offsets = [3], sizes = [1], strides = [1]} : vector<16xf32> to vector<1xf32>
          %squeeze3A_1726 = vector.extract %slice3A_1725[0] : f32 from vector<1xf32>
          %slice3A_1727 = vector.extract_strided_slice %add3A_1718 {offsets = [4], sizes = [1], strides = [1]} : vector<16xf32> to vector<1xf32>
          %squeeze3A_1728 = vector.extract %slice3A_1727[0] : f32 from vector<1xf32>
          %slice3A_1729 = vector.extract_strided_slice %add3A_1718 {offsets = [5], sizes = [1], strides = [1]} : vector<16xf32> to vector<1xf32>
          %squeeze3A_1730 = vector.extract %slice3A_1729[0] : f32 from vector<1xf32>
          %slice3A_1731 = vector.extract_strided_slice %add3A_1718 {offsets = [6], sizes = [1], strides = [1]} : vector<16xf32> to vector<1xf32>
          %squeeze3A_1732 = vector.extract %slice3A_1731[0] : f32 from vector<1xf32>
          %slice3A_1733 = vector.extract_strided_slice %add3A_1718 {offsets = [7], sizes = [1], strides = [1]} : vector<16xf32> to vector<1xf32>
          %squeeze3A_1734 = vector.extract %slice3A_1733[0] : f32 from vector<1xf32>
          %add3A_1735 = arith.addf %squeeze3A_1720, %squeeze3A_1722 : f32
          %add3A_1736 = arith.addf %squeeze3A_1724, %squeeze3A_1726 : f32
          %add3A_1737 = arith.addf %squeeze3A_1728, %squeeze3A_1730 : f32
          %add3A_1738 = arith.addf %squeeze3A_1732, %squeeze3A_1734 : f32
          %add3A_1739 = arith.addf %add3A_1735, %add3A_1736 : f32
          %add3A_1740 = arith.addf %add3A_1737, %add3A_1738 : f32
          %add3A_1741 = arith.addf %add3A_1739, %add3A_1740 : f32
          %eq3A_1742 = arith.constant 12 : i32
          %eq3A_1743 = vector.broadcast %eq3A_1742 : i32 to vector<16xi32>
          %eq3A_1744 = arith.cmpi eq, %iota3A, %eq3A_1743 : vector<16xi32>
          %broadcast_in_dim3A_1745 = vector.broadcast %add3A_1741 : f32 to vector<16xf32>
          %select_n3A_1746 = arith.select %eq3A_1744, %broadcast_in_dim3A_1745, %select_n3A_1618 : vector<16xi1>, vector<16xf32>
          %mul3A_1747 = arith.constant 16 : i32
          %mul3A_1748 = arith.muli %scan3A_85, %mul3A_1747 : i32
          %add3A_1749 = arith.constant 13 : i32
          %add3A_1750 = arith.addi %mul3A_1748, %add3A_1749 : i32
          %broadcast_in_dim3A_1751 = arith.constant 0.000000e+00 : f32
          %broadcast_in_dim3A_1752 = vector.broadcast %broadcast_in_dim3A_1751 : f32 to vector<16xf32>
          %get3A_1753 = arith.index_cast %add3A_1750 : i32 to index
          %get3A_1754 = arith.constant 0 : index
          %get3A_1755 = tpu.vector_load %arg7[%get3A_1753, %get3A_1754] {strides = array<i32>} : memref<128x128xf32, #tpu.memory_space<vmem>>, vector<1x16xf32>,
          %get3A_1756 = vector.shape_cast %get3A_1755 : vector<1x16xf32> to vector<16xf32>
          %get3A_1757 = arith.index_cast %add3A_1750 : i32 to index
          %get3A_1758 = arith.constant 0 : index
          %get3A_1759 = tpu.vector_load %arg9[%get3A_1757, %get3A_1758] {strides = array<i32>} : memref<128x128xf32, #tpu.memory_space<vmem>>, vector<1x16xf32>,
          %get3A_1760 = vector.shape_cast %get3A_1759 : vector<1x16xf32> to vector<16xf32>
          %add3A_1761 = arith.addf %get3A_1756, %get3A_1760 : vector<16xf32>
          %mul3A_1762 = arith.mulf %add3A_1761, %add3A_1761 : vector<16xf32>
          %add3A_1763 = arith.addf %broadcast_in_dim3A_1752, %mul3A_1762 : vector<16xf32>
          %get3A_1764 = arith.index_cast %add3A_1750 : i32 to index
          %get3A_1765 = arith.constant 16 : index
          %get3A_1766 = tpu.vector_load %arg7[%get3A_1764, %get3A_1765] {strides = array<i32>} : memref<128x128xf32, #tpu.memory_space<vmem>>, vector<1x16xf32>,
          %get3A_1767 = vector.shape_cast %get3A_1766 : vector<1x16xf32> to vector<16xf32>
          %get3A_1768 = arith.index_cast %add3A_1750 : i32 to index
          %get3A_1769 = arith.constant 16 : index
          %get3A_1770 = tpu.vector_load %arg9[%get3A_1768, %get3A_1769] {strides = array<i32>} : memref<128x128xf32, #tpu.memory_space<vmem>>, vector<1x16xf32>,
          %get3A_1771 = vector.shape_cast %get3A_1770 : vector<1x16xf32> to vector<16xf32>
          %add3A_1772 = arith.addf %get3A_1767, %get3A_1771 : vector<16xf32>
          %mul3A_1773 = arith.mulf %add3A_1772, %add3A_1772 : vector<16xf32>
          %add3A_1774 = arith.addf %add3A_1763, %mul3A_1773 : vector<16xf32>
          %get3A_1775 = arith.index_cast %add3A_1750 : i32 to index
          %get3A_1776 = arith.constant 32 : index
          %get3A_1777 = tpu.vector_load %arg7[%get3A_1775, %get3A_1776] {strides = array<i32>} : memref<128x128xf32, #tpu.memory_space<vmem>>, vector<1x16xf32>,
          %get3A_1778 = vector.shape_cast %get3A_1777 : vector<1x16xf32> to vector<16xf32>
          %get3A_1779 = arith.index_cast %add3A_1750 : i32 to index
          %get3A_1780 = arith.constant 32 : index
          %get3A_1781 = tpu.vector_load %arg9[%get3A_1779, %get3A_1780] {strides = array<i32>} : memref<128x128xf32, #tpu.memory_space<vmem>>, vector<1x16xf32>,
          %get3A_1782 = vector.shape_cast %get3A_1781 : vector<1x16xf32> to vector<16xf32>
          %add3A_1783 = arith.addf %get3A_1778, %get3A_1782 : vector<16xf32>
          %mul3A_1784 = arith.mulf %add3A_1783, %add3A_1783 : vector<16xf32>
          %add3A_1785 = arith.addf %add3A_1774, %mul3A_1784 : vector<16xf32>
          %get3A_1786 = arith.index_cast %add3A_1750 : i32 to index
          %get3A_1787 = arith.constant 48 : index
          %get3A_1788 = tpu.vector_load %arg7[%get3A_1786, %get3A_1787] {strides = array<i32>} : memref<128x128xf32, #tpu.memory_space<vmem>>, vector<1x16xf32>,
          %get3A_1789 = vector.shape_cast %get3A_1788 : vector<1x16xf32> to vector<16xf32>
          %get3A_1790 = arith.index_cast %add3A_1750 : i32 to index
          %get3A_1791 = arith.constant 48 : index
          %get3A_1792 = tpu.vector_load %arg9[%get3A_1790, %get3A_1791] {strides = array<i32>} : memref<128x128xf32, #tpu.memory_space<vmem>>, vector<1x16xf32>,
          %get3A_1793 = vector.shape_cast %get3A_1792 : vector<1x16xf32> to vector<16xf32>
          %add3A_1794 = arith.addf %get3A_1789, %get3A_1793 : vector<16xf32>
          %mul3A_1795 = arith.mulf %add3A_1794, %add3A_1794 : vector<16xf32>
          %add3A_1796 = arith.addf %add3A_1785, %mul3A_1795 : vector<16xf32>
          %get3A_1797 = arith.index_cast %add3A_1750 : i32 to index
          %get3A_1798 = arith.constant 64 : index
          %get3A_1799 = tpu.vector_load %arg7[%get3A_1797, %get3A_1798] {strides = array<i32>} : memref<128x128xf32, #tpu.memory_space<vmem>>, vector<1x16xf32>,
          %get3A_1800 = vector.shape_cast %get3A_1799 : vector<1x16xf32> to vector<16xf32>
          %get3A_1801 = arith.index_cast %add3A_1750 : i32 to index
          %get3A_1802 = arith.constant 64 : index
          %get3A_1803 = tpu.vector_load %arg9[%get3A_1801, %get3A_1802] {strides = array<i32>} : memref<128x128xf32, #tpu.memory_space<vmem>>, vector<1x16xf32>,
          %get3A_1804 = vector.shape_cast %get3A_1803 : vector<1x16xf32> to vector<16xf32>
          %add3A_1805 = arith.addf %get3A_1800, %get3A_1804 : vector<16xf32>
          %mul3A_1806 = arith.mulf %add3A_1805, %add3A_1805 : vector<16xf32>
          %add3A_1807 = arith.addf %add3A_1796, %mul3A_1806 : vector<16xf32>
          %get3A_1808 = arith.index_cast %add3A_1750 : i32 to index
          %get3A_1809 = arith.constant 80 : index
          %get3A_1810 = tpu.vector_load %arg7[%get3A_1808, %get3A_1809] {strides = array<i32>} : memref<128x128xf32, #tpu.memory_space<vmem>>, vector<1x16xf32>,
          %get3A_1811 = vector.shape_cast %get3A_1810 : vector<1x16xf32> to vector<16xf32>
          %get3A_1812 = arith.index_cast %add3A_1750 : i32 to index
          %get3A_1813 = arith.constant 80 : index
          %get3A_1814 = tpu.vector_load %arg9[%get3A_1812, %get3A_1813] {strides = array<i32>} : memref<128x128xf32, #tpu.memory_space<vmem>>, vector<1x16xf32>,
          %get3A_1815 = vector.shape_cast %get3A_1814 : vector<1x16xf32> to vector<16xf32>
          %add3A_1816 = arith.addf %get3A_1811, %get3A_1815 : vector<16xf32>
          %mul3A_1817 = arith.mulf %add3A_1816, %add3A_1816 : vector<16xf32>
          %add3A_1818 = arith.addf %add3A_1807, %mul3A_1817 : vector<16xf32>
          %get3A_1819 = arith.index_cast %add3A_1750 : i32 to index
          %get3A_1820 = arith.constant 96 : index
          %get3A_1821 = tpu.vector_load %arg7[%get3A_1819, %get3A_1820] {strides = array<i32>} : memref<128x128xf32, #tpu.memory_space<vmem>>, vector<1x16xf32>,
          %get3A_1822 = vector.shape_cast %get3A_1821 : vector<1x16xf32> to vector<16xf32>
          %get3A_1823 = arith.index_cast %add3A_1750 : i32 to index
          %get3A_1824 = arith.constant 96 : index
          %get3A_1825 = tpu.vector_load %arg9[%get3A_1823, %get3A_1824] {strides = array<i32>} : memref<128x128xf32, #tpu.memory_space<vmem>>, vector<1x16xf32>,
          %get3A_1826 = vector.shape_cast %get3A_1825 : vector<1x16xf32> to vector<16xf32>
          %add3A_1827 = arith.addf %get3A_1822, %get3A_1826 : vector<16xf32>
          %mul3A_1828 = arith.mulf %add3A_1827, %add3A_1827 : vector<16xf32>
          %add3A_1829 = arith.addf %add3A_1818, %mul3A_1828 : vector<16xf32>
          %get3A_1830 = arith.index_cast %add3A_1750 : i32 to index
          %get3A_1831 = arith.constant 112 : index
          %get3A_1832 = tpu.vector_load %arg7[%get3A_1830, %get3A_1831] {strides = array<i32>} : memref<128x128xf32, #tpu.memory_space<vmem>>, vector<1x16xf32>,
          %get3A_1833 = vector.shape_cast %get3A_1832 : vector<1x16xf32> to vector<16xf32>
          %get3A_1834 = arith.index_cast %add3A_1750 : i32 to index
          %get3A_1835 = arith.constant 112 : index
          %get3A_1836 = tpu.vector_load %arg9[%get3A_1834, %get3A_1835] {strides = array<i32>} : memref<128x128xf32, #tpu.memory_space<vmem>>, vector<1x16xf32>,
          %get3A_1837 = vector.shape_cast %get3A_1836 : vector<1x16xf32> to vector<16xf32>
          %add3A_1838 = arith.addf %get3A_1833, %get3A_1837 : vector<16xf32>
          %mul3A_1839 = arith.mulf %add3A_1838, %add3A_1838 : vector<16xf32>
          %add3A_1840 = arith.addf %add3A_1829, %mul3A_1839 : vector<16xf32>
          %rev3A_1841 = arith.constant 15 : i32
          %rev3A_1842 = vector.broadcast %rev3A_1841 : i32 to vector<16xi32>
          %rev3A_1843 = tpu.iota {dimensions = array<i32: 0>} : vector<16xi32>
          %rev3A_1844 = arith.subi %rev3A_1842, %rev3A_1843 : vector<16xi32>
          %rev3A_1845 = tpu.dynamic_gather %add3A_1840[%rev3A_1844] in [0] : vector<16xf32>, vector<16xi32> -> vector<16xf32>
          %add3A_1846 = arith.addf %add3A_1840, %rev3A_1845 : vector<16xf32>
          %slice3A_1847 = vector.extract_strided_slice %add3A_1846 {offsets = [0], sizes = [1], strides = [1]} : vector<16xf32> to vector<1xf32>
          %squeeze3A_1848 = vector.extract %slice3A_1847[0] : f32 from vector<1xf32>
          %slice3A_1849 = vector.extract_strided_slice %add3A_1846 {offsets = [1], sizes = [1], strides = [1]} : vector<16xf32> to vector<1xf32>
          %squeeze3A_1850 = vector.extract %slice3A_1849[0] : f32 from vector<1xf32>
          %slice3A_1851 = vector.extract_strided_slice %add3A_1846 {offsets = [2], sizes = [1], strides = [1]} : vector<16xf32> to vector<1xf32>
          %squeeze3A_1852 = vector.extract %slice3A_1851[0] : f32 from vector<1xf32>
          %slice3A_1853 = vector.extract_strided_slice %add3A_1846 {offsets = [3], sizes = [1], strides = [1]} : vector<16xf32> to vector<1xf32>
          %squeeze3A_1854 = vector.extract %slice3A_1853[0] : f32 from vector<1xf32>
          %slice3A_1855 = vector.extract_strided_slice %add3A_1846 {offsets = [4], sizes = [1], strides = [1]} : vector<16xf32> to vector<1xf32>
          %squeeze3A_1856 = vector.extract %slice3A_1855[0] : f32 from vector<1xf32>
          %slice3A_1857 = vector.extract_strided_slice %add3A_1846 {offsets = [5], sizes = [1], strides = [1]} : vector<16xf32> to vector<1xf32>
          %squeeze3A_1858 = vector.extract %slice3A_1857[0] : f32 from vector<1xf32>
          %slice3A_1859 = vector.extract_strided_slice %add3A_1846 {offsets = [6], sizes = [1], strides = [1]} : vector<16xf32> to vector<1xf32>
          %squeeze3A_1860 = vector.extract %slice3A_1859[0] : f32 from vector<1xf32>
          %slice3A_1861 = vector.extract_strided_slice %add3A_1846 {offsets = [7], sizes = [1], strides = [1]} : vector<16xf32> to vector<1xf32>
          %squeeze3A_1862 = vector.extract %slice3A_1861[0] : f32 from vector<1xf32>
          %add3A_1863 = arith.addf %squeeze3A_1848, %squeeze3A_1850 : f32
          %add3A_1864 = arith.addf %squeeze3A_1852, %squeeze3A_1854 : f32
          %add3A_1865 = arith.addf %squeeze3A_1856, %squeeze3A_1858 : f32
          %add3A_1866 = arith.addf %squeeze3A_1860, %squeeze3A_1862 : f32
          %add3A_1867 = arith.addf %add3A_1863, %add3A_1864 : f32
          %add3A_1868 = arith.addf %add3A_1865, %add3A_1866 : f32
          %add3A_1869 = arith.addf %add3A_1867, %add3A_1868 : f32
          %eq3A_1870 = arith.constant 13 : i32
          %eq3A_1871 = vector.broadcast %eq3A_1870 : i32 to vector<16xi32>
          %eq3A_1872 = arith.cmpi eq, %iota3A, %eq3A_1871 : vector<16xi32>
          %broadcast_in_dim3A_1873 = vector.broadcast %add3A_1869 : f32 to vector<16xf32>
          %select_n3A_1874 = arith.select %eq3A_1872, %broadcast_in_dim3A_1873, %select_n3A_1746 : vector<16xi1>, vector<16xf32>
          %mul3A_1875 = arith.constant 16 : i32
          %mul3A_1876 = arith.muli %scan3A_85, %mul3A_1875 : i32
          %add3A_1877 = arith.constant 14 : i32
          %add3A_1878 = arith.addi %mul3A_1876, %add3A_1877 : i32
          %broadcast_in_dim3A_1879 = arith.constant 0.000000e+00 : f32
          %broadcast_in_dim3A_1880 = vector.broadcast %broadcast_in_dim3A_1879 : f32 to vector<16xf32>
          %get3A_1881 = arith.index_cast %add3A_1878 : i32 to index
          %get3A_1882 = arith.constant 0 : index
          %get3A_1883 = tpu.vector_load %arg7[%get3A_1881, %get3A_1882] {strides = array<i32>} : memref<128x128xf32, #tpu.memory_space<vmem>>, vector<1x16xf32>,
          %get3A_1884 = vector.shape_cast %get3A_1883 : vector<1x16xf32> to vector<16xf32>
          %get3A_1885 = arith.index_cast %add3A_1878 : i32 to index
          %get3A_1886 = arith.constant 0 : index
          %get3A_1887 = tpu.vector_load %arg9[%get3A_1885, %get3A_1886] {strides = array<i32>} : memref<128x128xf32, #tpu.memory_space<vmem>>, vector<1x16xf32>,
          %get3A_1888 = vector.shape_cast %get3A_1887 : vector<1x16xf32> to vector<16xf32>
          %add3A_1889 = arith.addf %get3A_1884, %get3A_1888 : vector<16xf32>
          %mul3A_1890 = arith.mulf %add3A_1889, %add3A_1889 : vector<16xf32>
          %add3A_1891 = arith.addf %broadcast_in_dim3A_1880, %mul3A_1890 : vector<16xf32>
          %get3A_1892 = arith.index_cast %add3A_1878 : i32 to index
          %get3A_1893 = arith.constant 16 : index
          %get3A_1894 = tpu.vector_load %arg7[%get3A_1892, %get3A_1893] {strides = array<i32>} : memref<128x128xf32, #tpu.memory_space<vmem>>, vector<1x16xf32>,
          %get3A_1895 = vector.shape_cast %get3A_1894 : vector<1x16xf32> to vector<16xf32>
          %get3A_1896 = arith.index_cast %add3A_1878 : i32 to index
          %get3A_1897 = arith.constant 16 : index
          %get3A_1898 = tpu.vector_load %arg9[%get3A_1896, %get3A_1897] {strides = array<i32>} : memref<128x128xf32, #tpu.memory_space<vmem>>, vector<1x16xf32>,
          %get3A_1899 = vector.shape_cast %get3A_1898 : vector<1x16xf32> to vector<16xf32>
          %add3A_1900 = arith.addf %get3A_1895, %get3A_1899 : vector<16xf32>
          %mul3A_1901 = arith.mulf %add3A_1900, %add3A_1900 : vector<16xf32>
          %add3A_1902 = arith.addf %add3A_1891, %mul3A_1901 : vector<16xf32>
          %get3A_1903 = arith.index_cast %add3A_1878 : i32 to index
          %get3A_1904 = arith.constant 32 : index
          %get3A_1905 = tpu.vector_load %arg7[%get3A_1903, %get3A_1904] {strides = array<i32>} : memref<128x128xf32, #tpu.memory_space<vmem>>, vector<1x16xf32>,
          %get3A_1906 = vector.shape_cast %get3A_1905 : vector<1x16xf32> to vector<16xf32>
          %get3A_1907 = arith.index_cast %add3A_1878 : i32 to index
          %get3A_1908 = arith.constant 32 : index
          %get3A_1909 = tpu.vector_load %arg9[%get3A_1907, %get3A_1908] {strides = array<i32>} : memref<128x128xf32, #tpu.memory_space<vmem>>, vector<1x16xf32>,
          %get3A_1910 = vector.shape_cast %get3A_1909 : vector<1x16xf32> to vector<16xf32>
          %add3A_1911 = arith.addf %get3A_1906, %get3A_1910 : vector<16xf32>
          %mul3A_1912 = arith.mulf %add3A_1911, %add3A_1911 : vector<16xf32>
          %add3A_1913 = arith.addf %add3A_1902, %mul3A_1912 : vector<16xf32>
          %get3A_1914 = arith.index_cast %add3A_1878 : i32 to index
          %get3A_1915 = arith.constant 48 : index
          %get3A_1916 = tpu.vector_load %arg7[%get3A_1914, %get3A_1915] {strides = array<i32>} : memref<128x128xf32, #tpu.memory_space<vmem>>, vector<1x16xf32>,
          %get3A_1917 = vector.shape_cast %get3A_1916 : vector<1x16xf32> to vector<16xf32>
          %get3A_1918 = arith.index_cast %add3A_1878 : i32 to index
          %get3A_1919 = arith.constant 48 : index
          %get3A_1920 = tpu.vector_load %arg9[%get3A_1918, %get3A_1919] {strides = array<i32>} : memref<128x128xf32, #tpu.memory_space<vmem>>, vector<1x16xf32>,
          %get3A_1921 = vector.shape_cast %get3A_1920 : vector<1x16xf32> to vector<16xf32>
          %add3A_1922 = arith.addf %get3A_1917, %get3A_1921 : vector<16xf32>
          %mul3A_1923 = arith.mulf %add3A_1922, %add3A_1922 : vector<16xf32>
          %add3A_1924 = arith.addf %add3A_1913, %mul3A_1923 : vector<16xf32>
          %get3A_1925 = arith.index_cast %add3A_1878 : i32 to index
          %get3A_1926 = arith.constant 64 : index
          %get3A_1927 = tpu.vector_load %arg7[%get3A_1925, %get3A_1926] {strides = array<i32>} : memref<128x128xf32, #tpu.memory_space<vmem>>, vector<1x16xf32>,
          %get3A_1928 = vector.shape_cast %get3A_1927 : vector<1x16xf32> to vector<16xf32>
          %get3A_1929 = arith.index_cast %add3A_1878 : i32 to index
          %get3A_1930 = arith.constant 64 : index
          %get3A_1931 = tpu.vector_load %arg9[%get3A_1929, %get3A_1930] {strides = array<i32>} : memref<128x128xf32, #tpu.memory_space<vmem>>, vector<1x16xf32>,
          %get3A_1932 = vector.shape_cast %get3A_1931 : vector<1x16xf32> to vector<16xf32>
          %add3A_1933 = arith.addf %get3A_1928, %get3A_1932 : vector<16xf32>
          %mul3A_1934 = arith.mulf %add3A_1933, %add3A_1933 : vector<16xf32>
          %add3A_1935 = arith.addf %add3A_1924, %mul3A_1934 : vector<16xf32>
          %get3A_1936 = arith.index_cast %add3A_1878 : i32 to index
          %get3A_1937 = arith.constant 80 : index
          %get3A_1938 = tpu.vector_load %arg7[%get3A_1936, %get3A_1937] {strides = array<i32>} : memref<128x128xf32, #tpu.memory_space<vmem>>, vector<1x16xf32>,
          %get3A_1939 = vector.shape_cast %get3A_1938 : vector<1x16xf32> to vector<16xf32>
          %get3A_1940 = arith.index_cast %add3A_1878 : i32 to index
          %get3A_1941 = arith.constant 80 : index
          %get3A_1942 = tpu.vector_load %arg9[%get3A_1940, %get3A_1941] {strides = array<i32>} : memref<128x128xf32, #tpu.memory_space<vmem>>, vector<1x16xf32>,
          %get3A_1943 = vector.shape_cast %get3A_1942 : vector<1x16xf32> to vector<16xf32>
          %add3A_1944 = arith.addf %get3A_1939, %get3A_1943 : vector<16xf32>
          %mul3A_1945 = arith.mulf %add3A_1944, %add3A_1944 : vector<16xf32>
          %add3A_1946 = arith.addf %add3A_1935, %mul3A_1945 : vector<16xf32>
          %get3A_1947 = arith.index_cast %add3A_1878 : i32 to index
          %get3A_1948 = arith.constant 96 : index
          %get3A_1949 = tpu.vector_load %arg7[%get3A_1947, %get3A_1948] {strides = array<i32>} : memref<128x128xf32, #tpu.memory_space<vmem>>, vector<1x16xf32>,
          %get3A_1950 = vector.shape_cast %get3A_1949 : vector<1x16xf32> to vector<16xf32>
          %get3A_1951 = arith.index_cast %add3A_1878 : i32 to index
          %get3A_1952 = arith.constant 96 : index
          %get3A_1953 = tpu.vector_load %arg9[%get3A_1951, %get3A_1952] {strides = array<i32>} : memref<128x128xf32, #tpu.memory_space<vmem>>, vector<1x16xf32>,
          %get3A_1954 = vector.shape_cast %get3A_1953 : vector<1x16xf32> to vector<16xf32>
          %add3A_1955 = arith.addf %get3A_1950, %get3A_1954 : vector<16xf32>
          %mul3A_1956 = arith.mulf %add3A_1955, %add3A_1955 : vector<16xf32>
          %add3A_1957 = arith.addf %add3A_1946, %mul3A_1956 : vector<16xf32>
          %get3A_1958 = arith.index_cast %add3A_1878 : i32 to index
          %get3A_1959 = arith.constant 112 : index
          %get3A_1960 = tpu.vector_load %arg7[%get3A_1958, %get3A_1959] {strides = array<i32>} : memref<128x128xf32, #tpu.memory_space<vmem>>, vector<1x16xf32>,
          %get3A_1961 = vector.shape_cast %get3A_1960 : vector<1x16xf32> to vector<16xf32>
          %get3A_1962 = arith.index_cast %add3A_1878 : i32 to index
          %get3A_1963 = arith.constant 112 : index
          %get3A_1964 = tpu.vector_load %arg9[%get3A_1962, %get3A_1963] {strides = array<i32>} : memref<128x128xf32, #tpu.memory_space<vmem>>, vector<1x16xf32>,
          %get3A_1965 = vector.shape_cast %get3A_1964 : vector<1x16xf32> to vector<16xf32>
          %add3A_1966 = arith.addf %get3A_1961, %get3A_1965 : vector<16xf32>
          %mul3A_1967 = arith.mulf %add3A_1966, %add3A_1966 : vector<16xf32>
          %add3A_1968 = arith.addf %add3A_1957, %mul3A_1967 : vector<16xf32>
          %rev3A_1969 = arith.constant 15 : i32
          %rev3A_1970 = vector.broadcast %rev3A_1969 : i32 to vector<16xi32>
          %rev3A_1971 = tpu.iota {dimensions = array<i32: 0>} : vector<16xi32>
          %rev3A_1972 = arith.subi %rev3A_1970, %rev3A_1971 : vector<16xi32>
          %rev3A_1973 = tpu.dynamic_gather %add3A_1968[%rev3A_1972] in [0] : vector<16xf32>, vector<16xi32> -> vector<16xf32>
          %add3A_1974 = arith.addf %add3A_1968, %rev3A_1973 : vector<16xf32>
          %slice3A_1975 = vector.extract_strided_slice %add3A_1974 {offsets = [0], sizes = [1], strides = [1]} : vector<16xf32> to vector<1xf32>
          %squeeze3A_1976 = vector.extract %slice3A_1975[0] : f32 from vector<1xf32>
          %slice3A_1977 = vector.extract_strided_slice %add3A_1974 {offsets = [1], sizes = [1], strides = [1]} : vector<16xf32> to vector<1xf32>
          %squeeze3A_1978 = vector.extract %slice3A_1977[0] : f32 from vector<1xf32>
          %slice3A_1979 = vector.extract_strided_slice %add3A_1974 {offsets = [2], sizes = [1], strides = [1]} : vector<16xf32> to vector<1xf32>
          %squeeze3A_1980 = vector.extract %slice3A_1979[0] : f32 from vector<1xf32>
          %slice3A_1981 = vector.extract_strided_slice %add3A_1974 {offsets = [3], sizes = [1], strides = [1]} : vector<16xf32> to vector<1xf32>
          %squeeze3A_1982 = vector.extract %slice3A_1981[0] : f32 from vector<1xf32>
          %slice3A_1983 = vector.extract_strided_slice %add3A_1974 {offsets = [4], sizes = [1], strides = [1]} : vector<16xf32> to vector<1xf32>
          %squeeze3A_1984 = vector.extract %slice3A_1983[0] : f32 from vector<1xf32>
          %slice3A_1985 = vector.extract_strided_slice %add3A_1974 {offsets = [5], sizes = [1], strides = [1]} : vector<16xf32> to vector<1xf32>
          %squeeze3A_1986 = vector.extract %slice3A_1985[0] : f32 from vector<1xf32>
          %slice3A_1987 = vector.extract_strided_slice %add3A_1974 {offsets = [6], sizes = [1], strides = [1]} : vector<16xf32> to vector<1xf32>
          %squeeze3A_1988 = vector.extract %slice3A_1987[0] : f32 from vector<1xf32>
          %slice3A_1989 = vector.extract_strided_slice %add3A_1974 {offsets = [7], sizes = [1], strides = [1]} : vector<16xf32> to vector<1xf32>
          %squeeze3A_1990 = vector.extract %slice3A_1989[0] : f32 from vector<1xf32>
          %add3A_1991 = arith.addf %squeeze3A_1976, %squeeze3A_1978 : f32
          %add3A_1992 = arith.addf %squeeze3A_1980, %squeeze3A_1982 : f32
          %add3A_1993 = arith.addf %squeeze3A_1984, %squeeze3A_1986 : f32
          %add3A_1994 = arith.addf %squeeze3A_1988, %squeeze3A_1990 : f32
          %add3A_1995 = arith.addf %add3A_1991, %add3A_1992 : f32
          %add3A_1996 = arith.addf %add3A_1993, %add3A_1994 : f32
          %add3A_1997 = arith.addf %add3A_1995, %add3A_1996 : f32
          %eq3A_1998 = arith.constant 14 : i32
          %eq3A_1999 = vector.broadcast %eq3A_1998 : i32 to vector<16xi32>
          %eq3A_2000 = arith.cmpi eq, %iota3A, %eq3A_1999 : vector<16xi32>
          %broadcast_in_dim3A_2001 = vector.broadcast %add3A_1997 : f32 to vector<16xf32>
          %select_n3A_2002 = arith.select %eq3A_2000, %broadcast_in_dim3A_2001, %select_n3A_1874 : vector<16xi1>, vector<16xf32>
          %mul3A_2003 = arith.constant 16 : i32
          %mul3A_2004 = arith.muli %scan3A_85, %mul3A_2003 : i32
          %add3A_2005 = arith.constant 15 : i32
          %add3A_2006 = arith.addi %mul3A_2004, %add3A_2005 : i32
          %broadcast_in_dim3A_2007 = arith.constant 0.000000e+00 : f32
          %broadcast_in_dim3A_2008 = vector.broadcast %broadcast_in_dim3A_2007 : f32 to vector<16xf32>
          %get3A_2009 = arith.index_cast %add3A_2006 : i32 to index
          %get3A_2010 = arith.constant 0 : index
          %get3A_2011 = tpu.vector_load %arg7[%get3A_2009, %get3A_2010] {strides = array<i32>} : memref<128x128xf32, #tpu.memory_space<vmem>>, vector<1x16xf32>,
          %get3A_2012 = vector.shape_cast %get3A_2011 : vector<1x16xf32> to vector<16xf32>
          %get3A_2013 = arith.index_cast %add3A_2006 : i32 to index
          %get3A_2014 = arith.constant 0 : index
          %get3A_2015 = tpu.vector_load %arg9[%get3A_2013, %get3A_2014] {strides = array<i32>} : memref<128x128xf32, #tpu.memory_space<vmem>>, vector<1x16xf32>,
          %get3A_2016 = vector.shape_cast %get3A_2015 : vector<1x16xf32> to vector<16xf32>
          %add3A_2017 = arith.addf %get3A_2012, %get3A_2016 : vector<16xf32>
          %mul3A_2018 = arith.mulf %add3A_2017, %add3A_2017 : vector<16xf32>
          %add3A_2019 = arith.addf %broadcast_in_dim3A_2008, %mul3A_2018 : vector<16xf32>
          %get3A_2020 = arith.index_cast %add3A_2006 : i32 to index
          %get3A_2021 = arith.constant 16 : index
          %get3A_2022 = tpu.vector_load %arg7[%get3A_2020, %get3A_2021] {strides = array<i32>} : memref<128x128xf32, #tpu.memory_space<vmem>>, vector<1x16xf32>,
          %get3A_2023 = vector.shape_cast %get3A_2022 : vector<1x16xf32> to vector<16xf32>
          %get3A_2024 = arith.index_cast %add3A_2006 : i32 to index
          %get3A_2025 = arith.constant 16 : index
          %get3A_2026 = tpu.vector_load %arg9[%get3A_2024, %get3A_2025] {strides = array<i32>} : memref<128x128xf32, #tpu.memory_space<vmem>>, vector<1x16xf32>,
          %get3A_2027 = vector.shape_cast %get3A_2026 : vector<1x16xf32> to vector<16xf32>
          %add3A_2028 = arith.addf %get3A_2023, %get3A_2027 : vector<16xf32>
          %mul3A_2029 = arith.mulf %add3A_2028, %add3A_2028 : vector<16xf32>
          %add3A_2030 = arith.addf %add3A_2019, %mul3A_2029 : vector<16xf32>
          %get3A_2031 = arith.index_cast %add3A_2006 : i32 to index
          %get3A_2032 = arith.constant 32 : index
          %get3A_2033 = tpu.vector_load %arg7[%get3A_2031, %get3A_2032] {strides = array<i32>} : memref<128x128xf32, #tpu.memory_space<vmem>>, vector<1x16xf32>,
          %get3A_2034 = vector.shape_cast %get3A_2033 : vector<1x16xf32> to vector<16xf32>
          %get3A_2035 = arith.index_cast %add3A_2006 : i32 to index
          %get3A_2036 = arith.constant 32 : index
          %get3A_2037 = tpu.vector_load %arg9[%get3A_2035, %get3A_2036] {strides = array<i32>} : memref<128x128xf32, #tpu.memory_space<vmem>>, vector<1x16xf32>,
          %get3A_2038 = vector.shape_cast %get3A_2037 : vector<1x16xf32> to vector<16xf32>
          %add3A_2039 = arith.addf %get3A_2034, %get3A_2038 : vector<16xf32>
          %mul3A_2040 = arith.mulf %add3A_2039, %add3A_2039 : vector<16xf32>
          %add3A_2041 = arith.addf %add3A_2030, %mul3A_2040 : vector<16xf32>
          %get3A_2042 = arith.index_cast %add3A_2006 : i32 to index
          %get3A_2043 = arith.constant 48 : index
          %get3A_2044 = tpu.vector_load %arg7[%get3A_2042, %get3A_2043] {strides = array<i32>} : memref<128x128xf32, #tpu.memory_space<vmem>>, vector<1x16xf32>,
          %get3A_2045 = vector.shape_cast %get3A_2044 : vector<1x16xf32> to vector<16xf32>
          %get3A_2046 = arith.index_cast %add3A_2006 : i32 to index
          %get3A_2047 = arith.constant 48 : index
          %get3A_2048 = tpu.vector_load %arg9[%get3A_2046, %get3A_2047] {strides = array<i32>} : memref<128x128xf32, #tpu.memory_space<vmem>>, vector<1x16xf32>,
          %get3A_2049 = vector.shape_cast %get3A_2048 : vector<1x16xf32> to vector<16xf32>
          %add3A_2050 = arith.addf %get3A_2045, %get3A_2049 : vector<16xf32>
          %mul3A_2051 = arith.mulf %add3A_2050, %add3A_2050 : vector<16xf32>
          %add3A_2052 = arith.addf %add3A_2041, %mul3A_2051 : vector<16xf32>
          %get3A_2053 = arith.index_cast %add3A_2006 : i32 to index
          %get3A_2054 = arith.constant 64 : index
          %get3A_2055 = tpu.vector_load %arg7[%get3A_2053, %get3A_2054] {strides = array<i32>} : memref<128x128xf32, #tpu.memory_space<vmem>>, vector<1x16xf32>,
          %get3A_2056 = vector.shape_cast %get3A_2055 : vector<1x16xf32> to vector<16xf32>
          %get3A_2057 = arith.index_cast %add3A_2006 : i32 to index
          %get3A_2058 = arith.constant 64 : index
          %get3A_2059 = tpu.vector_load %arg9[%get3A_2057, %get3A_2058] {strides = array<i32>} : memref<128x128xf32, #tpu.memory_space<vmem>>, vector<1x16xf32>,
          %get3A_2060 = vector.shape_cast %get3A_2059 : vector<1x16xf32> to vector<16xf32>
          %add3A_2061 = arith.addf %get3A_2056, %get3A_2060 : vector<16xf32>
          %mul3A_2062 = arith.mulf %add3A_2061, %add3A_2061 : vector<16xf32>
          %add3A_2063 = arith.addf %add3A_2052, %mul3A_2062 : vector<16xf32>
          %get3A_2064 = arith.index_cast %add3A_2006 : i32 to index
          %get3A_2065 = arith.constant 80 : index
          %get3A_2066 = tpu.vector_load %arg7[%get3A_2064, %get3A_2065] {strides = array<i32>} : memref<128x128xf32, #tpu.memory_space<vmem>>, vector<1x16xf32>,
          %get3A_2067 = vector.shape_cast %get3A_2066 : vector<1x16xf32> to vector<16xf32>
          %get3A_2068 = arith.index_cast %add3A_2006 : i32 to index
          %get3A_2069 = arith.constant 80 : index
          %get3A_2070 = tpu.vector_load %arg9[%get3A_2068, %get3A_2069] {strides = array<i32>} : memref<128x128xf32, #tpu.memory_space<vmem>>, vector<1x16xf32>,
          %get3A_2071 = vector.shape_cast %get3A_2070 : vector<1x16xf32> to vector<16xf32>
          %add3A_2072 = arith.addf %get3A_2067, %get3A_2071 : vector<16xf32>
          %mul3A_2073 = arith.mulf %add3A_2072, %add3A_2072 : vector<16xf32>
          %add3A_2074 = arith.addf %add3A_2063, %mul3A_2073 : vector<16xf32>
          %get3A_2075 = arith.index_cast %add3A_2006 : i32 to index
          %get3A_2076 = arith.constant 96 : index
          %get3A_2077 = tpu.vector_load %arg7[%get3A_2075, %get3A_2076] {strides = array<i32>} : memref<128x128xf32, #tpu.memory_space<vmem>>, vector<1x16xf32>,
          %get3A_2078 = vector.shape_cast %get3A_2077 : vector<1x16xf32> to vector<16xf32>
          %get3A_2079 = arith.index_cast %add3A_2006 : i32 to index
          %get3A_2080 = arith.constant 96 : index
          %get3A_2081 = tpu.vector_load %arg9[%get3A_2079, %get3A_2080] {strides = array<i32>} : memref<128x128xf32, #tpu.memory_space<vmem>>, vector<1x16xf32>,
          %get3A_2082 = vector.shape_cast %get3A_2081 : vector<1x16xf32> to vector<16xf32>
          %add3A_2083 = arith.addf %get3A_2078, %get3A_2082 : vector<16xf32>
          %mul3A_2084 = arith.mulf %add3A_2083, %add3A_2083 : vector<16xf32>
          %add3A_2085 = arith.addf %add3A_2074, %mul3A_2084 : vector<16xf32>
          %get3A_2086 = arith.index_cast %add3A_2006 : i32 to index
          %get3A_2087 = arith.constant 112 : index
          %get3A_2088 = tpu.vector_load %arg7[%get3A_2086, %get3A_2087] {strides = array<i32>} : memref<128x128xf32, #tpu.memory_space<vmem>>, vector<1x16xf32>,
          %get3A_2089 = vector.shape_cast %get3A_2088 : vector<1x16xf32> to vector<16xf32>
          %get3A_2090 = arith.index_cast %add3A_2006 : i32 to index
          %get3A_2091 = arith.constant 112 : index
          %get3A_2092 = tpu.vector_load %arg9[%get3A_2090, %get3A_2091] {strides = array<i32>} : memref<128x128xf32, #tpu.memory_space<vmem>>, vector<1x16xf32>,
          %get3A_2093 = vector.shape_cast %get3A_2092 : vector<1x16xf32> to vector<16xf32>
          %add3A_2094 = arith.addf %get3A_2089, %get3A_2093 : vector<16xf32>
          %mul3A_2095 = arith.mulf %add3A_2094, %add3A_2094 : vector<16xf32>
          %add3A_2096 = arith.addf %add3A_2085, %mul3A_2095 : vector<16xf32>
          %rev3A_2097 = arith.constant 15 : i32
          %rev3A_2098 = vector.broadcast %rev3A_2097 : i32 to vector<16xi32>
          %rev3A_2099 = tpu.iota {dimensions = array<i32: 0>} : vector<16xi32>
          %rev3A_2100 = arith.subi %rev3A_2098, %rev3A_2099 : vector<16xi32>
          %rev3A_2101 = tpu.dynamic_gather %add3A_2096[%rev3A_2100] in [0] : vector<16xf32>, vector<16xi32> -> vector<16xf32>
          %add3A_2102 = arith.addf %add3A_2096, %rev3A_2101 : vector<16xf32>
          %slice3A_2103 = vector.extract_strided_slice %add3A_2102 {offsets = [0], sizes = [1], strides = [1]} : vector<16xf32> to vector<1xf32>
          %squeeze3A_2104 = vector.extract %slice3A_2103[0] : f32 from vector<1xf32>
          %slice3A_2105 = vector.extract_strided_slice %add3A_2102 {offsets = [1], sizes = [1], strides = [1]} : vector<16xf32> to vector<1xf32>
          %squeeze3A_2106 = vector.extract %slice3A_2105[0] : f32 from vector<1xf32>
          %slice3A_2107 = vector.extract_strided_slice %add3A_2102 {offsets = [2], sizes = [1], strides = [1]} : vector<16xf32> to vector<1xf32>
          %squeeze3A_2108 = vector.extract %slice3A_2107[0] : f32 from vector<1xf32>
          %slice3A_2109 = vector.extract_strided_slice %add3A_2102 {offsets = [3], sizes = [1], strides = [1]} : vector<16xf32> to vector<1xf32>
          %squeeze3A_2110 = vector.extract %slice3A_2109[0] : f32 from vector<1xf32>
          %slice3A_2111 = vector.extract_strided_slice %add3A_2102 {offsets = [4], sizes = [1], strides = [1]} : vector<16xf32> to vector<1xf32>
          %squeeze3A_2112 = vector.extract %slice3A_2111[0] : f32 from vector<1xf32>
          %slice3A_2113 = vector.extract_strided_slice %add3A_2102 {offsets = [5], sizes = [1], strides = [1]} : vector<16xf32> to vector<1xf32>
          %squeeze3A_2114 = vector.extract %slice3A_2113[0] : f32 from vector<1xf32>
          %slice3A_2115 = vector.extract_strided_slice %add3A_2102 {offsets = [6], sizes = [1], strides = [1]} : vector<16xf32> to vector<1xf32>
          %squeeze3A_2116 = vector.extract %slice3A_2115[0] : f32 from vector<1xf32>
          %slice3A_2117 = vector.extract_strided_slice %add3A_2102 {offsets = [7], sizes = [1], strides = [1]} : vector<16xf32> to vector<1xf32>
          %squeeze3A_2118 = vector.extract %slice3A_2117[0] : f32 from vector<1xf32>
          %add3A_2119 = arith.addf %squeeze3A_2104, %squeeze3A_2106 : f32
          %add3A_2120 = arith.addf %squeeze3A_2108, %squeeze3A_2110 : f32
          %add3A_2121 = arith.addf %squeeze3A_2112, %squeeze3A_2114 : f32
          %add3A_2122 = arith.addf %squeeze3A_2116, %squeeze3A_2118 : f32
          %add3A_2123 = arith.addf %add3A_2119, %add3A_2120 : f32
          %add3A_2124 = arith.addf %add3A_2121, %add3A_2122 : f32
          %add3A_2125 = arith.addf %add3A_2123, %add3A_2124 : f32
          %eq3A_2126 = arith.constant 15 : i32
          %eq3A_2127 = vector.broadcast %eq3A_2126 : i32 to vector<16xi32>
          %eq3A_2128 = arith.cmpi eq, %iota3A, %eq3A_2127 : vector<16xi32>
          %broadcast_in_dim3A_2129 = vector.broadcast %add3A_2125 : f32 to vector<16xf32>
          %select_n3A_2130 = arith.select %eq3A_2128, %broadcast_in_dim3A_2129, %select_n3A_2002 : vector<16xi1>, vector<16xf32>
          %max3A = arith.constant 9.99999968E-21 : f32
          %max3A_2131 = vector.broadcast %max3A : f32 to vector<16xf32>
          %max3A_2132 = arith.maximumf %select_n3A_2130, %max3A_2131 : vector<16xf32>
          %bitcast_convert_type3A = tpu.bitcast %max3A_2132 : vector<16xf32> -> vector<16xi32>
          %shift_right_arithmetic3A = arith.constant 1 : i32
          %shift_right_arithmetic3A_2133 = vector.broadcast %shift_right_arithmetic3A : i32 to vector<16xi32>
          %shift_right_arithmetic3A_2134 = arith.shrsi %bitcast_convert_type3A, %shift_right_arithmetic3A_2133 : vector<16xi32>
          %sub3A = arith.constant 1597463007 : i32
          %sub3A_2135 = vector.broadcast %sub3A : i32 to vector<16xi32>
          %sub3A_2136 = arith.subi %sub3A_2135, %shift_right_arithmetic3A_2134 : vector<16xi32>
          %bitcast_convert_type3A_2137 = tpu.bitcast %sub3A_2136 : vector<16xi32> -> vector<16xf32>
          %mul3A_2138 = arith.constant 5.000000e-01 : f32
          %mul3A_2139 = vector.broadcast %mul3A_2138 : f32 to vector<16xf32>
          %mul3A_2140 = arith.mulf %mul3A_2139, %max3A_2132 : vector<16xf32>
          %mul3A_2141 = arith.mulf %mul3A_2140, %bitcast_convert_type3A_2137 : vector<16xf32>
          %mul3A_2142 = arith.mulf %mul3A_2141, %bitcast_convert_type3A_2137 : vector<16xf32>
          %sub3A_2143 = arith.constant 1.500000e+00 : f32
          %sub3A_2144 = vector.broadcast %sub3A_2143 : f32 to vector<16xf32>
          %sub3A_2145 = arith.subf %sub3A_2144, %mul3A_2142 : vector<16xf32>
          %mul3A_2146 = arith.mulf %bitcast_convert_type3A_2137, %sub3A_2145 : vector<16xf32>
          %mul3A_2147 = arith.constant 5.000000e-01 : f32
          %mul3A_2148 = vector.broadcast %mul3A_2147 : f32 to vector<16xf32>
          %mul3A_2149 = arith.mulf %mul3A_2148, %max3A_2132 : vector<16xf32>
          %mul3A_2150 = arith.mulf %mul3A_2149, %mul3A_2146 : vector<16xf32>
          %mul3A_2151 = arith.mulf %mul3A_2150, %mul3A_2146 : vector<16xf32>
          %sub3A_2152 = arith.constant 1.500000e+00 : f32
          %sub3A_2153 = vector.broadcast %sub3A_2152 : f32 to vector<16xf32>
          %sub3A_2154 = arith.subf %sub3A_2153, %mul3A_2151 : vector<16xf32>
          %mul3A_2155 = arith.mulf %mul3A_2146, %sub3A_2154 : vector<16xf32>
          %mul3A_2156 = arith.constant 5.000000e-01 : f32
          %mul3A_2157 = vector.broadcast %mul3A_2156 : f32 to vector<16xf32>
          %mul3A_2158 = arith.mulf %mul3A_2157, %max3A_2132 : vector<16xf32>
          %mul3A_2159 = arith.mulf %mul3A_2158, %mul3A_2155 : vector<16xf32>
          %mul3A_2160 = arith.mulf %mul3A_2159, %mul3A_2155 : vector<16xf32>
          %sub3A_2161 = arith.constant 1.500000e+00 : f32
          %sub3A_2162 = vector.broadcast %sub3A_2161 : f32 to vector<16xf32>
          %sub3A_2163 = arith.subf %sub3A_2162, %mul3A_2160 : vector<16xf32>
          %mul3A_2164 = arith.mulf %mul3A_2155, %sub3A_2163 : vector<16xf32>
          %mul3A_2165 = arith.constant -5.000000e-01 : f32
          %mul3A_2166 = vector.broadcast %mul3A_2165 : f32 to vector<16xf32>
          %mul3A_2167 = arith.mulf %mul3A_2166, %max3A_2132 : vector<16xf32>
          %mul3A_2168 = arith.mulf %mul3A_2167, %mul3A_2164 : vector<16xf32>
          %exp3A = math.exp %mul3A_2168 : vector<16xf32>
          %mul3A_2169 = arith.constant 128 : i32
          %mul3A_2170 = arith.muli %add3A_47, %mul3A_2169 : i32
          %mul3A_2171 = arith.constant 16 : i32
          %mul3A_2172 = arith.muli %scan3A_85, %mul3A_2171 : i32
          %add3A_2173 = arith.addi %mul3A_2170, %mul3A_2172 : i32
          %swap3A = arith.index_cast %add3A_2173 : i32 to index
          %swap3A_2174 = tpu.vector_load %arg11[%swap3A] {strides = array<i32>} : memref<10128xf32, #tpu.memory_space<vmem>>, vector<16xf32>,
          %swap3A_2175 = vector.shape_cast %swap3A_2174 : vector<16xf32> to vector<16xf32>
          %swap3A_2176 = vector.shape_cast %exp3A : vector<16xf32> to vector<16xf32>
          tpu.vector_store %arg11[%swap3A], %swap3A_2176 {strides = array<i32>} : memref<10128xf32, #tpu.memory_space<vmem>>, vector<16xf32>,
          %scan3A_2177 = arith.constant 0 : i32
          scf.yield %scan3A_2177 : i32
        }
        %scan3A_78 = arith.constant 8 : i32
        %add3A_79 = arith.constant 2 : i32
        %add3A_80 = arith.addi %add3A_47, %add3A_79 : i32
        %lt3A_81 = arith.cmpi slt, %add3A_80, %add3A_4 : i32
        %convert_element_type3A_82 = arith.extui %lt3A_81 : i1 to i32
        %cond3A_83 = arith.constant 0 : i32
        %cond3A_84 = arith.cmpi ne, %convert_element_type3A_82, %cond3A_83 : i32
        scf.if %cond3A_84 {
          %add3A_85 = arith.constant 2 : i32
          %add3A_86 = arith.addi %add3A_47, %add3A_85 : i32
          %mul3A_87 = arith.constant 128 : i32
          %mul3A_88 = arith.muli %add3A_86, %mul3A_87 : i32
          %dma_start3A = tpu.memref_slice %arg5[%mul3A_88] : memref<10112xi32, #tpu.memory_space<vmem>> -> memref<128xi32, #tpu.memory_space<vmem>>
          %dma_start3A_89 = arith.constant 0 : i32
          %dma_start3A_90 = arith.constant 0 : i32
          %dma_start3A_91 = tpu.memref_slice %arg2[%dma_start3A_89, %dma_start3A_90] : memref<20000x128xf32, #tpu.memory_space<hbm>> -> memref<20000x128xf32, #tpu.memory_space<hbm>>
          tpu.enqueue_indirect_dma source(%dma_start3A_91 : memref<20000x128xf32, #tpu.memory_space<hbm>>) target(%arg7 : memref<128x128xf32, #tpu.memory_space<vmem>>) offsets(%dma_start3A : memref<128xi32, #tpu.memory_space<vmem>>) semaphore(%arg14 : memref<!tpu.dma_semaphore, #tpu.memory_space<semaphore_mem>>)
          %mul3A_92 = arith.constant 128 : i32
          %mul3A_93 = arith.muli %add3A_86, %mul3A_92 : i32
          %dma_start3A_94 = tpu.memref_slice %arg6[%mul3A_93] : memref<10112xi32, #tpu.memory_space<vmem>> -> memref<128xi32, #tpu.memory_space<vmem>>
          %dma_start3A_95 = arith.constant 0 : i32
          %dma_start3A_96 = arith.constant 0 : i32
          %dma_start3A_97 = tpu.memref_slice %arg2[%dma_start3A_95, %dma_start3A_96] : memref<20000x128xf32, #tpu.memory_space<hbm>> -> memref<20000x128xf32, #tpu.memory_space<hbm>>
          tpu.enqueue_indirect_dma source(%dma_start3A_97 : memref<20000x128xf32, #tpu.memory_space<hbm>>) target(%arg9 : memref<128x128xf32, #tpu.memory_space<vmem>>) offsets(%dma_start3A_94 : memref<128xi32, #tpu.memory_space<vmem>>) semaphore(%arg14 : memref<!tpu.dma_semaphore, #tpu.memory_space<semaphore_mem>>)
        } else {
        }
      } else {
      }
      %mul3A_52 = arith.constant 2 : i32
      %mul3A_53 = arith.muli %mul3A_52, %scan3A_42 : i32
      %add3A_54 = arith.constant 1 : i32
      %add3A_55 = arith.addi %mul3A_53, %add3A_54 : i32
      %lt3A_56 = arith.cmpi slt, %add3A_55, %add3A_4 : i32
      %convert_element_type3A_57 = arith.extui %lt3A_56 : i1 to i32
      %cond3A_58 = arith.constant 0 : i32
      %cond3A_59 = arith.cmpi ne, %convert_element_type3A_57, %cond3A_58 : i32
      scf.if %cond3A_59 {
        %mul3A_61 = arith.constant 128 : i32
        %mul3A_62 = arith.muli %add3A_55, %mul3A_61 : i32
        %dma_wait3A = tpu.memref_slice %arg5[%mul3A_62] : memref<10112xi32, #tpu.memory_space<vmem>> -> memref<128xi32, #tpu.memory_space<vmem>>
        %dma_wait3A_63 = arith.constant 0 : i32
        %dma_wait3A_64 = arith.constant 0 : i32
        %dma_wait3A_65 = tpu.memref_slice %arg2[%dma_wait3A_63, %dma_wait3A_64] : memref<20000x128xf32, #tpu.memory_space<hbm>> -> memref<20000x128xf32, #tpu.memory_space<hbm>>
        tpu.wait_indirect_dma semaphore(%arg15 : memref<!tpu.dma_semaphore, #tpu.memory_space<semaphore_mem>>) src(%dma_wait3A_65 : memref<20000x128xf32, #tpu.memory_space<hbm>>) dst(%arg8 : memref<128x128xf32, #tpu.memory_space<vmem>>)
        %mul3A_66 = arith.constant 128 : i32
        %mul3A_67 = arith.muli %add3A_55, %mul3A_66 : i32
        %dma_wait3A_68 = tpu.memref_slice %arg6[%mul3A_67] : memref<10112xi32, #tpu.memory_space<vmem>> -> memref<128xi32, #tpu.memory_space<vmem>>
        %dma_wait3A_69 = arith.constant 0 : i32
        %dma_wait3A_70 = arith.constant 0 : i32
        %dma_wait3A_71 = tpu.memref_slice %arg2[%dma_wait3A_69, %dma_wait3A_70] : memref<20000x128xf32, #tpu.memory_space<hbm>> -> memref<20000x128xf32, #tpu.memory_space<hbm>>
        tpu.wait_indirect_dma semaphore(%arg15 : memref<!tpu.dma_semaphore, #tpu.memory_space<semaphore_mem>>) src(%dma_wait3A_71 : memref<20000x128xf32, #tpu.memory_space<hbm>>) dst(%arg10 : memref<128x128xf32, #tpu.memory_space<vmem>>)
        %iota3A = tpu.iota {dimensions = array<i32: 0>} : vector<16xi32>
        %scan3A_72 = arith.constant 0 : i32
        %scan3A_73 = arith.constant 0 : i32
        %scan3A_74 = arith.constant 8 : i32
        %scan3A_75 = arith.addi %scan3A_73, %scan3A_74 : i32
        %scan3A_76 = arith.constant 1 : i32
        %scan3A_77 = scf.for %scan3A_85 = %scan3A_73 to %scan3A_75 step %scan3A_76 iter_args(%scan3A_86 = %scan3A_72) -> (i32)  : i32 {
          %broadcast_in_dim3A = arith.constant 0.000000e+00 : f32
          %broadcast_in_dim3A_87 = vector.broadcast %broadcast_in_dim3A : f32 to vector<16xf32>
          %mul3A_88 = arith.constant 16 : i32
          %mul3A_89 = arith.muli %scan3A_85, %mul3A_88 : i32
          %add3A_90 = arith.constant 0 : i32
          %add3A_91 = arith.addi %mul3A_89, %add3A_90 : i32
          %broadcast_in_dim3A_92 = arith.constant 0.000000e+00 : f32
          %broadcast_in_dim3A_93 = vector.broadcast %broadcast_in_dim3A_92 : f32 to vector<16xf32>
          %get3A = arith.index_cast %add3A_91 : i32 to index
          %get3A_94 = arith.constant 0 : index
          %get3A_95 = tpu.vector_load %arg8[%get3A, %get3A_94] {strides = array<i32>} : memref<128x128xf32, #tpu.memory_space<vmem>>, vector<1x16xf32>,
          %get3A_96 = vector.shape_cast %get3A_95 : vector<1x16xf32> to vector<16xf32>
          %get3A_97 = arith.index_cast %add3A_91 : i32 to index
          %get3A_98 = arith.constant 0 : index
          %get3A_99 = tpu.vector_load %arg10[%get3A_97, %get3A_98] {strides = array<i32>} : memref<128x128xf32, #tpu.memory_space<vmem>>, vector<1x16xf32>,
          %get3A_100 = vector.shape_cast %get3A_99 : vector<1x16xf32> to vector<16xf32>
          %add3A_101 = arith.addf %get3A_96, %get3A_100 : vector<16xf32>
          %mul3A_102 = arith.mulf %add3A_101, %add3A_101 : vector<16xf32>
          %add3A_103 = arith.addf %broadcast_in_dim3A_93, %mul3A_102 : vector<16xf32>
          %get3A_104 = arith.index_cast %add3A_91 : i32 to index
          %get3A_105 = arith.constant 16 : index
          %get3A_106 = tpu.vector_load %arg8[%get3A_104, %get3A_105] {strides = array<i32>} : memref<128x128xf32, #tpu.memory_space<vmem>>, vector<1x16xf32>,
          %get3A_107 = vector.shape_cast %get3A_106 : vector<1x16xf32> to vector<16xf32>
          %get3A_108 = arith.index_cast %add3A_91 : i32 to index
          %get3A_109 = arith.constant 16 : index
          %get3A_110 = tpu.vector_load %arg10[%get3A_108, %get3A_109] {strides = array<i32>} : memref<128x128xf32, #tpu.memory_space<vmem>>, vector<1x16xf32>,
          %get3A_111 = vector.shape_cast %get3A_110 : vector<1x16xf32> to vector<16xf32>
          %add3A_112 = arith.addf %get3A_107, %get3A_111 : vector<16xf32>
          %mul3A_113 = arith.mulf %add3A_112, %add3A_112 : vector<16xf32>
          %add3A_114 = arith.addf %add3A_103, %mul3A_113 : vector<16xf32>
          %get3A_115 = arith.index_cast %add3A_91 : i32 to index
          %get3A_116 = arith.constant 32 : index
          %get3A_117 = tpu.vector_load %arg8[%get3A_115, %get3A_116] {strides = array<i32>} : memref<128x128xf32, #tpu.memory_space<vmem>>, vector<1x16xf32>,
          %get3A_118 = vector.shape_cast %get3A_117 : vector<1x16xf32> to vector<16xf32>
          %get3A_119 = arith.index_cast %add3A_91 : i32 to index
          %get3A_120 = arith.constant 32 : index
          %get3A_121 = tpu.vector_load %arg10[%get3A_119, %get3A_120] {strides = array<i32>} : memref<128x128xf32, #tpu.memory_space<vmem>>, vector<1x16xf32>,
          %get3A_122 = vector.shape_cast %get3A_121 : vector<1x16xf32> to vector<16xf32>
          %add3A_123 = arith.addf %get3A_118, %get3A_122 : vector<16xf32>
          %mul3A_124 = arith.mulf %add3A_123, %add3A_123 : vector<16xf32>
          %add3A_125 = arith.addf %add3A_114, %mul3A_124 : vector<16xf32>
          %get3A_126 = arith.index_cast %add3A_91 : i32 to index
          %get3A_127 = arith.constant 48 : index
          %get3A_128 = tpu.vector_load %arg8[%get3A_126, %get3A_127] {strides = array<i32>} : memref<128x128xf32, #tpu.memory_space<vmem>>, vector<1x16xf32>,
          %get3A_129 = vector.shape_cast %get3A_128 : vector<1x16xf32> to vector<16xf32>
          %get3A_130 = arith.index_cast %add3A_91 : i32 to index
          %get3A_131 = arith.constant 48 : index
          %get3A_132 = tpu.vector_load %arg10[%get3A_130, %get3A_131] {strides = array<i32>} : memref<128x128xf32, #tpu.memory_space<vmem>>, vector<1x16xf32>,
          %get3A_133 = vector.shape_cast %get3A_132 : vector<1x16xf32> to vector<16xf32>
          %add3A_134 = arith.addf %get3A_129, %get3A_133 : vector<16xf32>
          %mul3A_135 = arith.mulf %add3A_134, %add3A_134 : vector<16xf32>
          %add3A_136 = arith.addf %add3A_125, %mul3A_135 : vector<16xf32>
          %get3A_137 = arith.index_cast %add3A_91 : i32 to index
          %get3A_138 = arith.constant 64 : index
          %get3A_139 = tpu.vector_load %arg8[%get3A_137, %get3A_138] {strides = array<i32>} : memref<128x128xf32, #tpu.memory_space<vmem>>, vector<1x16xf32>,
          %get3A_140 = vector.shape_cast %get3A_139 : vector<1x16xf32> to vector<16xf32>
          %get3A_141 = arith.index_cast %add3A_91 : i32 to index
          %get3A_142 = arith.constant 64 : index
          %get3A_143 = tpu.vector_load %arg10[%get3A_141, %get3A_142] {strides = array<i32>} : memref<128x128xf32, #tpu.memory_space<vmem>>, vector<1x16xf32>,
          %get3A_144 = vector.shape_cast %get3A_143 : vector<1x16xf32> to vector<16xf32>
          %add3A_145 = arith.addf %get3A_140, %get3A_144 : vector<16xf32>
          %mul3A_146 = arith.mulf %add3A_145, %add3A_145 : vector<16xf32>
          %add3A_147 = arith.addf %add3A_136, %mul3A_146 : vector<16xf32>
          %get3A_148 = arith.index_cast %add3A_91 : i32 to index
          %get3A_149 = arith.constant 80 : index
          %get3A_150 = tpu.vector_load %arg8[%get3A_148, %get3A_149] {strides = array<i32>} : memref<128x128xf32, #tpu.memory_space<vmem>>, vector<1x16xf32>,
          %get3A_151 = vector.shape_cast %get3A_150 : vector<1x16xf32> to vector<16xf32>
          %get3A_152 = arith.index_cast %add3A_91 : i32 to index
          %get3A_153 = arith.constant 80 : index
          %get3A_154 = tpu.vector_load %arg10[%get3A_152, %get3A_153] {strides = array<i32>} : memref<128x128xf32, #tpu.memory_space<vmem>>, vector<1x16xf32>,
          %get3A_155 = vector.shape_cast %get3A_154 : vector<1x16xf32> to vector<16xf32>
          %add3A_156 = arith.addf %get3A_151, %get3A_155 : vector<16xf32>
          %mul3A_157 = arith.mulf %add3A_156, %add3A_156 : vector<16xf32>
          %add3A_158 = arith.addf %add3A_147, %mul3A_157 : vector<16xf32>
          %get3A_159 = arith.index_cast %add3A_91 : i32 to index
          %get3A_160 = arith.constant 96 : index
          %get3A_161 = tpu.vector_load %arg8[%get3A_159, %get3A_160] {strides = array<i32>} : memref<128x128xf32, #tpu.memory_space<vmem>>, vector<1x16xf32>,
          %get3A_162 = vector.shape_cast %get3A_161 : vector<1x16xf32> to vector<16xf32>
          %get3A_163 = arith.index_cast %add3A_91 : i32 to index
          %get3A_164 = arith.constant 96 : index
          %get3A_165 = tpu.vector_load %arg10[%get3A_163, %get3A_164] {strides = array<i32>} : memref<128x128xf32, #tpu.memory_space<vmem>>, vector<1x16xf32>,
          %get3A_166 = vector.shape_cast %get3A_165 : vector<1x16xf32> to vector<16xf32>
          %add3A_167 = arith.addf %get3A_162, %get3A_166 : vector<16xf32>
          %mul3A_168 = arith.mulf %add3A_167, %add3A_167 : vector<16xf32>
          %add3A_169 = arith.addf %add3A_158, %mul3A_168 : vector<16xf32>
          %get3A_170 = arith.index_cast %add3A_91 : i32 to index
          %get3A_171 = arith.constant 112 : index
          %get3A_172 = tpu.vector_load %arg8[%get3A_170, %get3A_171] {strides = array<i32>} : memref<128x128xf32, #tpu.memory_space<vmem>>, vector<1x16xf32>,
          %get3A_173 = vector.shape_cast %get3A_172 : vector<1x16xf32> to vector<16xf32>
          %get3A_174 = arith.index_cast %add3A_91 : i32 to index
          %get3A_175 = arith.constant 112 : index
          %get3A_176 = tpu.vector_load %arg10[%get3A_174, %get3A_175] {strides = array<i32>} : memref<128x128xf32, #tpu.memory_space<vmem>>, vector<1x16xf32>,
          %get3A_177 = vector.shape_cast %get3A_176 : vector<1x16xf32> to vector<16xf32>
          %add3A_178 = arith.addf %get3A_173, %get3A_177 : vector<16xf32>
          %mul3A_179 = arith.mulf %add3A_178, %add3A_178 : vector<16xf32>
          %add3A_180 = arith.addf %add3A_169, %mul3A_179 : vector<16xf32>
          %rev3A = arith.constant 15 : i32
          %rev3A_181 = vector.broadcast %rev3A : i32 to vector<16xi32>
          %rev3A_182 = tpu.iota {dimensions = array<i32: 0>} : vector<16xi32>
          %rev3A_183 = arith.subi %rev3A_181, %rev3A_182 : vector<16xi32>
          %rev3A_184 = tpu.dynamic_gather %add3A_180[%rev3A_183] in [0] : vector<16xf32>, vector<16xi32> -> vector<16xf32>
          %add3A_185 = arith.addf %add3A_180, %rev3A_184 : vector<16xf32>
          %slice3A = vector.extract_strided_slice %add3A_185 {offsets = [0], sizes = [1], strides = [1]} : vector<16xf32> to vector<1xf32>
          %squeeze3A = vector.extract %slice3A[0] : f32 from vector<1xf32>
          %slice3A_186 = vector.extract_strided_slice %add3A_185 {offsets = [1], sizes = [1], strides = [1]} : vector<16xf32> to vector<1xf32>
          %squeeze3A_187 = vector.extract %slice3A_186[0] : f32 from vector<1xf32>
          %slice3A_188 = vector.extract_strided_slice %add3A_185 {offsets = [2], sizes = [1], strides = [1]} : vector<16xf32> to vector<1xf32>
          %squeeze3A_189 = vector.extract %slice3A_188[0] : f32 from vector<1xf32>
          %slice3A_190 = vector.extract_strided_slice %add3A_185 {offsets = [3], sizes = [1], strides = [1]} : vector<16xf32> to vector<1xf32>
          %squeeze3A_191 = vector.extract %slice3A_190[0] : f32 from vector<1xf32>
          %slice3A_192 = vector.extract_strided_slice %add3A_185 {offsets = [4], sizes = [1], strides = [1]} : vector<16xf32> to vector<1xf32>
          %squeeze3A_193 = vector.extract %slice3A_192[0] : f32 from vector<1xf32>
          %slice3A_194 = vector.extract_strided_slice %add3A_185 {offsets = [5], sizes = [1], strides = [1]} : vector<16xf32> to vector<1xf32>
          %squeeze3A_195 = vector.extract %slice3A_194[0] : f32 from vector<1xf32>
          %slice3A_196 = vector.extract_strided_slice %add3A_185 {offsets = [6], sizes = [1], strides = [1]} : vector<16xf32> to vector<1xf32>
          %squeeze3A_197 = vector.extract %slice3A_196[0] : f32 from vector<1xf32>
          %slice3A_198 = vector.extract_strided_slice %add3A_185 {offsets = [7], sizes = [1], strides = [1]} : vector<16xf32> to vector<1xf32>
          %squeeze3A_199 = vector.extract %slice3A_198[0] : f32 from vector<1xf32>
          %add3A_200 = arith.addf %squeeze3A, %squeeze3A_187 : f32
          %add3A_201 = arith.addf %squeeze3A_189, %squeeze3A_191 : f32
          %add3A_202 = arith.addf %squeeze3A_193, %squeeze3A_195 : f32
          %add3A_203 = arith.addf %squeeze3A_197, %squeeze3A_199 : f32
          %add3A_204 = arith.addf %add3A_200, %add3A_201 : f32
          %add3A_205 = arith.addf %add3A_202, %add3A_203 : f32
          %add3A_206 = arith.addf %add3A_204, %add3A_205 : f32
          %eq3A = arith.constant 0 : i32
          %eq3A_207 = vector.broadcast %eq3A : i32 to vector<16xi32>
          %eq3A_208 = arith.cmpi eq, %iota3A, %eq3A_207 : vector<16xi32>
          %broadcast_in_dim3A_209 = vector.broadcast %add3A_206 : f32 to vector<16xf32>
          %select_n3A_210 = arith.select %eq3A_208, %broadcast_in_dim3A_209, %broadcast_in_dim3A_87 : vector<16xi1>, vector<16xf32>
          %mul3A_211 = arith.constant 16 : i32
          %mul3A_212 = arith.muli %scan3A_85, %mul3A_211 : i32
          %add3A_213 = arith.constant 1 : i32
          %add3A_214 = arith.addi %mul3A_212, %add3A_213 : i32
          %broadcast_in_dim3A_215 = arith.constant 0.000000e+00 : f32
          %broadcast_in_dim3A_216 = vector.broadcast %broadcast_in_dim3A_215 : f32 to vector<16xf32>
          %get3A_217 = arith.index_cast %add3A_214 : i32 to index
          %get3A_218 = arith.constant 0 : index
          %get3A_219 = tpu.vector_load %arg8[%get3A_217, %get3A_218] {strides = array<i32>} : memref<128x128xf32, #tpu.memory_space<vmem>>, vector<1x16xf32>,
          %get3A_220 = vector.shape_cast %get3A_219 : vector<1x16xf32> to vector<16xf32>
          %get3A_221 = arith.index_cast %add3A_214 : i32 to index
          %get3A_222 = arith.constant 0 : index
          %get3A_223 = tpu.vector_load %arg10[%get3A_221, %get3A_222] {strides = array<i32>} : memref<128x128xf32, #tpu.memory_space<vmem>>, vector<1x16xf32>,
          %get3A_224 = vector.shape_cast %get3A_223 : vector<1x16xf32> to vector<16xf32>
          %add3A_225 = arith.addf %get3A_220, %get3A_224 : vector<16xf32>
          %mul3A_226 = arith.mulf %add3A_225, %add3A_225 : vector<16xf32>
          %add3A_227 = arith.addf %broadcast_in_dim3A_216, %mul3A_226 : vector<16xf32>
          %get3A_228 = arith.index_cast %add3A_214 : i32 to index
          %get3A_229 = arith.constant 16 : index
          %get3A_230 = tpu.vector_load %arg8[%get3A_228, %get3A_229] {strides = array<i32>} : memref<128x128xf32, #tpu.memory_space<vmem>>, vector<1x16xf32>,
          %get3A_231 = vector.shape_cast %get3A_230 : vector<1x16xf32> to vector<16xf32>
          %get3A_232 = arith.index_cast %add3A_214 : i32 to index
          %get3A_233 = arith.constant 16 : index
          %get3A_234 = tpu.vector_load %arg10[%get3A_232, %get3A_233] {strides = array<i32>} : memref<128x128xf32, #tpu.memory_space<vmem>>, vector<1x16xf32>,
          %get3A_235 = vector.shape_cast %get3A_234 : vector<1x16xf32> to vector<16xf32>
          %add3A_236 = arith.addf %get3A_231, %get3A_235 : vector<16xf32>
          %mul3A_237 = arith.mulf %add3A_236, %add3A_236 : vector<16xf32>
          %add3A_238 = arith.addf %add3A_227, %mul3A_237 : vector<16xf32>
          %get3A_239 = arith.index_cast %add3A_214 : i32 to index
          %get3A_240 = arith.constant 32 : index
          %get3A_241 = tpu.vector_load %arg8[%get3A_239, %get3A_240] {strides = array<i32>} : memref<128x128xf32, #tpu.memory_space<vmem>>, vector<1x16xf32>,
          %get3A_242 = vector.shape_cast %get3A_241 : vector<1x16xf32> to vector<16xf32>
          %get3A_243 = arith.index_cast %add3A_214 : i32 to index
          %get3A_244 = arith.constant 32 : index
          %get3A_245 = tpu.vector_load %arg10[%get3A_243, %get3A_244] {strides = array<i32>} : memref<128x128xf32, #tpu.memory_space<vmem>>, vector<1x16xf32>,
          %get3A_246 = vector.shape_cast %get3A_245 : vector<1x16xf32> to vector<16xf32>
          %add3A_247 = arith.addf %get3A_242, %get3A_246 : vector<16xf32>
          %mul3A_248 = arith.mulf %add3A_247, %add3A_247 : vector<16xf32>
          %add3A_249 = arith.addf %add3A_238, %mul3A_248 : vector<16xf32>
          %get3A_250 = arith.index_cast %add3A_214 : i32 to index
          %get3A_251 = arith.constant 48 : index
          %get3A_252 = tpu.vector_load %arg8[%get3A_250, %get3A_251] {strides = array<i32>} : memref<128x128xf32, #tpu.memory_space<vmem>>, vector<1x16xf32>,
          %get3A_253 = vector.shape_cast %get3A_252 : vector<1x16xf32> to vector<16xf32>
          %get3A_254 = arith.index_cast %add3A_214 : i32 to index
          %get3A_255 = arith.constant 48 : index
          %get3A_256 = tpu.vector_load %arg10[%get3A_254, %get3A_255] {strides = array<i32>} : memref<128x128xf32, #tpu.memory_space<vmem>>, vector<1x16xf32>,
          %get3A_257 = vector.shape_cast %get3A_256 : vector<1x16xf32> to vector<16xf32>
          %add3A_258 = arith.addf %get3A_253, %get3A_257 : vector<16xf32>
          %mul3A_259 = arith.mulf %add3A_258, %add3A_258 : vector<16xf32>
          %add3A_260 = arith.addf %add3A_249, %mul3A_259 : vector<16xf32>
          %get3A_261 = arith.index_cast %add3A_214 : i32 to index
          %get3A_262 = arith.constant 64 : index
          %get3A_263 = tpu.vector_load %arg8[%get3A_261, %get3A_262] {strides = array<i32>} : memref<128x128xf32, #tpu.memory_space<vmem>>, vector<1x16xf32>,
          %get3A_264 = vector.shape_cast %get3A_263 : vector<1x16xf32> to vector<16xf32>
          %get3A_265 = arith.index_cast %add3A_214 : i32 to index
          %get3A_266 = arith.constant 64 : index
          %get3A_267 = tpu.vector_load %arg10[%get3A_265, %get3A_266] {strides = array<i32>} : memref<128x128xf32, #tpu.memory_space<vmem>>, vector<1x16xf32>,
          %get3A_268 = vector.shape_cast %get3A_267 : vector<1x16xf32> to vector<16xf32>
          %add3A_269 = arith.addf %get3A_264, %get3A_268 : vector<16xf32>
          %mul3A_270 = arith.mulf %add3A_269, %add3A_269 : vector<16xf32>
          %add3A_271 = arith.addf %add3A_260, %mul3A_270 : vector<16xf32>
          %get3A_272 = arith.index_cast %add3A_214 : i32 to index
          %get3A_273 = arith.constant 80 : index
          %get3A_274 = tpu.vector_load %arg8[%get3A_272, %get3A_273] {strides = array<i32>} : memref<128x128xf32, #tpu.memory_space<vmem>>, vector<1x16xf32>,
          %get3A_275 = vector.shape_cast %get3A_274 : vector<1x16xf32> to vector<16xf32>
          %get3A_276 = arith.index_cast %add3A_214 : i32 to index
          %get3A_277 = arith.constant 80 : index
          %get3A_278 = tpu.vector_load %arg10[%get3A_276, %get3A_277] {strides = array<i32>} : memref<128x128xf32, #tpu.memory_space<vmem>>, vector<1x16xf32>,
          %get3A_279 = vector.shape_cast %get3A_278 : vector<1x16xf32> to vector<16xf32>
          %add3A_280 = arith.addf %get3A_275, %get3A_279 : vector<16xf32>
          %mul3A_281 = arith.mulf %add3A_280, %add3A_280 : vector<16xf32>
          %add3A_282 = arith.addf %add3A_271, %mul3A_281 : vector<16xf32>
          %get3A_283 = arith.index_cast %add3A_214 : i32 to index
          %get3A_284 = arith.constant 96 : index
          %get3A_285 = tpu.vector_load %arg8[%get3A_283, %get3A_284] {strides = array<i32>} : memref<128x128xf32, #tpu.memory_space<vmem>>, vector<1x16xf32>,
          %get3A_286 = vector.shape_cast %get3A_285 : vector<1x16xf32> to vector<16xf32>
          %get3A_287 = arith.index_cast %add3A_214 : i32 to index
          %get3A_288 = arith.constant 96 : index
          %get3A_289 = tpu.vector_load %arg10[%get3A_287, %get3A_288] {strides = array<i32>} : memref<128x128xf32, #tpu.memory_space<vmem>>, vector<1x16xf32>,
          %get3A_290 = vector.shape_cast %get3A_289 : vector<1x16xf32> to vector<16xf32>
          %add3A_291 = arith.addf %get3A_286, %get3A_290 : vector<16xf32>
          %mul3A_292 = arith.mulf %add3A_291, %add3A_291 : vector<16xf32>
          %add3A_293 = arith.addf %add3A_282, %mul3A_292 : vector<16xf32>
          %get3A_294 = arith.index_cast %add3A_214 : i32 to index
          %get3A_295 = arith.constant 112 : index
          %get3A_296 = tpu.vector_load %arg8[%get3A_294, %get3A_295] {strides = array<i32>} : memref<128x128xf32, #tpu.memory_space<vmem>>, vector<1x16xf32>,
          %get3A_297 = vector.shape_cast %get3A_296 : vector<1x16xf32> to vector<16xf32>
          %get3A_298 = arith.index_cast %add3A_214 : i32 to index
          %get3A_299 = arith.constant 112 : index
          %get3A_300 = tpu.vector_load %arg10[%get3A_298, %get3A_299] {strides = array<i32>} : memref<128x128xf32, #tpu.memory_space<vmem>>, vector<1x16xf32>,
          %get3A_301 = vector.shape_cast %get3A_300 : vector<1x16xf32> to vector<16xf32>
          %add3A_302 = arith.addf %get3A_297, %get3A_301 : vector<16xf32>
          %mul3A_303 = arith.mulf %add3A_302, %add3A_302 : vector<16xf32>
          %add3A_304 = arith.addf %add3A_293, %mul3A_303 : vector<16xf32>
          %rev3A_305 = arith.constant 15 : i32
          %rev3A_306 = vector.broadcast %rev3A_305 : i32 to vector<16xi32>
          %rev3A_307 = tpu.iota {dimensions = array<i32: 0>} : vector<16xi32>
          %rev3A_308 = arith.subi %rev3A_306, %rev3A_307 : vector<16xi32>
          %rev3A_309 = tpu.dynamic_gather %add3A_304[%rev3A_308] in [0] : vector<16xf32>, vector<16xi32> -> vector<16xf32>
          %add3A_310 = arith.addf %add3A_304, %rev3A_309 : vector<16xf32>
          %slice3A_311 = vector.extract_strided_slice %add3A_310 {offsets = [0], sizes = [1], strides = [1]} : vector<16xf32> to vector<1xf32>
          %squeeze3A_312 = vector.extract %slice3A_311[0] : f32 from vector<1xf32>
          %slice3A_313 = vector.extract_strided_slice %add3A_310 {offsets = [1], sizes = [1], strides = [1]} : vector<16xf32> to vector<1xf32>
          %squeeze3A_314 = vector.extract %slice3A_313[0] : f32 from vector<1xf32>
          %slice3A_315 = vector.extract_strided_slice %add3A_310 {offsets = [2], sizes = [1], strides = [1]} : vector<16xf32> to vector<1xf32>
          %squeeze3A_316 = vector.extract %slice3A_315[0] : f32 from vector<1xf32>
          %slice3A_317 = vector.extract_strided_slice %add3A_310 {offsets = [3], sizes = [1], strides = [1]} : vector<16xf32> to vector<1xf32>
          %squeeze3A_318 = vector.extract %slice3A_317[0] : f32 from vector<1xf32>
          %slice3A_319 = vector.extract_strided_slice %add3A_310 {offsets = [4], sizes = [1], strides = [1]} : vector<16xf32> to vector<1xf32>
          %squeeze3A_320 = vector.extract %slice3A_319[0] : f32 from vector<1xf32>
          %slice3A_321 = vector.extract_strided_slice %add3A_310 {offsets = [5], sizes = [1], strides = [1]} : vector<16xf32> to vector<1xf32>
          %squeeze3A_322 = vector.extract %slice3A_321[0] : f32 from vector<1xf32>
          %slice3A_323 = vector.extract_strided_slice %add3A_310 {offsets = [6], sizes = [1], strides = [1]} : vector<16xf32> to vector<1xf32>
          %squeeze3A_324 = vector.extract %slice3A_323[0] : f32 from vector<1xf32>
          %slice3A_325 = vector.extract_strided_slice %add3A_310 {offsets = [7], sizes = [1], strides = [1]} : vector<16xf32> to vector<1xf32>
          %squeeze3A_326 = vector.extract %slice3A_325[0] : f32 from vector<1xf32>
          %add3A_327 = arith.addf %squeeze3A_312, %squeeze3A_314 : f32
          %add3A_328 = arith.addf %squeeze3A_316, %squeeze3A_318 : f32
          %add3A_329 = arith.addf %squeeze3A_320, %squeeze3A_322 : f32
          %add3A_330 = arith.addf %squeeze3A_324, %squeeze3A_326 : f32
          %add3A_331 = arith.addf %add3A_327, %add3A_328 : f32
          %add3A_332 = arith.addf %add3A_329, %add3A_330 : f32
          %add3A_333 = arith.addf %add3A_331, %add3A_332 : f32
          %eq3A_334 = arith.constant 1 : i32
          %eq3A_335 = vector.broadcast %eq3A_334 : i32 to vector<16xi32>
          %eq3A_336 = arith.cmpi eq, %iota3A, %eq3A_335 : vector<16xi32>
          %broadcast_in_dim3A_337 = vector.broadcast %add3A_333 : f32 to vector<16xf32>
          %select_n3A_338 = arith.select %eq3A_336, %broadcast_in_dim3A_337, %select_n3A_210 : vector<16xi1>, vector<16xf32>
          %mul3A_339 = arith.constant 16 : i32
          %mul3A_340 = arith.muli %scan3A_85, %mul3A_339 : i32
          %add3A_341 = arith.constant 2 : i32
          %add3A_342 = arith.addi %mul3A_340, %add3A_341 : i32
          %broadcast_in_dim3A_343 = arith.constant 0.000000e+00 : f32
          %broadcast_in_dim3A_344 = vector.broadcast %broadcast_in_dim3A_343 : f32 to vector<16xf32>
          %get3A_345 = arith.index_cast %add3A_342 : i32 to index
          %get3A_346 = arith.constant 0 : index
          %get3A_347 = tpu.vector_load %arg8[%get3A_345, %get3A_346] {strides = array<i32>} : memref<128x128xf32, #tpu.memory_space<vmem>>, vector<1x16xf32>,
          %get3A_348 = vector.shape_cast %get3A_347 : vector<1x16xf32> to vector<16xf32>
          %get3A_349 = arith.index_cast %add3A_342 : i32 to index
          %get3A_350 = arith.constant 0 : index
          %get3A_351 = tpu.vector_load %arg10[%get3A_349, %get3A_350] {strides = array<i32>} : memref<128x128xf32, #tpu.memory_space<vmem>>, vector<1x16xf32>,
          %get3A_352 = vector.shape_cast %get3A_351 : vector<1x16xf32> to vector<16xf32>
          %add3A_353 = arith.addf %get3A_348, %get3A_352 : vector<16xf32>
          %mul3A_354 = arith.mulf %add3A_353, %add3A_353 : vector<16xf32>
          %add3A_355 = arith.addf %broadcast_in_dim3A_344, %mul3A_354 : vector<16xf32>
          %get3A_356 = arith.index_cast %add3A_342 : i32 to index
          %get3A_357 = arith.constant 16 : index
          %get3A_358 = tpu.vector_load %arg8[%get3A_356, %get3A_357] {strides = array<i32>} : memref<128x128xf32, #tpu.memory_space<vmem>>, vector<1x16xf32>,
          %get3A_359 = vector.shape_cast %get3A_358 : vector<1x16xf32> to vector<16xf32>
          %get3A_360 = arith.index_cast %add3A_342 : i32 to index
          %get3A_361 = arith.constant 16 : index
          %get3A_362 = tpu.vector_load %arg10[%get3A_360, %get3A_361] {strides = array<i32>} : memref<128x128xf32, #tpu.memory_space<vmem>>, vector<1x16xf32>,
          %get3A_363 = vector.shape_cast %get3A_362 : vector<1x16xf32> to vector<16xf32>
          %add3A_364 = arith.addf %get3A_359, %get3A_363 : vector<16xf32>
          %mul3A_365 = arith.mulf %add3A_364, %add3A_364 : vector<16xf32>
          %add3A_366 = arith.addf %add3A_355, %mul3A_365 : vector<16xf32>
          %get3A_367 = arith.index_cast %add3A_342 : i32 to index
          %get3A_368 = arith.constant 32 : index
          %get3A_369 = tpu.vector_load %arg8[%get3A_367, %get3A_368] {strides = array<i32>} : memref<128x128xf32, #tpu.memory_space<vmem>>, vector<1x16xf32>,
          %get3A_370 = vector.shape_cast %get3A_369 : vector<1x16xf32> to vector<16xf32>
          %get3A_371 = arith.index_cast %add3A_342 : i32 to index
          %get3A_372 = arith.constant 32 : index
          %get3A_373 = tpu.vector_load %arg10[%get3A_371, %get3A_372] {strides = array<i32>} : memref<128x128xf32, #tpu.memory_space<vmem>>, vector<1x16xf32>,
          %get3A_374 = vector.shape_cast %get3A_373 : vector<1x16xf32> to vector<16xf32>
          %add3A_375 = arith.addf %get3A_370, %get3A_374 : vector<16xf32>
          %mul3A_376 = arith.mulf %add3A_375, %add3A_375 : vector<16xf32>
          %add3A_377 = arith.addf %add3A_366, %mul3A_376 : vector<16xf32>
          %get3A_378 = arith.index_cast %add3A_342 : i32 to index
          %get3A_379 = arith.constant 48 : index
          %get3A_380 = tpu.vector_load %arg8[%get3A_378, %get3A_379] {strides = array<i32>} : memref<128x128xf32, #tpu.memory_space<vmem>>, vector<1x16xf32>,
          %get3A_381 = vector.shape_cast %get3A_380 : vector<1x16xf32> to vector<16xf32>
          %get3A_382 = arith.index_cast %add3A_342 : i32 to index
          %get3A_383 = arith.constant 48 : index
          %get3A_384 = tpu.vector_load %arg10[%get3A_382, %get3A_383] {strides = array<i32>} : memref<128x128xf32, #tpu.memory_space<vmem>>, vector<1x16xf32>,
          %get3A_385 = vector.shape_cast %get3A_384 : vector<1x16xf32> to vector<16xf32>
          %add3A_386 = arith.addf %get3A_381, %get3A_385 : vector<16xf32>
          %mul3A_387 = arith.mulf %add3A_386, %add3A_386 : vector<16xf32>
          %add3A_388 = arith.addf %add3A_377, %mul3A_387 : vector<16xf32>
          %get3A_389 = arith.index_cast %add3A_342 : i32 to index
          %get3A_390 = arith.constant 64 : index
          %get3A_391 = tpu.vector_load %arg8[%get3A_389, %get3A_390] {strides = array<i32>} : memref<128x128xf32, #tpu.memory_space<vmem>>, vector<1x16xf32>,
          %get3A_392 = vector.shape_cast %get3A_391 : vector<1x16xf32> to vector<16xf32>
          %get3A_393 = arith.index_cast %add3A_342 : i32 to index
          %get3A_394 = arith.constant 64 : index
          %get3A_395 = tpu.vector_load %arg10[%get3A_393, %get3A_394] {strides = array<i32>} : memref<128x128xf32, #tpu.memory_space<vmem>>, vector<1x16xf32>,
          %get3A_396 = vector.shape_cast %get3A_395 : vector<1x16xf32> to vector<16xf32>
          %add3A_397 = arith.addf %get3A_392, %get3A_396 : vector<16xf32>
          %mul3A_398 = arith.mulf %add3A_397, %add3A_397 : vector<16xf32>
          %add3A_399 = arith.addf %add3A_388, %mul3A_398 : vector<16xf32>
          %get3A_400 = arith.index_cast %add3A_342 : i32 to index
          %get3A_401 = arith.constant 80 : index
          %get3A_402 = tpu.vector_load %arg8[%get3A_400, %get3A_401] {strides = array<i32>} : memref<128x128xf32, #tpu.memory_space<vmem>>, vector<1x16xf32>,
          %get3A_403 = vector.shape_cast %get3A_402 : vector<1x16xf32> to vector<16xf32>
          %get3A_404 = arith.index_cast %add3A_342 : i32 to index
          %get3A_405 = arith.constant 80 : index
          %get3A_406 = tpu.vector_load %arg10[%get3A_404, %get3A_405] {strides = array<i32>} : memref<128x128xf32, #tpu.memory_space<vmem>>, vector<1x16xf32>,
          %get3A_407 = vector.shape_cast %get3A_406 : vector<1x16xf32> to vector<16xf32>
          %add3A_408 = arith.addf %get3A_403, %get3A_407 : vector<16xf32>
          %mul3A_409 = arith.mulf %add3A_408, %add3A_408 : vector<16xf32>
          %add3A_410 = arith.addf %add3A_399, %mul3A_409 : vector<16xf32>
          %get3A_411 = arith.index_cast %add3A_342 : i32 to index
          %get3A_412 = arith.constant 96 : index
          %get3A_413 = tpu.vector_load %arg8[%get3A_411, %get3A_412] {strides = array<i32>} : memref<128x128xf32, #tpu.memory_space<vmem>>, vector<1x16xf32>,
          %get3A_414 = vector.shape_cast %get3A_413 : vector<1x16xf32> to vector<16xf32>
          %get3A_415 = arith.index_cast %add3A_342 : i32 to index
          %get3A_416 = arith.constant 96 : index
          %get3A_417 = tpu.vector_load %arg10[%get3A_415, %get3A_416] {strides = array<i32>} : memref<128x128xf32, #tpu.memory_space<vmem>>, vector<1x16xf32>,
          %get3A_418 = vector.shape_cast %get3A_417 : vector<1x16xf32> to vector<16xf32>
          %add3A_419 = arith.addf %get3A_414, %get3A_418 : vector<16xf32>
          %mul3A_420 = arith.mulf %add3A_419, %add3A_419 : vector<16xf32>
          %add3A_421 = arith.addf %add3A_410, %mul3A_420 : vector<16xf32>
          %get3A_422 = arith.index_cast %add3A_342 : i32 to index
          %get3A_423 = arith.constant 112 : index
          %get3A_424 = tpu.vector_load %arg8[%get3A_422, %get3A_423] {strides = array<i32>} : memref<128x128xf32, #tpu.memory_space<vmem>>, vector<1x16xf32>,
          %get3A_425 = vector.shape_cast %get3A_424 : vector<1x16xf32> to vector<16xf32>
          %get3A_426 = arith.index_cast %add3A_342 : i32 to index
          %get3A_427 = arith.constant 112 : index
          %get3A_428 = tpu.vector_load %arg10[%get3A_426, %get3A_427] {strides = array<i32>} : memref<128x128xf32, #tpu.memory_space<vmem>>, vector<1x16xf32>,
          %get3A_429 = vector.shape_cast %get3A_428 : vector<1x16xf32> to vector<16xf32>
          %add3A_430 = arith.addf %get3A_425, %get3A_429 : vector<16xf32>
          %mul3A_431 = arith.mulf %add3A_430, %add3A_430 : vector<16xf32>
          %add3A_432 = arith.addf %add3A_421, %mul3A_431 : vector<16xf32>
          %rev3A_433 = arith.constant 15 : i32
          %rev3A_434 = vector.broadcast %rev3A_433 : i32 to vector<16xi32>
          %rev3A_435 = tpu.iota {dimensions = array<i32: 0>} : vector<16xi32>
          %rev3A_436 = arith.subi %rev3A_434, %rev3A_435 : vector<16xi32>
          %rev3A_437 = tpu.dynamic_gather %add3A_432[%rev3A_436] in [0] : vector<16xf32>, vector<16xi32> -> vector<16xf32>
          %add3A_438 = arith.addf %add3A_432, %rev3A_437 : vector<16xf32>
          %slice3A_439 = vector.extract_strided_slice %add3A_438 {offsets = [0], sizes = [1], strides = [1]} : vector<16xf32> to vector<1xf32>
          %squeeze3A_440 = vector.extract %slice3A_439[0] : f32 from vector<1xf32>
          %slice3A_441 = vector.extract_strided_slice %add3A_438 {offsets = [1], sizes = [1], strides = [1]} : vector<16xf32> to vector<1xf32>
          %squeeze3A_442 = vector.extract %slice3A_441[0] : f32 from vector<1xf32>
          %slice3A_443 = vector.extract_strided_slice %add3A_438 {offsets = [2], sizes = [1], strides = [1]} : vector<16xf32> to vector<1xf32>
          %squeeze3A_444 = vector.extract %slice3A_443[0] : f32 from vector<1xf32>
          %slice3A_445 = vector.extract_strided_slice %add3A_438 {offsets = [3], sizes = [1], strides = [1]} : vector<16xf32> to vector<1xf32>
          %squeeze3A_446 = vector.extract %slice3A_445[0] : f32 from vector<1xf32>
          %slice3A_447 = vector.extract_strided_slice %add3A_438 {offsets = [4], sizes = [1], strides = [1]} : vector<16xf32> to vector<1xf32>
          %squeeze3A_448 = vector.extract %slice3A_447[0] : f32 from vector<1xf32>
          %slice3A_449 = vector.extract_strided_slice %add3A_438 {offsets = [5], sizes = [1], strides = [1]} : vector<16xf32> to vector<1xf32>
          %squeeze3A_450 = vector.extract %slice3A_449[0] : f32 from vector<1xf32>
          %slice3A_451 = vector.extract_strided_slice %add3A_438 {offsets = [6], sizes = [1], strides = [1]} : vector<16xf32> to vector<1xf32>
          %squeeze3A_452 = vector.extract %slice3A_451[0] : f32 from vector<1xf32>
          %slice3A_453 = vector.extract_strided_slice %add3A_438 {offsets = [7], sizes = [1], strides = [1]} : vector<16xf32> to vector<1xf32>
          %squeeze3A_454 = vector.extract %slice3A_453[0] : f32 from vector<1xf32>
          %add3A_455 = arith.addf %squeeze3A_440, %squeeze3A_442 : f32
          %add3A_456 = arith.addf %squeeze3A_444, %squeeze3A_446 : f32
          %add3A_457 = arith.addf %squeeze3A_448, %squeeze3A_450 : f32
          %add3A_458 = arith.addf %squeeze3A_452, %squeeze3A_454 : f32
          %add3A_459 = arith.addf %add3A_455, %add3A_456 : f32
          %add3A_460 = arith.addf %add3A_457, %add3A_458 : f32
          %add3A_461 = arith.addf %add3A_459, %add3A_460 : f32
          %eq3A_462 = arith.constant 2 : i32
          %eq3A_463 = vector.broadcast %eq3A_462 : i32 to vector<16xi32>
          %eq3A_464 = arith.cmpi eq, %iota3A, %eq3A_463 : vector<16xi32>
          %broadcast_in_dim3A_465 = vector.broadcast %add3A_461 : f32 to vector<16xf32>
          %select_n3A_466 = arith.select %eq3A_464, %broadcast_in_dim3A_465, %select_n3A_338 : vector<16xi1>, vector<16xf32>
          %mul3A_467 = arith.constant 16 : i32
          %mul3A_468 = arith.muli %scan3A_85, %mul3A_467 : i32
          %add3A_469 = arith.constant 3 : i32
          %add3A_470 = arith.addi %mul3A_468, %add3A_469 : i32
          %broadcast_in_dim3A_471 = arith.constant 0.000000e+00 : f32
          %broadcast_in_dim3A_472 = vector.broadcast %broadcast_in_dim3A_471 : f32 to vector<16xf32>
          %get3A_473 = arith.index_cast %add3A_470 : i32 to index
          %get3A_474 = arith.constant 0 : index
          %get3A_475 = tpu.vector_load %arg8[%get3A_473, %get3A_474] {strides = array<i32>} : memref<128x128xf32, #tpu.memory_space<vmem>>, vector<1x16xf32>,
          %get3A_476 = vector.shape_cast %get3A_475 : vector<1x16xf32> to vector<16xf32>
          %get3A_477 = arith.index_cast %add3A_470 : i32 to index
          %get3A_478 = arith.constant 0 : index
          %get3A_479 = tpu.vector_load %arg10[%get3A_477, %get3A_478] {strides = array<i32>} : memref<128x128xf32, #tpu.memory_space<vmem>>, vector<1x16xf32>,
          %get3A_480 = vector.shape_cast %get3A_479 : vector<1x16xf32> to vector<16xf32>
          %add3A_481 = arith.addf %get3A_476, %get3A_480 : vector<16xf32>
          %mul3A_482 = arith.mulf %add3A_481, %add3A_481 : vector<16xf32>
          %add3A_483 = arith.addf %broadcast_in_dim3A_472, %mul3A_482 : vector<16xf32>
          %get3A_484 = arith.index_cast %add3A_470 : i32 to index
          %get3A_485 = arith.constant 16 : index
          %get3A_486 = tpu.vector_load %arg8[%get3A_484, %get3A_485] {strides = array<i32>} : memref<128x128xf32, #tpu.memory_space<vmem>>, vector<1x16xf32>,
          %get3A_487 = vector.shape_cast %get3A_486 : vector<1x16xf32> to vector<16xf32>
          %get3A_488 = arith.index_cast %add3A_470 : i32 to index
          %get3A_489 = arith.constant 16 : index
          %get3A_490 = tpu.vector_load %arg10[%get3A_488, %get3A_489] {strides = array<i32>} : memref<128x128xf32, #tpu.memory_space<vmem>>, vector<1x16xf32>,
          %get3A_491 = vector.shape_cast %get3A_490 : vector<1x16xf32> to vector<16xf32>
          %add3A_492 = arith.addf %get3A_487, %get3A_491 : vector<16xf32>
          %mul3A_493 = arith.mulf %add3A_492, %add3A_492 : vector<16xf32>
          %add3A_494 = arith.addf %add3A_483, %mul3A_493 : vector<16xf32>
          %get3A_495 = arith.index_cast %add3A_470 : i32 to index
          %get3A_496 = arith.constant 32 : index
          %get3A_497 = tpu.vector_load %arg8[%get3A_495, %get3A_496] {strides = array<i32>} : memref<128x128xf32, #tpu.memory_space<vmem>>, vector<1x16xf32>,
          %get3A_498 = vector.shape_cast %get3A_497 : vector<1x16xf32> to vector<16xf32>
          %get3A_499 = arith.index_cast %add3A_470 : i32 to index
          %get3A_500 = arith.constant 32 : index
          %get3A_501 = tpu.vector_load %arg10[%get3A_499, %get3A_500] {strides = array<i32>} : memref<128x128xf32, #tpu.memory_space<vmem>>, vector<1x16xf32>,
          %get3A_502 = vector.shape_cast %get3A_501 : vector<1x16xf32> to vector<16xf32>
          %add3A_503 = arith.addf %get3A_498, %get3A_502 : vector<16xf32>
          %mul3A_504 = arith.mulf %add3A_503, %add3A_503 : vector<16xf32>
          %add3A_505 = arith.addf %add3A_494, %mul3A_504 : vector<16xf32>
          %get3A_506 = arith.index_cast %add3A_470 : i32 to index
          %get3A_507 = arith.constant 48 : index
          %get3A_508 = tpu.vector_load %arg8[%get3A_506, %get3A_507] {strides = array<i32>} : memref<128x128xf32, #tpu.memory_space<vmem>>, vector<1x16xf32>,
          %get3A_509 = vector.shape_cast %get3A_508 : vector<1x16xf32> to vector<16xf32>
          %get3A_510 = arith.index_cast %add3A_470 : i32 to index
          %get3A_511 = arith.constant 48 : index
          %get3A_512 = tpu.vector_load %arg10[%get3A_510, %get3A_511] {strides = array<i32>} : memref<128x128xf32, #tpu.memory_space<vmem>>, vector<1x16xf32>,
          %get3A_513 = vector.shape_cast %get3A_512 : vector<1x16xf32> to vector<16xf32>
          %add3A_514 = arith.addf %get3A_509, %get3A_513 : vector<16xf32>
          %mul3A_515 = arith.mulf %add3A_514, %add3A_514 : vector<16xf32>
          %add3A_516 = arith.addf %add3A_505, %mul3A_515 : vector<16xf32>
          %get3A_517 = arith.index_cast %add3A_470 : i32 to index
          %get3A_518 = arith.constant 64 : index
          %get3A_519 = tpu.vector_load %arg8[%get3A_517, %get3A_518] {strides = array<i32>} : memref<128x128xf32, #tpu.memory_space<vmem>>, vector<1x16xf32>,
          %get3A_520 = vector.shape_cast %get3A_519 : vector<1x16xf32> to vector<16xf32>
          %get3A_521 = arith.index_cast %add3A_470 : i32 to index
          %get3A_522 = arith.constant 64 : index
          %get3A_523 = tpu.vector_load %arg10[%get3A_521, %get3A_522] {strides = array<i32>} : memref<128x128xf32, #tpu.memory_space<vmem>>, vector<1x16xf32>,
          %get3A_524 = vector.shape_cast %get3A_523 : vector<1x16xf32> to vector<16xf32>
          %add3A_525 = arith.addf %get3A_520, %get3A_524 : vector<16xf32>
          %mul3A_526 = arith.mulf %add3A_525, %add3A_525 : vector<16xf32>
          %add3A_527 = arith.addf %add3A_516, %mul3A_526 : vector<16xf32>
          %get3A_528 = arith.index_cast %add3A_470 : i32 to index
          %get3A_529 = arith.constant 80 : index
          %get3A_530 = tpu.vector_load %arg8[%get3A_528, %get3A_529] {strides = array<i32>} : memref<128x128xf32, #tpu.memory_space<vmem>>, vector<1x16xf32>,
          %get3A_531 = vector.shape_cast %get3A_530 : vector<1x16xf32> to vector<16xf32>
          %get3A_532 = arith.index_cast %add3A_470 : i32 to index
          %get3A_533 = arith.constant 80 : index
          %get3A_534 = tpu.vector_load %arg10[%get3A_532, %get3A_533] {strides = array<i32>} : memref<128x128xf32, #tpu.memory_space<vmem>>, vector<1x16xf32>,
          %get3A_535 = vector.shape_cast %get3A_534 : vector<1x16xf32> to vector<16xf32>
          %add3A_536 = arith.addf %get3A_531, %get3A_535 : vector<16xf32>
          %mul3A_537 = arith.mulf %add3A_536, %add3A_536 : vector<16xf32>
          %add3A_538 = arith.addf %add3A_527, %mul3A_537 : vector<16xf32>
          %get3A_539 = arith.index_cast %add3A_470 : i32 to index
          %get3A_540 = arith.constant 96 : index
          %get3A_541 = tpu.vector_load %arg8[%get3A_539, %get3A_540] {strides = array<i32>} : memref<128x128xf32, #tpu.memory_space<vmem>>, vector<1x16xf32>,
          %get3A_542 = vector.shape_cast %get3A_541 : vector<1x16xf32> to vector<16xf32>
          %get3A_543 = arith.index_cast %add3A_470 : i32 to index
          %get3A_544 = arith.constant 96 : index
          %get3A_545 = tpu.vector_load %arg10[%get3A_543, %get3A_544] {strides = array<i32>} : memref<128x128xf32, #tpu.memory_space<vmem>>, vector<1x16xf32>,
          %get3A_546 = vector.shape_cast %get3A_545 : vector<1x16xf32> to vector<16xf32>
          %add3A_547 = arith.addf %get3A_542, %get3A_546 : vector<16xf32>
          %mul3A_548 = arith.mulf %add3A_547, %add3A_547 : vector<16xf32>
          %add3A_549 = arith.addf %add3A_538, %mul3A_548 : vector<16xf32>
          %get3A_550 = arith.index_cast %add3A_470 : i32 to index
          %get3A_551 = arith.constant 112 : index
          %get3A_552 = tpu.vector_load %arg8[%get3A_550, %get3A_551] {strides = array<i32>} : memref<128x128xf32, #tpu.memory_space<vmem>>, vector<1x16xf32>,
          %get3A_553 = vector.shape_cast %get3A_552 : vector<1x16xf32> to vector<16xf32>
          %get3A_554 = arith.index_cast %add3A_470 : i32 to index
          %get3A_555 = arith.constant 112 : index
          %get3A_556 = tpu.vector_load %arg10[%get3A_554, %get3A_555] {strides = array<i32>} : memref<128x128xf32, #tpu.memory_space<vmem>>, vector<1x16xf32>,
          %get3A_557 = vector.shape_cast %get3A_556 : vector<1x16xf32> to vector<16xf32>
          %add3A_558 = arith.addf %get3A_553, %get3A_557 : vector<16xf32>
          %mul3A_559 = arith.mulf %add3A_558, %add3A_558 : vector<16xf32>
          %add3A_560 = arith.addf %add3A_549, %mul3A_559 : vector<16xf32>
          %rev3A_561 = arith.constant 15 : i32
          %rev3A_562 = vector.broadcast %rev3A_561 : i32 to vector<16xi32>
          %rev3A_563 = tpu.iota {dimensions = array<i32: 0>} : vector<16xi32>
          %rev3A_564 = arith.subi %rev3A_562, %rev3A_563 : vector<16xi32>
          %rev3A_565 = tpu.dynamic_gather %add3A_560[%rev3A_564] in [0] : vector<16xf32>, vector<16xi32> -> vector<16xf32>
          %add3A_566 = arith.addf %add3A_560, %rev3A_565 : vector<16xf32>
          %slice3A_567 = vector.extract_strided_slice %add3A_566 {offsets = [0], sizes = [1], strides = [1]} : vector<16xf32> to vector<1xf32>
          %squeeze3A_568 = vector.extract %slice3A_567[0] : f32 from vector<1xf32>
          %slice3A_569 = vector.extract_strided_slice %add3A_566 {offsets = [1], sizes = [1], strides = [1]} : vector<16xf32> to vector<1xf32>
          %squeeze3A_570 = vector.extract %slice3A_569[0] : f32 from vector<1xf32>
          %slice3A_571 = vector.extract_strided_slice %add3A_566 {offsets = [2], sizes = [1], strides = [1]} : vector<16xf32> to vector<1xf32>
          %squeeze3A_572 = vector.extract %slice3A_571[0] : f32 from vector<1xf32>
          %slice3A_573 = vector.extract_strided_slice %add3A_566 {offsets = [3], sizes = [1], strides = [1]} : vector<16xf32> to vector<1xf32>
          %squeeze3A_574 = vector.extract %slice3A_573[0] : f32 from vector<1xf32>
          %slice3A_575 = vector.extract_strided_slice %add3A_566 {offsets = [4], sizes = [1], strides = [1]} : vector<16xf32> to vector<1xf32>
          %squeeze3A_576 = vector.extract %slice3A_575[0] : f32 from vector<1xf32>
          %slice3A_577 = vector.extract_strided_slice %add3A_566 {offsets = [5], sizes = [1], strides = [1]} : vector<16xf32> to vector<1xf32>
          %squeeze3A_578 = vector.extract %slice3A_577[0] : f32 from vector<1xf32>
          %slice3A_579 = vector.extract_strided_slice %add3A_566 {offsets = [6], sizes = [1], strides = [1]} : vector<16xf32> to vector<1xf32>
          %squeeze3A_580 = vector.extract %slice3A_579[0] : f32 from vector<1xf32>
          %slice3A_581 = vector.extract_strided_slice %add3A_566 {offsets = [7], sizes = [1], strides = [1]} : vector<16xf32> to vector<1xf32>
          %squeeze3A_582 = vector.extract %slice3A_581[0] : f32 from vector<1xf32>
          %add3A_583 = arith.addf %squeeze3A_568, %squeeze3A_570 : f32
          %add3A_584 = arith.addf %squeeze3A_572, %squeeze3A_574 : f32
          %add3A_585 = arith.addf %squeeze3A_576, %squeeze3A_578 : f32
          %add3A_586 = arith.addf %squeeze3A_580, %squeeze3A_582 : f32
          %add3A_587 = arith.addf %add3A_583, %add3A_584 : f32
          %add3A_588 = arith.addf %add3A_585, %add3A_586 : f32
          %add3A_589 = arith.addf %add3A_587, %add3A_588 : f32
          %eq3A_590 = arith.constant 3 : i32
          %eq3A_591 = vector.broadcast %eq3A_590 : i32 to vector<16xi32>
          %eq3A_592 = arith.cmpi eq, %iota3A, %eq3A_591 : vector<16xi32>
          %broadcast_in_dim3A_593 = vector.broadcast %add3A_589 : f32 to vector<16xf32>
          %select_n3A_594 = arith.select %eq3A_592, %broadcast_in_dim3A_593, %select_n3A_466 : vector<16xi1>, vector<16xf32>
          %mul3A_595 = arith.constant 16 : i32
          %mul3A_596 = arith.muli %scan3A_85, %mul3A_595 : i32
          %add3A_597 = arith.constant 4 : i32
          %add3A_598 = arith.addi %mul3A_596, %add3A_597 : i32
          %broadcast_in_dim3A_599 = arith.constant 0.000000e+00 : f32
          %broadcast_in_dim3A_600 = vector.broadcast %broadcast_in_dim3A_599 : f32 to vector<16xf32>
          %get3A_601 = arith.index_cast %add3A_598 : i32 to index
          %get3A_602 = arith.constant 0 : index
          %get3A_603 = tpu.vector_load %arg8[%get3A_601, %get3A_602] {strides = array<i32>} : memref<128x128xf32, #tpu.memory_space<vmem>>, vector<1x16xf32>,
          %get3A_604 = vector.shape_cast %get3A_603 : vector<1x16xf32> to vector<16xf32>
          %get3A_605 = arith.index_cast %add3A_598 : i32 to index
          %get3A_606 = arith.constant 0 : index
          %get3A_607 = tpu.vector_load %arg10[%get3A_605, %get3A_606] {strides = array<i32>} : memref<128x128xf32, #tpu.memory_space<vmem>>, vector<1x16xf32>,
          %get3A_608 = vector.shape_cast %get3A_607 : vector<1x16xf32> to vector<16xf32>
          %add3A_609 = arith.addf %get3A_604, %get3A_608 : vector<16xf32>
          %mul3A_610 = arith.mulf %add3A_609, %add3A_609 : vector<16xf32>
          %add3A_611 = arith.addf %broadcast_in_dim3A_600, %mul3A_610 : vector<16xf32>
          %get3A_612 = arith.index_cast %add3A_598 : i32 to index
          %get3A_613 = arith.constant 16 : index
          %get3A_614 = tpu.vector_load %arg8[%get3A_612, %get3A_613] {strides = array<i32>} : memref<128x128xf32, #tpu.memory_space<vmem>>, vector<1x16xf32>,
          %get3A_615 = vector.shape_cast %get3A_614 : vector<1x16xf32> to vector<16xf32>
          %get3A_616 = arith.index_cast %add3A_598 : i32 to index
          %get3A_617 = arith.constant 16 : index
          %get3A_618 = tpu.vector_load %arg10[%get3A_616, %get3A_617] {strides = array<i32>} : memref<128x128xf32, #tpu.memory_space<vmem>>, vector<1x16xf32>,
          %get3A_619 = vector.shape_cast %get3A_618 : vector<1x16xf32> to vector<16xf32>
          %add3A_620 = arith.addf %get3A_615, %get3A_619 : vector<16xf32>
          %mul3A_621 = arith.mulf %add3A_620, %add3A_620 : vector<16xf32>
          %add3A_622 = arith.addf %add3A_611, %mul3A_621 : vector<16xf32>
          %get3A_623 = arith.index_cast %add3A_598 : i32 to index
          %get3A_624 = arith.constant 32 : index
          %get3A_625 = tpu.vector_load %arg8[%get3A_623, %get3A_624] {strides = array<i32>} : memref<128x128xf32, #tpu.memory_space<vmem>>, vector<1x16xf32>,
          %get3A_626 = vector.shape_cast %get3A_625 : vector<1x16xf32> to vector<16xf32>
          %get3A_627 = arith.index_cast %add3A_598 : i32 to index
          %get3A_628 = arith.constant 32 : index
          %get3A_629 = tpu.vector_load %arg10[%get3A_627, %get3A_628] {strides = array<i32>} : memref<128x128xf32, #tpu.memory_space<vmem>>, vector<1x16xf32>,
          %get3A_630 = vector.shape_cast %get3A_629 : vector<1x16xf32> to vector<16xf32>
          %add3A_631 = arith.addf %get3A_626, %get3A_630 : vector<16xf32>
          %mul3A_632 = arith.mulf %add3A_631, %add3A_631 : vector<16xf32>
          %add3A_633 = arith.addf %add3A_622, %mul3A_632 : vector<16xf32>
          %get3A_634 = arith.index_cast %add3A_598 : i32 to index
          %get3A_635 = arith.constant 48 : index
          %get3A_636 = tpu.vector_load %arg8[%get3A_634, %get3A_635] {strides = array<i32>} : memref<128x128xf32, #tpu.memory_space<vmem>>, vector<1x16xf32>,
          %get3A_637 = vector.shape_cast %get3A_636 : vector<1x16xf32> to vector<16xf32>
          %get3A_638 = arith.index_cast %add3A_598 : i32 to index
          %get3A_639 = arith.constant 48 : index
          %get3A_640 = tpu.vector_load %arg10[%get3A_638, %get3A_639] {strides = array<i32>} : memref<128x128xf32, #tpu.memory_space<vmem>>, vector<1x16xf32>,
          %get3A_641 = vector.shape_cast %get3A_640 : vector<1x16xf32> to vector<16xf32>
          %add3A_642 = arith.addf %get3A_637, %get3A_641 : vector<16xf32>
          %mul3A_643 = arith.mulf %add3A_642, %add3A_642 : vector<16xf32>
          %add3A_644 = arith.addf %add3A_633, %mul3A_643 : vector<16xf32>
          %get3A_645 = arith.index_cast %add3A_598 : i32 to index
          %get3A_646 = arith.constant 64 : index
          %get3A_647 = tpu.vector_load %arg8[%get3A_645, %get3A_646] {strides = array<i32>} : memref<128x128xf32, #tpu.memory_space<vmem>>, vector<1x16xf32>,
          %get3A_648 = vector.shape_cast %get3A_647 : vector<1x16xf32> to vector<16xf32>
          %get3A_649 = arith.index_cast %add3A_598 : i32 to index
          %get3A_650 = arith.constant 64 : index
          %get3A_651 = tpu.vector_load %arg10[%get3A_649, %get3A_650] {strides = array<i32>} : memref<128x128xf32, #tpu.memory_space<vmem>>, vector<1x16xf32>,
          %get3A_652 = vector.shape_cast %get3A_651 : vector<1x16xf32> to vector<16xf32>
          %add3A_653 = arith.addf %get3A_648, %get3A_652 : vector<16xf32>
          %mul3A_654 = arith.mulf %add3A_653, %add3A_653 : vector<16xf32>
          %add3A_655 = arith.addf %add3A_644, %mul3A_654 : vector<16xf32>
          %get3A_656 = arith.index_cast %add3A_598 : i32 to index
          %get3A_657 = arith.constant 80 : index
          %get3A_658 = tpu.vector_load %arg8[%get3A_656, %get3A_657] {strides = array<i32>} : memref<128x128xf32, #tpu.memory_space<vmem>>, vector<1x16xf32>,
          %get3A_659 = vector.shape_cast %get3A_658 : vector<1x16xf32> to vector<16xf32>
          %get3A_660 = arith.index_cast %add3A_598 : i32 to index
          %get3A_661 = arith.constant 80 : index
          %get3A_662 = tpu.vector_load %arg10[%get3A_660, %get3A_661] {strides = array<i32>} : memref<128x128xf32, #tpu.memory_space<vmem>>, vector<1x16xf32>,
          %get3A_663 = vector.shape_cast %get3A_662 : vector<1x16xf32> to vector<16xf32>
          %add3A_664 = arith.addf %get3A_659, %get3A_663 : vector<16xf32>
          %mul3A_665 = arith.mulf %add3A_664, %add3A_664 : vector<16xf32>
          %add3A_666 = arith.addf %add3A_655, %mul3A_665 : vector<16xf32>
          %get3A_667 = arith.index_cast %add3A_598 : i32 to index
          %get3A_668 = arith.constant 96 : index
          %get3A_669 = tpu.vector_load %arg8[%get3A_667, %get3A_668] {strides = array<i32>} : memref<128x128xf32, #tpu.memory_space<vmem>>, vector<1x16xf32>,
          %get3A_670 = vector.shape_cast %get3A_669 : vector<1x16xf32> to vector<16xf32>
          %get3A_671 = arith.index_cast %add3A_598 : i32 to index
          %get3A_672 = arith.constant 96 : index
          %get3A_673 = tpu.vector_load %arg10[%get3A_671, %get3A_672] {strides = array<i32>} : memref<128x128xf32, #tpu.memory_space<vmem>>, vector<1x16xf32>,
          %get3A_674 = vector.shape_cast %get3A_673 : vector<1x16xf32> to vector<16xf32>
          %add3A_675 = arith.addf %get3A_670, %get3A_674 : vector<16xf32>
          %mul3A_676 = arith.mulf %add3A_675, %add3A_675 : vector<16xf32>
          %add3A_677 = arith.addf %add3A_666, %mul3A_676 : vector<16xf32>
          %get3A_678 = arith.index_cast %add3A_598 : i32 to index
          %get3A_679 = arith.constant 112 : index
          %get3A_680 = tpu.vector_load %arg8[%get3A_678, %get3A_679] {strides = array<i32>} : memref<128x128xf32, #tpu.memory_space<vmem>>, vector<1x16xf32>,
          %get3A_681 = vector.shape_cast %get3A_680 : vector<1x16xf32> to vector<16xf32>
          %get3A_682 = arith.index_cast %add3A_598 : i32 to index
          %get3A_683 = arith.constant 112 : index
          %get3A_684 = tpu.vector_load %arg10[%get3A_682, %get3A_683] {strides = array<i32>} : memref<128x128xf32, #tpu.memory_space<vmem>>, vector<1x16xf32>,
          %get3A_685 = vector.shape_cast %get3A_684 : vector<1x16xf32> to vector<16xf32>
          %add3A_686 = arith.addf %get3A_681, %get3A_685 : vector<16xf32>
          %mul3A_687 = arith.mulf %add3A_686, %add3A_686 : vector<16xf32>
          %add3A_688 = arith.addf %add3A_677, %mul3A_687 : vector<16xf32>
          %rev3A_689 = arith.constant 15 : i32
          %rev3A_690 = vector.broadcast %rev3A_689 : i32 to vector<16xi32>
          %rev3A_691 = tpu.iota {dimensions = array<i32: 0>} : vector<16xi32>
          %rev3A_692 = arith.subi %rev3A_690, %rev3A_691 : vector<16xi32>
          %rev3A_693 = tpu.dynamic_gather %add3A_688[%rev3A_692] in [0] : vector<16xf32>, vector<16xi32> -> vector<16xf32>
          %add3A_694 = arith.addf %add3A_688, %rev3A_693 : vector<16xf32>
          %slice3A_695 = vector.extract_strided_slice %add3A_694 {offsets = [0], sizes = [1], strides = [1]} : vector<16xf32> to vector<1xf32>
          %squeeze3A_696 = vector.extract %slice3A_695[0] : f32 from vector<1xf32>
          %slice3A_697 = vector.extract_strided_slice %add3A_694 {offsets = [1], sizes = [1], strides = [1]} : vector<16xf32> to vector<1xf32>
          %squeeze3A_698 = vector.extract %slice3A_697[0] : f32 from vector<1xf32>
          %slice3A_699 = vector.extract_strided_slice %add3A_694 {offsets = [2], sizes = [1], strides = [1]} : vector<16xf32> to vector<1xf32>
          %squeeze3A_700 = vector.extract %slice3A_699[0] : f32 from vector<1xf32>
          %slice3A_701 = vector.extract_strided_slice %add3A_694 {offsets = [3], sizes = [1], strides = [1]} : vector<16xf32> to vector<1xf32>
          %squeeze3A_702 = vector.extract %slice3A_701[0] : f32 from vector<1xf32>
          %slice3A_703 = vector.extract_strided_slice %add3A_694 {offsets = [4], sizes = [1], strides = [1]} : vector<16xf32> to vector<1xf32>
          %squeeze3A_704 = vector.extract %slice3A_703[0] : f32 from vector<1xf32>
          %slice3A_705 = vector.extract_strided_slice %add3A_694 {offsets = [5], sizes = [1], strides = [1]} : vector<16xf32> to vector<1xf32>
          %squeeze3A_706 = vector.extract %slice3A_705[0] : f32 from vector<1xf32>
          %slice3A_707 = vector.extract_strided_slice %add3A_694 {offsets = [6], sizes = [1], strides = [1]} : vector<16xf32> to vector<1xf32>
          %squeeze3A_708 = vector.extract %slice3A_707[0] : f32 from vector<1xf32>
          %slice3A_709 = vector.extract_strided_slice %add3A_694 {offsets = [7], sizes = [1], strides = [1]} : vector<16xf32> to vector<1xf32>
          %squeeze3A_710 = vector.extract %slice3A_709[0] : f32 from vector<1xf32>
          %add3A_711 = arith.addf %squeeze3A_696, %squeeze3A_698 : f32
          %add3A_712 = arith.addf %squeeze3A_700, %squeeze3A_702 : f32
          %add3A_713 = arith.addf %squeeze3A_704, %squeeze3A_706 : f32
          %add3A_714 = arith.addf %squeeze3A_708, %squeeze3A_710 : f32
          %add3A_715 = arith.addf %add3A_711, %add3A_712 : f32
          %add3A_716 = arith.addf %add3A_713, %add3A_714 : f32
          %add3A_717 = arith.addf %add3A_715, %add3A_716 : f32
          %eq3A_718 = arith.constant 4 : i32
          %eq3A_719 = vector.broadcast %eq3A_718 : i32 to vector<16xi32>
          %eq3A_720 = arith.cmpi eq, %iota3A, %eq3A_719 : vector<16xi32>
          %broadcast_in_dim3A_721 = vector.broadcast %add3A_717 : f32 to vector<16xf32>
          %select_n3A_722 = arith.select %eq3A_720, %broadcast_in_dim3A_721, %select_n3A_594 : vector<16xi1>, vector<16xf32>
          %mul3A_723 = arith.constant 16 : i32
          %mul3A_724 = arith.muli %scan3A_85, %mul3A_723 : i32
          %add3A_725 = arith.constant 5 : i32
          %add3A_726 = arith.addi %mul3A_724, %add3A_725 : i32
          %broadcast_in_dim3A_727 = arith.constant 0.000000e+00 : f32
          %broadcast_in_dim3A_728 = vector.broadcast %broadcast_in_dim3A_727 : f32 to vector<16xf32>
          %get3A_729 = arith.index_cast %add3A_726 : i32 to index
          %get3A_730 = arith.constant 0 : index
          %get3A_731 = tpu.vector_load %arg8[%get3A_729, %get3A_730] {strides = array<i32>} : memref<128x128xf32, #tpu.memory_space<vmem>>, vector<1x16xf32>,
          %get3A_732 = vector.shape_cast %get3A_731 : vector<1x16xf32> to vector<16xf32>
          %get3A_733 = arith.index_cast %add3A_726 : i32 to index
          %get3A_734 = arith.constant 0 : index
          %get3A_735 = tpu.vector_load %arg10[%get3A_733, %get3A_734] {strides = array<i32>} : memref<128x128xf32, #tpu.memory_space<vmem>>, vector<1x16xf32>,
          %get3A_736 = vector.shape_cast %get3A_735 : vector<1x16xf32> to vector<16xf32>
          %add3A_737 = arith.addf %get3A_732, %get3A_736 : vector<16xf32>
          %mul3A_738 = arith.mulf %add3A_737, %add3A_737 : vector<16xf32>
          %add3A_739 = arith.addf %broadcast_in_dim3A_728, %mul3A_738 : vector<16xf32>
          %get3A_740 = arith.index_cast %add3A_726 : i32 to index
          %get3A_741 = arith.constant 16 : index
          %get3A_742 = tpu.vector_load %arg8[%get3A_740, %get3A_741] {strides = array<i32>} : memref<128x128xf32, #tpu.memory_space<vmem>>, vector<1x16xf32>,
          %get3A_743 = vector.shape_cast %get3A_742 : vector<1x16xf32> to vector<16xf32>
          %get3A_744 = arith.index_cast %add3A_726 : i32 to index
          %get3A_745 = arith.constant 16 : index
          %get3A_746 = tpu.vector_load %arg10[%get3A_744, %get3A_745] {strides = array<i32>} : memref<128x128xf32, #tpu.memory_space<vmem>>, vector<1x16xf32>,
          %get3A_747 = vector.shape_cast %get3A_746 : vector<1x16xf32> to vector<16xf32>
          %add3A_748 = arith.addf %get3A_743, %get3A_747 : vector<16xf32>
          %mul3A_749 = arith.mulf %add3A_748, %add3A_748 : vector<16xf32>
          %add3A_750 = arith.addf %add3A_739, %mul3A_749 : vector<16xf32>
          %get3A_751 = arith.index_cast %add3A_726 : i32 to index
          %get3A_752 = arith.constant 32 : index
          %get3A_753 = tpu.vector_load %arg8[%get3A_751, %get3A_752] {strides = array<i32>} : memref<128x128xf32, #tpu.memory_space<vmem>>, vector<1x16xf32>,
          %get3A_754 = vector.shape_cast %get3A_753 : vector<1x16xf32> to vector<16xf32>
          %get3A_755 = arith.index_cast %add3A_726 : i32 to index
          %get3A_756 = arith.constant 32 : index
          %get3A_757 = tpu.vector_load %arg10[%get3A_755, %get3A_756] {strides = array<i32>} : memref<128x128xf32, #tpu.memory_space<vmem>>, vector<1x16xf32>,
          %get3A_758 = vector.shape_cast %get3A_757 : vector<1x16xf32> to vector<16xf32>
          %add3A_759 = arith.addf %get3A_754, %get3A_758 : vector<16xf32>
          %mul3A_760 = arith.mulf %add3A_759, %add3A_759 : vector<16xf32>
          %add3A_761 = arith.addf %add3A_750, %mul3A_760 : vector<16xf32>
          %get3A_762 = arith.index_cast %add3A_726 : i32 to index
          %get3A_763 = arith.constant 48 : index
          %get3A_764 = tpu.vector_load %arg8[%get3A_762, %get3A_763] {strides = array<i32>} : memref<128x128xf32, #tpu.memory_space<vmem>>, vector<1x16xf32>,
          %get3A_765 = vector.shape_cast %get3A_764 : vector<1x16xf32> to vector<16xf32>
          %get3A_766 = arith.index_cast %add3A_726 : i32 to index
          %get3A_767 = arith.constant 48 : index
          %get3A_768 = tpu.vector_load %arg10[%get3A_766, %get3A_767] {strides = array<i32>} : memref<128x128xf32, #tpu.memory_space<vmem>>, vector<1x16xf32>,
          %get3A_769 = vector.shape_cast %get3A_768 : vector<1x16xf32> to vector<16xf32>
          %add3A_770 = arith.addf %get3A_765, %get3A_769 : vector<16xf32>
          %mul3A_771 = arith.mulf %add3A_770, %add3A_770 : vector<16xf32>
          %add3A_772 = arith.addf %add3A_761, %mul3A_771 : vector<16xf32>
          %get3A_773 = arith.index_cast %add3A_726 : i32 to index
          %get3A_774 = arith.constant 64 : index
          %get3A_775 = tpu.vector_load %arg8[%get3A_773, %get3A_774] {strides = array<i32>} : memref<128x128xf32, #tpu.memory_space<vmem>>, vector<1x16xf32>,
          %get3A_776 = vector.shape_cast %get3A_775 : vector<1x16xf32> to vector<16xf32>
          %get3A_777 = arith.index_cast %add3A_726 : i32 to index
          %get3A_778 = arith.constant 64 : index
          %get3A_779 = tpu.vector_load %arg10[%get3A_777, %get3A_778] {strides = array<i32>} : memref<128x128xf32, #tpu.memory_space<vmem>>, vector<1x16xf32>,
          %get3A_780 = vector.shape_cast %get3A_779 : vector<1x16xf32> to vector<16xf32>
          %add3A_781 = arith.addf %get3A_776, %get3A_780 : vector<16xf32>
          %mul3A_782 = arith.mulf %add3A_781, %add3A_781 : vector<16xf32>
          %add3A_783 = arith.addf %add3A_772, %mul3A_782 : vector<16xf32>
          %get3A_784 = arith.index_cast %add3A_726 : i32 to index
          %get3A_785 = arith.constant 80 : index
          %get3A_786 = tpu.vector_load %arg8[%get3A_784, %get3A_785] {strides = array<i32>} : memref<128x128xf32, #tpu.memory_space<vmem>>, vector<1x16xf32>,
          %get3A_787 = vector.shape_cast %get3A_786 : vector<1x16xf32> to vector<16xf32>
          %get3A_788 = arith.index_cast %add3A_726 : i32 to index
          %get3A_789 = arith.constant 80 : index
          %get3A_790 = tpu.vector_load %arg10[%get3A_788, %get3A_789] {strides = array<i32>} : memref<128x128xf32, #tpu.memory_space<vmem>>, vector<1x16xf32>,
          %get3A_791 = vector.shape_cast %get3A_790 : vector<1x16xf32> to vector<16xf32>
          %add3A_792 = arith.addf %get3A_787, %get3A_791 : vector<16xf32>
          %mul3A_793 = arith.mulf %add3A_792, %add3A_792 : vector<16xf32>
          %add3A_794 = arith.addf %add3A_783, %mul3A_793 : vector<16xf32>
          %get3A_795 = arith.index_cast %add3A_726 : i32 to index
          %get3A_796 = arith.constant 96 : index
          %get3A_797 = tpu.vector_load %arg8[%get3A_795, %get3A_796] {strides = array<i32>} : memref<128x128xf32, #tpu.memory_space<vmem>>, vector<1x16xf32>,
          %get3A_798 = vector.shape_cast %get3A_797 : vector<1x16xf32> to vector<16xf32>
          %get3A_799 = arith.index_cast %add3A_726 : i32 to index
          %get3A_800 = arith.constant 96 : index
          %get3A_801 = tpu.vector_load %arg10[%get3A_799, %get3A_800] {strides = array<i32>} : memref<128x128xf32, #tpu.memory_space<vmem>>, vector<1x16xf32>,
          %get3A_802 = vector.shape_cast %get3A_801 : vector<1x16xf32> to vector<16xf32>
          %add3A_803 = arith.addf %get3A_798, %get3A_802 : vector<16xf32>
          %mul3A_804 = arith.mulf %add3A_803, %add3A_803 : vector<16xf32>
          %add3A_805 = arith.addf %add3A_794, %mul3A_804 : vector<16xf32>
          %get3A_806 = arith.index_cast %add3A_726 : i32 to index
          %get3A_807 = arith.constant 112 : index
          %get3A_808 = tpu.vector_load %arg8[%get3A_806, %get3A_807] {strides = array<i32>} : memref<128x128xf32, #tpu.memory_space<vmem>>, vector<1x16xf32>,
          %get3A_809 = vector.shape_cast %get3A_808 : vector<1x16xf32> to vector<16xf32>
          %get3A_810 = arith.index_cast %add3A_726 : i32 to index
          %get3A_811 = arith.constant 112 : index
          %get3A_812 = tpu.vector_load %arg10[%get3A_810, %get3A_811] {strides = array<i32>} : memref<128x128xf32, #tpu.memory_space<vmem>>, vector<1x16xf32>,
          %get3A_813 = vector.shape_cast %get3A_812 : vector<1x16xf32> to vector<16xf32>
          %add3A_814 = arith.addf %get3A_809, %get3A_813 : vector<16xf32>
          %mul3A_815 = arith.mulf %add3A_814, %add3A_814 : vector<16xf32>
          %add3A_816 = arith.addf %add3A_805, %mul3A_815 : vector<16xf32>
          %rev3A_817 = arith.constant 15 : i32
          %rev3A_818 = vector.broadcast %rev3A_817 : i32 to vector<16xi32>
          %rev3A_819 = tpu.iota {dimensions = array<i32: 0>} : vector<16xi32>
          %rev3A_820 = arith.subi %rev3A_818, %rev3A_819 : vector<16xi32>
          %rev3A_821 = tpu.dynamic_gather %add3A_816[%rev3A_820] in [0] : vector<16xf32>, vector<16xi32> -> vector<16xf32>
          %add3A_822 = arith.addf %add3A_816, %rev3A_821 : vector<16xf32>
          %slice3A_823 = vector.extract_strided_slice %add3A_822 {offsets = [0], sizes = [1], strides = [1]} : vector<16xf32> to vector<1xf32>
          %squeeze3A_824 = vector.extract %slice3A_823[0] : f32 from vector<1xf32>
          %slice3A_825 = vector.extract_strided_slice %add3A_822 {offsets = [1], sizes = [1], strides = [1]} : vector<16xf32> to vector<1xf32>
          %squeeze3A_826 = vector.extract %slice3A_825[0] : f32 from vector<1xf32>
          %slice3A_827 = vector.extract_strided_slice %add3A_822 {offsets = [2], sizes = [1], strides = [1]} : vector<16xf32> to vector<1xf32>
          %squeeze3A_828 = vector.extract %slice3A_827[0] : f32 from vector<1xf32>
          %slice3A_829 = vector.extract_strided_slice %add3A_822 {offsets = [3], sizes = [1], strides = [1]} : vector<16xf32> to vector<1xf32>
          %squeeze3A_830 = vector.extract %slice3A_829[0] : f32 from vector<1xf32>
          %slice3A_831 = vector.extract_strided_slice %add3A_822 {offsets = [4], sizes = [1], strides = [1]} : vector<16xf32> to vector<1xf32>
          %squeeze3A_832 = vector.extract %slice3A_831[0] : f32 from vector<1xf32>
          %slice3A_833 = vector.extract_strided_slice %add3A_822 {offsets = [5], sizes = [1], strides = [1]} : vector<16xf32> to vector<1xf32>
          %squeeze3A_834 = vector.extract %slice3A_833[0] : f32 from vector<1xf32>
          %slice3A_835 = vector.extract_strided_slice %add3A_822 {offsets = [6], sizes = [1], strides = [1]} : vector<16xf32> to vector<1xf32>
          %squeeze3A_836 = vector.extract %slice3A_835[0] : f32 from vector<1xf32>
          %slice3A_837 = vector.extract_strided_slice %add3A_822 {offsets = [7], sizes = [1], strides = [1]} : vector<16xf32> to vector<1xf32>
          %squeeze3A_838 = vector.extract %slice3A_837[0] : f32 from vector<1xf32>
          %add3A_839 = arith.addf %squeeze3A_824, %squeeze3A_826 : f32
          %add3A_840 = arith.addf %squeeze3A_828, %squeeze3A_830 : f32
          %add3A_841 = arith.addf %squeeze3A_832, %squeeze3A_834 : f32
          %add3A_842 = arith.addf %squeeze3A_836, %squeeze3A_838 : f32
          %add3A_843 = arith.addf %add3A_839, %add3A_840 : f32
          %add3A_844 = arith.addf %add3A_841, %add3A_842 : f32
          %add3A_845 = arith.addf %add3A_843, %add3A_844 : f32
          %eq3A_846 = arith.constant 5 : i32
          %eq3A_847 = vector.broadcast %eq3A_846 : i32 to vector<16xi32>
          %eq3A_848 = arith.cmpi eq, %iota3A, %eq3A_847 : vector<16xi32>
          %broadcast_in_dim3A_849 = vector.broadcast %add3A_845 : f32 to vector<16xf32>
          %select_n3A_850 = arith.select %eq3A_848, %broadcast_in_dim3A_849, %select_n3A_722 : vector<16xi1>, vector<16xf32>
          %mul3A_851 = arith.constant 16 : i32
          %mul3A_852 = arith.muli %scan3A_85, %mul3A_851 : i32
          %add3A_853 = arith.constant 6 : i32
          %add3A_854 = arith.addi %mul3A_852, %add3A_853 : i32
          %broadcast_in_dim3A_855 = arith.constant 0.000000e+00 : f32
          %broadcast_in_dim3A_856 = vector.broadcast %broadcast_in_dim3A_855 : f32 to vector<16xf32>
          %get3A_857 = arith.index_cast %add3A_854 : i32 to index
          %get3A_858 = arith.constant 0 : index
          %get3A_859 = tpu.vector_load %arg8[%get3A_857, %get3A_858] {strides = array<i32>} : memref<128x128xf32, #tpu.memory_space<vmem>>, vector<1x16xf32>,
          %get3A_860 = vector.shape_cast %get3A_859 : vector<1x16xf32> to vector<16xf32>
          %get3A_861 = arith.index_cast %add3A_854 : i32 to index
          %get3A_862 = arith.constant 0 : index
          %get3A_863 = tpu.vector_load %arg10[%get3A_861, %get3A_862] {strides = array<i32>} : memref<128x128xf32, #tpu.memory_space<vmem>>, vector<1x16xf32>,
          %get3A_864 = vector.shape_cast %get3A_863 : vector<1x16xf32> to vector<16xf32>
          %add3A_865 = arith.addf %get3A_860, %get3A_864 : vector<16xf32>
          %mul3A_866 = arith.mulf %add3A_865, %add3A_865 : vector<16xf32>
          %add3A_867 = arith.addf %broadcast_in_dim3A_856, %mul3A_866 : vector<16xf32>
          %get3A_868 = arith.index_cast %add3A_854 : i32 to index
          %get3A_869 = arith.constant 16 : index
          %get3A_870 = tpu.vector_load %arg8[%get3A_868, %get3A_869] {strides = array<i32>} : memref<128x128xf32, #tpu.memory_space<vmem>>, vector<1x16xf32>,
          %get3A_871 = vector.shape_cast %get3A_870 : vector<1x16xf32> to vector<16xf32>
          %get3A_872 = arith.index_cast %add3A_854 : i32 to index
          %get3A_873 = arith.constant 16 : index
          %get3A_874 = tpu.vector_load %arg10[%get3A_872, %get3A_873] {strides = array<i32>} : memref<128x128xf32, #tpu.memory_space<vmem>>, vector<1x16xf32>,
          %get3A_875 = vector.shape_cast %get3A_874 : vector<1x16xf32> to vector<16xf32>
          %add3A_876 = arith.addf %get3A_871, %get3A_875 : vector<16xf32>
          %mul3A_877 = arith.mulf %add3A_876, %add3A_876 : vector<16xf32>
          %add3A_878 = arith.addf %add3A_867, %mul3A_877 : vector<16xf32>
          %get3A_879 = arith.index_cast %add3A_854 : i32 to index
          %get3A_880 = arith.constant 32 : index
          %get3A_881 = tpu.vector_load %arg8[%get3A_879, %get3A_880] {strides = array<i32>} : memref<128x128xf32, #tpu.memory_space<vmem>>, vector<1x16xf32>,
          %get3A_882 = vector.shape_cast %get3A_881 : vector<1x16xf32> to vector<16xf32>
          %get3A_883 = arith.index_cast %add3A_854 : i32 to index
          %get3A_884 = arith.constant 32 : index
          %get3A_885 = tpu.vector_load %arg10[%get3A_883, %get3A_884] {strides = array<i32>} : memref<128x128xf32, #tpu.memory_space<vmem>>, vector<1x16xf32>,
          %get3A_886 = vector.shape_cast %get3A_885 : vector<1x16xf32> to vector<16xf32>
          %add3A_887 = arith.addf %get3A_882, %get3A_886 : vector<16xf32>
          %mul3A_888 = arith.mulf %add3A_887, %add3A_887 : vector<16xf32>
          %add3A_889 = arith.addf %add3A_878, %mul3A_888 : vector<16xf32>
          %get3A_890 = arith.index_cast %add3A_854 : i32 to index
          %get3A_891 = arith.constant 48 : index
          %get3A_892 = tpu.vector_load %arg8[%get3A_890, %get3A_891] {strides = array<i32>} : memref<128x128xf32, #tpu.memory_space<vmem>>, vector<1x16xf32>,
          %get3A_893 = vector.shape_cast %get3A_892 : vector<1x16xf32> to vector<16xf32>
          %get3A_894 = arith.index_cast %add3A_854 : i32 to index
          %get3A_895 = arith.constant 48 : index
          %get3A_896 = tpu.vector_load %arg10[%get3A_894, %get3A_895] {strides = array<i32>} : memref<128x128xf32, #tpu.memory_space<vmem>>, vector<1x16xf32>,
          %get3A_897 = vector.shape_cast %get3A_896 : vector<1x16xf32> to vector<16xf32>
          %add3A_898 = arith.addf %get3A_893, %get3A_897 : vector<16xf32>
          %mul3A_899 = arith.mulf %add3A_898, %add3A_898 : vector<16xf32>
          %add3A_900 = arith.addf %add3A_889, %mul3A_899 : vector<16xf32>
          %get3A_901 = arith.index_cast %add3A_854 : i32 to index
          %get3A_902 = arith.constant 64 : index
          %get3A_903 = tpu.vector_load %arg8[%get3A_901, %get3A_902] {strides = array<i32>} : memref<128x128xf32, #tpu.memory_space<vmem>>, vector<1x16xf32>,
          %get3A_904 = vector.shape_cast %get3A_903 : vector<1x16xf32> to vector<16xf32>
          %get3A_905 = arith.index_cast %add3A_854 : i32 to index
          %get3A_906 = arith.constant 64 : index
          %get3A_907 = tpu.vector_load %arg10[%get3A_905, %get3A_906] {strides = array<i32>} : memref<128x128xf32, #tpu.memory_space<vmem>>, vector<1x16xf32>,
          %get3A_908 = vector.shape_cast %get3A_907 : vector<1x16xf32> to vector<16xf32>
          %add3A_909 = arith.addf %get3A_904, %get3A_908 : vector<16xf32>
          %mul3A_910 = arith.mulf %add3A_909, %add3A_909 : vector<16xf32>
          %add3A_911 = arith.addf %add3A_900, %mul3A_910 : vector<16xf32>
          %get3A_912 = arith.index_cast %add3A_854 : i32 to index
          %get3A_913 = arith.constant 80 : index
          %get3A_914 = tpu.vector_load %arg8[%get3A_912, %get3A_913] {strides = array<i32>} : memref<128x128xf32, #tpu.memory_space<vmem>>, vector<1x16xf32>,
          %get3A_915 = vector.shape_cast %get3A_914 : vector<1x16xf32> to vector<16xf32>
          %get3A_916 = arith.index_cast %add3A_854 : i32 to index
          %get3A_917 = arith.constant 80 : index
          %get3A_918 = tpu.vector_load %arg10[%get3A_916, %get3A_917] {strides = array<i32>} : memref<128x128xf32, #tpu.memory_space<vmem>>, vector<1x16xf32>,
          %get3A_919 = vector.shape_cast %get3A_918 : vector<1x16xf32> to vector<16xf32>
          %add3A_920 = arith.addf %get3A_915, %get3A_919 : vector<16xf32>
          %mul3A_921 = arith.mulf %add3A_920, %add3A_920 : vector<16xf32>
          %add3A_922 = arith.addf %add3A_911, %mul3A_921 : vector<16xf32>
          %get3A_923 = arith.index_cast %add3A_854 : i32 to index
          %get3A_924 = arith.constant 96 : index
          %get3A_925 = tpu.vector_load %arg8[%get3A_923, %get3A_924] {strides = array<i32>} : memref<128x128xf32, #tpu.memory_space<vmem>>, vector<1x16xf32>,
          %get3A_926 = vector.shape_cast %get3A_925 : vector<1x16xf32> to vector<16xf32>
          %get3A_927 = arith.index_cast %add3A_854 : i32 to index
          %get3A_928 = arith.constant 96 : index
          %get3A_929 = tpu.vector_load %arg10[%get3A_927, %get3A_928] {strides = array<i32>} : memref<128x128xf32, #tpu.memory_space<vmem>>, vector<1x16xf32>,
          %get3A_930 = vector.shape_cast %get3A_929 : vector<1x16xf32> to vector<16xf32>
          %add3A_931 = arith.addf %get3A_926, %get3A_930 : vector<16xf32>
          %mul3A_932 = arith.mulf %add3A_931, %add3A_931 : vector<16xf32>
          %add3A_933 = arith.addf %add3A_922, %mul3A_932 : vector<16xf32>
          %get3A_934 = arith.index_cast %add3A_854 : i32 to index
          %get3A_935 = arith.constant 112 : index
          %get3A_936 = tpu.vector_load %arg8[%get3A_934, %get3A_935] {strides = array<i32>} : memref<128x128xf32, #tpu.memory_space<vmem>>, vector<1x16xf32>,
          %get3A_937 = vector.shape_cast %get3A_936 : vector<1x16xf32> to vector<16xf32>
          %get3A_938 = arith.index_cast %add3A_854 : i32 to index
          %get3A_939 = arith.constant 112 : index
          %get3A_940 = tpu.vector_load %arg10[%get3A_938, %get3A_939] {strides = array<i32>} : memref<128x128xf32, #tpu.memory_space<vmem>>, vector<1x16xf32>,
          %get3A_941 = vector.shape_cast %get3A_940 : vector<1x16xf32> to vector<16xf32>
          %add3A_942 = arith.addf %get3A_937, %get3A_941 : vector<16xf32>
          %mul3A_943 = arith.mulf %add3A_942, %add3A_942 : vector<16xf32>
          %add3A_944 = arith.addf %add3A_933, %mul3A_943 : vector<16xf32>
          %rev3A_945 = arith.constant 15 : i32
          %rev3A_946 = vector.broadcast %rev3A_945 : i32 to vector<16xi32>
          %rev3A_947 = tpu.iota {dimensions = array<i32: 0>} : vector<16xi32>
          %rev3A_948 = arith.subi %rev3A_946, %rev3A_947 : vector<16xi32>
          %rev3A_949 = tpu.dynamic_gather %add3A_944[%rev3A_948] in [0] : vector<16xf32>, vector<16xi32> -> vector<16xf32>
          %add3A_950 = arith.addf %add3A_944, %rev3A_949 : vector<16xf32>
          %slice3A_951 = vector.extract_strided_slice %add3A_950 {offsets = [0], sizes = [1], strides = [1]} : vector<16xf32> to vector<1xf32>
          %squeeze3A_952 = vector.extract %slice3A_951[0] : f32 from vector<1xf32>
          %slice3A_953 = vector.extract_strided_slice %add3A_950 {offsets = [1], sizes = [1], strides = [1]} : vector<16xf32> to vector<1xf32>
          %squeeze3A_954 = vector.extract %slice3A_953[0] : f32 from vector<1xf32>
          %slice3A_955 = vector.extract_strided_slice %add3A_950 {offsets = [2], sizes = [1], strides = [1]} : vector<16xf32> to vector<1xf32>
          %squeeze3A_956 = vector.extract %slice3A_955[0] : f32 from vector<1xf32>
          %slice3A_957 = vector.extract_strided_slice %add3A_950 {offsets = [3], sizes = [1], strides = [1]} : vector<16xf32> to vector<1xf32>
          %squeeze3A_958 = vector.extract %slice3A_957[0] : f32 from vector<1xf32>
          %slice3A_959 = vector.extract_strided_slice %add3A_950 {offsets = [4], sizes = [1], strides = [1]} : vector<16xf32> to vector<1xf32>
          %squeeze3A_960 = vector.extract %slice3A_959[0] : f32 from vector<1xf32>
          %slice3A_961 = vector.extract_strided_slice %add3A_950 {offsets = [5], sizes = [1], strides = [1]} : vector<16xf32> to vector<1xf32>
          %squeeze3A_962 = vector.extract %slice3A_961[0] : f32 from vector<1xf32>
          %slice3A_963 = vector.extract_strided_slice %add3A_950 {offsets = [6], sizes = [1], strides = [1]} : vector<16xf32> to vector<1xf32>
          %squeeze3A_964 = vector.extract %slice3A_963[0] : f32 from vector<1xf32>
          %slice3A_965 = vector.extract_strided_slice %add3A_950 {offsets = [7], sizes = [1], strides = [1]} : vector<16xf32> to vector<1xf32>
          %squeeze3A_966 = vector.extract %slice3A_965[0] : f32 from vector<1xf32>
          %add3A_967 = arith.addf %squeeze3A_952, %squeeze3A_954 : f32
          %add3A_968 = arith.addf %squeeze3A_956, %squeeze3A_958 : f32
          %add3A_969 = arith.addf %squeeze3A_960, %squeeze3A_962 : f32
          %add3A_970 = arith.addf %squeeze3A_964, %squeeze3A_966 : f32
          %add3A_971 = arith.addf %add3A_967, %add3A_968 : f32
          %add3A_972 = arith.addf %add3A_969, %add3A_970 : f32
          %add3A_973 = arith.addf %add3A_971, %add3A_972 : f32
          %eq3A_974 = arith.constant 6 : i32
          %eq3A_975 = vector.broadcast %eq3A_974 : i32 to vector<16xi32>
          %eq3A_976 = arith.cmpi eq, %iota3A, %eq3A_975 : vector<16xi32>
          %broadcast_in_dim3A_977 = vector.broadcast %add3A_973 : f32 to vector<16xf32>
          %select_n3A_978 = arith.select %eq3A_976, %broadcast_in_dim3A_977, %select_n3A_850 : vector<16xi1>, vector<16xf32>
          %mul3A_979 = arith.constant 16 : i32
          %mul3A_980 = arith.muli %scan3A_85, %mul3A_979 : i32
          %add3A_981 = arith.constant 7 : i32
          %add3A_982 = arith.addi %mul3A_980, %add3A_981 : i32
          %broadcast_in_dim3A_983 = arith.constant 0.000000e+00 : f32
          %broadcast_in_dim3A_984 = vector.broadcast %broadcast_in_dim3A_983 : f32 to vector<16xf32>
          %get3A_985 = arith.index_cast %add3A_982 : i32 to index
          %get3A_986 = arith.constant 0 : index
          %get3A_987 = tpu.vector_load %arg8[%get3A_985, %get3A_986] {strides = array<i32>} : memref<128x128xf32, #tpu.memory_space<vmem>>, vector<1x16xf32>,
          %get3A_988 = vector.shape_cast %get3A_987 : vector<1x16xf32> to vector<16xf32>
          %get3A_989 = arith.index_cast %add3A_982 : i32 to index
          %get3A_990 = arith.constant 0 : index
          %get3A_991 = tpu.vector_load %arg10[%get3A_989, %get3A_990] {strides = array<i32>} : memref<128x128xf32, #tpu.memory_space<vmem>>, vector<1x16xf32>,
          %get3A_992 = vector.shape_cast %get3A_991 : vector<1x16xf32> to vector<16xf32>
          %add3A_993 = arith.addf %get3A_988, %get3A_992 : vector<16xf32>
          %mul3A_994 = arith.mulf %add3A_993, %add3A_993 : vector<16xf32>
          %add3A_995 = arith.addf %broadcast_in_dim3A_984, %mul3A_994 : vector<16xf32>
          %get3A_996 = arith.index_cast %add3A_982 : i32 to index
          %get3A_997 = arith.constant 16 : index
          %get3A_998 = tpu.vector_load %arg8[%get3A_996, %get3A_997] {strides = array<i32>} : memref<128x128xf32, #tpu.memory_space<vmem>>, vector<1x16xf32>,
          %get3A_999 = vector.shape_cast %get3A_998 : vector<1x16xf32> to vector<16xf32>
          %get3A_1000 = arith.index_cast %add3A_982 : i32 to index
          %get3A_1001 = arith.constant 16 : index
          %get3A_1002 = tpu.vector_load %arg10[%get3A_1000, %get3A_1001] {strides = array<i32>} : memref<128x128xf32, #tpu.memory_space<vmem>>, vector<1x16xf32>,
          %get3A_1003 = vector.shape_cast %get3A_1002 : vector<1x16xf32> to vector<16xf32>
          %add3A_1004 = arith.addf %get3A_999, %get3A_1003 : vector<16xf32>
          %mul3A_1005 = arith.mulf %add3A_1004, %add3A_1004 : vector<16xf32>
          %add3A_1006 = arith.addf %add3A_995, %mul3A_1005 : vector<16xf32>
          %get3A_1007 = arith.index_cast %add3A_982 : i32 to index
          %get3A_1008 = arith.constant 32 : index
          %get3A_1009 = tpu.vector_load %arg8[%get3A_1007, %get3A_1008] {strides = array<i32>} : memref<128x128xf32, #tpu.memory_space<vmem>>, vector<1x16xf32>,
          %get3A_1010 = vector.shape_cast %get3A_1009 : vector<1x16xf32> to vector<16xf32>
          %get3A_1011 = arith.index_cast %add3A_982 : i32 to index
          %get3A_1012 = arith.constant 32 : index
          %get3A_1013 = tpu.vector_load %arg10[%get3A_1011, %get3A_1012] {strides = array<i32>} : memref<128x128xf32, #tpu.memory_space<vmem>>, vector<1x16xf32>,
          %get3A_1014 = vector.shape_cast %get3A_1013 : vector<1x16xf32> to vector<16xf32>
          %add3A_1015 = arith.addf %get3A_1010, %get3A_1014 : vector<16xf32>
          %mul3A_1016 = arith.mulf %add3A_1015, %add3A_1015 : vector<16xf32>
          %add3A_1017 = arith.addf %add3A_1006, %mul3A_1016 : vector<16xf32>
          %get3A_1018 = arith.index_cast %add3A_982 : i32 to index
          %get3A_1019 = arith.constant 48 : index
          %get3A_1020 = tpu.vector_load %arg8[%get3A_1018, %get3A_1019] {strides = array<i32>} : memref<128x128xf32, #tpu.memory_space<vmem>>, vector<1x16xf32>,
          %get3A_1021 = vector.shape_cast %get3A_1020 : vector<1x16xf32> to vector<16xf32>
          %get3A_1022 = arith.index_cast %add3A_982 : i32 to index
          %get3A_1023 = arith.constant 48 : index
          %get3A_1024 = tpu.vector_load %arg10[%get3A_1022, %get3A_1023] {strides = array<i32>} : memref<128x128xf32, #tpu.memory_space<vmem>>, vector<1x16xf32>,
          %get3A_1025 = vector.shape_cast %get3A_1024 : vector<1x16xf32> to vector<16xf32>
          %add3A_1026 = arith.addf %get3A_1021, %get3A_1025 : vector<16xf32>
          %mul3A_1027 = arith.mulf %add3A_1026, %add3A_1026 : vector<16xf32>
          %add3A_1028 = arith.addf %add3A_1017, %mul3A_1027 : vector<16xf32>
          %get3A_1029 = arith.index_cast %add3A_982 : i32 to index
          %get3A_1030 = arith.constant 64 : index
          %get3A_1031 = tpu.vector_load %arg8[%get3A_1029, %get3A_1030] {strides = array<i32>} : memref<128x128xf32, #tpu.memory_space<vmem>>, vector<1x16xf32>,
          %get3A_1032 = vector.shape_cast %get3A_1031 : vector<1x16xf32> to vector<16xf32>
          %get3A_1033 = arith.index_cast %add3A_982 : i32 to index
          %get3A_1034 = arith.constant 64 : index
          %get3A_1035 = tpu.vector_load %arg10[%get3A_1033, %get3A_1034] {strides = array<i32>} : memref<128x128xf32, #tpu.memory_space<vmem>>, vector<1x16xf32>,
          %get3A_1036 = vector.shape_cast %get3A_1035 : vector<1x16xf32> to vector<16xf32>
          %add3A_1037 = arith.addf %get3A_1032, %get3A_1036 : vector<16xf32>
          %mul3A_1038 = arith.mulf %add3A_1037, %add3A_1037 : vector<16xf32>
          %add3A_1039 = arith.addf %add3A_1028, %mul3A_1038 : vector<16xf32>
          %get3A_1040 = arith.index_cast %add3A_982 : i32 to index
          %get3A_1041 = arith.constant 80 : index
          %get3A_1042 = tpu.vector_load %arg8[%get3A_1040, %get3A_1041] {strides = array<i32>} : memref<128x128xf32, #tpu.memory_space<vmem>>, vector<1x16xf32>,
          %get3A_1043 = vector.shape_cast %get3A_1042 : vector<1x16xf32> to vector<16xf32>
          %get3A_1044 = arith.index_cast %add3A_982 : i32 to index
          %get3A_1045 = arith.constant 80 : index
          %get3A_1046 = tpu.vector_load %arg10[%get3A_1044, %get3A_1045] {strides = array<i32>} : memref<128x128xf32, #tpu.memory_space<vmem>>, vector<1x16xf32>,
          %get3A_1047 = vector.shape_cast %get3A_1046 : vector<1x16xf32> to vector<16xf32>
          %add3A_1048 = arith.addf %get3A_1043, %get3A_1047 : vector<16xf32>
          %mul3A_1049 = arith.mulf %add3A_1048, %add3A_1048 : vector<16xf32>
          %add3A_1050 = arith.addf %add3A_1039, %mul3A_1049 : vector<16xf32>
          %get3A_1051 = arith.index_cast %add3A_982 : i32 to index
          %get3A_1052 = arith.constant 96 : index
          %get3A_1053 = tpu.vector_load %arg8[%get3A_1051, %get3A_1052] {strides = array<i32>} : memref<128x128xf32, #tpu.memory_space<vmem>>, vector<1x16xf32>,
          %get3A_1054 = vector.shape_cast %get3A_1053 : vector<1x16xf32> to vector<16xf32>
          %get3A_1055 = arith.index_cast %add3A_982 : i32 to index
          %get3A_1056 = arith.constant 96 : index
          %get3A_1057 = tpu.vector_load %arg10[%get3A_1055, %get3A_1056] {strides = array<i32>} : memref<128x128xf32, #tpu.memory_space<vmem>>, vector<1x16xf32>,
          %get3A_1058 = vector.shape_cast %get3A_1057 : vector<1x16xf32> to vector<16xf32>
          %add3A_1059 = arith.addf %get3A_1054, %get3A_1058 : vector<16xf32>
          %mul3A_1060 = arith.mulf %add3A_1059, %add3A_1059 : vector<16xf32>
          %add3A_1061 = arith.addf %add3A_1050, %mul3A_1060 : vector<16xf32>
          %get3A_1062 = arith.index_cast %add3A_982 : i32 to index
          %get3A_1063 = arith.constant 112 : index
          %get3A_1064 = tpu.vector_load %arg8[%get3A_1062, %get3A_1063] {strides = array<i32>} : memref<128x128xf32, #tpu.memory_space<vmem>>, vector<1x16xf32>,
          %get3A_1065 = vector.shape_cast %get3A_1064 : vector<1x16xf32> to vector<16xf32>
          %get3A_1066 = arith.index_cast %add3A_982 : i32 to index
          %get3A_1067 = arith.constant 112 : index
          %get3A_1068 = tpu.vector_load %arg10[%get3A_1066, %get3A_1067] {strides = array<i32>} : memref<128x128xf32, #tpu.memory_space<vmem>>, vector<1x16xf32>,
          %get3A_1069 = vector.shape_cast %get3A_1068 : vector<1x16xf32> to vector<16xf32>
          %add3A_1070 = arith.addf %get3A_1065, %get3A_1069 : vector<16xf32>
          %mul3A_1071 = arith.mulf %add3A_1070, %add3A_1070 : vector<16xf32>
          %add3A_1072 = arith.addf %add3A_1061, %mul3A_1071 : vector<16xf32>
          %rev3A_1073 = arith.constant 15 : i32
          %rev3A_1074 = vector.broadcast %rev3A_1073 : i32 to vector<16xi32>
          %rev3A_1075 = tpu.iota {dimensions = array<i32: 0>} : vector<16xi32>
          %rev3A_1076 = arith.subi %rev3A_1074, %rev3A_1075 : vector<16xi32>
          %rev3A_1077 = tpu.dynamic_gather %add3A_1072[%rev3A_1076] in [0] : vector<16xf32>, vector<16xi32> -> vector<16xf32>
          %add3A_1078 = arith.addf %add3A_1072, %rev3A_1077 : vector<16xf32>
          %slice3A_1079 = vector.extract_strided_slice %add3A_1078 {offsets = [0], sizes = [1], strides = [1]} : vector<16xf32> to vector<1xf32>
          %squeeze3A_1080 = vector.extract %slice3A_1079[0] : f32 from vector<1xf32>
          %slice3A_1081 = vector.extract_strided_slice %add3A_1078 {offsets = [1], sizes = [1], strides = [1]} : vector<16xf32> to vector<1xf32>
          %squeeze3A_1082 = vector.extract %slice3A_1081[0] : f32 from vector<1xf32>
          %slice3A_1083 = vector.extract_strided_slice %add3A_1078 {offsets = [2], sizes = [1], strides = [1]} : vector<16xf32> to vector<1xf32>
          %squeeze3A_1084 = vector.extract %slice3A_1083[0] : f32 from vector<1xf32>
          %slice3A_1085 = vector.extract_strided_slice %add3A_1078 {offsets = [3], sizes = [1], strides = [1]} : vector<16xf32> to vector<1xf32>
          %squeeze3A_1086 = vector.extract %slice3A_1085[0] : f32 from vector<1xf32>
          %slice3A_1087 = vector.extract_strided_slice %add3A_1078 {offsets = [4], sizes = [1], strides = [1]} : vector<16xf32> to vector<1xf32>
          %squeeze3A_1088 = vector.extract %slice3A_1087[0] : f32 from vector<1xf32>
          %slice3A_1089 = vector.extract_strided_slice %add3A_1078 {offsets = [5], sizes = [1], strides = [1]} : vector<16xf32> to vector<1xf32>
          %squeeze3A_1090 = vector.extract %slice3A_1089[0] : f32 from vector<1xf32>
          %slice3A_1091 = vector.extract_strided_slice %add3A_1078 {offsets = [6], sizes = [1], strides = [1]} : vector<16xf32> to vector<1xf32>
          %squeeze3A_1092 = vector.extract %slice3A_1091[0] : f32 from vector<1xf32>
          %slice3A_1093 = vector.extract_strided_slice %add3A_1078 {offsets = [7], sizes = [1], strides = [1]} : vector<16xf32> to vector<1xf32>
          %squeeze3A_1094 = vector.extract %slice3A_1093[0] : f32 from vector<1xf32>
          %add3A_1095 = arith.addf %squeeze3A_1080, %squeeze3A_1082 : f32
          %add3A_1096 = arith.addf %squeeze3A_1084, %squeeze3A_1086 : f32
          %add3A_1097 = arith.addf %squeeze3A_1088, %squeeze3A_1090 : f32
          %add3A_1098 = arith.addf %squeeze3A_1092, %squeeze3A_1094 : f32
          %add3A_1099 = arith.addf %add3A_1095, %add3A_1096 : f32
          %add3A_1100 = arith.addf %add3A_1097, %add3A_1098 : f32
          %add3A_1101 = arith.addf %add3A_1099, %add3A_1100 : f32
          %eq3A_1102 = arith.constant 7 : i32
          %eq3A_1103 = vector.broadcast %eq3A_1102 : i32 to vector<16xi32>
          %eq3A_1104 = arith.cmpi eq, %iota3A, %eq3A_1103 : vector<16xi32>
          %broadcast_in_dim3A_1105 = vector.broadcast %add3A_1101 : f32 to vector<16xf32>
          %select_n3A_1106 = arith.select %eq3A_1104, %broadcast_in_dim3A_1105, %select_n3A_978 : vector<16xi1>, vector<16xf32>
          %mul3A_1107 = arith.constant 16 : i32
          %mul3A_1108 = arith.muli %scan3A_85, %mul3A_1107 : i32
          %add3A_1109 = arith.constant 8 : i32
          %add3A_1110 = arith.addi %mul3A_1108, %add3A_1109 : i32
          %broadcast_in_dim3A_1111 = arith.constant 0.000000e+00 : f32
          %broadcast_in_dim3A_1112 = vector.broadcast %broadcast_in_dim3A_1111 : f32 to vector<16xf32>
          %get3A_1113 = arith.index_cast %add3A_1110 : i32 to index
          %get3A_1114 = arith.constant 0 : index
          %get3A_1115 = tpu.vector_load %arg8[%get3A_1113, %get3A_1114] {strides = array<i32>} : memref<128x128xf32, #tpu.memory_space<vmem>>, vector<1x16xf32>,
          %get3A_1116 = vector.shape_cast %get3A_1115 : vector<1x16xf32> to vector<16xf32>
          %get3A_1117 = arith.index_cast %add3A_1110 : i32 to index
          %get3A_1118 = arith.constant 0 : index
          %get3A_1119 = tpu.vector_load %arg10[%get3A_1117, %get3A_1118] {strides = array<i32>} : memref<128x128xf32, #tpu.memory_space<vmem>>, vector<1x16xf32>,
          %get3A_1120 = vector.shape_cast %get3A_1119 : vector<1x16xf32> to vector<16xf32>
          %add3A_1121 = arith.addf %get3A_1116, %get3A_1120 : vector<16xf32>
          %mul3A_1122 = arith.mulf %add3A_1121, %add3A_1121 : vector<16xf32>
          %add3A_1123 = arith.addf %broadcast_in_dim3A_1112, %mul3A_1122 : vector<16xf32>
          %get3A_1124 = arith.index_cast %add3A_1110 : i32 to index
          %get3A_1125 = arith.constant 16 : index
          %get3A_1126 = tpu.vector_load %arg8[%get3A_1124, %get3A_1125] {strides = array<i32>} : memref<128x128xf32, #tpu.memory_space<vmem>>, vector<1x16xf32>,
          %get3A_1127 = vector.shape_cast %get3A_1126 : vector<1x16xf32> to vector<16xf32>
          %get3A_1128 = arith.index_cast %add3A_1110 : i32 to index
          %get3A_1129 = arith.constant 16 : index
          %get3A_1130 = tpu.vector_load %arg10[%get3A_1128, %get3A_1129] {strides = array<i32>} : memref<128x128xf32, #tpu.memory_space<vmem>>, vector<1x16xf32>,
          %get3A_1131 = vector.shape_cast %get3A_1130 : vector<1x16xf32> to vector<16xf32>
          %add3A_1132 = arith.addf %get3A_1127, %get3A_1131 : vector<16xf32>
          %mul3A_1133 = arith.mulf %add3A_1132, %add3A_1132 : vector<16xf32>
          %add3A_1134 = arith.addf %add3A_1123, %mul3A_1133 : vector<16xf32>
          %get3A_1135 = arith.index_cast %add3A_1110 : i32 to index
          %get3A_1136 = arith.constant 32 : index
          %get3A_1137 = tpu.vector_load %arg8[%get3A_1135, %get3A_1136] {strides = array<i32>} : memref<128x128xf32, #tpu.memory_space<vmem>>, vector<1x16xf32>,
          %get3A_1138 = vector.shape_cast %get3A_1137 : vector<1x16xf32> to vector<16xf32>
          %get3A_1139 = arith.index_cast %add3A_1110 : i32 to index
          %get3A_1140 = arith.constant 32 : index
          %get3A_1141 = tpu.vector_load %arg10[%get3A_1139, %get3A_1140] {strides = array<i32>} : memref<128x128xf32, #tpu.memory_space<vmem>>, vector<1x16xf32>,
          %get3A_1142 = vector.shape_cast %get3A_1141 : vector<1x16xf32> to vector<16xf32>
          %add3A_1143 = arith.addf %get3A_1138, %get3A_1142 : vector<16xf32>
          %mul3A_1144 = arith.mulf %add3A_1143, %add3A_1143 : vector<16xf32>
          %add3A_1145 = arith.addf %add3A_1134, %mul3A_1144 : vector<16xf32>
          %get3A_1146 = arith.index_cast %add3A_1110 : i32 to index
          %get3A_1147 = arith.constant 48 : index
          %get3A_1148 = tpu.vector_load %arg8[%get3A_1146, %get3A_1147] {strides = array<i32>} : memref<128x128xf32, #tpu.memory_space<vmem>>, vector<1x16xf32>,
          %get3A_1149 = vector.shape_cast %get3A_1148 : vector<1x16xf32> to vector<16xf32>
          %get3A_1150 = arith.index_cast %add3A_1110 : i32 to index
          %get3A_1151 = arith.constant 48 : index
          %get3A_1152 = tpu.vector_load %arg10[%get3A_1150, %get3A_1151] {strides = array<i32>} : memref<128x128xf32, #tpu.memory_space<vmem>>, vector<1x16xf32>,
          %get3A_1153 = vector.shape_cast %get3A_1152 : vector<1x16xf32> to vector<16xf32>
          %add3A_1154 = arith.addf %get3A_1149, %get3A_1153 : vector<16xf32>
          %mul3A_1155 = arith.mulf %add3A_1154, %add3A_1154 : vector<16xf32>
          %add3A_1156 = arith.addf %add3A_1145, %mul3A_1155 : vector<16xf32>
          %get3A_1157 = arith.index_cast %add3A_1110 : i32 to index
          %get3A_1158 = arith.constant 64 : index
          %get3A_1159 = tpu.vector_load %arg8[%get3A_1157, %get3A_1158] {strides = array<i32>} : memref<128x128xf32, #tpu.memory_space<vmem>>, vector<1x16xf32>,
          %get3A_1160 = vector.shape_cast %get3A_1159 : vector<1x16xf32> to vector<16xf32>
          %get3A_1161 = arith.index_cast %add3A_1110 : i32 to index
          %get3A_1162 = arith.constant 64 : index
          %get3A_1163 = tpu.vector_load %arg10[%get3A_1161, %get3A_1162] {strides = array<i32>} : memref<128x128xf32, #tpu.memory_space<vmem>>, vector<1x16xf32>,
          %get3A_1164 = vector.shape_cast %get3A_1163 : vector<1x16xf32> to vector<16xf32>
          %add3A_1165 = arith.addf %get3A_1160, %get3A_1164 : vector<16xf32>
          %mul3A_1166 = arith.mulf %add3A_1165, %add3A_1165 : vector<16xf32>
          %add3A_1167 = arith.addf %add3A_1156, %mul3A_1166 : vector<16xf32>
          %get3A_1168 = arith.index_cast %add3A_1110 : i32 to index
          %get3A_1169 = arith.constant 80 : index
          %get3A_1170 = tpu.vector_load %arg8[%get3A_1168, %get3A_1169] {strides = array<i32>} : memref<128x128xf32, #tpu.memory_space<vmem>>, vector<1x16xf32>,
          %get3A_1171 = vector.shape_cast %get3A_1170 : vector<1x16xf32> to vector<16xf32>
          %get3A_1172 = arith.index_cast %add3A_1110 : i32 to index
          %get3A_1173 = arith.constant 80 : index
          %get3A_1174 = tpu.vector_load %arg10[%get3A_1172, %get3A_1173] {strides = array<i32>} : memref<128x128xf32, #tpu.memory_space<vmem>>, vector<1x16xf32>,
          %get3A_1175 = vector.shape_cast %get3A_1174 : vector<1x16xf32> to vector<16xf32>
          %add3A_1176 = arith.addf %get3A_1171, %get3A_1175 : vector<16xf32>
          %mul3A_1177 = arith.mulf %add3A_1176, %add3A_1176 : vector<16xf32>
          %add3A_1178 = arith.addf %add3A_1167, %mul3A_1177 : vector<16xf32>
          %get3A_1179 = arith.index_cast %add3A_1110 : i32 to index
          %get3A_1180 = arith.constant 96 : index
          %get3A_1181 = tpu.vector_load %arg8[%get3A_1179, %get3A_1180] {strides = array<i32>} : memref<128x128xf32, #tpu.memory_space<vmem>>, vector<1x16xf32>,
          %get3A_1182 = vector.shape_cast %get3A_1181 : vector<1x16xf32> to vector<16xf32>
          %get3A_1183 = arith.index_cast %add3A_1110 : i32 to index
          %get3A_1184 = arith.constant 96 : index
          %get3A_1185 = tpu.vector_load %arg10[%get3A_1183, %get3A_1184] {strides = array<i32>} : memref<128x128xf32, #tpu.memory_space<vmem>>, vector<1x16xf32>,
          %get3A_1186 = vector.shape_cast %get3A_1185 : vector<1x16xf32> to vector<16xf32>
          %add3A_1187 = arith.addf %get3A_1182, %get3A_1186 : vector<16xf32>
          %mul3A_1188 = arith.mulf %add3A_1187, %add3A_1187 : vector<16xf32>
          %add3A_1189 = arith.addf %add3A_1178, %mul3A_1188 : vector<16xf32>
          %get3A_1190 = arith.index_cast %add3A_1110 : i32 to index
          %get3A_1191 = arith.constant 112 : index
          %get3A_1192 = tpu.vector_load %arg8[%get3A_1190, %get3A_1191] {strides = array<i32>} : memref<128x128xf32, #tpu.memory_space<vmem>>, vector<1x16xf32>,
          %get3A_1193 = vector.shape_cast %get3A_1192 : vector<1x16xf32> to vector<16xf32>
          %get3A_1194 = arith.index_cast %add3A_1110 : i32 to index
          %get3A_1195 = arith.constant 112 : index
          %get3A_1196 = tpu.vector_load %arg10[%get3A_1194, %get3A_1195] {strides = array<i32>} : memref<128x128xf32, #tpu.memory_space<vmem>>, vector<1x16xf32>,
          %get3A_1197 = vector.shape_cast %get3A_1196 : vector<1x16xf32> to vector<16xf32>
          %add3A_1198 = arith.addf %get3A_1193, %get3A_1197 : vector<16xf32>
          %mul3A_1199 = arith.mulf %add3A_1198, %add3A_1198 : vector<16xf32>
          %add3A_1200 = arith.addf %add3A_1189, %mul3A_1199 : vector<16xf32>
          %rev3A_1201 = arith.constant 15 : i32
          %rev3A_1202 = vector.broadcast %rev3A_1201 : i32 to vector<16xi32>
          %rev3A_1203 = tpu.iota {dimensions = array<i32: 0>} : vector<16xi32>
          %rev3A_1204 = arith.subi %rev3A_1202, %rev3A_1203 : vector<16xi32>
          %rev3A_1205 = tpu.dynamic_gather %add3A_1200[%rev3A_1204] in [0] : vector<16xf32>, vector<16xi32> -> vector<16xf32>
          %add3A_1206 = arith.addf %add3A_1200, %rev3A_1205 : vector<16xf32>
          %slice3A_1207 = vector.extract_strided_slice %add3A_1206 {offsets = [0], sizes = [1], strides = [1]} : vector<16xf32> to vector<1xf32>
          %squeeze3A_1208 = vector.extract %slice3A_1207[0] : f32 from vector<1xf32>
          %slice3A_1209 = vector.extract_strided_slice %add3A_1206 {offsets = [1], sizes = [1], strides = [1]} : vector<16xf32> to vector<1xf32>
          %squeeze3A_1210 = vector.extract %slice3A_1209[0] : f32 from vector<1xf32>
          %slice3A_1211 = vector.extract_strided_slice %add3A_1206 {offsets = [2], sizes = [1], strides = [1]} : vector<16xf32> to vector<1xf32>
          %squeeze3A_1212 = vector.extract %slice3A_1211[0] : f32 from vector<1xf32>
          %slice3A_1213 = vector.extract_strided_slice %add3A_1206 {offsets = [3], sizes = [1], strides = [1]} : vector<16xf32> to vector<1xf32>
          %squeeze3A_1214 = vector.extract %slice3A_1213[0] : f32 from vector<1xf32>
          %slice3A_1215 = vector.extract_strided_slice %add3A_1206 {offsets = [4], sizes = [1], strides = [1]} : vector<16xf32> to vector<1xf32>
          %squeeze3A_1216 = vector.extract %slice3A_1215[0] : f32 from vector<1xf32>
          %slice3A_1217 = vector.extract_strided_slice %add3A_1206 {offsets = [5], sizes = [1], strides = [1]} : vector<16xf32> to vector<1xf32>
          %squeeze3A_1218 = vector.extract %slice3A_1217[0] : f32 from vector<1xf32>
          %slice3A_1219 = vector.extract_strided_slice %add3A_1206 {offsets = [6], sizes = [1], strides = [1]} : vector<16xf32> to vector<1xf32>
          %squeeze3A_1220 = vector.extract %slice3A_1219[0] : f32 from vector<1xf32>
          %slice3A_1221 = vector.extract_strided_slice %add3A_1206 {offsets = [7], sizes = [1], strides = [1]} : vector<16xf32> to vector<1xf32>
          %squeeze3A_1222 = vector.extract %slice3A_1221[0] : f32 from vector<1xf32>
          %add3A_1223 = arith.addf %squeeze3A_1208, %squeeze3A_1210 : f32
          %add3A_1224 = arith.addf %squeeze3A_1212, %squeeze3A_1214 : f32
          %add3A_1225 = arith.addf %squeeze3A_1216, %squeeze3A_1218 : f32
          %add3A_1226 = arith.addf %squeeze3A_1220, %squeeze3A_1222 : f32
          %add3A_1227 = arith.addf %add3A_1223, %add3A_1224 : f32
          %add3A_1228 = arith.addf %add3A_1225, %add3A_1226 : f32
          %add3A_1229 = arith.addf %add3A_1227, %add3A_1228 : f32
          %eq3A_1230 = arith.constant 8 : i32
          %eq3A_1231 = vector.broadcast %eq3A_1230 : i32 to vector<16xi32>
          %eq3A_1232 = arith.cmpi eq, %iota3A, %eq3A_1231 : vector<16xi32>
          %broadcast_in_dim3A_1233 = vector.broadcast %add3A_1229 : f32 to vector<16xf32>
          %select_n3A_1234 = arith.select %eq3A_1232, %broadcast_in_dim3A_1233, %select_n3A_1106 : vector<16xi1>, vector<16xf32>
          %mul3A_1235 = arith.constant 16 : i32
          %mul3A_1236 = arith.muli %scan3A_85, %mul3A_1235 : i32
          %add3A_1237 = arith.constant 9 : i32
          %add3A_1238 = arith.addi %mul3A_1236, %add3A_1237 : i32
          %broadcast_in_dim3A_1239 = arith.constant 0.000000e+00 : f32
          %broadcast_in_dim3A_1240 = vector.broadcast %broadcast_in_dim3A_1239 : f32 to vector<16xf32>
          %get3A_1241 = arith.index_cast %add3A_1238 : i32 to index
          %get3A_1242 = arith.constant 0 : index
          %get3A_1243 = tpu.vector_load %arg8[%get3A_1241, %get3A_1242] {strides = array<i32>} : memref<128x128xf32, #tpu.memory_space<vmem>>, vector<1x16xf32>,
          %get3A_1244 = vector.shape_cast %get3A_1243 : vector<1x16xf32> to vector<16xf32>
          %get3A_1245 = arith.index_cast %add3A_1238 : i32 to index
          %get3A_1246 = arith.constant 0 : index
          %get3A_1247 = tpu.vector_load %arg10[%get3A_1245, %get3A_1246] {strides = array<i32>} : memref<128x128xf32, #tpu.memory_space<vmem>>, vector<1x16xf32>,
          %get3A_1248 = vector.shape_cast %get3A_1247 : vector<1x16xf32> to vector<16xf32>
          %add3A_1249 = arith.addf %get3A_1244, %get3A_1248 : vector<16xf32>
          %mul3A_1250 = arith.mulf %add3A_1249, %add3A_1249 : vector<16xf32>
          %add3A_1251 = arith.addf %broadcast_in_dim3A_1240, %mul3A_1250 : vector<16xf32>
          %get3A_1252 = arith.index_cast %add3A_1238 : i32 to index
          %get3A_1253 = arith.constant 16 : index
          %get3A_1254 = tpu.vector_load %arg8[%get3A_1252, %get3A_1253] {strides = array<i32>} : memref<128x128xf32, #tpu.memory_space<vmem>>, vector<1x16xf32>,
          %get3A_1255 = vector.shape_cast %get3A_1254 : vector<1x16xf32> to vector<16xf32>
          %get3A_1256 = arith.index_cast %add3A_1238 : i32 to index
          %get3A_1257 = arith.constant 16 : index
          %get3A_1258 = tpu.vector_load %arg10[%get3A_1256, %get3A_1257] {strides = array<i32>} : memref<128x128xf32, #tpu.memory_space<vmem>>, vector<1x16xf32>,
          %get3A_1259 = vector.shape_cast %get3A_1258 : vector<1x16xf32> to vector<16xf32>
          %add3A_1260 = arith.addf %get3A_1255, %get3A_1259 : vector<16xf32>
          %mul3A_1261 = arith.mulf %add3A_1260, %add3A_1260 : vector<16xf32>
          %add3A_1262 = arith.addf %add3A_1251, %mul3A_1261 : vector<16xf32>
          %get3A_1263 = arith.index_cast %add3A_1238 : i32 to index
          %get3A_1264 = arith.constant 32 : index
          %get3A_1265 = tpu.vector_load %arg8[%get3A_1263, %get3A_1264] {strides = array<i32>} : memref<128x128xf32, #tpu.memory_space<vmem>>, vector<1x16xf32>,
          %get3A_1266 = vector.shape_cast %get3A_1265 : vector<1x16xf32> to vector<16xf32>
          %get3A_1267 = arith.index_cast %add3A_1238 : i32 to index
          %get3A_1268 = arith.constant 32 : index
          %get3A_1269 = tpu.vector_load %arg10[%get3A_1267, %get3A_1268] {strides = array<i32>} : memref<128x128xf32, #tpu.memory_space<vmem>>, vector<1x16xf32>,
          %get3A_1270 = vector.shape_cast %get3A_1269 : vector<1x16xf32> to vector<16xf32>
          %add3A_1271 = arith.addf %get3A_1266, %get3A_1270 : vector<16xf32>
          %mul3A_1272 = arith.mulf %add3A_1271, %add3A_1271 : vector<16xf32>
          %add3A_1273 = arith.addf %add3A_1262, %mul3A_1272 : vector<16xf32>
          %get3A_1274 = arith.index_cast %add3A_1238 : i32 to index
          %get3A_1275 = arith.constant 48 : index
          %get3A_1276 = tpu.vector_load %arg8[%get3A_1274, %get3A_1275] {strides = array<i32>} : memref<128x128xf32, #tpu.memory_space<vmem>>, vector<1x16xf32>,
          %get3A_1277 = vector.shape_cast %get3A_1276 : vector<1x16xf32> to vector<16xf32>
          %get3A_1278 = arith.index_cast %add3A_1238 : i32 to index
          %get3A_1279 = arith.constant 48 : index
          %get3A_1280 = tpu.vector_load %arg10[%get3A_1278, %get3A_1279] {strides = array<i32>} : memref<128x128xf32, #tpu.memory_space<vmem>>, vector<1x16xf32>,
          %get3A_1281 = vector.shape_cast %get3A_1280 : vector<1x16xf32> to vector<16xf32>
          %add3A_1282 = arith.addf %get3A_1277, %get3A_1281 : vector<16xf32>
          %mul3A_1283 = arith.mulf %add3A_1282, %add3A_1282 : vector<16xf32>
          %add3A_1284 = arith.addf %add3A_1273, %mul3A_1283 : vector<16xf32>
          %get3A_1285 = arith.index_cast %add3A_1238 : i32 to index
          %get3A_1286 = arith.constant 64 : index
          %get3A_1287 = tpu.vector_load %arg8[%get3A_1285, %get3A_1286] {strides = array<i32>} : memref<128x128xf32, #tpu.memory_space<vmem>>, vector<1x16xf32>,
          %get3A_1288 = vector.shape_cast %get3A_1287 : vector<1x16xf32> to vector<16xf32>
          %get3A_1289 = arith.index_cast %add3A_1238 : i32 to index
          %get3A_1290 = arith.constant 64 : index
          %get3A_1291 = tpu.vector_load %arg10[%get3A_1289, %get3A_1290] {strides = array<i32>} : memref<128x128xf32, #tpu.memory_space<vmem>>, vector<1x16xf32>,
          %get3A_1292 = vector.shape_cast %get3A_1291 : vector<1x16xf32> to vector<16xf32>
          %add3A_1293 = arith.addf %get3A_1288, %get3A_1292 : vector<16xf32>
          %mul3A_1294 = arith.mulf %add3A_1293, %add3A_1293 : vector<16xf32>
          %add3A_1295 = arith.addf %add3A_1284, %mul3A_1294 : vector<16xf32>
          %get3A_1296 = arith.index_cast %add3A_1238 : i32 to index
          %get3A_1297 = arith.constant 80 : index
          %get3A_1298 = tpu.vector_load %arg8[%get3A_1296, %get3A_1297] {strides = array<i32>} : memref<128x128xf32, #tpu.memory_space<vmem>>, vector<1x16xf32>,
          %get3A_1299 = vector.shape_cast %get3A_1298 : vector<1x16xf32> to vector<16xf32>
          %get3A_1300 = arith.index_cast %add3A_1238 : i32 to index
          %get3A_1301 = arith.constant 80 : index
          %get3A_1302 = tpu.vector_load %arg10[%get3A_1300, %get3A_1301] {strides = array<i32>} : memref<128x128xf32, #tpu.memory_space<vmem>>, vector<1x16xf32>,
          %get3A_1303 = vector.shape_cast %get3A_1302 : vector<1x16xf32> to vector<16xf32>
          %add3A_1304 = arith.addf %get3A_1299, %get3A_1303 : vector<16xf32>
          %mul3A_1305 = arith.mulf %add3A_1304, %add3A_1304 : vector<16xf32>
          %add3A_1306 = arith.addf %add3A_1295, %mul3A_1305 : vector<16xf32>
          %get3A_1307 = arith.index_cast %add3A_1238 : i32 to index
          %get3A_1308 = arith.constant 96 : index
          %get3A_1309 = tpu.vector_load %arg8[%get3A_1307, %get3A_1308] {strides = array<i32>} : memref<128x128xf32, #tpu.memory_space<vmem>>, vector<1x16xf32>,
          %get3A_1310 = vector.shape_cast %get3A_1309 : vector<1x16xf32> to vector<16xf32>
          %get3A_1311 = arith.index_cast %add3A_1238 : i32 to index
          %get3A_1312 = arith.constant 96 : index
          %get3A_1313 = tpu.vector_load %arg10[%get3A_1311, %get3A_1312] {strides = array<i32>} : memref<128x128xf32, #tpu.memory_space<vmem>>, vector<1x16xf32>,
          %get3A_1314 = vector.shape_cast %get3A_1313 : vector<1x16xf32> to vector<16xf32>
          %add3A_1315 = arith.addf %get3A_1310, %get3A_1314 : vector<16xf32>
          %mul3A_1316 = arith.mulf %add3A_1315, %add3A_1315 : vector<16xf32>
          %add3A_1317 = arith.addf %add3A_1306, %mul3A_1316 : vector<16xf32>
          %get3A_1318 = arith.index_cast %add3A_1238 : i32 to index
          %get3A_1319 = arith.constant 112 : index
          %get3A_1320 = tpu.vector_load %arg8[%get3A_1318, %get3A_1319] {strides = array<i32>} : memref<128x128xf32, #tpu.memory_space<vmem>>, vector<1x16xf32>,
          %get3A_1321 = vector.shape_cast %get3A_1320 : vector<1x16xf32> to vector<16xf32>
          %get3A_1322 = arith.index_cast %add3A_1238 : i32 to index
          %get3A_1323 = arith.constant 112 : index
          %get3A_1324 = tpu.vector_load %arg10[%get3A_1322, %get3A_1323] {strides = array<i32>} : memref<128x128xf32, #tpu.memory_space<vmem>>, vector<1x16xf32>,
          %get3A_1325 = vector.shape_cast %get3A_1324 : vector<1x16xf32> to vector<16xf32>
          %add3A_1326 = arith.addf %get3A_1321, %get3A_1325 : vector<16xf32>
          %mul3A_1327 = arith.mulf %add3A_1326, %add3A_1326 : vector<16xf32>
          %add3A_1328 = arith.addf %add3A_1317, %mul3A_1327 : vector<16xf32>
          %rev3A_1329 = arith.constant 15 : i32
          %rev3A_1330 = vector.broadcast %rev3A_1329 : i32 to vector<16xi32>
          %rev3A_1331 = tpu.iota {dimensions = array<i32: 0>} : vector<16xi32>
          %rev3A_1332 = arith.subi %rev3A_1330, %rev3A_1331 : vector<16xi32>
          %rev3A_1333 = tpu.dynamic_gather %add3A_1328[%rev3A_1332] in [0] : vector<16xf32>, vector<16xi32> -> vector<16xf32>
          %add3A_1334 = arith.addf %add3A_1328, %rev3A_1333 : vector<16xf32>
          %slice3A_1335 = vector.extract_strided_slice %add3A_1334 {offsets = [0], sizes = [1], strides = [1]} : vector<16xf32> to vector<1xf32>
          %squeeze3A_1336 = vector.extract %slice3A_1335[0] : f32 from vector<1xf32>
          %slice3A_1337 = vector.extract_strided_slice %add3A_1334 {offsets = [1], sizes = [1], strides = [1]} : vector<16xf32> to vector<1xf32>
          %squeeze3A_1338 = vector.extract %slice3A_1337[0] : f32 from vector<1xf32>
          %slice3A_1339 = vector.extract_strided_slice %add3A_1334 {offsets = [2], sizes = [1], strides = [1]} : vector<16xf32> to vector<1xf32>
          %squeeze3A_1340 = vector.extract %slice3A_1339[0] : f32 from vector<1xf32>
          %slice3A_1341 = vector.extract_strided_slice %add3A_1334 {offsets = [3], sizes = [1], strides = [1]} : vector<16xf32> to vector<1xf32>
          %squeeze3A_1342 = vector.extract %slice3A_1341[0] : f32 from vector<1xf32>
          %slice3A_1343 = vector.extract_strided_slice %add3A_1334 {offsets = [4], sizes = [1], strides = [1]} : vector<16xf32> to vector<1xf32>
          %squeeze3A_1344 = vector.extract %slice3A_1343[0] : f32 from vector<1xf32>
          %slice3A_1345 = vector.extract_strided_slice %add3A_1334 {offsets = [5], sizes = [1], strides = [1]} : vector<16xf32> to vector<1xf32>
          %squeeze3A_1346 = vector.extract %slice3A_1345[0] : f32 from vector<1xf32>
          %slice3A_1347 = vector.extract_strided_slice %add3A_1334 {offsets = [6], sizes = [1], strides = [1]} : vector<16xf32> to vector<1xf32>
          %squeeze3A_1348 = vector.extract %slice3A_1347[0] : f32 from vector<1xf32>
          %slice3A_1349 = vector.extract_strided_slice %add3A_1334 {offsets = [7], sizes = [1], strides = [1]} : vector<16xf32> to vector<1xf32>
          %squeeze3A_1350 = vector.extract %slice3A_1349[0] : f32 from vector<1xf32>
          %add3A_1351 = arith.addf %squeeze3A_1336, %squeeze3A_1338 : f32
          %add3A_1352 = arith.addf %squeeze3A_1340, %squeeze3A_1342 : f32
          %add3A_1353 = arith.addf %squeeze3A_1344, %squeeze3A_1346 : f32
          %add3A_1354 = arith.addf %squeeze3A_1348, %squeeze3A_1350 : f32
          %add3A_1355 = arith.addf %add3A_1351, %add3A_1352 : f32
          %add3A_1356 = arith.addf %add3A_1353, %add3A_1354 : f32
          %add3A_1357 = arith.addf %add3A_1355, %add3A_1356 : f32
          %eq3A_1358 = arith.constant 9 : i32
          %eq3A_1359 = vector.broadcast %eq3A_1358 : i32 to vector<16xi32>
          %eq3A_1360 = arith.cmpi eq, %iota3A, %eq3A_1359 : vector<16xi32>
          %broadcast_in_dim3A_1361 = vector.broadcast %add3A_1357 : f32 to vector<16xf32>
          %select_n3A_1362 = arith.select %eq3A_1360, %broadcast_in_dim3A_1361, %select_n3A_1234 : vector<16xi1>, vector<16xf32>
          %mul3A_1363 = arith.constant 16 : i32
          %mul3A_1364 = arith.muli %scan3A_85, %mul3A_1363 : i32
          %add3A_1365 = arith.constant 10 : i32
          %add3A_1366 = arith.addi %mul3A_1364, %add3A_1365 : i32
          %broadcast_in_dim3A_1367 = arith.constant 0.000000e+00 : f32
          %broadcast_in_dim3A_1368 = vector.broadcast %broadcast_in_dim3A_1367 : f32 to vector<16xf32>
          %get3A_1369 = arith.index_cast %add3A_1366 : i32 to index
          %get3A_1370 = arith.constant 0 : index
          %get3A_1371 = tpu.vector_load %arg8[%get3A_1369, %get3A_1370] {strides = array<i32>} : memref<128x128xf32, #tpu.memory_space<vmem>>, vector<1x16xf32>,
          %get3A_1372 = vector.shape_cast %get3A_1371 : vector<1x16xf32> to vector<16xf32>
          %get3A_1373 = arith.index_cast %add3A_1366 : i32 to index
          %get3A_1374 = arith.constant 0 : index
          %get3A_1375 = tpu.vector_load %arg10[%get3A_1373, %get3A_1374] {strides = array<i32>} : memref<128x128xf32, #tpu.memory_space<vmem>>, vector<1x16xf32>,
          %get3A_1376 = vector.shape_cast %get3A_1375 : vector<1x16xf32> to vector<16xf32>
          %add3A_1377 = arith.addf %get3A_1372, %get3A_1376 : vector<16xf32>
          %mul3A_1378 = arith.mulf %add3A_1377, %add3A_1377 : vector<16xf32>
          %add3A_1379 = arith.addf %broadcast_in_dim3A_1368, %mul3A_1378 : vector<16xf32>
          %get3A_1380 = arith.index_cast %add3A_1366 : i32 to index
          %get3A_1381 = arith.constant 16 : index
          %get3A_1382 = tpu.vector_load %arg8[%get3A_1380, %get3A_1381] {strides = array<i32>} : memref<128x128xf32, #tpu.memory_space<vmem>>, vector<1x16xf32>,
          %get3A_1383 = vector.shape_cast %get3A_1382 : vector<1x16xf32> to vector<16xf32>
          %get3A_1384 = arith.index_cast %add3A_1366 : i32 to index
          %get3A_1385 = arith.constant 16 : index
          %get3A_1386 = tpu.vector_load %arg10[%get3A_1384, %get3A_1385] {strides = array<i32>} : memref<128x128xf32, #tpu.memory_space<vmem>>, vector<1x16xf32>,
          %get3A_1387 = vector.shape_cast %get3A_1386 : vector<1x16xf32> to vector<16xf32>
          %add3A_1388 = arith.addf %get3A_1383, %get3A_1387 : vector<16xf32>
          %mul3A_1389 = arith.mulf %add3A_1388, %add3A_1388 : vector<16xf32>
          %add3A_1390 = arith.addf %add3A_1379, %mul3A_1389 : vector<16xf32>
          %get3A_1391 = arith.index_cast %add3A_1366 : i32 to index
          %get3A_1392 = arith.constant 32 : index
          %get3A_1393 = tpu.vector_load %arg8[%get3A_1391, %get3A_1392] {strides = array<i32>} : memref<128x128xf32, #tpu.memory_space<vmem>>, vector<1x16xf32>,
          %get3A_1394 = vector.shape_cast %get3A_1393 : vector<1x16xf32> to vector<16xf32>
          %get3A_1395 = arith.index_cast %add3A_1366 : i32 to index
          %get3A_1396 = arith.constant 32 : index
          %get3A_1397 = tpu.vector_load %arg10[%get3A_1395, %get3A_1396] {strides = array<i32>} : memref<128x128xf32, #tpu.memory_space<vmem>>, vector<1x16xf32>,
          %get3A_1398 = vector.shape_cast %get3A_1397 : vector<1x16xf32> to vector<16xf32>
          %add3A_1399 = arith.addf %get3A_1394, %get3A_1398 : vector<16xf32>
          %mul3A_1400 = arith.mulf %add3A_1399, %add3A_1399 : vector<16xf32>
          %add3A_1401 = arith.addf %add3A_1390, %mul3A_1400 : vector<16xf32>
          %get3A_1402 = arith.index_cast %add3A_1366 : i32 to index
          %get3A_1403 = arith.constant 48 : index
          %get3A_1404 = tpu.vector_load %arg8[%get3A_1402, %get3A_1403] {strides = array<i32>} : memref<128x128xf32, #tpu.memory_space<vmem>>, vector<1x16xf32>,
          %get3A_1405 = vector.shape_cast %get3A_1404 : vector<1x16xf32> to vector<16xf32>
          %get3A_1406 = arith.index_cast %add3A_1366 : i32 to index
          %get3A_1407 = arith.constant 48 : index
          %get3A_1408 = tpu.vector_load %arg10[%get3A_1406, %get3A_1407] {strides = array<i32>} : memref<128x128xf32, #tpu.memory_space<vmem>>, vector<1x16xf32>,
          %get3A_1409 = vector.shape_cast %get3A_1408 : vector<1x16xf32> to vector<16xf32>
          %add3A_1410 = arith.addf %get3A_1405, %get3A_1409 : vector<16xf32>
          %mul3A_1411 = arith.mulf %add3A_1410, %add3A_1410 : vector<16xf32>
          %add3A_1412 = arith.addf %add3A_1401, %mul3A_1411 : vector<16xf32>
          %get3A_1413 = arith.index_cast %add3A_1366 : i32 to index
          %get3A_1414 = arith.constant 64 : index
          %get3A_1415 = tpu.vector_load %arg8[%get3A_1413, %get3A_1414] {strides = array<i32>} : memref<128x128xf32, #tpu.memory_space<vmem>>, vector<1x16xf32>,
          %get3A_1416 = vector.shape_cast %get3A_1415 : vector<1x16xf32> to vector<16xf32>
          %get3A_1417 = arith.index_cast %add3A_1366 : i32 to index
          %get3A_1418 = arith.constant 64 : index
          %get3A_1419 = tpu.vector_load %arg10[%get3A_1417, %get3A_1418] {strides = array<i32>} : memref<128x128xf32, #tpu.memory_space<vmem>>, vector<1x16xf32>,
          %get3A_1420 = vector.shape_cast %get3A_1419 : vector<1x16xf32> to vector<16xf32>
          %add3A_1421 = arith.addf %get3A_1416, %get3A_1420 : vector<16xf32>
          %mul3A_1422 = arith.mulf %add3A_1421, %add3A_1421 : vector<16xf32>
          %add3A_1423 = arith.addf %add3A_1412, %mul3A_1422 : vector<16xf32>
          %get3A_1424 = arith.index_cast %add3A_1366 : i32 to index
          %get3A_1425 = arith.constant 80 : index
          %get3A_1426 = tpu.vector_load %arg8[%get3A_1424, %get3A_1425] {strides = array<i32>} : memref<128x128xf32, #tpu.memory_space<vmem>>, vector<1x16xf32>,
          %get3A_1427 = vector.shape_cast %get3A_1426 : vector<1x16xf32> to vector<16xf32>
          %get3A_1428 = arith.index_cast %add3A_1366 : i32 to index
          %get3A_1429 = arith.constant 80 : index
          %get3A_1430 = tpu.vector_load %arg10[%get3A_1428, %get3A_1429] {strides = array<i32>} : memref<128x128xf32, #tpu.memory_space<vmem>>, vector<1x16xf32>,
          %get3A_1431 = vector.shape_cast %get3A_1430 : vector<1x16xf32> to vector<16xf32>
          %add3A_1432 = arith.addf %get3A_1427, %get3A_1431 : vector<16xf32>
          %mul3A_1433 = arith.mulf %add3A_1432, %add3A_1432 : vector<16xf32>
          %add3A_1434 = arith.addf %add3A_1423, %mul3A_1433 : vector<16xf32>
          %get3A_1435 = arith.index_cast %add3A_1366 : i32 to index
          %get3A_1436 = arith.constant 96 : index
          %get3A_1437 = tpu.vector_load %arg8[%get3A_1435, %get3A_1436] {strides = array<i32>} : memref<128x128xf32, #tpu.memory_space<vmem>>, vector<1x16xf32>,
          %get3A_1438 = vector.shape_cast %get3A_1437 : vector<1x16xf32> to vector<16xf32>
          %get3A_1439 = arith.index_cast %add3A_1366 : i32 to index
          %get3A_1440 = arith.constant 96 : index
          %get3A_1441 = tpu.vector_load %arg10[%get3A_1439, %get3A_1440] {strides = array<i32>} : memref<128x128xf32, #tpu.memory_space<vmem>>, vector<1x16xf32>,
          %get3A_1442 = vector.shape_cast %get3A_1441 : vector<1x16xf32> to vector<16xf32>
          %add3A_1443 = arith.addf %get3A_1438, %get3A_1442 : vector<16xf32>
          %mul3A_1444 = arith.mulf %add3A_1443, %add3A_1443 : vector<16xf32>
          %add3A_1445 = arith.addf %add3A_1434, %mul3A_1444 : vector<16xf32>
          %get3A_1446 = arith.index_cast %add3A_1366 : i32 to index
          %get3A_1447 = arith.constant 112 : index
          %get3A_1448 = tpu.vector_load %arg8[%get3A_1446, %get3A_1447] {strides = array<i32>} : memref<128x128xf32, #tpu.memory_space<vmem>>, vector<1x16xf32>,
          %get3A_1449 = vector.shape_cast %get3A_1448 : vector<1x16xf32> to vector<16xf32>
          %get3A_1450 = arith.index_cast %add3A_1366 : i32 to index
          %get3A_1451 = arith.constant 112 : index
          %get3A_1452 = tpu.vector_load %arg10[%get3A_1450, %get3A_1451] {strides = array<i32>} : memref<128x128xf32, #tpu.memory_space<vmem>>, vector<1x16xf32>,
          %get3A_1453 = vector.shape_cast %get3A_1452 : vector<1x16xf32> to vector<16xf32>
          %add3A_1454 = arith.addf %get3A_1449, %get3A_1453 : vector<16xf32>
          %mul3A_1455 = arith.mulf %add3A_1454, %add3A_1454 : vector<16xf32>
          %add3A_1456 = arith.addf %add3A_1445, %mul3A_1455 : vector<16xf32>
          %rev3A_1457 = arith.constant 15 : i32
          %rev3A_1458 = vector.broadcast %rev3A_1457 : i32 to vector<16xi32>
          %rev3A_1459 = tpu.iota {dimensions = array<i32: 0>} : vector<16xi32>
          %rev3A_1460 = arith.subi %rev3A_1458, %rev3A_1459 : vector<16xi32>
          %rev3A_1461 = tpu.dynamic_gather %add3A_1456[%rev3A_1460] in [0] : vector<16xf32>, vector<16xi32> -> vector<16xf32>
          %add3A_1462 = arith.addf %add3A_1456, %rev3A_1461 : vector<16xf32>
          %slice3A_1463 = vector.extract_strided_slice %add3A_1462 {offsets = [0], sizes = [1], strides = [1]} : vector<16xf32> to vector<1xf32>
          %squeeze3A_1464 = vector.extract %slice3A_1463[0] : f32 from vector<1xf32>
          %slice3A_1465 = vector.extract_strided_slice %add3A_1462 {offsets = [1], sizes = [1], strides = [1]} : vector<16xf32> to vector<1xf32>
          %squeeze3A_1466 = vector.extract %slice3A_1465[0] : f32 from vector<1xf32>
          %slice3A_1467 = vector.extract_strided_slice %add3A_1462 {offsets = [2], sizes = [1], strides = [1]} : vector<16xf32> to vector<1xf32>
          %squeeze3A_1468 = vector.extract %slice3A_1467[0] : f32 from vector<1xf32>
          %slice3A_1469 = vector.extract_strided_slice %add3A_1462 {offsets = [3], sizes = [1], strides = [1]} : vector<16xf32> to vector<1xf32>
          %squeeze3A_1470 = vector.extract %slice3A_1469[0] : f32 from vector<1xf32>
          %slice3A_1471 = vector.extract_strided_slice %add3A_1462 {offsets = [4], sizes = [1], strides = [1]} : vector<16xf32> to vector<1xf32>
          %squeeze3A_1472 = vector.extract %slice3A_1471[0] : f32 from vector<1xf32>
          %slice3A_1473 = vector.extract_strided_slice %add3A_1462 {offsets = [5], sizes = [1], strides = [1]} : vector<16xf32> to vector<1xf32>
          %squeeze3A_1474 = vector.extract %slice3A_1473[0] : f32 from vector<1xf32>
          %slice3A_1475 = vector.extract_strided_slice %add3A_1462 {offsets = [6], sizes = [1], strides = [1]} : vector<16xf32> to vector<1xf32>
          %squeeze3A_1476 = vector.extract %slice3A_1475[0] : f32 from vector<1xf32>
          %slice3A_1477 = vector.extract_strided_slice %add3A_1462 {offsets = [7], sizes = [1], strides = [1]} : vector<16xf32> to vector<1xf32>
          %squeeze3A_1478 = vector.extract %slice3A_1477[0] : f32 from vector<1xf32>
          %add3A_1479 = arith.addf %squeeze3A_1464, %squeeze3A_1466 : f32
          %add3A_1480 = arith.addf %squeeze3A_1468, %squeeze3A_1470 : f32
          %add3A_1481 = arith.addf %squeeze3A_1472, %squeeze3A_1474 : f32
          %add3A_1482 = arith.addf %squeeze3A_1476, %squeeze3A_1478 : f32
          %add3A_1483 = arith.addf %add3A_1479, %add3A_1480 : f32
          %add3A_1484 = arith.addf %add3A_1481, %add3A_1482 : f32
          %add3A_1485 = arith.addf %add3A_1483, %add3A_1484 : f32
          %eq3A_1486 = arith.constant 10 : i32
          %eq3A_1487 = vector.broadcast %eq3A_1486 : i32 to vector<16xi32>
          %eq3A_1488 = arith.cmpi eq, %iota3A, %eq3A_1487 : vector<16xi32>
          %broadcast_in_dim3A_1489 = vector.broadcast %add3A_1485 : f32 to vector<16xf32>
          %select_n3A_1490 = arith.select %eq3A_1488, %broadcast_in_dim3A_1489, %select_n3A_1362 : vector<16xi1>, vector<16xf32>
          %mul3A_1491 = arith.constant 16 : i32
          %mul3A_1492 = arith.muli %scan3A_85, %mul3A_1491 : i32
          %add3A_1493 = arith.constant 11 : i32
          %add3A_1494 = arith.addi %mul3A_1492, %add3A_1493 : i32
          %broadcast_in_dim3A_1495 = arith.constant 0.000000e+00 : f32
          %broadcast_in_dim3A_1496 = vector.broadcast %broadcast_in_dim3A_1495 : f32 to vector<16xf32>
          %get3A_1497 = arith.index_cast %add3A_1494 : i32 to index
          %get3A_1498 = arith.constant 0 : index
          %get3A_1499 = tpu.vector_load %arg8[%get3A_1497, %get3A_1498] {strides = array<i32>} : memref<128x128xf32, #tpu.memory_space<vmem>>, vector<1x16xf32>,
          %get3A_1500 = vector.shape_cast %get3A_1499 : vector<1x16xf32> to vector<16xf32>
          %get3A_1501 = arith.index_cast %add3A_1494 : i32 to index
          %get3A_1502 = arith.constant 0 : index
          %get3A_1503 = tpu.vector_load %arg10[%get3A_1501, %get3A_1502] {strides = array<i32>} : memref<128x128xf32, #tpu.memory_space<vmem>>, vector<1x16xf32>,
          %get3A_1504 = vector.shape_cast %get3A_1503 : vector<1x16xf32> to vector<16xf32>
          %add3A_1505 = arith.addf %get3A_1500, %get3A_1504 : vector<16xf32>
          %mul3A_1506 = arith.mulf %add3A_1505, %add3A_1505 : vector<16xf32>
          %add3A_1507 = arith.addf %broadcast_in_dim3A_1496, %mul3A_1506 : vector<16xf32>
          %get3A_1508 = arith.index_cast %add3A_1494 : i32 to index
          %get3A_1509 = arith.constant 16 : index
          %get3A_1510 = tpu.vector_load %arg8[%get3A_1508, %get3A_1509] {strides = array<i32>} : memref<128x128xf32, #tpu.memory_space<vmem>>, vector<1x16xf32>,
          %get3A_1511 = vector.shape_cast %get3A_1510 : vector<1x16xf32> to vector<16xf32>
          %get3A_1512 = arith.index_cast %add3A_1494 : i32 to index
          %get3A_1513 = arith.constant 16 : index
          %get3A_1514 = tpu.vector_load %arg10[%get3A_1512, %get3A_1513] {strides = array<i32>} : memref<128x128xf32, #tpu.memory_space<vmem>>, vector<1x16xf32>,
          %get3A_1515 = vector.shape_cast %get3A_1514 : vector<1x16xf32> to vector<16xf32>
          %add3A_1516 = arith.addf %get3A_1511, %get3A_1515 : vector<16xf32>
          %mul3A_1517 = arith.mulf %add3A_1516, %add3A_1516 : vector<16xf32>
          %add3A_1518 = arith.addf %add3A_1507, %mul3A_1517 : vector<16xf32>
          %get3A_1519 = arith.index_cast %add3A_1494 : i32 to index
          %get3A_1520 = arith.constant 32 : index
          %get3A_1521 = tpu.vector_load %arg8[%get3A_1519, %get3A_1520] {strides = array<i32>} : memref<128x128xf32, #tpu.memory_space<vmem>>, vector<1x16xf32>,
          %get3A_1522 = vector.shape_cast %get3A_1521 : vector<1x16xf32> to vector<16xf32>
          %get3A_1523 = arith.index_cast %add3A_1494 : i32 to index
          %get3A_1524 = arith.constant 32 : index
          %get3A_1525 = tpu.vector_load %arg10[%get3A_1523, %get3A_1524] {strides = array<i32>} : memref<128x128xf32, #tpu.memory_space<vmem>>, vector<1x16xf32>,
          %get3A_1526 = vector.shape_cast %get3A_1525 : vector<1x16xf32> to vector<16xf32>
          %add3A_1527 = arith.addf %get3A_1522, %get3A_1526 : vector<16xf32>
          %mul3A_1528 = arith.mulf %add3A_1527, %add3A_1527 : vector<16xf32>
          %add3A_1529 = arith.addf %add3A_1518, %mul3A_1528 : vector<16xf32>
          %get3A_1530 = arith.index_cast %add3A_1494 : i32 to index
          %get3A_1531 = arith.constant 48 : index
          %get3A_1532 = tpu.vector_load %arg8[%get3A_1530, %get3A_1531] {strides = array<i32>} : memref<128x128xf32, #tpu.memory_space<vmem>>, vector<1x16xf32>,
          %get3A_1533 = vector.shape_cast %get3A_1532 : vector<1x16xf32> to vector<16xf32>
          %get3A_1534 = arith.index_cast %add3A_1494 : i32 to index
          %get3A_1535 = arith.constant 48 : index
          %get3A_1536 = tpu.vector_load %arg10[%get3A_1534, %get3A_1535] {strides = array<i32>} : memref<128x128xf32, #tpu.memory_space<vmem>>, vector<1x16xf32>,
          %get3A_1537 = vector.shape_cast %get3A_1536 : vector<1x16xf32> to vector<16xf32>
          %add3A_1538 = arith.addf %get3A_1533, %get3A_1537 : vector<16xf32>
          %mul3A_1539 = arith.mulf %add3A_1538, %add3A_1538 : vector<16xf32>
          %add3A_1540 = arith.addf %add3A_1529, %mul3A_1539 : vector<16xf32>
          %get3A_1541 = arith.index_cast %add3A_1494 : i32 to index
          %get3A_1542 = arith.constant 64 : index
          %get3A_1543 = tpu.vector_load %arg8[%get3A_1541, %get3A_1542] {strides = array<i32>} : memref<128x128xf32, #tpu.memory_space<vmem>>, vector<1x16xf32>,
          %get3A_1544 = vector.shape_cast %get3A_1543 : vector<1x16xf32> to vector<16xf32>
          %get3A_1545 = arith.index_cast %add3A_1494 : i32 to index
          %get3A_1546 = arith.constant 64 : index
          %get3A_1547 = tpu.vector_load %arg10[%get3A_1545, %get3A_1546] {strides = array<i32>} : memref<128x128xf32, #tpu.memory_space<vmem>>, vector<1x16xf32>,
          %get3A_1548 = vector.shape_cast %get3A_1547 : vector<1x16xf32> to vector<16xf32>
          %add3A_1549 = arith.addf %get3A_1544, %get3A_1548 : vector<16xf32>
          %mul3A_1550 = arith.mulf %add3A_1549, %add3A_1549 : vector<16xf32>
          %add3A_1551 = arith.addf %add3A_1540, %mul3A_1550 : vector<16xf32>
          %get3A_1552 = arith.index_cast %add3A_1494 : i32 to index
          %get3A_1553 = arith.constant 80 : index
          %get3A_1554 = tpu.vector_load %arg8[%get3A_1552, %get3A_1553] {strides = array<i32>} : memref<128x128xf32, #tpu.memory_space<vmem>>, vector<1x16xf32>,
          %get3A_1555 = vector.shape_cast %get3A_1554 : vector<1x16xf32> to vector<16xf32>
          %get3A_1556 = arith.index_cast %add3A_1494 : i32 to index
          %get3A_1557 = arith.constant 80 : index
          %get3A_1558 = tpu.vector_load %arg10[%get3A_1556, %get3A_1557] {strides = array<i32>} : memref<128x128xf32, #tpu.memory_space<vmem>>, vector<1x16xf32>,
          %get3A_1559 = vector.shape_cast %get3A_1558 : vector<1x16xf32> to vector<16xf32>
          %add3A_1560 = arith.addf %get3A_1555, %get3A_1559 : vector<16xf32>
          %mul3A_1561 = arith.mulf %add3A_1560, %add3A_1560 : vector<16xf32>
          %add3A_1562 = arith.addf %add3A_1551, %mul3A_1561 : vector<16xf32>
          %get3A_1563 = arith.index_cast %add3A_1494 : i32 to index
          %get3A_1564 = arith.constant 96 : index
          %get3A_1565 = tpu.vector_load %arg8[%get3A_1563, %get3A_1564] {strides = array<i32>} : memref<128x128xf32, #tpu.memory_space<vmem>>, vector<1x16xf32>,
          %get3A_1566 = vector.shape_cast %get3A_1565 : vector<1x16xf32> to vector<16xf32>
          %get3A_1567 = arith.index_cast %add3A_1494 : i32 to index
          %get3A_1568 = arith.constant 96 : index
          %get3A_1569 = tpu.vector_load %arg10[%get3A_1567, %get3A_1568] {strides = array<i32>} : memref<128x128xf32, #tpu.memory_space<vmem>>, vector<1x16xf32>,
          %get3A_1570 = vector.shape_cast %get3A_1569 : vector<1x16xf32> to vector<16xf32>
          %add3A_1571 = arith.addf %get3A_1566, %get3A_1570 : vector<16xf32>
          %mul3A_1572 = arith.mulf %add3A_1571, %add3A_1571 : vector<16xf32>
          %add3A_1573 = arith.addf %add3A_1562, %mul3A_1572 : vector<16xf32>
          %get3A_1574 = arith.index_cast %add3A_1494 : i32 to index
          %get3A_1575 = arith.constant 112 : index
          %get3A_1576 = tpu.vector_load %arg8[%get3A_1574, %get3A_1575] {strides = array<i32>} : memref<128x128xf32, #tpu.memory_space<vmem>>, vector<1x16xf32>,
          %get3A_1577 = vector.shape_cast %get3A_1576 : vector<1x16xf32> to vector<16xf32>
          %get3A_1578 = arith.index_cast %add3A_1494 : i32 to index
          %get3A_1579 = arith.constant 112 : index
          %get3A_1580 = tpu.vector_load %arg10[%get3A_1578, %get3A_1579] {strides = array<i32>} : memref<128x128xf32, #tpu.memory_space<vmem>>, vector<1x16xf32>,
          %get3A_1581 = vector.shape_cast %get3A_1580 : vector<1x16xf32> to vector<16xf32>
          %add3A_1582 = arith.addf %get3A_1577, %get3A_1581 : vector<16xf32>
          %mul3A_1583 = arith.mulf %add3A_1582, %add3A_1582 : vector<16xf32>
          %add3A_1584 = arith.addf %add3A_1573, %mul3A_1583 : vector<16xf32>
          %rev3A_1585 = arith.constant 15 : i32
          %rev3A_1586 = vector.broadcast %rev3A_1585 : i32 to vector<16xi32>
          %rev3A_1587 = tpu.iota {dimensions = array<i32: 0>} : vector<16xi32>
          %rev3A_1588 = arith.subi %rev3A_1586, %rev3A_1587 : vector<16xi32>
          %rev3A_1589 = tpu.dynamic_gather %add3A_1584[%rev3A_1588] in [0] : vector<16xf32>, vector<16xi32> -> vector<16xf32>
          %add3A_1590 = arith.addf %add3A_1584, %rev3A_1589 : vector<16xf32>
          %slice3A_1591 = vector.extract_strided_slice %add3A_1590 {offsets = [0], sizes = [1], strides = [1]} : vector<16xf32> to vector<1xf32>
          %squeeze3A_1592 = vector.extract %slice3A_1591[0] : f32 from vector<1xf32>
          %slice3A_1593 = vector.extract_strided_slice %add3A_1590 {offsets = [1], sizes = [1], strides = [1]} : vector<16xf32> to vector<1xf32>
          %squeeze3A_1594 = vector.extract %slice3A_1593[0] : f32 from vector<1xf32>
          %slice3A_1595 = vector.extract_strided_slice %add3A_1590 {offsets = [2], sizes = [1], strides = [1]} : vector<16xf32> to vector<1xf32>
          %squeeze3A_1596 = vector.extract %slice3A_1595[0] : f32 from vector<1xf32>
          %slice3A_1597 = vector.extract_strided_slice %add3A_1590 {offsets = [3], sizes = [1], strides = [1]} : vector<16xf32> to vector<1xf32>
          %squeeze3A_1598 = vector.extract %slice3A_1597[0] : f32 from vector<1xf32>
          %slice3A_1599 = vector.extract_strided_slice %add3A_1590 {offsets = [4], sizes = [1], strides = [1]} : vector<16xf32> to vector<1xf32>
          %squeeze3A_1600 = vector.extract %slice3A_1599[0] : f32 from vector<1xf32>
          %slice3A_1601 = vector.extract_strided_slice %add3A_1590 {offsets = [5], sizes = [1], strides = [1]} : vector<16xf32> to vector<1xf32>
          %squeeze3A_1602 = vector.extract %slice3A_1601[0] : f32 from vector<1xf32>
          %slice3A_1603 = vector.extract_strided_slice %add3A_1590 {offsets = [6], sizes = [1], strides = [1]} : vector<16xf32> to vector<1xf32>
          %squeeze3A_1604 = vector.extract %slice3A_1603[0] : f32 from vector<1xf32>
          %slice3A_1605 = vector.extract_strided_slice %add3A_1590 {offsets = [7], sizes = [1], strides = [1]} : vector<16xf32> to vector<1xf32>
          %squeeze3A_1606 = vector.extract %slice3A_1605[0] : f32 from vector<1xf32>
          %add3A_1607 = arith.addf %squeeze3A_1592, %squeeze3A_1594 : f32
          %add3A_1608 = arith.addf %squeeze3A_1596, %squeeze3A_1598 : f32
          %add3A_1609 = arith.addf %squeeze3A_1600, %squeeze3A_1602 : f32
          %add3A_1610 = arith.addf %squeeze3A_1604, %squeeze3A_1606 : f32
          %add3A_1611 = arith.addf %add3A_1607, %add3A_1608 : f32
          %add3A_1612 = arith.addf %add3A_1609, %add3A_1610 : f32
          %add3A_1613 = arith.addf %add3A_1611, %add3A_1612 : f32
          %eq3A_1614 = arith.constant 11 : i32
          %eq3A_1615 = vector.broadcast %eq3A_1614 : i32 to vector<16xi32>
          %eq3A_1616 = arith.cmpi eq, %iota3A, %eq3A_1615 : vector<16xi32>
          %broadcast_in_dim3A_1617 = vector.broadcast %add3A_1613 : f32 to vector<16xf32>
          %select_n3A_1618 = arith.select %eq3A_1616, %broadcast_in_dim3A_1617, %select_n3A_1490 : vector<16xi1>, vector<16xf32>
          %mul3A_1619 = arith.constant 16 : i32
          %mul3A_1620 = arith.muli %scan3A_85, %mul3A_1619 : i32
          %add3A_1621 = arith.constant 12 : i32
          %add3A_1622 = arith.addi %mul3A_1620, %add3A_1621 : i32
          %broadcast_in_dim3A_1623 = arith.constant 0.000000e+00 : f32
          %broadcast_in_dim3A_1624 = vector.broadcast %broadcast_in_dim3A_1623 : f32 to vector<16xf32>
          %get3A_1625 = arith.index_cast %add3A_1622 : i32 to index
          %get3A_1626 = arith.constant 0 : index
          %get3A_1627 = tpu.vector_load %arg8[%get3A_1625, %get3A_1626] {strides = array<i32>} : memref<128x128xf32, #tpu.memory_space<vmem>>, vector<1x16xf32>,
          %get3A_1628 = vector.shape_cast %get3A_1627 : vector<1x16xf32> to vector<16xf32>
          %get3A_1629 = arith.index_cast %add3A_1622 : i32 to index
          %get3A_1630 = arith.constant 0 : index
          %get3A_1631 = tpu.vector_load %arg10[%get3A_1629, %get3A_1630] {strides = array<i32>} : memref<128x128xf32, #tpu.memory_space<vmem>>, vector<1x16xf32>,
          %get3A_1632 = vector.shape_cast %get3A_1631 : vector<1x16xf32> to vector<16xf32>
          %add3A_1633 = arith.addf %get3A_1628, %get3A_1632 : vector<16xf32>
          %mul3A_1634 = arith.mulf %add3A_1633, %add3A_1633 : vector<16xf32>
          %add3A_1635 = arith.addf %broadcast_in_dim3A_1624, %mul3A_1634 : vector<16xf32>
          %get3A_1636 = arith.index_cast %add3A_1622 : i32 to index
          %get3A_1637 = arith.constant 16 : index
          %get3A_1638 = tpu.vector_load %arg8[%get3A_1636, %get3A_1637] {strides = array<i32>} : memref<128x128xf32, #tpu.memory_space<vmem>>, vector<1x16xf32>,
          %get3A_1639 = vector.shape_cast %get3A_1638 : vector<1x16xf32> to vector<16xf32>
          %get3A_1640 = arith.index_cast %add3A_1622 : i32 to index
          %get3A_1641 = arith.constant 16 : index
          %get3A_1642 = tpu.vector_load %arg10[%get3A_1640, %get3A_1641] {strides = array<i32>} : memref<128x128xf32, #tpu.memory_space<vmem>>, vector<1x16xf32>,
          %get3A_1643 = vector.shape_cast %get3A_1642 : vector<1x16xf32> to vector<16xf32>
          %add3A_1644 = arith.addf %get3A_1639, %get3A_1643 : vector<16xf32>
          %mul3A_1645 = arith.mulf %add3A_1644, %add3A_1644 : vector<16xf32>
          %add3A_1646 = arith.addf %add3A_1635, %mul3A_1645 : vector<16xf32>
          %get3A_1647 = arith.index_cast %add3A_1622 : i32 to index
          %get3A_1648 = arith.constant 32 : index
          %get3A_1649 = tpu.vector_load %arg8[%get3A_1647, %get3A_1648] {strides = array<i32>} : memref<128x128xf32, #tpu.memory_space<vmem>>, vector<1x16xf32>,
          %get3A_1650 = vector.shape_cast %get3A_1649 : vector<1x16xf32> to vector<16xf32>
          %get3A_1651 = arith.index_cast %add3A_1622 : i32 to index
          %get3A_1652 = arith.constant 32 : index
          %get3A_1653 = tpu.vector_load %arg10[%get3A_1651, %get3A_1652] {strides = array<i32>} : memref<128x128xf32, #tpu.memory_space<vmem>>, vector<1x16xf32>,
          %get3A_1654 = vector.shape_cast %get3A_1653 : vector<1x16xf32> to vector<16xf32>
          %add3A_1655 = arith.addf %get3A_1650, %get3A_1654 : vector<16xf32>
          %mul3A_1656 = arith.mulf %add3A_1655, %add3A_1655 : vector<16xf32>
          %add3A_1657 = arith.addf %add3A_1646, %mul3A_1656 : vector<16xf32>
          %get3A_1658 = arith.index_cast %add3A_1622 : i32 to index
          %get3A_1659 = arith.constant 48 : index
          %get3A_1660 = tpu.vector_load %arg8[%get3A_1658, %get3A_1659] {strides = array<i32>} : memref<128x128xf32, #tpu.memory_space<vmem>>, vector<1x16xf32>,
          %get3A_1661 = vector.shape_cast %get3A_1660 : vector<1x16xf32> to vector<16xf32>
          %get3A_1662 = arith.index_cast %add3A_1622 : i32 to index
          %get3A_1663 = arith.constant 48 : index
          %get3A_1664 = tpu.vector_load %arg10[%get3A_1662, %get3A_1663] {strides = array<i32>} : memref<128x128xf32, #tpu.memory_space<vmem>>, vector<1x16xf32>,
          %get3A_1665 = vector.shape_cast %get3A_1664 : vector<1x16xf32> to vector<16xf32>
          %add3A_1666 = arith.addf %get3A_1661, %get3A_1665 : vector<16xf32>
          %mul3A_1667 = arith.mulf %add3A_1666, %add3A_1666 : vector<16xf32>
          %add3A_1668 = arith.addf %add3A_1657, %mul3A_1667 : vector<16xf32>
          %get3A_1669 = arith.index_cast %add3A_1622 : i32 to index
          %get3A_1670 = arith.constant 64 : index
          %get3A_1671 = tpu.vector_load %arg8[%get3A_1669, %get3A_1670] {strides = array<i32>} : memref<128x128xf32, #tpu.memory_space<vmem>>, vector<1x16xf32>,
          %get3A_1672 = vector.shape_cast %get3A_1671 : vector<1x16xf32> to vector<16xf32>
          %get3A_1673 = arith.index_cast %add3A_1622 : i32 to index
          %get3A_1674 = arith.constant 64 : index
          %get3A_1675 = tpu.vector_load %arg10[%get3A_1673, %get3A_1674] {strides = array<i32>} : memref<128x128xf32, #tpu.memory_space<vmem>>, vector<1x16xf32>,
          %get3A_1676 = vector.shape_cast %get3A_1675 : vector<1x16xf32> to vector<16xf32>
          %add3A_1677 = arith.addf %get3A_1672, %get3A_1676 : vector<16xf32>
          %mul3A_1678 = arith.mulf %add3A_1677, %add3A_1677 : vector<16xf32>
          %add3A_1679 = arith.addf %add3A_1668, %mul3A_1678 : vector<16xf32>
          %get3A_1680 = arith.index_cast %add3A_1622 : i32 to index
          %get3A_1681 = arith.constant 80 : index
          %get3A_1682 = tpu.vector_load %arg8[%get3A_1680, %get3A_1681] {strides = array<i32>} : memref<128x128xf32, #tpu.memory_space<vmem>>, vector<1x16xf32>,
          %get3A_1683 = vector.shape_cast %get3A_1682 : vector<1x16xf32> to vector<16xf32>
          %get3A_1684 = arith.index_cast %add3A_1622 : i32 to index
          %get3A_1685 = arith.constant 80 : index
          %get3A_1686 = tpu.vector_load %arg10[%get3A_1684, %get3A_1685] {strides = array<i32>} : memref<128x128xf32, #tpu.memory_space<vmem>>, vector<1x16xf32>,
          %get3A_1687 = vector.shape_cast %get3A_1686 : vector<1x16xf32> to vector<16xf32>
          %add3A_1688 = arith.addf %get3A_1683, %get3A_1687 : vector<16xf32>
          %mul3A_1689 = arith.mulf %add3A_1688, %add3A_1688 : vector<16xf32>
          %add3A_1690 = arith.addf %add3A_1679, %mul3A_1689 : vector<16xf32>
          %get3A_1691 = arith.index_cast %add3A_1622 : i32 to index
          %get3A_1692 = arith.constant 96 : index
          %get3A_1693 = tpu.vector_load %arg8[%get3A_1691, %get3A_1692] {strides = array<i32>} : memref<128x128xf32, #tpu.memory_space<vmem>>, vector<1x16xf32>,
          %get3A_1694 = vector.shape_cast %get3A_1693 : vector<1x16xf32> to vector<16xf32>
          %get3A_1695 = arith.index_cast %add3A_1622 : i32 to index
          %get3A_1696 = arith.constant 96 : index
          %get3A_1697 = tpu.vector_load %arg10[%get3A_1695, %get3A_1696] {strides = array<i32>} : memref<128x128xf32, #tpu.memory_space<vmem>>, vector<1x16xf32>,
          %get3A_1698 = vector.shape_cast %get3A_1697 : vector<1x16xf32> to vector<16xf32>
          %add3A_1699 = arith.addf %get3A_1694, %get3A_1698 : vector<16xf32>
          %mul3A_1700 = arith.mulf %add3A_1699, %add3A_1699 : vector<16xf32>
          %add3A_1701 = arith.addf %add3A_1690, %mul3A_1700 : vector<16xf32>
          %get3A_1702 = arith.index_cast %add3A_1622 : i32 to index
          %get3A_1703 = arith.constant 112 : index
          %get3A_1704 = tpu.vector_load %arg8[%get3A_1702, %get3A_1703] {strides = array<i32>} : memref<128x128xf32, #tpu.memory_space<vmem>>, vector<1x16xf32>,
          %get3A_1705 = vector.shape_cast %get3A_1704 : vector<1x16xf32> to vector<16xf32>
          %get3A_1706 = arith.index_cast %add3A_1622 : i32 to index
          %get3A_1707 = arith.constant 112 : index
          %get3A_1708 = tpu.vector_load %arg10[%get3A_1706, %get3A_1707] {strides = array<i32>} : memref<128x128xf32, #tpu.memory_space<vmem>>, vector<1x16xf32>,
          %get3A_1709 = vector.shape_cast %get3A_1708 : vector<1x16xf32> to vector<16xf32>
          %add3A_1710 = arith.addf %get3A_1705, %get3A_1709 : vector<16xf32>
          %mul3A_1711 = arith.mulf %add3A_1710, %add3A_1710 : vector<16xf32>
          %add3A_1712 = arith.addf %add3A_1701, %mul3A_1711 : vector<16xf32>
          %rev3A_1713 = arith.constant 15 : i32
          %rev3A_1714 = vector.broadcast %rev3A_1713 : i32 to vector<16xi32>
          %rev3A_1715 = tpu.iota {dimensions = array<i32: 0>} : vector<16xi32>
          %rev3A_1716 = arith.subi %rev3A_1714, %rev3A_1715 : vector<16xi32>
          %rev3A_1717 = tpu.dynamic_gather %add3A_1712[%rev3A_1716] in [0] : vector<16xf32>, vector<16xi32> -> vector<16xf32>
          %add3A_1718 = arith.addf %add3A_1712, %rev3A_1717 : vector<16xf32>
          %slice3A_1719 = vector.extract_strided_slice %add3A_1718 {offsets = [0], sizes = [1], strides = [1]} : vector<16xf32> to vector<1xf32>
          %squeeze3A_1720 = vector.extract %slice3A_1719[0] : f32 from vector<1xf32>
          %slice3A_1721 = vector.extract_strided_slice %add3A_1718 {offsets = [1], sizes = [1], strides = [1]} : vector<16xf32> to vector<1xf32>
          %squeeze3A_1722 = vector.extract %slice3A_1721[0] : f32 from vector<1xf32>
          %slice3A_1723 = vector.extract_strided_slice %add3A_1718 {offsets = [2], sizes = [1], strides = [1]} : vector<16xf32> to vector<1xf32>
          %squeeze3A_1724 = vector.extract %slice3A_1723[0] : f32 from vector<1xf32>
          %slice3A_1725 = vector.extract_strided_slice %add3A_1718 {offsets = [3], sizes = [1], strides = [1]} : vector<16xf32> to vector<1xf32>
          %squeeze3A_1726 = vector.extract %slice3A_1725[0] : f32 from vector<1xf32>
          %slice3A_1727 = vector.extract_strided_slice %add3A_1718 {offsets = [4], sizes = [1], strides = [1]} : vector<16xf32> to vector<1xf32>
          %squeeze3A_1728 = vector.extract %slice3A_1727[0] : f32 from vector<1xf32>
          %slice3A_1729 = vector.extract_strided_slice %add3A_1718 {offsets = [5], sizes = [1], strides = [1]} : vector<16xf32> to vector<1xf32>
          %squeeze3A_1730 = vector.extract %slice3A_1729[0] : f32 from vector<1xf32>
          %slice3A_1731 = vector.extract_strided_slice %add3A_1718 {offsets = [6], sizes = [1], strides = [1]} : vector<16xf32> to vector<1xf32>
          %squeeze3A_1732 = vector.extract %slice3A_1731[0] : f32 from vector<1xf32>
          %slice3A_1733 = vector.extract_strided_slice %add3A_1718 {offsets = [7], sizes = [1], strides = [1]} : vector<16xf32> to vector<1xf32>
          %squeeze3A_1734 = vector.extract %slice3A_1733[0] : f32 from vector<1xf32>
          %add3A_1735 = arith.addf %squeeze3A_1720, %squeeze3A_1722 : f32
          %add3A_1736 = arith.addf %squeeze3A_1724, %squeeze3A_1726 : f32
          %add3A_1737 = arith.addf %squeeze3A_1728, %squeeze3A_1730 : f32
          %add3A_1738 = arith.addf %squeeze3A_1732, %squeeze3A_1734 : f32
          %add3A_1739 = arith.addf %add3A_1735, %add3A_1736 : f32
          %add3A_1740 = arith.addf %add3A_1737, %add3A_1738 : f32
          %add3A_1741 = arith.addf %add3A_1739, %add3A_1740 : f32
          %eq3A_1742 = arith.constant 12 : i32
          %eq3A_1743 = vector.broadcast %eq3A_1742 : i32 to vector<16xi32>
          %eq3A_1744 = arith.cmpi eq, %iota3A, %eq3A_1743 : vector<16xi32>
          %broadcast_in_dim3A_1745 = vector.broadcast %add3A_1741 : f32 to vector<16xf32>
          %select_n3A_1746 = arith.select %eq3A_1744, %broadcast_in_dim3A_1745, %select_n3A_1618 : vector<16xi1>, vector<16xf32>
          %mul3A_1747 = arith.constant 16 : i32
          %mul3A_1748 = arith.muli %scan3A_85, %mul3A_1747 : i32
          %add3A_1749 = arith.constant 13 : i32
          %add3A_1750 = arith.addi %mul3A_1748, %add3A_1749 : i32
          %broadcast_in_dim3A_1751 = arith.constant 0.000000e+00 : f32
          %broadcast_in_dim3A_1752 = vector.broadcast %broadcast_in_dim3A_1751 : f32 to vector<16xf32>
          %get3A_1753 = arith.index_cast %add3A_1750 : i32 to index
          %get3A_1754 = arith.constant 0 : index
          %get3A_1755 = tpu.vector_load %arg8[%get3A_1753, %get3A_1754] {strides = array<i32>} : memref<128x128xf32, #tpu.memory_space<vmem>>, vector<1x16xf32>,
          %get3A_1756 = vector.shape_cast %get3A_1755 : vector<1x16xf32> to vector<16xf32>
          %get3A_1757 = arith.index_cast %add3A_1750 : i32 to index
          %get3A_1758 = arith.constant 0 : index
          %get3A_1759 = tpu.vector_load %arg10[%get3A_1757, %get3A_1758] {strides = array<i32>} : memref<128x128xf32, #tpu.memory_space<vmem>>, vector<1x16xf32>,
          %get3A_1760 = vector.shape_cast %get3A_1759 : vector<1x16xf32> to vector<16xf32>
          %add3A_1761 = arith.addf %get3A_1756, %get3A_1760 : vector<16xf32>
          %mul3A_1762 = arith.mulf %add3A_1761, %add3A_1761 : vector<16xf32>
          %add3A_1763 = arith.addf %broadcast_in_dim3A_1752, %mul3A_1762 : vector<16xf32>
          %get3A_1764 = arith.index_cast %add3A_1750 : i32 to index
          %get3A_1765 = arith.constant 16 : index
          %get3A_1766 = tpu.vector_load %arg8[%get3A_1764, %get3A_1765] {strides = array<i32>} : memref<128x128xf32, #tpu.memory_space<vmem>>, vector<1x16xf32>,
          %get3A_1767 = vector.shape_cast %get3A_1766 : vector<1x16xf32> to vector<16xf32>
          %get3A_1768 = arith.index_cast %add3A_1750 : i32 to index
          %get3A_1769 = arith.constant 16 : index
          %get3A_1770 = tpu.vector_load %arg10[%get3A_1768, %get3A_1769] {strides = array<i32>} : memref<128x128xf32, #tpu.memory_space<vmem>>, vector<1x16xf32>,
          %get3A_1771 = vector.shape_cast %get3A_1770 : vector<1x16xf32> to vector<16xf32>
          %add3A_1772 = arith.addf %get3A_1767, %get3A_1771 : vector<16xf32>
          %mul3A_1773 = arith.mulf %add3A_1772, %add3A_1772 : vector<16xf32>
          %add3A_1774 = arith.addf %add3A_1763, %mul3A_1773 : vector<16xf32>
          %get3A_1775 = arith.index_cast %add3A_1750 : i32 to index
          %get3A_1776 = arith.constant 32 : index
          %get3A_1777 = tpu.vector_load %arg8[%get3A_1775, %get3A_1776] {strides = array<i32>} : memref<128x128xf32, #tpu.memory_space<vmem>>, vector<1x16xf32>,
          %get3A_1778 = vector.shape_cast %get3A_1777 : vector<1x16xf32> to vector<16xf32>
          %get3A_1779 = arith.index_cast %add3A_1750 : i32 to index
          %get3A_1780 = arith.constant 32 : index
          %get3A_1781 = tpu.vector_load %arg10[%get3A_1779, %get3A_1780] {strides = array<i32>} : memref<128x128xf32, #tpu.memory_space<vmem>>, vector<1x16xf32>,
          %get3A_1782 = vector.shape_cast %get3A_1781 : vector<1x16xf32> to vector<16xf32>
          %add3A_1783 = arith.addf %get3A_1778, %get3A_1782 : vector<16xf32>
          %mul3A_1784 = arith.mulf %add3A_1783, %add3A_1783 : vector<16xf32>
          %add3A_1785 = arith.addf %add3A_1774, %mul3A_1784 : vector<16xf32>
          %get3A_1786 = arith.index_cast %add3A_1750 : i32 to index
          %get3A_1787 = arith.constant 48 : index
          %get3A_1788 = tpu.vector_load %arg8[%get3A_1786, %get3A_1787] {strides = array<i32>} : memref<128x128xf32, #tpu.memory_space<vmem>>, vector<1x16xf32>,
          %get3A_1789 = vector.shape_cast %get3A_1788 : vector<1x16xf32> to vector<16xf32>
          %get3A_1790 = arith.index_cast %add3A_1750 : i32 to index
          %get3A_1791 = arith.constant 48 : index
          %get3A_1792 = tpu.vector_load %arg10[%get3A_1790, %get3A_1791] {strides = array<i32>} : memref<128x128xf32, #tpu.memory_space<vmem>>, vector<1x16xf32>,
          %get3A_1793 = vector.shape_cast %get3A_1792 : vector<1x16xf32> to vector<16xf32>
          %add3A_1794 = arith.addf %get3A_1789, %get3A_1793 : vector<16xf32>
          %mul3A_1795 = arith.mulf %add3A_1794, %add3A_1794 : vector<16xf32>
          %add3A_1796 = arith.addf %add3A_1785, %mul3A_1795 : vector<16xf32>
          %get3A_1797 = arith.index_cast %add3A_1750 : i32 to index
          %get3A_1798 = arith.constant 64 : index
          %get3A_1799 = tpu.vector_load %arg8[%get3A_1797, %get3A_1798] {strides = array<i32>} : memref<128x128xf32, #tpu.memory_space<vmem>>, vector<1x16xf32>,
          %get3A_1800 = vector.shape_cast %get3A_1799 : vector<1x16xf32> to vector<16xf32>
          %get3A_1801 = arith.index_cast %add3A_1750 : i32 to index
          %get3A_1802 = arith.constant 64 : index
          %get3A_1803 = tpu.vector_load %arg10[%get3A_1801, %get3A_1802] {strides = array<i32>} : memref<128x128xf32, #tpu.memory_space<vmem>>, vector<1x16xf32>,
          %get3A_1804 = vector.shape_cast %get3A_1803 : vector<1x16xf32> to vector<16xf32>
          %add3A_1805 = arith.addf %get3A_1800, %get3A_1804 : vector<16xf32>
          %mul3A_1806 = arith.mulf %add3A_1805, %add3A_1805 : vector<16xf32>
          %add3A_1807 = arith.addf %add3A_1796, %mul3A_1806 : vector<16xf32>
          %get3A_1808 = arith.index_cast %add3A_1750 : i32 to index
          %get3A_1809 = arith.constant 80 : index
          %get3A_1810 = tpu.vector_load %arg8[%get3A_1808, %get3A_1809] {strides = array<i32>} : memref<128x128xf32, #tpu.memory_space<vmem>>, vector<1x16xf32>,
          %get3A_1811 = vector.shape_cast %get3A_1810 : vector<1x16xf32> to vector<16xf32>
          %get3A_1812 = arith.index_cast %add3A_1750 : i32 to index
          %get3A_1813 = arith.constant 80 : index
          %get3A_1814 = tpu.vector_load %arg10[%get3A_1812, %get3A_1813] {strides = array<i32>} : memref<128x128xf32, #tpu.memory_space<vmem>>, vector<1x16xf32>,
          %get3A_1815 = vector.shape_cast %get3A_1814 : vector<1x16xf32> to vector<16xf32>
          %add3A_1816 = arith.addf %get3A_1811, %get3A_1815 : vector<16xf32>
          %mul3A_1817 = arith.mulf %add3A_1816, %add3A_1816 : vector<16xf32>
          %add3A_1818 = arith.addf %add3A_1807, %mul3A_1817 : vector<16xf32>
          %get3A_1819 = arith.index_cast %add3A_1750 : i32 to index
          %get3A_1820 = arith.constant 96 : index
          %get3A_1821 = tpu.vector_load %arg8[%get3A_1819, %get3A_1820] {strides = array<i32>} : memref<128x128xf32, #tpu.memory_space<vmem>>, vector<1x16xf32>,
          %get3A_1822 = vector.shape_cast %get3A_1821 : vector<1x16xf32> to vector<16xf32>
          %get3A_1823 = arith.index_cast %add3A_1750 : i32 to index
          %get3A_1824 = arith.constant 96 : index
          %get3A_1825 = tpu.vector_load %arg10[%get3A_1823, %get3A_1824] {strides = array<i32>} : memref<128x128xf32, #tpu.memory_space<vmem>>, vector<1x16xf32>,
          %get3A_1826 = vector.shape_cast %get3A_1825 : vector<1x16xf32> to vector<16xf32>
          %add3A_1827 = arith.addf %get3A_1822, %get3A_1826 : vector<16xf32>
          %mul3A_1828 = arith.mulf %add3A_1827, %add3A_1827 : vector<16xf32>
          %add3A_1829 = arith.addf %add3A_1818, %mul3A_1828 : vector<16xf32>
          %get3A_1830 = arith.index_cast %add3A_1750 : i32 to index
          %get3A_1831 = arith.constant 112 : index
          %get3A_1832 = tpu.vector_load %arg8[%get3A_1830, %get3A_1831] {strides = array<i32>} : memref<128x128xf32, #tpu.memory_space<vmem>>, vector<1x16xf32>,
          %get3A_1833 = vector.shape_cast %get3A_1832 : vector<1x16xf32> to vector<16xf32>
          %get3A_1834 = arith.index_cast %add3A_1750 : i32 to index
          %get3A_1835 = arith.constant 112 : index
          %get3A_1836 = tpu.vector_load %arg10[%get3A_1834, %get3A_1835] {strides = array<i32>} : memref<128x128xf32, #tpu.memory_space<vmem>>, vector<1x16xf32>,
          %get3A_1837 = vector.shape_cast %get3A_1836 : vector<1x16xf32> to vector<16xf32>
          %add3A_1838 = arith.addf %get3A_1833, %get3A_1837 : vector<16xf32>
          %mul3A_1839 = arith.mulf %add3A_1838, %add3A_1838 : vector<16xf32>
          %add3A_1840 = arith.addf %add3A_1829, %mul3A_1839 : vector<16xf32>
          %rev3A_1841 = arith.constant 15 : i32
          %rev3A_1842 = vector.broadcast %rev3A_1841 : i32 to vector<16xi32>
          %rev3A_1843 = tpu.iota {dimensions = array<i32: 0>} : vector<16xi32>
          %rev3A_1844 = arith.subi %rev3A_1842, %rev3A_1843 : vector<16xi32>
          %rev3A_1845 = tpu.dynamic_gather %add3A_1840[%rev3A_1844] in [0] : vector<16xf32>, vector<16xi32> -> vector<16xf32>
          %add3A_1846 = arith.addf %add3A_1840, %rev3A_1845 : vector<16xf32>
          %slice3A_1847 = vector.extract_strided_slice %add3A_1846 {offsets = [0], sizes = [1], strides = [1]} : vector<16xf32> to vector<1xf32>
          %squeeze3A_1848 = vector.extract %slice3A_1847[0] : f32 from vector<1xf32>
          %slice3A_1849 = vector.extract_strided_slice %add3A_1846 {offsets = [1], sizes = [1], strides = [1]} : vector<16xf32> to vector<1xf32>
          %squeeze3A_1850 = vector.extract %slice3A_1849[0] : f32 from vector<1xf32>
          %slice3A_1851 = vector.extract_strided_slice %add3A_1846 {offsets = [2], sizes = [1], strides = [1]} : vector<16xf32> to vector<1xf32>
          %squeeze3A_1852 = vector.extract %slice3A_1851[0] : f32 from vector<1xf32>
          %slice3A_1853 = vector.extract_strided_slice %add3A_1846 {offsets = [3], sizes = [1], strides = [1]} : vector<16xf32> to vector<1xf32>
          %squeeze3A_1854 = vector.extract %slice3A_1853[0] : f32 from vector<1xf32>
          %slice3A_1855 = vector.extract_strided_slice %add3A_1846 {offsets = [4], sizes = [1], strides = [1]} : vector<16xf32> to vector<1xf32>
          %squeeze3A_1856 = vector.extract %slice3A_1855[0] : f32 from vector<1xf32>
          %slice3A_1857 = vector.extract_strided_slice %add3A_1846 {offsets = [5], sizes = [1], strides = [1]} : vector<16xf32> to vector<1xf32>
          %squeeze3A_1858 = vector.extract %slice3A_1857[0] : f32 from vector<1xf32>
          %slice3A_1859 = vector.extract_strided_slice %add3A_1846 {offsets = [6], sizes = [1], strides = [1]} : vector<16xf32> to vector<1xf32>
          %squeeze3A_1860 = vector.extract %slice3A_1859[0] : f32 from vector<1xf32>
          %slice3A_1861 = vector.extract_strided_slice %add3A_1846 {offsets = [7], sizes = [1], strides = [1]} : vector<16xf32> to vector<1xf32>
          %squeeze3A_1862 = vector.extract %slice3A_1861[0] : f32 from vector<1xf32>
          %add3A_1863 = arith.addf %squeeze3A_1848, %squeeze3A_1850 : f32
          %add3A_1864 = arith.addf %squeeze3A_1852, %squeeze3A_1854 : f32
          %add3A_1865 = arith.addf %squeeze3A_1856, %squeeze3A_1858 : f32
          %add3A_1866 = arith.addf %squeeze3A_1860, %squeeze3A_1862 : f32
          %add3A_1867 = arith.addf %add3A_1863, %add3A_1864 : f32
          %add3A_1868 = arith.addf %add3A_1865, %add3A_1866 : f32
          %add3A_1869 = arith.addf %add3A_1867, %add3A_1868 : f32
          %eq3A_1870 = arith.constant 13 : i32
          %eq3A_1871 = vector.broadcast %eq3A_1870 : i32 to vector<16xi32>
          %eq3A_1872 = arith.cmpi eq, %iota3A, %eq3A_1871 : vector<16xi32>
          %broadcast_in_dim3A_1873 = vector.broadcast %add3A_1869 : f32 to vector<16xf32>
          %select_n3A_1874 = arith.select %eq3A_1872, %broadcast_in_dim3A_1873, %select_n3A_1746 : vector<16xi1>, vector<16xf32>
          %mul3A_1875 = arith.constant 16 : i32
          %mul3A_1876 = arith.muli %scan3A_85, %mul3A_1875 : i32
          %add3A_1877 = arith.constant 14 : i32
          %add3A_1878 = arith.addi %mul3A_1876, %add3A_1877 : i32
          %broadcast_in_dim3A_1879 = arith.constant 0.000000e+00 : f32
          %broadcast_in_dim3A_1880 = vector.broadcast %broadcast_in_dim3A_1879 : f32 to vector<16xf32>
          %get3A_1881 = arith.index_cast %add3A_1878 : i32 to index
          %get3A_1882 = arith.constant 0 : index
          %get3A_1883 = tpu.vector_load %arg8[%get3A_1881, %get3A_1882] {strides = array<i32>} : memref<128x128xf32, #tpu.memory_space<vmem>>, vector<1x16xf32>,
          %get3A_1884 = vector.shape_cast %get3A_1883 : vector<1x16xf32> to vector<16xf32>
          %get3A_1885 = arith.index_cast %add3A_1878 : i32 to index
          %get3A_1886 = arith.constant 0 : index
          %get3A_1887 = tpu.vector_load %arg10[%get3A_1885, %get3A_1886] {strides = array<i32>} : memref<128x128xf32, #tpu.memory_space<vmem>>, vector<1x16xf32>,
          %get3A_1888 = vector.shape_cast %get3A_1887 : vector<1x16xf32> to vector<16xf32>
          %add3A_1889 = arith.addf %get3A_1884, %get3A_1888 : vector<16xf32>
          %mul3A_1890 = arith.mulf %add3A_1889, %add3A_1889 : vector<16xf32>
          %add3A_1891 = arith.addf %broadcast_in_dim3A_1880, %mul3A_1890 : vector<16xf32>
          %get3A_1892 = arith.index_cast %add3A_1878 : i32 to index
          %get3A_1893 = arith.constant 16 : index
          %get3A_1894 = tpu.vector_load %arg8[%get3A_1892, %get3A_1893] {strides = array<i32>} : memref<128x128xf32, #tpu.memory_space<vmem>>, vector<1x16xf32>,
          %get3A_1895 = vector.shape_cast %get3A_1894 : vector<1x16xf32> to vector<16xf32>
          %get3A_1896 = arith.index_cast %add3A_1878 : i32 to index
          %get3A_1897 = arith.constant 16 : index
          %get3A_1898 = tpu.vector_load %arg10[%get3A_1896, %get3A_1897] {strides = array<i32>} : memref<128x128xf32, #tpu.memory_space<vmem>>, vector<1x16xf32>,
          %get3A_1899 = vector.shape_cast %get3A_1898 : vector<1x16xf32> to vector<16xf32>
          %add3A_1900 = arith.addf %get3A_1895, %get3A_1899 : vector<16xf32>
          %mul3A_1901 = arith.mulf %add3A_1900, %add3A_1900 : vector<16xf32>
          %add3A_1902 = arith.addf %add3A_1891, %mul3A_1901 : vector<16xf32>
          %get3A_1903 = arith.index_cast %add3A_1878 : i32 to index
          %get3A_1904 = arith.constant 32 : index
          %get3A_1905 = tpu.vector_load %arg8[%get3A_1903, %get3A_1904] {strides = array<i32>} : memref<128x128xf32, #tpu.memory_space<vmem>>, vector<1x16xf32>,
          %get3A_1906 = vector.shape_cast %get3A_1905 : vector<1x16xf32> to vector<16xf32>
          %get3A_1907 = arith.index_cast %add3A_1878 : i32 to index
          %get3A_1908 = arith.constant 32 : index
          %get3A_1909 = tpu.vector_load %arg10[%get3A_1907, %get3A_1908] {strides = array<i32>} : memref<128x128xf32, #tpu.memory_space<vmem>>, vector<1x16xf32>,
          %get3A_1910 = vector.shape_cast %get3A_1909 : vector<1x16xf32> to vector<16xf32>
          %add3A_1911 = arith.addf %get3A_1906, %get3A_1910 : vector<16xf32>
          %mul3A_1912 = arith.mulf %add3A_1911, %add3A_1911 : vector<16xf32>
          %add3A_1913 = arith.addf %add3A_1902, %mul3A_1912 : vector<16xf32>
          %get3A_1914 = arith.index_cast %add3A_1878 : i32 to index
          %get3A_1915 = arith.constant 48 : index
          %get3A_1916 = tpu.vector_load %arg8[%get3A_1914, %get3A_1915] {strides = array<i32>} : memref<128x128xf32, #tpu.memory_space<vmem>>, vector<1x16xf32>,
          %get3A_1917 = vector.shape_cast %get3A_1916 : vector<1x16xf32> to vector<16xf32>
          %get3A_1918 = arith.index_cast %add3A_1878 : i32 to index
          %get3A_1919 = arith.constant 48 : index
          %get3A_1920 = tpu.vector_load %arg10[%get3A_1918, %get3A_1919] {strides = array<i32>} : memref<128x128xf32, #tpu.memory_space<vmem>>, vector<1x16xf32>,
          %get3A_1921 = vector.shape_cast %get3A_1920 : vector<1x16xf32> to vector<16xf32>
          %add3A_1922 = arith.addf %get3A_1917, %get3A_1921 : vector<16xf32>
          %mul3A_1923 = arith.mulf %add3A_1922, %add3A_1922 : vector<16xf32>
          %add3A_1924 = arith.addf %add3A_1913, %mul3A_1923 : vector<16xf32>
          %get3A_1925 = arith.index_cast %add3A_1878 : i32 to index
          %get3A_1926 = arith.constant 64 : index
          %get3A_1927 = tpu.vector_load %arg8[%get3A_1925, %get3A_1926] {strides = array<i32>} : memref<128x128xf32, #tpu.memory_space<vmem>>, vector<1x16xf32>,
          %get3A_1928 = vector.shape_cast %get3A_1927 : vector<1x16xf32> to vector<16xf32>
          %get3A_1929 = arith.index_cast %add3A_1878 : i32 to index
          %get3A_1930 = arith.constant 64 : index
          %get3A_1931 = tpu.vector_load %arg10[%get3A_1929, %get3A_1930] {strides = array<i32>} : memref<128x128xf32, #tpu.memory_space<vmem>>, vector<1x16xf32>,
          %get3A_1932 = vector.shape_cast %get3A_1931 : vector<1x16xf32> to vector<16xf32>
          %add3A_1933 = arith.addf %get3A_1928, %get3A_1932 : vector<16xf32>
          %mul3A_1934 = arith.mulf %add3A_1933, %add3A_1933 : vector<16xf32>
          %add3A_1935 = arith.addf %add3A_1924, %mul3A_1934 : vector<16xf32>
          %get3A_1936 = arith.index_cast %add3A_1878 : i32 to index
          %get3A_1937 = arith.constant 80 : index
          %get3A_1938 = tpu.vector_load %arg8[%get3A_1936, %get3A_1937] {strides = array<i32>} : memref<128x128xf32, #tpu.memory_space<vmem>>, vector<1x16xf32>,
          %get3A_1939 = vector.shape_cast %get3A_1938 : vector<1x16xf32> to vector<16xf32>
          %get3A_1940 = arith.index_cast %add3A_1878 : i32 to index
          %get3A_1941 = arith.constant 80 : index
          %get3A_1942 = tpu.vector_load %arg10[%get3A_1940, %get3A_1941] {strides = array<i32>} : memref<128x128xf32, #tpu.memory_space<vmem>>, vector<1x16xf32>,
          %get3A_1943 = vector.shape_cast %get3A_1942 : vector<1x16xf32> to vector<16xf32>
          %add3A_1944 = arith.addf %get3A_1939, %get3A_1943 : vector<16xf32>
          %mul3A_1945 = arith.mulf %add3A_1944, %add3A_1944 : vector<16xf32>
          %add3A_1946 = arith.addf %add3A_1935, %mul3A_1945 : vector<16xf32>
          %get3A_1947 = arith.index_cast %add3A_1878 : i32 to index
          %get3A_1948 = arith.constant 96 : index
          %get3A_1949 = tpu.vector_load %arg8[%get3A_1947, %get3A_1948] {strides = array<i32>} : memref<128x128xf32, #tpu.memory_space<vmem>>, vector<1x16xf32>,
          %get3A_1950 = vector.shape_cast %get3A_1949 : vector<1x16xf32> to vector<16xf32>
          %get3A_1951 = arith.index_cast %add3A_1878 : i32 to index
          %get3A_1952 = arith.constant 96 : index
          %get3A_1953 = tpu.vector_load %arg10[%get3A_1951, %get3A_1952] {strides = array<i32>} : memref<128x128xf32, #tpu.memory_space<vmem>>, vector<1x16xf32>,
          %get3A_1954 = vector.shape_cast %get3A_1953 : vector<1x16xf32> to vector<16xf32>
          %add3A_1955 = arith.addf %get3A_1950, %get3A_1954 : vector<16xf32>
          %mul3A_1956 = arith.mulf %add3A_1955, %add3A_1955 : vector<16xf32>
          %add3A_1957 = arith.addf %add3A_1946, %mul3A_1956 : vector<16xf32>
          %get3A_1958 = arith.index_cast %add3A_1878 : i32 to index
          %get3A_1959 = arith.constant 112 : index
          %get3A_1960 = tpu.vector_load %arg8[%get3A_1958, %get3A_1959] {strides = array<i32>} : memref<128x128xf32, #tpu.memory_space<vmem>>, vector<1x16xf32>,
          %get3A_1961 = vector.shape_cast %get3A_1960 : vector<1x16xf32> to vector<16xf32>
          %get3A_1962 = arith.index_cast %add3A_1878 : i32 to index
          %get3A_1963 = arith.constant 112 : index
          %get3A_1964 = tpu.vector_load %arg10[%get3A_1962, %get3A_1963] {strides = array<i32>} : memref<128x128xf32, #tpu.memory_space<vmem>>, vector<1x16xf32>,
          %get3A_1965 = vector.shape_cast %get3A_1964 : vector<1x16xf32> to vector<16xf32>
          %add3A_1966 = arith.addf %get3A_1961, %get3A_1965 : vector<16xf32>
          %mul3A_1967 = arith.mulf %add3A_1966, %add3A_1966 : vector<16xf32>
          %add3A_1968 = arith.addf %add3A_1957, %mul3A_1967 : vector<16xf32>
          %rev3A_1969 = arith.constant 15 : i32
          %rev3A_1970 = vector.broadcast %rev3A_1969 : i32 to vector<16xi32>
          %rev3A_1971 = tpu.iota {dimensions = array<i32: 0>} : vector<16xi32>
          %rev3A_1972 = arith.subi %rev3A_1970, %rev3A_1971 : vector<16xi32>
          %rev3A_1973 = tpu.dynamic_gather %add3A_1968[%rev3A_1972] in [0] : vector<16xf32>, vector<16xi32> -> vector<16xf32>
          %add3A_1974 = arith.addf %add3A_1968, %rev3A_1973 : vector<16xf32>
          %slice3A_1975 = vector.extract_strided_slice %add3A_1974 {offsets = [0], sizes = [1], strides = [1]} : vector<16xf32> to vector<1xf32>
          %squeeze3A_1976 = vector.extract %slice3A_1975[0] : f32 from vector<1xf32>
          %slice3A_1977 = vector.extract_strided_slice %add3A_1974 {offsets = [1], sizes = [1], strides = [1]} : vector<16xf32> to vector<1xf32>
          %squeeze3A_1978 = vector.extract %slice3A_1977[0] : f32 from vector<1xf32>
          %slice3A_1979 = vector.extract_strided_slice %add3A_1974 {offsets = [2], sizes = [1], strides = [1]} : vector<16xf32> to vector<1xf32>
          %squeeze3A_1980 = vector.extract %slice3A_1979[0] : f32 from vector<1xf32>
          %slice3A_1981 = vector.extract_strided_slice %add3A_1974 {offsets = [3], sizes = [1], strides = [1]} : vector<16xf32> to vector<1xf32>
          %squeeze3A_1982 = vector.extract %slice3A_1981[0] : f32 from vector<1xf32>
          %slice3A_1983 = vector.extract_strided_slice %add3A_1974 {offsets = [4], sizes = [1], strides = [1]} : vector<16xf32> to vector<1xf32>
          %squeeze3A_1984 = vector.extract %slice3A_1983[0] : f32 from vector<1xf32>
          %slice3A_1985 = vector.extract_strided_slice %add3A_1974 {offsets = [5], sizes = [1], strides = [1]} : vector<16xf32> to vector<1xf32>
          %squeeze3A_1986 = vector.extract %slice3A_1985[0] : f32 from vector<1xf32>
          %slice3A_1987 = vector.extract_strided_slice %add3A_1974 {offsets = [6], sizes = [1], strides = [1]} : vector<16xf32> to vector<1xf32>
          %squeeze3A_1988 = vector.extract %slice3A_1987[0] : f32 from vector<1xf32>
          %slice3A_1989 = vector.extract_strided_slice %add3A_1974 {offsets = [7], sizes = [1], strides = [1]} : vector<16xf32> to vector<1xf32>
          %squeeze3A_1990 = vector.extract %slice3A_1989[0] : f32 from vector<1xf32>
          %add3A_1991 = arith.addf %squeeze3A_1976, %squeeze3A_1978 : f32
          %add3A_1992 = arith.addf %squeeze3A_1980, %squeeze3A_1982 : f32
          %add3A_1993 = arith.addf %squeeze3A_1984, %squeeze3A_1986 : f32
          %add3A_1994 = arith.addf %squeeze3A_1988, %squeeze3A_1990 : f32
          %add3A_1995 = arith.addf %add3A_1991, %add3A_1992 : f32
          %add3A_1996 = arith.addf %add3A_1993, %add3A_1994 : f32
          %add3A_1997 = arith.addf %add3A_1995, %add3A_1996 : f32
          %eq3A_1998 = arith.constant 14 : i32
          %eq3A_1999 = vector.broadcast %eq3A_1998 : i32 to vector<16xi32>
          %eq3A_2000 = arith.cmpi eq, %iota3A, %eq3A_1999 : vector<16xi32>
          %broadcast_in_dim3A_2001 = vector.broadcast %add3A_1997 : f32 to vector<16xf32>
          %select_n3A_2002 = arith.select %eq3A_2000, %broadcast_in_dim3A_2001, %select_n3A_1874 : vector<16xi1>, vector<16xf32>
          %mul3A_2003 = arith.constant 16 : i32
          %mul3A_2004 = arith.muli %scan3A_85, %mul3A_2003 : i32
          %add3A_2005 = arith.constant 15 : i32
          %add3A_2006 = arith.addi %mul3A_2004, %add3A_2005 : i32
          %broadcast_in_dim3A_2007 = arith.constant 0.000000e+00 : f32
          %broadcast_in_dim3A_2008 = vector.broadcast %broadcast_in_dim3A_2007 : f32 to vector<16xf32>
          %get3A_2009 = arith.index_cast %add3A_2006 : i32 to index
          %get3A_2010 = arith.constant 0 : index
          %get3A_2011 = tpu.vector_load %arg8[%get3A_2009, %get3A_2010] {strides = array<i32>} : memref<128x128xf32, #tpu.memory_space<vmem>>, vector<1x16xf32>,
          %get3A_2012 = vector.shape_cast %get3A_2011 : vector<1x16xf32> to vector<16xf32>
          %get3A_2013 = arith.index_cast %add3A_2006 : i32 to index
          %get3A_2014 = arith.constant 0 : index
          %get3A_2015 = tpu.vector_load %arg10[%get3A_2013, %get3A_2014] {strides = array<i32>} : memref<128x128xf32, #tpu.memory_space<vmem>>, vector<1x16xf32>,
          %get3A_2016 = vector.shape_cast %get3A_2015 : vector<1x16xf32> to vector<16xf32>
          %add3A_2017 = arith.addf %get3A_2012, %get3A_2016 : vector<16xf32>
          %mul3A_2018 = arith.mulf %add3A_2017, %add3A_2017 : vector<16xf32>
          %add3A_2019 = arith.addf %broadcast_in_dim3A_2008, %mul3A_2018 : vector<16xf32>
          %get3A_2020 = arith.index_cast %add3A_2006 : i32 to index
          %get3A_2021 = arith.constant 16 : index
          %get3A_2022 = tpu.vector_load %arg8[%get3A_2020, %get3A_2021] {strides = array<i32>} : memref<128x128xf32, #tpu.memory_space<vmem>>, vector<1x16xf32>,
          %get3A_2023 = vector.shape_cast %get3A_2022 : vector<1x16xf32> to vector<16xf32>
          %get3A_2024 = arith.index_cast %add3A_2006 : i32 to index
          %get3A_2025 = arith.constant 16 : index
          %get3A_2026 = tpu.vector_load %arg10[%get3A_2024, %get3A_2025] {strides = array<i32>} : memref<128x128xf32, #tpu.memory_space<vmem>>, vector<1x16xf32>,
          %get3A_2027 = vector.shape_cast %get3A_2026 : vector<1x16xf32> to vector<16xf32>
          %add3A_2028 = arith.addf %get3A_2023, %get3A_2027 : vector<16xf32>
          %mul3A_2029 = arith.mulf %add3A_2028, %add3A_2028 : vector<16xf32>
          %add3A_2030 = arith.addf %add3A_2019, %mul3A_2029 : vector<16xf32>
          %get3A_2031 = arith.index_cast %add3A_2006 : i32 to index
          %get3A_2032 = arith.constant 32 : index
          %get3A_2033 = tpu.vector_load %arg8[%get3A_2031, %get3A_2032] {strides = array<i32>} : memref<128x128xf32, #tpu.memory_space<vmem>>, vector<1x16xf32>,
          %get3A_2034 = vector.shape_cast %get3A_2033 : vector<1x16xf32> to vector<16xf32>
          %get3A_2035 = arith.index_cast %add3A_2006 : i32 to index
          %get3A_2036 = arith.constant 32 : index
          %get3A_2037 = tpu.vector_load %arg10[%get3A_2035, %get3A_2036] {strides = array<i32>} : memref<128x128xf32, #tpu.memory_space<vmem>>, vector<1x16xf32>,
          %get3A_2038 = vector.shape_cast %get3A_2037 : vector<1x16xf32> to vector<16xf32>
          %add3A_2039 = arith.addf %get3A_2034, %get3A_2038 : vector<16xf32>
          %mul3A_2040 = arith.mulf %add3A_2039, %add3A_2039 : vector<16xf32>
          %add3A_2041 = arith.addf %add3A_2030, %mul3A_2040 : vector<16xf32>
          %get3A_2042 = arith.index_cast %add3A_2006 : i32 to index
          %get3A_2043 = arith.constant 48 : index
          %get3A_2044 = tpu.vector_load %arg8[%get3A_2042, %get3A_2043] {strides = array<i32>} : memref<128x128xf32, #tpu.memory_space<vmem>>, vector<1x16xf32>,
          %get3A_2045 = vector.shape_cast %get3A_2044 : vector<1x16xf32> to vector<16xf32>
          %get3A_2046 = arith.index_cast %add3A_2006 : i32 to index
          %get3A_2047 = arith.constant 48 : index
          %get3A_2048 = tpu.vector_load %arg10[%get3A_2046, %get3A_2047] {strides = array<i32>} : memref<128x128xf32, #tpu.memory_space<vmem>>, vector<1x16xf32>,
          %get3A_2049 = vector.shape_cast %get3A_2048 : vector<1x16xf32> to vector<16xf32>
          %add3A_2050 = arith.addf %get3A_2045, %get3A_2049 : vector<16xf32>
          %mul3A_2051 = arith.mulf %add3A_2050, %add3A_2050 : vector<16xf32>
          %add3A_2052 = arith.addf %add3A_2041, %mul3A_2051 : vector<16xf32>
          %get3A_2053 = arith.index_cast %add3A_2006 : i32 to index
          %get3A_2054 = arith.constant 64 : index
          %get3A_2055 = tpu.vector_load %arg8[%get3A_2053, %get3A_2054] {strides = array<i32>} : memref<128x128xf32, #tpu.memory_space<vmem>>, vector<1x16xf32>,
          %get3A_2056 = vector.shape_cast %get3A_2055 : vector<1x16xf32> to vector<16xf32>
          %get3A_2057 = arith.index_cast %add3A_2006 : i32 to index
          %get3A_2058 = arith.constant 64 : index
          %get3A_2059 = tpu.vector_load %arg10[%get3A_2057, %get3A_2058] {strides = array<i32>} : memref<128x128xf32, #tpu.memory_space<vmem>>, vector<1x16xf32>,
          %get3A_2060 = vector.shape_cast %get3A_2059 : vector<1x16xf32> to vector<16xf32>
          %add3A_2061 = arith.addf %get3A_2056, %get3A_2060 : vector<16xf32>
          %mul3A_2062 = arith.mulf %add3A_2061, %add3A_2061 : vector<16xf32>
          %add3A_2063 = arith.addf %add3A_2052, %mul3A_2062 : vector<16xf32>
          %get3A_2064 = arith.index_cast %add3A_2006 : i32 to index
          %get3A_2065 = arith.constant 80 : index
          %get3A_2066 = tpu.vector_load %arg8[%get3A_2064, %get3A_2065] {strides = array<i32>} : memref<128x128xf32, #tpu.memory_space<vmem>>, vector<1x16xf32>,
          %get3A_2067 = vector.shape_cast %get3A_2066 : vector<1x16xf32> to vector<16xf32>
          %get3A_2068 = arith.index_cast %add3A_2006 : i32 to index
          %get3A_2069 = arith.constant 80 : index
          %get3A_2070 = tpu.vector_load %arg10[%get3A_2068, %get3A_2069] {strides = array<i32>} : memref<128x128xf32, #tpu.memory_space<vmem>>, vector<1x16xf32>,
          %get3A_2071 = vector.shape_cast %get3A_2070 : vector<1x16xf32> to vector<16xf32>
          %add3A_2072 = arith.addf %get3A_2067, %get3A_2071 : vector<16xf32>
          %mul3A_2073 = arith.mulf %add3A_2072, %add3A_2072 : vector<16xf32>
          %add3A_2074 = arith.addf %add3A_2063, %mul3A_2073 : vector<16xf32>
          %get3A_2075 = arith.index_cast %add3A_2006 : i32 to index
          %get3A_2076 = arith.constant 96 : index
          %get3A_2077 = tpu.vector_load %arg8[%get3A_2075, %get3A_2076] {strides = array<i32>} : memref<128x128xf32, #tpu.memory_space<vmem>>, vector<1x16xf32>,
          %get3A_2078 = vector.shape_cast %get3A_2077 : vector<1x16xf32> to vector<16xf32>
          %get3A_2079 = arith.index_cast %add3A_2006 : i32 to index
          %get3A_2080 = arith.constant 96 : index
          %get3A_2081 = tpu.vector_load %arg10[%get3A_2079, %get3A_2080] {strides = array<i32>} : memref<128x128xf32, #tpu.memory_space<vmem>>, vector<1x16xf32>,
          %get3A_2082 = vector.shape_cast %get3A_2081 : vector<1x16xf32> to vector<16xf32>
          %add3A_2083 = arith.addf %get3A_2078, %get3A_2082 : vector<16xf32>
          %mul3A_2084 = arith.mulf %add3A_2083, %add3A_2083 : vector<16xf32>
          %add3A_2085 = arith.addf %add3A_2074, %mul3A_2084 : vector<16xf32>
          %get3A_2086 = arith.index_cast %add3A_2006 : i32 to index
          %get3A_2087 = arith.constant 112 : index
          %get3A_2088 = tpu.vector_load %arg8[%get3A_2086, %get3A_2087] {strides = array<i32>} : memref<128x128xf32, #tpu.memory_space<vmem>>, vector<1x16xf32>,
          %get3A_2089 = vector.shape_cast %get3A_2088 : vector<1x16xf32> to vector<16xf32>
          %get3A_2090 = arith.index_cast %add3A_2006 : i32 to index
          %get3A_2091 = arith.constant 112 : index
          %get3A_2092 = tpu.vector_load %arg10[%get3A_2090, %get3A_2091] {strides = array<i32>} : memref<128x128xf32, #tpu.memory_space<vmem>>, vector<1x16xf32>,
          %get3A_2093 = vector.shape_cast %get3A_2092 : vector<1x16xf32> to vector<16xf32>
          %add3A_2094 = arith.addf %get3A_2089, %get3A_2093 : vector<16xf32>
          %mul3A_2095 = arith.mulf %add3A_2094, %add3A_2094 : vector<16xf32>
          %add3A_2096 = arith.addf %add3A_2085, %mul3A_2095 : vector<16xf32>
          %rev3A_2097 = arith.constant 15 : i32
          %rev3A_2098 = vector.broadcast %rev3A_2097 : i32 to vector<16xi32>
          %rev3A_2099 = tpu.iota {dimensions = array<i32: 0>} : vector<16xi32>
          %rev3A_2100 = arith.subi %rev3A_2098, %rev3A_2099 : vector<16xi32>
          %rev3A_2101 = tpu.dynamic_gather %add3A_2096[%rev3A_2100] in [0] : vector<16xf32>, vector<16xi32> -> vector<16xf32>
          %add3A_2102 = arith.addf %add3A_2096, %rev3A_2101 : vector<16xf32>
          %slice3A_2103 = vector.extract_strided_slice %add3A_2102 {offsets = [0], sizes = [1], strides = [1]} : vector<16xf32> to vector<1xf32>
          %squeeze3A_2104 = vector.extract %slice3A_2103[0] : f32 from vector<1xf32>
          %slice3A_2105 = vector.extract_strided_slice %add3A_2102 {offsets = [1], sizes = [1], strides = [1]} : vector<16xf32> to vector<1xf32>
          %squeeze3A_2106 = vector.extract %slice3A_2105[0] : f32 from vector<1xf32>
          %slice3A_2107 = vector.extract_strided_slice %add3A_2102 {offsets = [2], sizes = [1], strides = [1]} : vector<16xf32> to vector<1xf32>
          %squeeze3A_2108 = vector.extract %slice3A_2107[0] : f32 from vector<1xf32>
          %slice3A_2109 = vector.extract_strided_slice %add3A_2102 {offsets = [3], sizes = [1], strides = [1]} : vector<16xf32> to vector<1xf32>
          %squeeze3A_2110 = vector.extract %slice3A_2109[0] : f32 from vector<1xf32>
          %slice3A_2111 = vector.extract_strided_slice %add3A_2102 {offsets = [4], sizes = [1], strides = [1]} : vector<16xf32> to vector<1xf32>
          %squeeze3A_2112 = vector.extract %slice3A_2111[0] : f32 from vector<1xf32>
          %slice3A_2113 = vector.extract_strided_slice %add3A_2102 {offsets = [5], sizes = [1], strides = [1]} : vector<16xf32> to vector<1xf32>
          %squeeze3A_2114 = vector.extract %slice3A_2113[0] : f32 from vector<1xf32>
          %slice3A_2115 = vector.extract_strided_slice %add3A_2102 {offsets = [6], sizes = [1], strides = [1]} : vector<16xf32> to vector<1xf32>
          %squeeze3A_2116 = vector.extract %slice3A_2115[0] : f32 from vector<1xf32>
          %slice3A_2117 = vector.extract_strided_slice %add3A_2102 {offsets = [7], sizes = [1], strides = [1]} : vector<16xf32> to vector<1xf32>
          %squeeze3A_2118 = vector.extract %slice3A_2117[0] : f32 from vector<1xf32>
          %add3A_2119 = arith.addf %squeeze3A_2104, %squeeze3A_2106 : f32
          %add3A_2120 = arith.addf %squeeze3A_2108, %squeeze3A_2110 : f32
          %add3A_2121 = arith.addf %squeeze3A_2112, %squeeze3A_2114 : f32
          %add3A_2122 = arith.addf %squeeze3A_2116, %squeeze3A_2118 : f32
          %add3A_2123 = arith.addf %add3A_2119, %add3A_2120 : f32
          %add3A_2124 = arith.addf %add3A_2121, %add3A_2122 : f32
          %add3A_2125 = arith.addf %add3A_2123, %add3A_2124 : f32
          %eq3A_2126 = arith.constant 15 : i32
          %eq3A_2127 = vector.broadcast %eq3A_2126 : i32 to vector<16xi32>
          %eq3A_2128 = arith.cmpi eq, %iota3A, %eq3A_2127 : vector<16xi32>
          %broadcast_in_dim3A_2129 = vector.broadcast %add3A_2125 : f32 to vector<16xf32>
          %select_n3A_2130 = arith.select %eq3A_2128, %broadcast_in_dim3A_2129, %select_n3A_2002 : vector<16xi1>, vector<16xf32>
          %max3A = arith.constant 9.99999968E-21 : f32
          %max3A_2131 = vector.broadcast %max3A : f32 to vector<16xf32>
          %max3A_2132 = arith.maximumf %select_n3A_2130, %max3A_2131 : vector<16xf32>
          %bitcast_convert_type3A = tpu.bitcast %max3A_2132 : vector<16xf32> -> vector<16xi32>
          %shift_right_arithmetic3A = arith.constant 1 : i32
          %shift_right_arithmetic3A_2133 = vector.broadcast %shift_right_arithmetic3A : i32 to vector<16xi32>
          %shift_right_arithmetic3A_2134 = arith.shrsi %bitcast_convert_type3A, %shift_right_arithmetic3A_2133 : vector<16xi32>
          %sub3A = arith.constant 1597463007 : i32
          %sub3A_2135 = vector.broadcast %sub3A : i32 to vector<16xi32>
          %sub3A_2136 = arith.subi %sub3A_2135, %shift_right_arithmetic3A_2134 : vector<16xi32>
          %bitcast_convert_type3A_2137 = tpu.bitcast %sub3A_2136 : vector<16xi32> -> vector<16xf32>
          %mul3A_2138 = arith.constant 5.000000e-01 : f32
          %mul3A_2139 = vector.broadcast %mul3A_2138 : f32 to vector<16xf32>
          %mul3A_2140 = arith.mulf %mul3A_2139, %max3A_2132 : vector<16xf32>
          %mul3A_2141 = arith.mulf %mul3A_2140, %bitcast_convert_type3A_2137 : vector<16xf32>
          %mul3A_2142 = arith.mulf %mul3A_2141, %bitcast_convert_type3A_2137 : vector<16xf32>
          %sub3A_2143 = arith.constant 1.500000e+00 : f32
          %sub3A_2144 = vector.broadcast %sub3A_2143 : f32 to vector<16xf32>
          %sub3A_2145 = arith.subf %sub3A_2144, %mul3A_2142 : vector<16xf32>
          %mul3A_2146 = arith.mulf %bitcast_convert_type3A_2137, %sub3A_2145 : vector<16xf32>
          %mul3A_2147 = arith.constant 5.000000e-01 : f32
          %mul3A_2148 = vector.broadcast %mul3A_2147 : f32 to vector<16xf32>
          %mul3A_2149 = arith.mulf %mul3A_2148, %max3A_2132 : vector<16xf32>
          %mul3A_2150 = arith.mulf %mul3A_2149, %mul3A_2146 : vector<16xf32>
          %mul3A_2151 = arith.mulf %mul3A_2150, %mul3A_2146 : vector<16xf32>
          %sub3A_2152 = arith.constant 1.500000e+00 : f32
          %sub3A_2153 = vector.broadcast %sub3A_2152 : f32 to vector<16xf32>
          %sub3A_2154 = arith.subf %sub3A_2153, %mul3A_2151 : vector<16xf32>
          %mul3A_2155 = arith.mulf %mul3A_2146, %sub3A_2154 : vector<16xf32>
          %mul3A_2156 = arith.constant 5.000000e-01 : f32
          %mul3A_2157 = vector.broadcast %mul3A_2156 : f32 to vector<16xf32>
          %mul3A_2158 = arith.mulf %mul3A_2157, %max3A_2132 : vector<16xf32>
          %mul3A_2159 = arith.mulf %mul3A_2158, %mul3A_2155 : vector<16xf32>
          %mul3A_2160 = arith.mulf %mul3A_2159, %mul3A_2155 : vector<16xf32>
          %sub3A_2161 = arith.constant 1.500000e+00 : f32
          %sub3A_2162 = vector.broadcast %sub3A_2161 : f32 to vector<16xf32>
          %sub3A_2163 = arith.subf %sub3A_2162, %mul3A_2160 : vector<16xf32>
          %mul3A_2164 = arith.mulf %mul3A_2155, %sub3A_2163 : vector<16xf32>
          %mul3A_2165 = arith.constant -5.000000e-01 : f32
          %mul3A_2166 = vector.broadcast %mul3A_2165 : f32 to vector<16xf32>
          %mul3A_2167 = arith.mulf %mul3A_2166, %max3A_2132 : vector<16xf32>
          %mul3A_2168 = arith.mulf %mul3A_2167, %mul3A_2164 : vector<16xf32>
          %exp3A = math.exp %mul3A_2168 : vector<16xf32>
          %mul3A_2169 = arith.constant 128 : i32
          %mul3A_2170 = arith.muli %add3A_55, %mul3A_2169 : i32
          %mul3A_2171 = arith.constant 16 : i32
          %mul3A_2172 = arith.muli %scan3A_85, %mul3A_2171 : i32
          %add3A_2173 = arith.addi %mul3A_2170, %mul3A_2172 : i32
          %swap3A = arith.index_cast %add3A_2173 : i32 to index
          %swap3A_2174 = tpu.vector_load %arg11[%swap3A] {strides = array<i32>} : memref<10128xf32, #tpu.memory_space<vmem>>, vector<16xf32>,
          %swap3A_2175 = vector.shape_cast %swap3A_2174 : vector<16xf32> to vector<16xf32>
          %swap3A_2176 = vector.shape_cast %exp3A : vector<16xf32> to vector<16xf32>
          tpu.vector_store %arg11[%swap3A], %swap3A_2176 {strides = array<i32>} : memref<10128xf32, #tpu.memory_space<vmem>>, vector<16xf32>,
          %scan3A_2177 = arith.constant 0 : i32
          scf.yield %scan3A_2177 : i32
        }
        %scan3A_78 = arith.constant 8 : i32
        %add3A_79 = arith.constant 2 : i32
        %add3A_80 = arith.addi %add3A_55, %add3A_79 : i32
        %lt3A_81 = arith.cmpi slt, %add3A_80, %add3A_4 : i32
        %convert_element_type3A_82 = arith.extui %lt3A_81 : i1 to i32
        %cond3A_83 = arith.constant 0 : i32
        %cond3A_84 = arith.cmpi ne, %convert_element_type3A_82, %cond3A_83 : i32
        scf.if %cond3A_84 {
          %add3A_85 = arith.constant 2 : i32
          %add3A_86 = arith.addi %add3A_55, %add3A_85 : i32
          %mul3A_87 = arith.constant 128 : i32
          %mul3A_88 = arith.muli %add3A_86, %mul3A_87 : i32
          %dma_start3A = tpu.memref_slice %arg5[%mul3A_88] : memref<10112xi32, #tpu.memory_space<vmem>> -> memref<128xi32, #tpu.memory_space<vmem>>
          %dma_start3A_89 = arith.constant 0 : i32
          %dma_start3A_90 = arith.constant 0 : i32
          %dma_start3A_91 = tpu.memref_slice %arg2[%dma_start3A_89, %dma_start3A_90] : memref<20000x128xf32, #tpu.memory_space<hbm>> -> memref<20000x128xf32, #tpu.memory_space<hbm>>
          tpu.enqueue_indirect_dma source(%dma_start3A_91 : memref<20000x128xf32, #tpu.memory_space<hbm>>) target(%arg8 : memref<128x128xf32, #tpu.memory_space<vmem>>) offsets(%dma_start3A : memref<128xi32, #tpu.memory_space<vmem>>) semaphore(%arg15 : memref<!tpu.dma_semaphore, #tpu.memory_space<semaphore_mem>>)
          %mul3A_92 = arith.constant 128 : i32
          %mul3A_93 = arith.muli %add3A_86, %mul3A_92 : i32
          %dma_start3A_94 = tpu.memref_slice %arg6[%mul3A_93] : memref<10112xi32, #tpu.memory_space<vmem>> -> memref<128xi32, #tpu.memory_space<vmem>>
          %dma_start3A_95 = arith.constant 0 : i32
          %dma_start3A_96 = arith.constant 0 : i32
          %dma_start3A_97 = tpu.memref_slice %arg2[%dma_start3A_95, %dma_start3A_96] : memref<20000x128xf32, #tpu.memory_space<hbm>> -> memref<20000x128xf32, #tpu.memory_space<hbm>>
          tpu.enqueue_indirect_dma source(%dma_start3A_97 : memref<20000x128xf32, #tpu.memory_space<hbm>>) target(%arg10 : memref<128x128xf32, #tpu.memory_space<vmem>>) offsets(%dma_start3A_94 : memref<128xi32, #tpu.memory_space<vmem>>) semaphore(%arg15 : memref<!tpu.dma_semaphore, #tpu.memory_space<semaphore_mem>>)
        } else {
        }
      } else {
      }
      %scan3A_60 = arith.constant 0 : i32
      scf.yield %scan3A_60 : i32
    }
    %scan3A_36 = arith.constant 40 : i32
    "tpu.region"() ({
      %run_scoped3A_42 = tpu.sem_alloc : memref<!tpu.dma_semaphore, #tpu.memory_space<semaphore_mem>>
      %dma_start3A = arith.constant 0 : i32
      %dma_start3A_43 = tpu.memref_slice %arg11[%dma_start3A] : memref<10128xf32, #tpu.memory_space<vmem>> -> memref<9984xf32, #tpu.memory_space<vmem>>
      %dma_start3A_44 = tpu.memref_slice %arg4[%mul3A_10] : memref<320000xf32, #tpu.memory_space<hbm>> -> memref<9984xf32, #tpu.memory_space<hbm>>
      %dma_start3A_45 = tpu.memref_slice %arg4[%mul3A_10] : memref<320000xf32, #tpu.memory_space<hbm>> -> memref<9984xf32, #tpu.memory_space<hbm>>
      %dma_start3A_46 = arith.constant 0 : i32
      %dma_start3A_47 = tpu.memref_slice %arg11[%dma_start3A_46] : memref<10128xf32, #tpu.memory_space<vmem>> -> memref<9984xf32, #tpu.memory_space<vmem>>
      tpu.enqueue_dma source(%dma_start3A_47 : memref<9984xf32, #tpu.memory_space<vmem>>) target(%dma_start3A_45 : memref<9984xf32, #tpu.memory_space<hbm>>) target_semaphore(%run_scoped3A_42 : memref<!tpu.dma_semaphore, #tpu.memory_space<semaphore_mem>>)
      %dma_wait3A = arith.constant 0 : i32
      %dma_wait3A_48 = tpu.memref_slice %arg11[%dma_wait3A] : memref<10128xf32, #tpu.memory_space<vmem>> -> memref<9984xf32, #tpu.memory_space<vmem>>
      %dma_wait3A_49 = tpu.memref_slice %arg4[%mul3A_10] : memref<320000xf32, #tpu.memory_space<hbm>> -> memref<9984xf32, #tpu.memory_space<hbm>>
      %dma_wait3A_50 = tpu.memref_slice %arg4[%mul3A_10] : memref<320000xf32, #tpu.memory_space<hbm>> -> memref<9984xf32, #tpu.memory_space<hbm>>
      %dma_wait3A_51 = arith.constant 0 : i32
      %dma_wait3A_52 = tpu.memref_slice %arg11[%dma_wait3A_51] : memref<10128xf32, #tpu.memory_space<vmem>> -> memref<9984xf32, #tpu.memory_space<vmem>>
      tpu.wait_dma2 semaphore(%run_scoped3A_42 : memref<!tpu.dma_semaphore, #tpu.memory_space<semaphore_mem>>) src(%dma_wait3A_52 : memref<9984xf32, #tpu.memory_space<vmem>>) dst(%dma_wait3A_50 : memref<9984xf32, #tpu.memory_space<hbm>>)
      tpu.yield
    }) : () -> ()
    %lt3A_37 = arith.constant 4 : i32
    %lt3A_38 = arith.cmpi slt, %add3A, %lt3A_37 : i32
    %convert_element_type3A_39 = arith.extui %lt3A_38 : i1 to i32
    %cond3A_40 = arith.constant 0 : i32
    %cond3A_41 = arith.cmpi ne, %convert_element_type3A_39, %cond3A_40 : i32
    scf.if %cond3A_41 {
      %add3A_42 = arith.constant 9984 : i32
      %add3A_43 = arith.addi %mul3A_10, %add3A_42 : i32
      "tpu.region"() ({
        %run_scoped3A_44 = tpu.sem_alloc : memref<!tpu.dma_semaphore, #tpu.memory_space<semaphore_mem>>
        %dma_start3A = arith.constant 9984 : i32
        %dma_start3A_45 = tpu.memref_slice %arg11[%dma_start3A] : memref<10128xf32, #tpu.memory_space<vmem>> -> memref<128xf32, #tpu.memory_space<vmem>>
        %dma_start3A_46 = tpu.memref_slice %arg4[%add3A_43] : memref<320000xf32, #tpu.memory_space<hbm>> -> memref<128xf32, #tpu.memory_space<hbm>>
        %dma_start3A_47 = tpu.memref_slice %arg4[%add3A_43] : memref<320000xf32, #tpu.memory_space<hbm>> -> memref<128xf32, #tpu.memory_space<hbm>>
        %dma_start3A_48 = arith.constant 9984 : i32
        %dma_start3A_49 = tpu.memref_slice %arg11[%dma_start3A_48] : memref<10128xf32, #tpu.memory_space<vmem>> -> memref<128xf32, #tpu.memory_space<vmem>>
        tpu.enqueue_dma source(%dma_start3A_49 : memref<128xf32, #tpu.memory_space<vmem>>) target(%dma_start3A_47 : memref<128xf32, #tpu.memory_space<hbm>>) target_semaphore(%run_scoped3A_44 : memref<!tpu.dma_semaphore, #tpu.memory_space<semaphore_mem>>)
        %dma_wait3A = arith.constant 9984 : i32
        %dma_wait3A_50 = tpu.memref_slice %arg11[%dma_wait3A] : memref<10128xf32, #tpu.memory_space<vmem>> -> memref<128xf32, #tpu.memory_space<vmem>>
        %dma_wait3A_51 = tpu.memref_slice %arg4[%add3A_43] : memref<320000xf32, #tpu.memory_space<hbm>> -> memref<128xf32, #tpu.memory_space<hbm>>
        %dma_wait3A_52 = tpu.memref_slice %arg4[%add3A_43] : memref<320000xf32, #tpu.memory_space<hbm>> -> memref<128xf32, #tpu.memory_space<hbm>>
        %dma_wait3A_53 = arith.constant 9984 : i32
        %dma_wait3A_54 = tpu.memref_slice %arg11[%dma_wait3A_53] : memref<10128xf32, #tpu.memory_space<vmem>> -> memref<128xf32, #tpu.memory_space<vmem>>
        tpu.wait_dma2 semaphore(%run_scoped3A_44 : memref<!tpu.dma_semaphore, #tpu.memory_space<semaphore_mem>>) src(%dma_wait3A_54 : memref<128xf32, #tpu.memory_space<vmem>>) dst(%dma_wait3A_52 : memref<128xf32, #tpu.memory_space<hbm>>)
        tpu.yield
      }) : () -> ()
    } else {
    }
    return
  }
}

module attributes {stable_mosaic.version = 14 : i64} {
  func.func @_mm_body(%arg0: i32, %arg1: memref<2000x128xf32, #tpu.memory_space<vmem>>, %arg2: memref<128x128xf32, #tpu.memory_space<vmem>>, %arg3: memref<2000x128xf32, #tpu.memory_space<vmem>>) attributes {dimension_semantics = [#tpu.dimension_semantics<arbitrary>], iteration_bounds = array<i64: 10>, scalar_prefetch = 0 : i64, scratch_operands = 0 : i64, tpu.core_type = #tpu.core_type<tc>, window_params = [{transform_indices = @transform_0, window_bounds = array<i64: 2000, 128>}, {pipeline_mode = #tpu.pipeline_mode<synchronous>, transform_indices = @transform_1, window_bounds = array<i64: 128, 128>}, {transform_indices = @transform_2, window_bounds = array<i64: 2000, 128>}]} {
    %lt3A = arith.constant 5 : i32
    %lt3A_0 = arith.cmpi slt, %arg0, %lt3A : i32
    %jit3A = arith.constant 1.000000e+00 : f32
    %jit3A_1 = arith.constant -1.000000e+00 : f32
    %select_n3A = arith.select %lt3A_0, %jit3A, %jit3A_1 : f32
    %get3A = arith.constant 0 : index
    %get3A_2 = arith.constant 0 : index
    %get3A_3 = vector.load %arg1[%get3A, %get3A_2] : memref<2000x128xf32, #tpu.memory_space<vmem>>, vector<2000x128xf32>
    %get3A_4 = arith.constant 0 : index
    %get3A_5 = arith.constant 0 : index
    %get3A_6 = vector.load %arg2[%get3A_4, %get3A_5] : memref<128x128xf32, #tpu.memory_space<vmem>>, vector<128x128xf32>
    %dot_general3A = arith.constant dense<0.000000e+00> : vector<2000x128xf32>
    %dot_general3A_7 = tpu.matmul %get3A_3, %get3A_6, %dot_general3A {dimension_numbers = #tpu.dot_dimension_numbers<[1], [0], [0], [1], [0, 0, 1, 1], [], []>, transpose_lhs_hint = false} : vector<2000x128xf32>, vector<128x128xf32>, vector<2000x128xf32> -> vector<2000x128xf32>
    %mul3A = vector.broadcast %select_n3A : f32 to vector<2000x128xf32>
    %mul3A_8 = arith.mulf %mul3A, %dot_general3A_7 : vector<2000x128xf32>
    %swap3A = arith.constant 0 : index
    %swap3A_9 = arith.constant 0 : index
    %swap3A_10 = vector.load %arg3[%swap3A, %swap3A_9] : memref<2000x128xf32, #tpu.memory_space<vmem>>, vector<2000x128xf32>
    tpu.vector_store %arg3[%swap3A, %swap3A_9], %mul3A_8 {strides = array<i32>} : memref<2000x128xf32, #tpu.memory_space<vmem>>, vector<2000x128xf32>,
    return
  }
  func.func @transform_0(%arg0: i32) -> (i32, i32) {
    %c0_i32 = arith.constant 0 : i32
    %c0_i32_0 = arith.constant 0 : i32
    return %arg0, %c0_i32 : i32, i32
  }
  func.func @transform_1(%arg0: i32) -> (i32, i32) {
    %c0_i32 = arith.constant 0 : i32
    %c0_i32_0 = arith.constant 0 : i32
    %c0_i32_1 = arith.constant 0 : i32
    return %c0_i32, %c0_i32_0 : i32, i32
  }
  func.func @transform_2(%arg0: i32) -> (i32, i32) {
    %c0_i32 = arith.constant 0 : i32
    %c0_i32_0 = arith.constant 0 : i32
    return %arg0, %c0_i32 : i32, i32
  }
}

</mosaic_0001>

<sc_bundles>
// kernel: kernel.4.cloned.1.call-start
scs
__scs_entry_jumppad:
0x0: {  	(pc) =	sbr.rel $0x88, $3  }
0x1: {  	(tag) =	ssettag $0x0;
	lr =	simm.s32 $0x1  }
0x2: {  	[smem:$0x3F9D] =	sst lr;
	_ =	strace $0xD0000000  }
0x3: {  	_ = 	snop  }
0x4: {  	_ = 	snop  }
0x5: {  	_ = 	snop  }
0x6: {  	_ = 	snop  }
0x7: {  	_ = 	snop  }
__scs_overlays_trampoline_lowered:
0x8: {  	[smem:$0x3FAC] =	sst s0  }
0x9: {  	[smem:$0x3FAD] =	sst s1  }
0xa: {  	[smem:$0x3FAE] =	sst s2  }
0xb: {  	[smem:$0x3FAF] =	sst s3  }
0xc: {  	[smem:$0x3FB0] =	sst s4  }
0xd: {  	[smem:$0x3FB1] =	sst s5  }
0xe: {  	[smem:$0x3FB2] =	sst s6  }
0xf: {  	[smem:$0x3FB3] =	sst s7  }
0x10: {  	[smem:$0x3FB4] =	sst s8  }
0x11: {  	[smem:$0x3FB5] =	sst s9;
	s0 =	simm.s32 @!p0 $0x0  }
0x12: {  	s1 =	sld [smem:$0x3F9B];
	s0 =	simm.s32 @p0 $0x1  }
0x13: {  	[smem:$0x3FB6] =	sst s0;
	s0 =	simm.s32 @!p1 $0x0  }
0x14: {  	s2 =	sld [smem:$0x3F9A];
	s0 =	simm.s32 @p1 $0x1  }
0x15: {  	[smem:$0x3FB7] =	sst s0;
	s0 =	simm.s32 @!p2 $0x0  }
0x16: {  	s3 =	sld [smem:$0x3FDB];
	s0 =	simm.s32 @p2 $0x1  }
0x17: {  	s4 =	simm.s32 $0x1BF5;
	[smem:$0x3FB9] =	sst s0  }
0x18: {  	s0 =	sld [smem:$0x3F9C];
	_ =	swait.ge [sflag:s4], $0x0  }
0x19: {  	s7 =	sld [smem:$0x3F9D]  }
0x1a: {  	s8 =	sadd.s32 $0xFFFFE003, lr  }
0x1b: {  	s9 =	sadd.s32 $0xFFFFFEF7, lr;
	s5 =	simm.s32 $0xFFFFFFFF;
	p2 =	slt.u32 s8, $0xFFFFF086  }
0x1c: {  	p1 =	slt.u32 s9, $0xF7A;
	s5 =	simm.s32 @!p2 $0x0  }
0x1d: {  	s5 =	simm.s32 @p1 $0x1;
	p0 =	seq.s32 s7, s2  }
0x1e: {  	s7 =	smul.u32 @!p0 $0xF7A, s2;
	p2 =	seq.s32 @!p0 s5, $0x0  }
0x1f: {  	s9 =	smul.u32 $0xF7A, s1;
	s8 =	simm.s32 @!p0 $0x1BF5;
	p2 =	por !p2, p0  }
0x20: {  	[sflag:s8] =	ssyncset.s32 @!p0 $0xFFFFF086;
	s6 =	sadd.s32 @!p0 s3, s7;
	s7 =	simm.s32 @!p0 $0x108  }
0x21: {  	s3 =	sadd.s32 s3, s9;
	s6 =	sadd.s32 @!p0 $0x88, s6;
	s7 =	simm.s32 @p2 $0x1082  }
0x22: {  	[simem:s7], [sflag:s8] =	dma.local @!p0 [hbm:s6], $0xF7A  }
0x23: {  	s9 =	sor.u32 $0xD0000000, s2;
	s6 =	simm.s32 $0x108;
	_ =	swait.ge @!p0 [sflag:s8], $0x0  }
0x24: {  	s3 =	sadd.s32 $0x88, s3;
	s6 =	simm.s32 @!p1 $0x1082;
	[sflag:s4] =	ssyncset.s32 $0xFFFFF086  }
0x25: {  	[simem:s6], [sflag:s4] =	dma.local [hbm:s3], $0xF7A  }
0x26: {  	[smem:$0x3F9D] =	sst s1;
	(tag) =	ssettag s2;
	_ =	strace s9  }
0x27: {  	s1 =	sld [smem:$0x3FAD]  }
0x28: {  	s2 =	sld [smem:$0x3FAE]  }
0x29: {  	s4 =	sld [smem:$0x3FB0]  }
0x2a: {  	p0 =	seq.s32 s5, $0x0;
	s5 =	sld [smem:$0x3FB1]  }
0x2b: {  	s6 =	sld [smem:$0x3FB2]  }
0x2c: {  	s7 =	sld [smem:$0x3FB3]  }
0x2d: {  	s3 =	simm.s32 $0x108;
	s8 =	sld [smem:$0x3FB4]  }
0x2e: {  	s3 =	simm.s32 @!p0 $0x1082;
	s9 =	sld [smem:$0x3FB5]  }
0x2f: {  	lr =	sadd.s32 s0, s3;
	s0 =	sld [smem:$0x3FAC]  }
0x30: {  	s3 =	sld [smem:$0x3FAF]  }
0x31: {  	[smem:$0x3FB8] =	sst s10  }
0x32: {  	s10 =	sld [smem:$0x3FB6];
	_ =	sdelay $0x3  }
0x33: {  	p0 =	seq.s32 s10, $0x1;
	s10 =	sld [smem:$0x3FB8];
	_ =	sdelay $0x3  }
0x34: {  	[smem:$0x3FB8] =	sst s10  }
0x35: {  	s10 =	sld [smem:$0x3FB7];
	_ =	sdelay $0x3  }
0x36: {  	p1 =	seq.s32 s10, $0x1;
	s10 =	sld [smem:$0x3FB8];
	_ =	sdelay $0x3  }
0x37: {  	[smem:$0x3FB8] =	sst s10  }
0x38: {  	s10 =	sld [smem:$0x3FB9]  }
0x39: {  	_ = 	snop;
	(pc) =	sbr.ind lr, $3  }
0x3a: {  	_ = 	snop  }
0x3b: {  	_ = 	snop  }
0x3c: {  	p2 =	seq.s32 s10, $0x1;
	s10 =	sld [smem:$0x3FB8]  }
0x3d: {  	_ =	shalt  }
0x3e: {  	_ =	shalt  }
0x3f: {  	_ =	shalt  }
0x40: {  	_ =	shalt  }
0x41: {  	_ =	shalt  }
0x42: {  	_ =	shalt  }
0x43: {  	_ =	shalt  }
0x44: {  	_ =	shalt  }
0x45: {  	_ =	shalt  }
0x46: {  	_ =	shalt  }
0x47: {  	_ =	shalt  }
0x48: {  	_ =	shalt  }
0x49: {  	_ =	shalt  }
0x4a: {  	_ =	shalt  }
0x4b: {  	_ =	shalt  }
0x4c: {  	_ =	shalt  }
0x4d: {  	_ =	shalt  }
0x4e: {  	_ =	shalt  }
0x4f: {  	_ =	shalt  }
0x50: {  	_ =	shalt  }
0x51: {  	_ =	shalt  }
0x52: {  	_ =	shalt  }
0x53: {  	_ =	shalt  }
0x54: {  	_ =	shalt  }
0x55: {  	_ =	shalt  }
0x56: {  	_ =	shalt  }
0x57: {  	_ =	shalt  }
0x58: {  	_ =	shalt  }
0x59: {  	_ =	shalt  }
0x5a: {  	_ =	shalt  }
0x5b: {  	_ =	shalt  }
0x5c: {  	_ =	shalt  }
0x5d: {  	_ =	shalt  }
0x5e: {  	_ =	shalt  }
0x5f: {  	_ =	shalt  }
0x60: {  	_ =	shalt  }
0x61: {  	_ =	shalt  }
0x62: {  	_ =	shalt  }
0x63: {  	_ =	shalt  }
0x64: {  	_ =	shalt  }
0x65: {  	_ =	shalt  }
0x66: {  	_ =	shalt  }
0x67: {  	_ =	shalt  }
0x68: {  	_ =	shalt  }
0x69: {  	_ =	shalt  }
0x6a: {  	_ =	shalt  }
0x6b: {  	_ =	shalt  }
0x6c: {  	_ =	shalt  }
0x6d: {  	_ =	shalt  }
0x6e: {  	_ =	shalt  }
0x6f: {  	_ =	shalt  }
0x70: {  	_ =	shalt  }
0x71: {  	_ =	shalt  }
0x72: {  	_ =	shalt  }
0x73: {  	_ =	shalt  }
0x74: {  	_ =	shalt  }
0x75: {  	_ =	shalt  }
0x76: {  	_ =	shalt  }
0x77: {  	_ =	shalt  }
0x78: {  	_ =	shalt  }
0x79: {  	_ =	shalt  }
0x7a: {  	_ =	shalt  }
0x7b: {  	_ =	shalt  }
0x7c: {  	_ =	shalt  }
0x7d: {  	_ =	shalt  }
0x7e: {  	_ =	shalt  }
0x7f: {  	_ =	shalt  }
0x80: {  	_ =	shalt  }
0x81: {  	_ =	shalt  }
0x82: {  	_ =	shalt  }
0x83: {  	_ =	shalt  }
0x84: {  	_ =	shalt  }
0x85: {  	_ =	shalt  }
0x86: {  	_ =	shalt  }
0x87: {  	_ =	shalt  }
.Lfunc_end0:
.L_simem_size_0:
called_computation_lowered:
.L_overlay_start_0:
0x88: {  	s2 =	sld [smem:$0x3FD9]  }
0x89: {  	s3 =	sld [smem:$0x3FFE];
	_ =	sdelay $0x1  }
0x8a: {  	s1 =	srdreg.scid  }
0x8b: {  	s0 =	sand.u32 $0x1, s1  }
0x8c: {  	s17 =	sshll.u32 s0, $0xA;
	s2 =	sadd.s32 s3, s2  }
0x8d: {  	s2 =	sadd.s32 s2, s17  }
0x8e: {  	[smem:$0x3FC4] =	sst s2  }
0x8f: {  	_ = 	snop  }
0x90: {  	s2 =	sld [smem:$0x3FC7]  }
0x91: {  	s18 =	sld [smem:$0x3FD0];
	(tm) =	ssettm $0x1  }
0x92: {  	s4 =	sld [smem:$0x3FFB];
	_ =	sdelay $0x3  }
0x93: {  	_ =	strace s4  }
0x94: {  	s4 =	sld [smem:$0x3FFC];
	_ =	sdelay $0x3  }
0x95: {  	_ =	strace s4  }
0x96: {  	s4 =	sld [smem:$0x3FFD];
	_ =	sdelay $0x3  }
0x97: {  	_ =	strace s4  }
0x98: {  	_ =	strace $0x8FFFFFFF  }
0x99: {  	s19 =	sld [smem:$0x3FDB];
	_ =	sdelay $0x1  }
0x9a: {  	s5 =	simm.s32 $_scs_section_size  }
0x9b: {  	s6 =	simm.s32 $_size__tile_overlayer_lowered;
	s7 =	simm.s32 $_tile_overlayer_lowered  }
0x9c: {  	s22 =	simm.s32 $0x1BFF;
	s21 =	sshll.u32 s7, $0x1;
	s4 =	sadd.s32 s5, s19  }
0x9d: {  	s8 =	simm.s32 $0x0;
	s20 =	sshll.u32 s6, $0x1;
	s6 =	sadd.s32 s21, s4  }
0x9e: {  	[timem:s8], [sflag:s22] =	dma.local [hbm:s6], s20  }
0x9f: {  	_ =	swait.ge [sflag:s22], s20  }
0xa0: {  	s5 =	ssub.s32 $0x0, s20;
	[sflag:s22] =	ssyncset.done $0x0  }
0xa1: {  	[sflag:s22] =	ssyncadd.s32 s5;
	_ =	sdelay $0x1  }
0xa2: {  	s23 =	simm.s32 $0x1B8B  }
0xa3: {  	_ =	swait.ge [sflag:s23], $0x1  }
0xa4: {  	[sflag:s23] =	ssyncset.done $0x0  }
0xa5: {  	s25 =	simm.s32 $0x1B8E;
	s24 =	sld [smem:$0x3FFE];
	[sflag:s23] =	ssyncadd.s32 $0xFFFFFFFF  }
0xa6: {  	s26 =	simm.s32 $execute0_lowered;
	[smem:$0x3FD2] =	sst s25  }
0xa7: {  	s6 =	sshll.u32 s26, $0x1;
	_ =	strace $0x80000046;
	[dreg:$0x1] =	wrdreg $0xFFFFFFFF  }
0xa8: {  	s28 =	simm.s32 $_size_execute0_lowered;
	s4 =	sadd.s32 s4, s6;
	[dreg:$0x0] =	wrdreg $0x0  }
0xa9: {  	s6 =	sshll.u32 s28, $0x1;
	[dreg:$0x2] =	wrdreg s4  }
0xaa: {  	[dreg:$0x3] =	wrdreg s6  }
0xab: {  	[dreg:$0x4] =	wrdreg $0xC0  }
0xac: {  	_ =	task [dreg:s8], $0x5FFFF  }
0xad: {  	[dreg:$0x1] =	wrdreg $0xFFFFFFFF  }
0xae: {  	[dreg:$0x0] =	wrdreg $0x60  }
0xaf: {  	[dreg:$0x2] =	wrdreg s24  }
0xb0: {  	[dreg:$0x3] =	wrdreg s2  }
0xb1: {  	[dreg:$0x4] =	wrdreg s18  }
0xb2: {  	[dreg:$0x5] =	wrdreg $0x9  }
0xb3: {  	_ =	task.clear_ibuf [dreg:s8], $0x6FFFF;
	_ =	strace $0x90000046  }
0xb4: {  	s29 =	simm.s32 $0x9;
	_ =	strace $0x80000048  }
0xb5: {  	_ =	swait.ge [sflag:s29], $0x1  }
0xb6: {  	[sflag:s29] =	ssyncadd.s32 $0xFFFFFFFF  }
0xb7: {  	_ =	strace $0x90000048  }
0xb8: {  	_ =	sfence  }
0xb9: {  	s30 =	sld [smem:$0x0];
	_ =	sdelay $0x2  }
0xba: {  	s31 =	sshll.u32 s1, $0xD;
	s1 =	sshrl.u32 s1, $0x2  }
0xbb: {  	s3 =	sand.u32 $0x4000, s31;
	s1 =	sadd.s32 s1, s30  }
0xbc: {  	s0 =	sor.u32 s3, s0;
	s1 =	sshll.u32 s1, $0x11  }
0xbd: {  	s0 =	sor.u32 s1, s0  }
0xbe: {  	s0 =	sadd.s32 $0x8F2B, s0  }
0xbf: {  	[sflag:s0] =	ssyncadd.remote.s32 $0x1  }
0xc0: {  	_ =	sfence.sel $0xFFFF  }
0xc1: {  	[dreg:$0x0] =	wrdreg $0xFFFFFFFF;
	(pc) =	sbr.abs _section_cstart, $3  }
0xc2: {  	[dreg:$0x1] =	wrdreg $0xFFFFFFFF  }
0xc3: {  	_ =	task.clear_ibuf [dreg:s8], $0x2FFFF;
	_ =	strace $0x9FFFFFFF  }
0xc4: {  	(tm) =	ssettm $0x7FFFFFFF  }
0xc5: {  	_ =	shalt  }
tec
execute0_lowered:
.L_overlay_start_1:
0x0: {  	(tag) =	ssettag $0x1  }
0x1: {  	s0 =	rddreg [dreg:$0x0]  }
0x2: {  	s1 =	rddreg [dreg:$0x1]  }
0x3: {  	s2 =	srdreg.scid;
	s6 =	stileid.u32  }
0x4: {  	s3 =	rddreg [dreg:$0x2];
	s7 =	simm.s32 $0x0;
	s2 =	sand.u32 $0x1, s2  }
0x5: {  	s4 =	sshll.u32 s6, $0x1;
	[smem:$0x7FF] =	sst s7;
	s0 =	sadd.s32 $0x800, s0  }
0x6: {  	p0 =	slt.u32 s6, $0x2;
	s4 =	sor.u32 s2, s4;
	s2 =	ssub.s32 $0x2, s2  }
0x7: {  	_ =	strace $0x80000047;
	s5 =	smul.u32 $0x4E, s4;
	s26 =	sshrl.u32 s2, $0x1  }
0x8: {  	[dreg:$0x4] =	wrdreg s0;
	s4 =	smin.u32 s4, $0x4;
	s0 =	ssub.s32 s2, s26  }
0x9: {  	s4 =	sadd.s32 s4, s5;
	s5 =	simm.s32 $0x4F;
	s0 =	smax.u32 s0, $0x1  }
0xa: {  	s28 =	sshll.u32 s4, $0x5;
	s5 =	simm.s32 @!p0 $0x4E;
	[dreg:$0xc] =	wrdreg s0  }
0xb: {  	s29 =	sshll.u32 s4, $0x4;
	s2 =	sadd.s32 s1, s28;
	[dreg:$0x5] =	wrdreg s5  }
0xc: {  	v0 =	vlaneseq.u32;
	vm0 =	vcmask $0x300;
	vm1 =	vcmask $0x704;
	s1 =	sadd.s32 s3, s29;
	[dreg:$0x6] =	wrdreg s2  }
.Ltmp0:
0xd: {  	vm2 =	vcmask $0xB08;
	vm3 =	vcmask $0xF0C;
	vm4 =	vcmask $0x1310;
	s30 =	sadd.s32 $0x10, s2;
	[dreg:$0x8] =	wrdreg s1;
	(pc) =	sbr.rel .LBB2_1-.Ltmp0, $4  }
0xe: {  	vm5 =	vcmask $0x1714;
	vm6 =	vcmask $0x1B18;
	vm7 =	vcmask $0x1F1C;
	s31 =	sadd.s32 $0x9C0, s2;
	[dreg:$0x7] =	wrdreg s30  }
0xf: {  	vm8 =	vcmask $0x2320;
	vm9 =	vcmask $0x2724;
	v0 =	vmul.u32 $0xFFFFFFFF, v0;
	s2 =	sadd.s32 $0x9D0, s2;
	[dreg:$0x9] =	wrdreg s31  }
0x10: {  	vm10 =	vcmask $0x2B28;
	vm11 =	vcmask $0x2F2C;
	vm12 =	vcmask $0x3330;
	p0 =	sgt.u32 s6, $0x1;
	s1 =	sadd.s32 $0x4E0, s1;
	[dreg:$0xa] =	wrdreg s2  }
0x11: {  	vm13 =	vcmask $0x3734;
	vm14 =	vcmask $0x3B38;
	v0 =	vadd.s32 $0xF, v0;
	s4 =	simm.s32 $0x3;
	[dreg:$0xb] =	wrdreg s1;
	s2 =	simm.s32 $0x0  }
.LBB2_13:
0x12: {  	s0 =	rddreg [dreg:$0x8];
	s1 =	simm.s32 $0x14F00  }
0x13: {  	[hbm4b:s0+s7] =	stream.linear.scatter [tilespmem:s1], [sflag:$0x3], $0x2700, $0x38;
	[tilespmem:$0x17700] =	vst v63  }
0x14: {  	_ =	swait.ge [sflag:s4], $0x2700  }
0x15: {  	s0 =	simm.s32 @!p0 $0x0;
	[sflag:s4] =	ssyncset.done $0x0  }
0x16: {  	s1 =	simm.s32 @!p0 $0x17600;
	s2 =	rddreg [dreg:$0xb];
	[sflag:s4] =	ssyncadd.s32 $0xFFFFD900  }
0x17: {  	[hbm4b:s2+s0] =	stream.linear.scatter @!p0 [tilespmem:s1], [sflag:$0x3], $0x80, $0x38;
	[tilespmem:$0x17700] =	vst v63  }
0x18: {  	s0 =	simm.s32 @!p0 $0x3  }
0x19: {  	_ =	swait.ge @!p0 [sflag:s0], $0x80  }
0x1a: {  	s30 =	rddreg [dreg:$0xd]  }
0x1b: {  	s31 =	rddreg [dreg:$0xc];
	s2 =	sadd.s32 $0x1, s30  }
0x1c: {  	p1 =	sne.s32 s2, s31  }
.Ltmp1:
0x1d: {  	_ = 	snop;
	(pc) =	sbr.rel @!p1 .LBB2_14-.Ltmp1, $3  }
0x1e: {  	_ =	sdelay $0x1  }
0x1f: {  	[sflag:s0] =	ssyncset.done @!p0 $0x0  }
0x20: {  	[sflag:s0] =	ssyncadd.s32 @!p0 $0xFFFFFF80  }
.LBB2_1:
0x21: {  	[dreg:$0xd] =	wrdreg s2  }
0x22: {  	s0 =	rddreg [dreg:$0x6];
	s1 =	simm.s32 $0x80;
	s30 =	simm.s32 $0x100  }
0x23: {  	[tilespmem:s7], [sflag:$0x3] =	stream.strided.gather [hbm4b:s0+s1], $0x2700, s30, s1, $0x38;
	[tilespmem:$0x17700] =	vst v63  }
0x24: {  	_ =	swait.ge [sflag:s4], $0x2700  }
0x25: {  	[sflag:s4] =	ssyncset.done $0x0  }
0x26: {  	s3 =	simm.s32 $0x2780;
	s31 =	rddreg [dreg:$0x7];
	[sflag:s4] =	ssyncadd.s32 $0xFFFFD900  }
0x27: {  	[tilespmem:s3], [sflag:$0x3] =	stream.strided.gather [hbm4b:s31+s1], $0x2700, s30, s1, $0x38;
	[tilespmem:$0x17700] =	vst v63  }
0x28: {  	_ =	swait.ge [sflag:s4], $0x2700  }
0x29: {  	s0 =	simm.s32 @!p0 $0x0;
	[sflag:s4] =	ssyncset.done $0x0  }
0x2a: {  	s1 =	simm.s32 @!p0 $0x2700;
	s2 =	rddreg [dreg:$0x9];
	[sflag:s4] =	ssyncadd.s32 $0xFFFFD900  }
0x2b: {  	[tilespmem:s1], [sflag:$0x3] =	stream.linear.gather @!p0 [hbm4b:s2+s0], $0x80, $0x38;
	[tilespmem:$0x17700] =	vst v63  }
0x2c: {  	s1 =	simm.s32 @!p0 $0x3  }
0x2d: {  	_ =	swait.ge @!p0 [sflag:s1], $0x80  }
0x2e: {  	[sflag:s1] =	ssyncset.done @!p0 $0x0  }
0x2f: {  	s2 =	simm.s32 @!p0 $0x4E80;
	s3 =	rddreg [dreg:$0xa];
	[sflag:s1] =	ssyncadd.s32 @!p0 $0xFFFFFF80  }
0x30: {  	[tilespmem:s2], [sflag:$0x3] =	stream.linear.gather @!p0 [hbm4b:s3+s0], $0x80, $0x38;
	[tilespmem:$0x17700] =	vst v63  }
0x31: {  	_ =	swait.ge @!p0 [sflag:s1], $0x80  }
0x32: {  	[sflag:s1] =	ssyncset.done @!p0 $0x0  }
0x33: {  	s0 =	simm.s32 $0x0;
	[sflag:s1] =	ssyncadd.s32 @!p0 $0xFFFFFF80;
	s1 =	simm.s32 $0x40  }
.LBB2_2:
0x34: {  	p1 =	sne.s32 s1, $0x9DC0;
	v1 =	vld [tilespmem:s0+$0x2780];
	_ =	sdelay $0x1  }
.Ltmp2:
0x35: {  	(pc) =	sbr.rel @p1 .LBB2_2-.Ltmp2, $3  }
0x36: {  	_ =	sdelay $0x1  }
0x37: {  	v1 =	vadd.s32 $0x2710, v1  }
0x38: {  	[tilespmem:s0+$0x2780] =	vst v1;
	s0 =	sshra.s32 s1, $0x2;
	s1 =	sadd.s32 $0x40, s1  }
0x39: {  	v1 =	vld [tilespmem:s0+$0x2780];
	_ =	sdelay $0x4  }
0x3a: {  	s6 =	simm.s32 $0x0;
	v1 =	vadd.s32 $0x2710, v1  }
0x3b: {  	s26 =	rddreg [dreg:$0x4];
	s1 =	simm.s32 $0x80;
	s2 =	simm.s32 $0x4F00;
	[tilespmem:s0+$0x2780] =	vst v1  }
0x3c: {  	[tilespmem:s2], [sflag:$0x1] =	stream.indirect.gather [hbm4b:s26+s1], $0x80, s6, s1, $0xb8;
	[tilespmem:$0x17700] =	vst v63  }
0x3d: {  	s28 =	simm.s32 $0x2780;
	s3 =	simm.s32 $0xCF00  }
0x3e: {  	[tilespmem:s3], [sflag:$0x1] =	stream.indirect.gather [hbm4b:s26+s1], $0x80, s28, s1, $0xb8;
	[tilespmem:$0x17700] =	vst v63  }
.Ltmp3:
0x3f: {  	_ = 	snop;
	(pc) =	sbr.rel .LBB2_4-.Ltmp3, $4  }
0x40: {  	s29 =	simm.s32 $0x8F00  }
0x41: {  	[tilespmem:s29], [sflag:$0x2] =	stream.indirect.gather [hbm4b:s26+s1], $0x80, s1, s1, $0xb8;
	[tilespmem:$0x17700] =	vst v63  }
0x42: {  	s30 =	simm.s32 $0x2800;
	s31 =	simm.s32 $0x10F00  }
0x43: {  	[tilespmem:s31], [sflag:$0x2] =	stream.indirect.gather [hbm4b:s26+s1], $0x80, s30, s1, $0xb8;
	[tilespmem:$0x17700] =	vst v63  }
.LBB2_12:
0x44: {  	s6 =	sadd.s32 $0x1, s6  }
0x45: {  	p1 =	sne.s32 s6, $0x28  }
.Ltmp4:
0x46: {  	_ = 	snop;
	(pc) =	sbr.rel @!p1 .LBB2_13-.Ltmp4, $1  }
0x47: {  	_ =	sdelay $0x3  }
.LBB2_4:
0x48: {  	s8 =	sshll.u32 s6, $0x1  }
0x49: {  	p1 =	sge.u32 s8, s5  }
.Ltmp5:
0x4a: {  	_ = 	snop;
	(pc) =	sbr.rel @p1 .LBB2_8-.Ltmp5, $3  }
0x4b: {  	_ =	sdelay $0x1  }
0x4c: {  	[dreg:$0xe] =	wrdreg s6  }
0x4d: {  	[dreg:$0xf] =	wrdreg s8  }
0x4e: {  	s1 =	simm.s32 $0x1  }
0x4f: {  	_ =	swait.ge [sflag:s1], $0x4000  }
0x50: {  	[sflag:s1] =	ssyncset.done $0x0  }
0x51: {  	s0 =	sshll.u32 s6, $0x8;
	[sflag:s1] =	ssyncadd.s32 $0xFFFFC000  }
0x52: {  	s0 =	sand.u32 $0x3FFFFF00, s0;
	_ =	swait.ge [sflag:s1], $0x4000  }
0x53: {  	s0 =	sadd.s32 $0x14F00, s0;
	[sflag:s1] =	ssyncset.done $0x0  }
0x54: {  	v1 =	vmov s0;
	[sflag:s1] =	ssyncadd.s32 $0xFFFFC000;
	s1 =	simm.s32 $0x0  }
.LBB2_6:
0x55: {  	s29 =	sshll.u32 s1, $0xB  }
0x56: {  	v2 =	vld [tilespmem:s29+$0x4F00]  }
0x57: {  	v3 =	vld [tilespmem:s29+$0xCF00]  }
0x58: {  	v4 =	vld [tilespmem:s29+$0x4F10]  }
0x59: {  	v5 =	vld [tilespmem:s29+$0xCF10]  }
0x5a: {  	v6 =	vld [tilespmem:s29+$0x4F20]  }
0x5b: {  	v7 =	vld [tilespmem:s29+$0xCF20]  }
0x5c: {  	v8 =	vld [tilespmem:s29+$0x4F30]  }
0x5d: {  	v9 =	vld [tilespmem:s29+$0xCF30]  }
0x5e: {  	v10 =	vld [tilespmem:s29+$0x4F40]  }
0x5f: {  	v11 =	vld [tilespmem:s29+$0xCF40]  }
0x60: {  	v12 =	vld [tilespmem:s29+$0x4F50]  }
0x61: {  	v13 =	vld [tilespmem:s29+$0xCF50]  }
0x62: {  	v14 =	vld [tilespmem:s29+$0x4F60]  }
0x63: {  	v15 =	vld [tilespmem:s29+$0xCF60]  }
0x64: {  	v16 =	vld [tilespmem:s29+$0x4F70]  }
0x65: {  	v17 =	vld [tilespmem:s29+$0xCF70]  }
0x66: {  	v18 =	vld [tilespmem:s29+$0x4F80]  }
0x67: {  	v19 =	vld [tilespmem:s29+$0xCF80]  }
0x68: {  	v20 =	vld [tilespmem:s29+$0x4F90]  }
0x69: {  	v21 =	vld [tilespmem:s29+$0xCF90]  }
0x6a: {  	v22 =	vld [tilespmem:s29+$0x4FA0]  }
0x6b: {  	v23 =	vld [tilespmem:s29+$0xCFA0]  }
0x6c: {  	v24 =	vld [tilespmem:s29+$0x4FB0]  }
0x6d: {  	v25 =	vld [tilespmem:s29+$0xCFB0]  }
0x6e: {  	v26 =	vld [tilespmem:s29+$0x4FC0]  }
0x6f: {  	v27 =	vld [tilespmem:s29+$0xCFC0]  }
0x70: {  	v28 =	vld [tilespmem:s29+$0x4FD0]  }
0x71: {  	v29 =	vld [tilespmem:s29+$0xCFD0]  }
0x72: {  	v30 =	vld [tilespmem:s29+$0x4FE0]  }
0x73: {  	v31 =	vld [tilespmem:s29+$0xCFE0]  }
0x74: {  	v32 =	vld [tilespmem:s29+$0x4FF0]  }
0x75: {  	v33 =	vld [tilespmem:s29+$0xCFF0]  }
0x76: {  	v34 =	vld [tilespmem:s29+$0x5000]  }
0x77: {  	v35 =	vld [tilespmem:s29+$0xD000]  }
0x78: {  	v36 =	vld [tilespmem:s29+$0x5010]  }
0x79: {  	v37 =	vld [tilespmem:s29+$0xD010]  }
0x7a: {  	v38 =	vld [tilespmem:s29+$0x5020]  }
0x7b: {  	v39 =	vld [tilespmem:s29+$0xD020]  }
0x7c: {  	v40 =	vld [tilespmem:s29+$0x5030]  }
0x7d: {  	v41 =	vld [tilespmem:s29+$0xD030]  }
0x7e: {  	v42 =	vld [tilespmem:s29+$0x5040]  }
0x7f: {  	v43 =	vld [tilespmem:s29+$0xD040]  }
0x80: {  	v44 =	vld [tilespmem:s29+$0x5050]  }
0x81: {  	v45 =	vld [tilespmem:s29+$0xD050]  }
0x82: {  	v46 =	vld [tilespmem:s29+$0x5060]  }
0x83: {  	v47 =	vld [tilespmem:s29+$0xD060]  }
0x84: {  	v48 =	vld [tilespmem:s29+$0x5070]  }
0x85: {  	v49 =	vld [tilespmem:s29+$0xD070]  }
0x86: {  	v50 =	vld [tilespmem:s29+$0x5080]  }
0x87: {  	v51 =	vld [tilespmem:s29+$0xD080]  }
0x88: {  	v52 =	vld [tilespmem:s29+$0x5090]  }
0x89: {  	v53 =	vld [tilespmem:s29+$0xD090]  }
0x8a: {  	v54 =	vld [tilespmem:s29+$0x50A0]  }
0x8b: {  	v55 =	vld [tilespmem:s29+$0x50B0]  }
0x8c: {  	v56 =	vld [tilespmem:s29+$0x50C0]  }
0x8d: {  	v57 =	vld [tilespmem:s29+$0x50D0];
	v2 =	vadd.f32 v3, v2;
	v3 =	vadd.f32 v5, v4  }
0x8e: {  	v59 =	vadd.f32 v7, v6;
	v6 =	vld [tilespmem:s29+$0xD0A0]  }
0x8f: {  	v60 =	vadd.f32 v9, v8;
	v9 =	vld [tilespmem:s29+$0xD0B0];
	v2 =	vmul.f32 v2, v2;
	v3 =	vmul.f32 v3, v3  }
0x90: {  	v61 =	vadd.f32 v11, v10;
	v11 =	vld [tilespmem:s29+$0xD0C0]  }
0x91: {  	v62 =	vadd.f32 v13, v12;
	v13 =	vld [tilespmem:s29+$0xD0D0];
	v2 =	vadd.f32 v3, v2;
	v3 =	vmul.f32 v59, v59  }
0x92: {  	v4 =	vld [tilespmem:s29+$0x50E0]  }
0x93: {  	v7 =	vld [tilespmem:s29+$0xD0E0];
	v2 =	vadd.f32 v3, v2;
	v3 =	vmul.f32 v60, v60  }
0x94: {  	v63 =	vadd.f32 v19, v18;
	v10 =	vld [tilespmem:s29+$0x50F0]  }
0x95: {  	v18 =	vadd.f32 v15, v14;
	v15 =	vld [tilespmem:s29+$0xD0F0];
	v2 =	vadd.f32 v3, v2;
	v3 =	vmul.f32 v61, v61  }
0x96: {  	v12 =	vadd.f32 v21, v20;
	v21 =	vadd.f32 v17, v16;
	v16 =	vld [tilespmem:s29+$0x5100]  }
0x97: {  	v17 =	vld [tilespmem:s29+$0xD100];
	v2 =	vadd.f32 v3, v2;
	v3 =	vmul.f32 v62, v62  }
0x98: {  	v20 =	vadd.f32 v23, v22;
	v27 =	vadd.f32 v27, v26;
	v14 =	vld [tilespmem:s29+$0x5110]  }
0x99: {  	v26 =	vld [tilespmem:s29+$0x5150];
	v8 =	vmul.f32 v63, v63;
	v2 =	vadd.f32 v3, v2;
	v3 =	vmul.f32 v18, v18  }
0x9a: {  	v19 =	vmul.f32 v12, v12;
	v22 =	vmul.f32 v20, v20;
	v20 =	vld [tilespmem:s29+$0xD120]  }
0x9b: {  	v12 =	vld [tilespmem:s29+$0xD170];
	v2 =	vadd.f32 v3, v2;
	v3 =	vmul.f32 v21, v21  }
0x9c: {  	v8 =	vadd.f32 v19, v8;
	v19 =	vld [tilespmem:s29+$0x5120]  }
0x9d: {  	v59 =	vadd.f32 v29, v28;
	v28 =	vld [tilespmem:s29+$0xD150];
	v2 =	vadd.f32 v3, v2  }
0x9e: {  	v23 =	vadd.f32 v25, v24;
	v24 =	vadd.f32 v22, v8;
	v22 =	vld [tilespmem:s29+$0xD130]  }
0x9f: {  	v8 =	vld [tilespmem:s29+$0x5170];
	v60 =	vperm.xlane v2, v0  }
0xa0: {  	v25 =	vmul.f32 v23, v23;
	v63 =	vadd.f32 v37, v36;
	v18 =	vld [tilespmem:s29+$0xD110]  }
0xa1: {  	v37 =	vadd.f32 v39, v38;
	v21 =	vld [tilespmem:s29+$0x5130];
	v62 =	vadd.f32 v2, v60  }
0xa2: {  	v38 =	vadd.f32 v41, v40;
	v3 =	vadd.f32 v25, v24;
	v24 =	vld [tilespmem:s29+$0x5140]  }
0xa3: {  	v58 =	vmul.f32 v27, v27;
	v25 =	vld [tilespmem:s29+$0xD140];
	v2 =	vadd.f32 v35, v34;
	(v2sf) =	vpush v62, $0x0  }
0xa4: {  	v35 =	vadd.f32 v33, v32;
	v32 =	vld [tilespmem:s29+$0x5180];
	(v2sf) =	vpush v62, $0x1  }
0xa5: {  	v3 =	vadd.f32 v58, v3;
	v33 =	vld [tilespmem:s29+$0x5190];
	(v2sf) =	vpush v62, $0x2  }
0xa6: {  	v61 =	vmul.f32 v59, v59;
	v34 =	vadd.f32 v31, v30;
	v31 =	vld [tilespmem:s29+$0x51A0];
	(v2sf) =	vpush v62, $0x3  }
0xa7: {  	v5 =	vmul.f32 v63, v63;
	v36 =	vmul.f32 v2, v2;
	v2 =	vld [tilespmem:s29+$0x5160];
	(v2sf) =	vpush v62, $0x4  }
0xa8: {  	v3 =	vadd.f32 v61, v3;
	v30 =	vmul.f32 v34, v34;
	v34 =	vld [tilespmem:s29+$0xD190];
	(v2sf) =	vpush v62, $0x5  }
0xa9: {  	[dreg:$0x10] =	wrdreg s1;
	v27 =	vadd.f32 v5, v36;
	v5 =	vld [tilespmem:s29+$0xD160];
	(v2sf) =	vpush v62, $0x6  }
0xaa: {  	v29 =	vmul.f32 v37, v37;
	v3 =	vadd.f32 v30, v3;
	v30 =	vld [tilespmem:s29+$0xD180];
	(v2sf) =	vpush v62, $0x7  }
0xab: {  	v39 =	vmul.f32 v35, v35;
	v23 =	vld [tilespmem:s29+$0xD1A0]  }
0xac: {  	v41 =	vadd.f32 v43, v42;
	v40 =	vmul.f32 v38, v38;
	v27 =	vadd.f32 v29, v27;
	v29 =	vld [tilespmem:s29+$0x51B0]  }
0xad: {  	v3 =	vadd.f32 v39, v3;
	v37 =	vld [tilespmem:s29+$0xD1B0]  }
0xae: {  	v42 =	vmul.f32 v41, v41;
	v27 =	vadd.f32 v40, v27;
	v39 =	vld [tilespmem:s29+$0x51C0]  }
0xaf: {  	v43 =	vadd.f32 v45, v44;
	v44 =	vperm.xlane v3, v0;
	v41 =	vld [tilespmem:s29+$0xD1C0]  }
0xb0: {  	v6 =	vadd.f32 v6, v54;
	v27 =	vadd.f32 v42, v27;
	v42 =	vld [tilespmem:s29+$0x51D0]  }
0xb1: {  	v45 =	vmul.f32 v43, v43;
	v9 =	vadd.f32 v9, v55;
	v35 =	vadd.f32 v3, v44;
	v43 =	vld [tilespmem:s29+$0xD1D0]  }
0xb2: {  	v3 =	vadd.f32 v51, v50;
	v50 =	vadd.f32 v53, v52;
	v53 =	vmul.f32 v6, v6;
	v6 =	vld [tilespmem:s29+$0xD1E0]  }
0xb3: {  	v55 =	vmul.f32 v9, v9;
	v9 =	vld [tilespmem:s29+$0x51F0]  }
0xb4: {  	v58 =	vadd.f32 v11, v56;
	v11 =	vld [tilespmem:s29+$0xD1F0]  }
0xb5: {  	v13 =	vadd.f32 v13, v57;
	v16 =	vadd.f32 v17, v16;
	v40 =	vld [tilespmem:s29+$0x5200]  }
0xb6: {  	v4 =	vadd.f32 v7, v4;
	v14 =	vadd.f32 v18, v14;
	v44 =	vld [tilespmem:s29+$0xD200]  }
0xb7: {  	v63 =	vadd.f32 v20, v19;
	v8 =	vadd.f32 v12, v8;
	v17 =	vld [tilespmem:s29+$0xD220]  }
0xb8: {  	v14 =	vmul.f32 v14, v14;
	v61 =	vadd.f32 v15, v10;
	v2 =	vadd.f32 v5, v2;
	v18 =	vld [tilespmem:s29+$0x5230]  }
0xb9: {  	v62 =	vmul.f32 v16, v16;
	v51 =	vadd.f32 v47, v46;
	v52 =	vadd.f32 v49, v48;
	v15 =	vld [tilespmem:s29+$0xD230]  }
0xba: {  	v19 =	vld [tilespmem:s29+$0x5240];
	v47 =	vadd.f32 v25, v24;
	v49 =	vadd.f32 v28, v26  }
0xbb: {  	v16 =	vmul.f32 v63, v63;
	v25 =	vld [tilespmem:s29+$0x5280];
	v10 =	vadd.f32 v14, v62;
	v27 =	vadd.f32 v45, v27  }
0xbc: {  	v5 =	vld [tilespmem:s29+$0x52A0];
	(v2sf) =	vpush v35, $0x0;
	v3 =	vmul.f32 v3, v3;
	v36 =	vmul.f32 v50, v50  }
0xbd: {  	v28 =	vld [tilespmem:s29+$0xD2A0];
	v54 =	vmul.f32 v52, v52;
	v45 =	vadd.f32 v22, v21;
	v52 =	vadd.f32 v30, v32  }
0xbe: {  	v26 =	vld [tilespmem:s29+$0xD2B0];
	v38 =	vmul.f32 v51, v51;
	(v2sf) =	vpush v35, $0x1;
	v10 =	vadd.f32 v16, v10  }
0xbf: {  	v14 =	vld [tilespmem:s29+$0xD240];
	(v2sf) =	vpush v35, $0x2;
	v36 =	vadd.f32 v36, v3  }
0xc0: {  	v21 =	vld [tilespmem:s29+$0x5250];
	v27 =	vadd.f32 v38, v27;
	(v2sf) =	vpush v35, $0x3  }
0xc1: {  	v22 =	vld [tilespmem:s29+$0xD250];
	v23 =	vadd.f32 v23, v31;
	v29 =	vadd.f32 v37, v29  }
0xc2: {  	v30 =	vld [tilespmem:s29+$0xD290];
	v57 =	vadd.f32 v41, v39;
	v62 =	vadd.f32 v44, v40  }
0xc3: {  	v20 =	vmul.f32 v47, v47;
	v32 =	vld [tilespmem:s29+$0x52C0];
	v9 =	vadd.f32 v11, v9;
	v15 =	vadd.f32 v15, v18  }
0xc4: {  	v47 =	vld [tilespmem:s29+$0x5340];
	v46 =	vmul.f32 v45, v45;
	v5 =	vadd.f32 v28, v5;
	(v2sf) =	vpush v35, $0x4  }
0xc5: {  	v3 =	vld [tilespmem:s29+$0x51E0];
	v36 =	vadd.f32 v53, v36;
	v27 =	vadd.f32 v54, v27  }
0xc6: {  	v59 =	vmul.f32 v58, v58;
	v38 =	vld [tilespmem:s29+$0x5210];
	v16 =	vadd.f32 v46, v10;
	v53 =	vadd.f32 v34, v33  }
0xc7: {  	v51 =	vmul.f32 v49, v49;
	v31 =	vld [tilespmem:s29+$0x52B0];
	v14 =	vadd.f32 v14, v19;
	(v2sf) =	vpush v35, $0x5  }
0xc8: {  	v37 =	vld [tilespmem:s29+$0xD2E0];
	v54 =	vmul.f32 v52, v52;
	v49 =	vadd.f32 v22, v21;
	v36 =	vadd.f32 v55, v36  }
0xc9: {  	v34 =	vld [tilespmem:s29+$0x52E0];
	(v2sf) =	vpush v35, $0x6;
	v60 =	vperm.xlane v27, v0;
	v16 =	vadd.f32 v20, v16  }
0xca: {  	v45 =	vld [tilespmem:s29+$0x5330];
	v55 =	vmul.f32 v53, v53;
	(v2sf) =	vpush v35, $0x7;
	v3 =	vadd.f32 v6, v3  }
0xcb: {  	v44 =	vld [tilespmem:s29+$0xD320];
	v36 =	vadd.f32 v59, v36;
	v27 =	vadd.f32 v27, v60  }
0xcc: {  	v13 =	vmul.f32 v13, v13;
	v20 =	vld [tilespmem:s29+$0x5290];
	v16 =	vadd.f32 v51, v16;
	v12 =	vadd.f32 v55, v54  }
0xcd: {  	v2 =	vmul.f32 v2, v2;
	v35 =	vld [tilespmem:s29+$0xD210];
	v59 =	vadd.f32 v43, v42;
	v26 =	vadd.f32 v26, v31  }
0xce: {  	v23 =	vmul.f32 v23, v23;
	v6 =	vld [tilespmem:s29+$0x5310];
	v41 =	vadd.f32 v37, v34;
	v13 =	vadd.f32 v13, v36  }
0xcf: {  	v4 =	vmul.f32 v4, v4;
	v42 =	vld [tilespmem:s29+$0xD310];
	(v2sf) =	vpush v27, $0x0;
	v2 =	vadd.f32 v2, v16  }
0xd0: {  	v8 =	vmul.f32 v8, v8;
	v43 =	vld [tilespmem:s29+$0x5320];
	v12 =	vadd.f32 v23, v12;
	(v2sf) =	vpush v27, $0x1  }
0xd1: {  	v28 =	vld [tilespmem:s29+$0x53A0];
	s0 =	spop (v2sf);
	v56 =	vmul.f32 v29, v29;
	v20 =	vadd.f32 v30, v20;
	(v2sf) =	vpush v27, $0x2  }
0xd2: {  	s1 =	spop (v2sf);
	v36 =	vld [tilespmem:s29+$0x5220];
	v13 =	vadd.f32 v4, v13;
	v2 =	vadd.f32 v8, v2  }
0xd3: {  	v7 =	vmul.f32 v61, v61;
	s2 =	spop (v2sf);
	v16 =	vld [tilespmem:s29+$0xD2C0];
	v12 =	vadd.f32 v56, v12;
	v35 =	vadd.f32 v35, v38  }
0xd4: {  	v40 =	vld [tilespmem:s29+$0x53D0];
	v58 =	vmul.f32 v57, v57;
	s3 =	spop (v2sf);
	(v2sf) =	vpush v27, $0x3;
	v6 =	vadd.f32 v42, v6  }
0xd5: {  	v33 =	vld [tilespmem:s29+$0x52D0];
	v63 =	vmul.f32 v62, v62;
	s4 =	spop (v2sf);
	v42 =	vadd.f32 v44, v43;
	v48 =	vadd.f32 v7, v13  }
0xd6: {  	s5 =	spop (v2sf);
	v23 =	vld [tilespmem:s29+$0x5300];
	(v2sf) =	vpush v27, $0x4;
	v60 =	vperm.xlane v2, v0;
	v12 =	vadd.f32 v58, v12  }
0xd7: {  	s8 =	spop (v2sf);
	v8 =	vld [tilespmem:s29+$0xD2D0];
	(v2sf) =	vpush v27, $0x5;
	v17 =	vadd.f32 v17, v36;
	v50 =	vperm.xlane v48, v0  }
0xd8: {  	s0 =	sadd.f32 s1, s0;
	v61 =	vmul.f32 v59, v59;
	s16 =	spop (v2sf);
	v38 =	vld [tilespmem:s29+$0xD300];
	v16 =	vadd.f32 v16, v32;
	(v2sf) =	vpush v27, $0x6  }
0xd9: {  	v10 =	vld [tilespmem:s29+$0x5270];
	s2 =	sadd.f32 s3, s2;
	v35 =	vmul.f32 v35, v35;
	s7 =	spop (v2sf);
	v2 =	vadd.f32 v2, v60;
	v24 =	vadd.f32 v48, v50  }
0xda: {  	s4 =	sadd.f32 s5, s4;
	v4 =	vld [tilespmem:s29+$0x5260];
	s10 =	spop (v2sf);
	v12 =	vadd.f32 v61, v12;
	(v2sf) =	vpush v27, $0x7  }
0xdb: {  	s16 =	sadd.f32 s16, s8;
	v7 =	vld [tilespmem:s29+$0xD260];
	v11 =	vadd.f32 v35, v63;
	s13 =	spop (v2sf);
	(v2sf) =	vpush v24, $0x0  }
0xdc: {  	v3 =	vmul.f32 v3, v3;
	s1 =	sadd.f32 s2, s0;
	v13 =	vld [tilespmem:s29+$0xD270];
	v8 =	vadd.f32 v8, v33;
	s19 =	spop (v2sf);
	(v2sf) =	vpush v24, $0x1  }
0xdd: {  	v46 =	vld [tilespmem:s29+$0xD330];
	s2 =	sadd.f32 s16, s4;
	v17 =	vmul.f32 v17, v17;
	v23 =	vadd.f32 v38, v23;
	s21 =	spop (v2sf);
	(v2sf) =	vpush v24, $0x2  }
0xde: {  	v29 =	vld [tilespmem:s29+$0x52F0];
	s7 =	sadd.f32 s10, s7;
	v3 =	vadd.f32 v3, v12;
	s24 =	spop (v2sf);
	(v2sf) =	vpush v24, $0x3  }
0xdf: {  	v9 =	vmul.f32 v9, v9;
	v27 =	vld [tilespmem:s29+$0xD280];
	v11 =	vadd.f32 v17, v11;
	s13 =	sadd.f32 s19, s13;
	s25 =	spop (v2sf);
	(v2sf) =	vpush v24, $0x4  }
0xe0: {  	v15 =	vmul.f32 v15, v15;
	v22 =	vld [tilespmem:s29+$0xD380];
	v4 =	vadd.f32 v7, v4;
	s16 =	sadd.f32 s24, s21;
	s30 =	spop (v2sf);
	(v2sf) =	vpush v24, $0x5  }
0xe1: {  	v57 =	vld [tilespmem:s29+$0xD390];
	v5 =	vmul.f32 v5, v5;
	v10 =	vadd.f32 v13, v10;
	s19 =	sadd.f32 s30, s25;
	(v2sf) =	vpush v24, $0x6  }
0xe2: {  	v62 =	vld [tilespmem:s29+$0x53C0];
	v14 =	vmul.f32 v14, v14;
	v3 =	vadd.f32 v9, v3;
	s7 =	sadd.f32 s13, s7;
	s17 =	spop (v2sf);
	(v2sf) =	vpush v24, $0x7  }
0xe3: {  	v21 =	vld [tilespmem:s29+$0x54F0];
	v53 =	vmul.f32 v49, v49;
	v11 =	vadd.f32 v15, v11;
	s21 =	sadd.f32 s19, s16;
	s20 =	spop (v2sf);
	(v2sf) =	vpush v2, $0x0  }
0xe4: {  	v49 =	vld [tilespmem:s29+$0x5430];
	s1 =	sadd.f32 s2, s1;
	v52 =	vperm.xlane v3, v0;
	v54 =	vadd.f32 v27, v25;
	s23 =	spop (v2sf);
	(v2sf) =	vpush v2, $0x1  }
0xe5: {  	v51 =	vld [tilespmem:s29+$0xD350];
	v20 =	vmul.f32 v20, v20;
	v11 =	vadd.f32 v14, v11;
	s2 =	sadd.f32 s21, s7;
	s31 =	spop (v2sf);
	(v2sf) =	vpush v2, $0x2  }
0xe6: {  	v31 =	vld [tilespmem:s29+$0xD3E0];
	[dreg:$0x12] =	wrdreg s1;
	v3 =	vadd.f32 v3, v52;
	v55 =	vmul.f32 v54, v54;
	s6 =	spop (v2sf);
	(v2sf) =	vpush v2, $0x3  }
0xe7: {  	v37 =	vld [tilespmem:s29+$0x54A0];
	v4 =	vmul.f32 v4, v4;
	v11 =	vadd.f32 v53, v11;
	[dreg:$0x14] =	wrdreg s2;
	s12 =	spop (v2sf);
	(v2sf) =	vpush v2, $0x4  }
0xe8: {  	v59 =	vld [tilespmem:s29+$0x53B0];
	v58 =	vmul.f32 v26, v26;
	v13 =	vadd.f32 v20, v55;
	s31 =	sadd.f32 s31, s23;
	s14 =	spop (v2sf);
	(v2sf) =	vpush v2, $0x5  }
0xe9: {  	v30 =	vld [tilespmem:s29+$0xD620];
	v10 =	vmul.f32 v10, v10;
	v4 =	vadd.f32 v4, v11;
	[dreg:$0x16] =	wrdreg s6;
	s15 =	spop (v2sf);
	(v2sf) =	vpush v2, $0x6  }
0xea: {  	v6 =	vmul.f32 v6, v6;
	v24 =	vld [tilespmem:s29+$0xD2F0];
	v5 =	vadd.f32 v5, v13;
	[dreg:$0x1a] =	wrdreg s12;
	(v2sf) =	vpush v2, $0x7;
	s18 =	spop (v2sf)  }
0xeb: {  	v56 =	vld [tilespmem:s29+$0x5390];
	v32 =	vmul.f32 v41, v41;
	v4 =	vadd.f32 v10, v4;
	s13 =	rddreg [dreg:$0x16];
	(v2sf) =	vpush v3, $0x0;
	s22 =	spop (v2sf)  }
0xec: {  	v43 =	vld [tilespmem:s29+$0xD400];
	v61 =	vmul.f32 v16, v16;
	v5 =	vadd.f32 v58, v5;
	[dreg:$0x1c] =	wrdreg s14;
	(v2sf) =	vpush v3, $0x1;
	s26 =	spop (v2sf)  }
0xed: {  	v44 =	vld [tilespmem:s29+$0x5410];
	v34 =	vmul.f32 v42, v42;
	v12 =	vadd.f32 v46, v45;
	s16 =	rddreg [dreg:$0x1a];
	(v2sf) =	vpush v3, $0x2;
	s28 =	spop (v2sf)  }
0xee: {  	v26 =	vld [tilespmem:s29+$0xD610];
	v33 =	vperm.xlane v4, v0;
	v5 =	vadd.f32 v61, v5;
	[dreg:$0x1e] =	wrdreg s15;
	(v2sf) =	vpush v3, $0x3;
	s9 =	spop (v2sf)  }
0xef: {  	v41 =	vld [tilespmem:s29+$0xD4B0];
	v8 =	vmul.f32 v8, v8;
	v24 =	vadd.f32 v24, v29;
	s19 =	rddreg [dreg:$0x1c];
	(v2sf) =	vpush v3, $0x4;
	s11 =	spop (v2sf)  }
0xf0: {  	v42 =	vld [tilespmem:s29+$0x54C0];
	v23 =	vmul.f32 v23, v23;
	v4 =	vadd.f32 v4, v33;
	[dreg:$0x18] =	wrdreg s18;
	(v2sf) =	vpush v3, $0x5;
	s12 =	spop (v2sf)  }
0xf1: {  	v48 =	vld [tilespmem:s29+$0xD340];
	v5 =	vadd.f32 v8, v5;
	[smem:$0x7E0] =	sst s26;
	(v2sf) =	vpush v3, $0x6;
	s26 =	spop (v2sf)  }
0xf2: {  	v50 =	vld [tilespmem:s29+$0x5350];
	v6 =	vadd.f32 v6, v23;
	[smem:$0x7DF] =	sst s22;
	(v2sf) =	vpush v3, $0x7;
	s14 =	spop (v2sf)  }
0xf3: {  	v60 =	vld [tilespmem:s29+$0xD3B0];
	v24 =	vmul.f32 v24, v24;
	v5 =	vadd.f32 v32, v5;
	s23 =	rddreg [dreg:$0x18];
	(v2sf) =	vpush v4, $0x0;
	s15 =	spop (v2sf)  }
0xf4: {  	v15 =	vld [tilespmem:s29+$0x5360];
	v6 =	vadd.f32 v34, v6;
	[smem:$0x7E1] =	sst s28;
	(v2sf) =	vpush v4, $0x1;
	s18 =	spop (v2sf)  }
0xf5: {  	v25 =	vld [tilespmem:s29+$0xD370];
	v5 =	vadd.f32 v24, v5;
	[smem:$0x7E2] =	sst s9;
	(v2sf) =	vpush v4, $0x2;
	s22 =	spop (v2sf)  }
0xf6: {  	v12 =	vmul.f32 v12, v12;
	v9 =	vadd.f32 v48, v47;
	v2 =	vld [tilespmem:s29+$0xD360];
	[smem:$0x7E3] =	sst s11;
	(v2sf) =	vpush v4, $0x3;
	s28 =	spop (v2sf)  }
0xf7: {  	v14 =	vld [tilespmem:s29+$0x5370];
	v48 =	vadd.f32 v51, v50;
	v51 =	vperm.xlane v5, v0;
	[smem:$0x7E4] =	sst s12;
	(v2sf) =	vpush v4, $0x4;
	s9 =	spop (v2sf)  }
0xf8: {  	v63 =	vld [tilespmem:s29+$0xD3C0];
	v6 =	vadd.f32 v12, v6;
	v9 =	vmul.f32 v9, v9;
	[smem:$0x7E5] =	sst s14;
	(v2sf) =	vpush v4, $0x5;
	s11 =	spop (v2sf)  }
0xf9: {  	v35 =	vld [tilespmem:s29+$0x5400];
	v5 =	vadd.f32 v5, v51;
	[smem:$0x7E8] =	sst s22;
	(v2sf) =	vpush v4, $0x6;
	s22 =	spop (v2sf)  }
0xfa: {  	v38 =	vld [tilespmem:s29+$0xD4A0];
	v6 =	vadd.f32 v9, v6;
	[smem:$0x7E6] =	sst s15;
	(v2sf) =	vpush v4, $0x7;
	s12 =	spop (v2sf)  }
0xfb: {  	v45 =	vld [tilespmem:s29+$0xD410];
	v52 =	vmul.f32 v48, v48;
	v2 =	vadd.f32 v2, v15;
	[smem:$0x7E7] =	sst s18;
	(v2sf) =	vpush v5, $0x0;
	s14 =	spop (v2sf)  }
0xfc: {  	v46 =	vld [tilespmem:s29+$0x5420];
	v14 =	vadd.f32 v25, v14;
	[smem:$0x7E9] =	sst s28;
	(v2sf) =	vpush v5, $0x1;
	s15 =	spop (v2sf)  }
0xfd: {  	v7 =	vld [tilespmem:s29+$0x5380];
	v6 =	vadd.f32 v52, v6;
	v2 =	vmul.f32 v2, v2;
	[smem:$0x7EA] =	sst s9;
	(v2sf) =	vpush v5, $0x2;
	s18 =	spop (v2sf)  }
0xfe: {  	v62 =	vadd.f32 v63, v62;
	v63 =	vld [tilespmem:s29+$0x5490];
	v23 =	vadd.f32 v43, v35;
	[smem:$0x7EF] =	sst s18;
	s18 =	spop (v2sf)  }
0xff: {  	v43 =	vld [tilespmem:s29+$0xD4C0];
	v10 =	vadd.f32 v60, v59;
	v60 =	vmul.f32 v14, v14;
	v2 =	vadd.f32 v2, v6;
	[smem:$0x7EE] =	sst s15;
	s15 =	spop (v2sf)  }
0x100: {  	v35 =	vld [tilespmem:s29+$0xD550];
	[smem:$0x7ED] =	sst s14;
	s14 =	spop (v2sf)  }
0x101: {  	v27 =	vld [tilespmem:s29+$0x5470];
	v2 =	vadd.f32 v60, v2;
	[smem:$0x7EC] =	sst s12;
	s12 =	spop (v2sf)  }
0x102: {  	v47 =	vld [tilespmem:s29+$0xD420];
	[smem:$0x7EB] =	sst s11;
	(v2sf) =	vpush v5, $0x3;
	s28 =	spop (v2sf)  }
0x103: {  	v50 =	vld [tilespmem:s29+$0xD430];
	v39 =	vperm.xlane v2, v0;
	(v2sf) =	vpush v5, $0x4;
	s1 =	sadd.f32 s15, s18;
	s9 =	spop (v2sf)  }
0x104: {  	v34 =	vld [tilespmem:s29+$0xD490];
	v18 =	vadd.f32 v45, v44;
	(v2sf) =	vpush v5, $0x5;
	s12 =	sadd.f32 s12, s14;
	s11 =	spop (v2sf)  }
0x105: {  	v44 =	vld [tilespmem:s29+$0x54D0];
	v2 =	vadd.f32 v2, v39;
	(v2sf) =	vpush v5, $0x6;
	[smem:$0x7F0] =	sst s28;
	s28 =	spop (v2sf)  }
0x106: {  	v45 =	vld [tilespmem:s29+$0xD4D0];
	(v2sf) =	vpush v5, $0x7;
	[smem:$0x7F2] =	sst s11;
	s11 =	spop (v2sf)  }
0x107: {  	v36 =	vmul.f32 v62, v62;
	v62 =	vld [tilespmem:s29+$0xD530];
	(v2sf) =	vpush v2, $0x0;
	[smem:$0x7F1] =	sst s9;
	s9 =	spop (v2sf)  }
0x108: {  	v54 =	vld [tilespmem:s29+$0xD440];
	(v2sf) =	vpush v2, $0x1;
	s12 =	sadd.f32 s12, s1;
	s6 =	spop (v2sf)  }
0x109: {  	v53 =	vld [tilespmem:s29+$0x5440];
	[smem:$0x7F3] =	sst s28;
	s3 =	spop (v2sf)  }
0x10a: {  	v48 =	vld [tilespmem:s29+$0xD4E0];
	s14 =	sld [smem:$0x7F2];
	s28 =	spop (v2sf)  }
0x10b: {  	v55 =	vld [tilespmem:s29+$0x5450];
	s3 =	sadd.f32 s3, s6;
	s5 =	spop (v2sf)  }
0x10c: {  	v20 =	vadd.f32 v57, v56;
	v56 =	vld [tilespmem:s29+$0xD450];
	[smem:$0x7F4] =	sst s28;
	s8 =	spop (v2sf)  }
0x10d: {  	v23 =	vmul.f32 v23, v23;
	v18 =	vmul.f32 v18, v18;
	v57 =	vld [tilespmem:s29+$0x5460];
	[smem:$0x7F5] =	sst s8  }
0x10e: {  	v11 =	vld [tilespmem:s29+$0xD3A0];
	s8 =	sadd.f32 s20, s17  }
0x10f: {  	v7 =	vadd.f32 v22, v7;
	v18 =	vadd.f32 v18, v23;
	v23 =	vld [tilespmem:s29+$0xD4F0];
	s17 =	sadd.f32 s16, s13  }
0x110: {  	v59 =	vld [tilespmem:s29+$0x5480];
	(v2sf) =	vpush v2, $0x2;
	s20 =	rddreg [dreg:$0x1e]  }
0x111: {  	v7 =	vmul.f32 v7, v7;
	v20 =	vmul.f32 v20, v20;
	v52 =	vld [tilespmem:s29+$0xD500];
	s0 =	spop (v2sf);
	s13 =	sld [smem:$0x7E0]  }
0x112: {  	v58 =	vld [tilespmem:s29+$0xD460];
	s16 =	sld [smem:$0x7E1];
	s4 =	spop (v2sf)  }
0x113: {  	v7 =	vadd.f32 v20, v7;
	v20 =	vld [tilespmem:s29+$0xD470];
	(v2sf) =	vpush v2, $0x3;
	s21 =	sadd.f32 s20, s19;
	s28 =	spop (v2sf)  }
0x114: {  	v9 =	vadd.f32 v56, v55;
	v55 =	vld [tilespmem:s29+$0xD510];
	s19 =	sld [smem:$0x7E2];
	s30 =	spop (v2sf)  }
0x115: {  	v17 =	vadd.f32 v47, v46;
	v61 =	vld [tilespmem:s29+$0xD480];
	s20 =	sld [smem:$0x7E3];
	s24 =	spop (v2sf)  }
0x116: {  	v29 =	vld [tilespmem:s29+$0xD3F0];
	s25 =	spop (v2sf);
	s30 =	sadd.f32 s24, s30  }
0x117: {  	v17 =	vmul.f32 v17, v17;
	v11 =	vadd.f32 v11, v28;
	v33 =	vld [tilespmem:s29+$0x53F0];
	[smem:$0x7F6] =	sst s25;
	s7 =	spop (v2sf)  }
0x118: {  	v8 =	vld [tilespmem:s29+$0x53E0];
	[smem:$0x7F7] =	sst s7  }
0x119: {  	v19 =	vadd.f32 v50, v49;
	v49 =	vadd.f32 v17, v18;
	v11 =	vmul.f32 v11, v11;
	v3 =	vld [tilespmem:s29+$0xD3D0];
	s7 =	sadd.f32 s31, s8  }
0x11a: {  	v21 =	vadd.f32 v23, v21;
	v14 =	vadd.f32 v61, v59;
	v59 =	vld [tilespmem:s29+$0x5530];
	s8 =	sadd.f32 s21, s17  }
0x11b: {  	v57 =	vadd.f32 v58, v57;
	v7 =	vadd.f32 v11, v7;
	v51 =	vld [tilespmem:s29+$0x5500];
	s17 =	sadd.f32 s16, s13  }
0x11c: {  	v10 =	vmul.f32 v10, v10;
	v11 =	vadd.f32 v38, v37;
	v29 =	vadd.f32 v29, v33;
	v33 =	vld [tilespmem:s29+$0xD540];
	s21 =	sadd.f32 s20, s19  }
0x11d: {  	v61 =	vadd.f32 v20, v27;
	v6 =	vadd.f32 v34, v63;
	v63 =	vld [tilespmem:s29+$0x5540];
	s13 =	sld [smem:$0x7E7]  }
0x11e: {  	v56 =	vmul.f32 v9, v9;
	v7 =	vadd.f32 v10, v7;
	v34 =	vld [tilespmem:s29+$0x5550];
	v3 =	vadd.f32 v3, v40;
	s16 =	sld [smem:$0x7E8]  }
0x11f: {  	v37 =	vld [tilespmem:s29+$0xD560];
	v8 =	vadd.f32 v31, v8;
	v14 =	vmul.f32 v14, v14;
	v6 =	vmul.f32 v6, v6;
	s25 =	spop (v2sf);
	s19 =	sld [smem:$0x7E9]  }
0x120: {  	v7 =	vadd.f32 v36, v7;
	v12 =	vadd.f32 v52, v51;
	v51 =	vld [tilespmem:s29+$0x55C0];
	v3 =	vmul.f32 v3, v3;
	[smem:$0x7F8] =	sst s25  }
0x121: {  	v11 =	vmul.f32 v11, v11;
	v16 =	vadd.f32 v62, v59;
	v52 =	vld [tilespmem:s29+$0xD5C0];
	v6 =	vadd.f32 v6, v14;
	s25 =	sld [smem:$0x7DF]  }
0x122: {  	v36 =	vld [tilespmem:s29+$0x5560];
	v8 =	vmul.f32 v8, v8;
	v9 =	vadd.f32 v33, v63;
	v3 =	vadd.f32 v3, v7;
	s20 =	sld [smem:$0x7EA];
	s10 =	spop (v2sf)  }
0x123: {  	v50 =	vmul.f32 v19, v19;
	v10 =	vadd.f32 v35, v34;
	v4 =	vadd.f32 v54, v53;
	v54 =	vld [tilespmem:s29+$0x5510];
	[smem:$0x7F9] =	sst s10  }
0x124: {  	v46 =	vld [tilespmem:s29+$0x54E0];
	v47 =	vmul.f32 v29, v29;
	v6 =	vadd.f32 v11, v6;
	v3 =	vadd.f32 v8, v3;
	s31 =	sadd.f32 s25, s23  }
0x125: {  	v40 =	vld [tilespmem:s29+$0x54B0];
	v7 =	vadd.f32 v43, v42;
	v4 =	vmul.f32 v4, v4;
	v8 =	vadd.f32 v50, v49;
	s23 =	sld [smem:$0x7E4]  }
0x126: {  	v58 =	vld [tilespmem:s29+$0xD520];
	v25 =	vadd.f32 v52, v51;
	v3 =	vadd.f32 v47, v3;
	s10 =	sadd.f32 s17, s31  }
0x127: {  	v4 =	vadd.f32 v4, v8;
	v8 =	vadd.f32 v37, v36;
	v36 =	vld [tilespmem:s29+$0x5650];
	s31 =	sadd.f32 s8, s7  }
0x128: {  	v60 =	vmul.f32 v57, v57;
	v17 =	vadd.f32 v55, v54;
	v37 =	vld [tilespmem:s29+$0xD650];
	(v2sf) =	vpush v2, $0x4;
	s7 =	sld [smem:$0x7E5]  }
0x129: {  	v12 =	vmul.f32 v12, v12;
	v39 =	vld [tilespmem:s29+$0x5570];
	v4 =	vadd.f32 v56, v4;
	(v2sf) =	vpush v2, $0x5;
	s8 =	sld [smem:$0x7E6]  }
0x12a: {  	v42 =	vld [tilespmem:s29+$0x5580];
	v53 =	vperm.xlane v3, v0;
	v5 =	vadd.f32 v41, v40;
	(v2sf) =	vpush v2, $0x6;
	s17 =	sadd.f32 s16, s13  }
0x12b: {  	v17 =	vmul.f32 v17, v17;
	v40 =	vadd.f32 v45, v44;
	v44 =	vld [tilespmem:s29+$0xD580];
	(v2sf) =	vpush v2, $0x7;
	s13 =	sld [smem:$0x7ED]  }
0x12c: {  	v32 =	vmul.f32 v61, v61;
	v41 =	vld [tilespmem:s29+$0xD570];
	v4 =	vadd.f32 v60, v4;
	v2 =	vadd.f32 v3, v53;
	s25 =	sadd.f32 s26, s23  }
0x12d: {  	v12 =	vadd.f32 v17, v12;
	v5 =	vmul.f32 v5, v5;
	v11 =	vadd.f32 v37, v36;
	v3 =	vld [tilespmem:s29+$0x5520];
	[smem:$0x7FA] =	sst s31  }
0x12e: {  	v23 =	vld [tilespmem:s29+$0xD600];
	v4 =	vadd.f32 v32, v4;
	(v2sf) =	vpush v2, $0x0;
	s31 =	sld [smem:$0x7EB]  }
0x12f: {  	v28 =	vld [tilespmem:s29+$0x5620];
	v5 =	vadd.f32 v5, v6;
	(v2sf) =	vpush v2, $0x1;
	s26 =	sadd.f32 s25, s21  }
0x130: {  	v59 =	vld [tilespmem:s29+$0x55F0];
	v57 =	vadd.f32 v44, v42;
	(v2sf) =	vpush v2, $0x2;
	s21 =	sadd.f32 s20, s19  }
0x131: {  	v62 =	vld [tilespmem:s29+$0xD5F0];
	v7 =	vmul.f32 v7, v7;
	v6 =	vadd.f32 v41, v39;
	(v2sf) =	vpush v2, $0x3;
	s19 =	sld [smem:$0x7EF]  }
0x132: {  	v56 =	vld [tilespmem:s29+$0x55E0];
	v38 =	vperm.xlane v4, v0;
	v3 =	vadd.f32 v58, v3;
	(v2sf) =	vpush v2, $0x4;
	s2 =	sadd.f32 s26, s10  }
0x133: {  	v43 =	vmul.f32 v40, v40;
	v5 =	vadd.f32 v7, v5;
	v58 =	vld [tilespmem:s29+$0xD5E0];
	(v2sf) =	vpush v2, $0x5;
	s10 =	sadd.f32 s8, s7  }
0x134: {  	v24 =	vld [tilespmem:s29+$0x5610];
	v4 =	vadd.f32 v4, v38;
	v3 =	vmul.f32 v3, v3;
	(v2sf) =	vpush v2, $0x6;
	[smem:$0x7FB] =	sst s2  }
0x135: {  	v49 =	vld [tilespmem:s29+$0x55B0];
	v5 =	vadd.f32 v43, v5;
	(v2sf) =	vpush v2, $0x7;
	s2 =	sadd.f32 s22, s31  }
0x136: {  	v50 =	vld [tilespmem:s29+$0xD5B0];
	v2 =	vadd.f32 v48, v46;
	v3 =	vadd.f32 v3, v12;
	s7 =	sadd.f32 s17, s10  }
0x137: {  	v55 =	vmul.f32 v16, v16;
	v45 =	vld [tilespmem:s29+$0x5590];
	v12 =	vadd.f32 v62, v59;
	(v2sf) =	vpush v4, $0x0;
	s26 =	spop (v2sf);
	s10 =	sld [smem:$0x7EC]  }
0x138: {  	v46 =	vld [tilespmem:s29+$0xD590];
	v13 =	vadd.f32 v58, v56;
	(v2sf) =	vpush v4, $0x1;
	v2 =	vmul.f32 v2, v2;
	s25 =	spop (v2sf);
	s17 =	sld [smem:$0x7EE]  }
0x139: {  	v9 =	vmul.f32 v9, v9;
	v47 =	vld [tilespmem:s29+$0x55A0];
	v3 =	vadd.f32 v55, v3;
	(v2sf) =	vpush v4, $0x2;
	s23 =	spop (v2sf);
	s26 =	sadd.f32 s25, s26  }
0x13a: {  	v21 =	vmul.f32 v21, v21;
	v48 =	vld [tilespmem:s29+$0xD5A0];
	(v2sf) =	vpush v4, $0x3;
	v2 =	vadd.f32 v2, v5;
	s20 =	spop (v2sf);
	s8 =	sadd.f32 s2, s21  }
0x13b: {  	v63 =	vmul.f32 v10, v10;
	v54 =	vld [tilespmem:s29+$0xD5D0];
	v3 =	vadd.f32 v9, v3;
	v5 =	vadd.f32 v50, v49;
	s23 =	sadd.f32 s20, s23  }
0x13c: {  	v8 =	vmul.f32 v8, v8;
	v53 =	vld [tilespmem:s29+$0x55D0];
	v9 =	vadd.f32 v26, v24;
	(v2sf) =	vpush v4, $0x4;
	s16 =	sadd.f32 s13, s10  }
0x13d: {  	v31 =	vld [tilespmem:s29+$0x5630];
	v60 =	vmul.f32 v57, v57;
	v7 =	vadd.f32 v46, v45;
	(v2sf) =	vpush v4, $0x5;
	s21 =	sadd.f32 s19, s17  }
0x13e: {  	v33 =	vld [tilespmem:s29+$0xD630];
	v6 =	vmul.f32 v6, v6;
	v2 =	vadd.f32 v21, v2;
	v3 =	vadd.f32 v63, v3;
	s31 =	spop (v2sf);
	s2 =	sadd.f32 s8, s7  }
0x13f: {  	v61 =	vadd.f32 v48, v47;
	v21 =	vld [tilespmem:s29+$0x5600];
	(v2sf) =	vpush v4, $0x6;
	v7 =	vmul.f32 v7, v7;
	s22 =	spop (v2sf);
	s8 =	sld [smem:$0x7F0]  }
0x140: {  	v46 =	vld [tilespmem:s29+$0x56A0];
	(v2sf) =	vpush v4, $0x7;
	v27 =	vperm.xlane v2, v0;
	v3 =	vadd.f32 v8, v3;
	s22 =	sadd.f32 s22, s31  }
0x141: {  	v47 =	vld [tilespmem:s29+$0xD6A0];
	v22 =	vmul.f32 v61, v61;
	v4 =	vadd.f32 v54, v53;
	v7 =	vadd.f32 v7, v60;
	s10 =	sadd.f32 s21, s16  }
0x142: {  	v34 =	vld [tilespmem:s29+$0x5640];
	v8 =	vadd.f32 v30, v28;
	v2 =	vadd.f32 v2, v27;
	s21 =	sld [smem:$0x7F3]  }
0x143: {  	v39 =	vld [tilespmem:s29+$0xD660];
	v5 =	vmul.f32 v5, v5;
	v3 =	vadd.f32 v6, v3;
	v7 =	vadd.f32 v22, v7;
	s15 =	spop (v2sf);
	[smem:$0x7FC] =	sst s2  }
0x144: {  	v29 =	vmul.f32 v25, v25;
	v38 =	vld [tilespmem:s29+$0x5660];
	v6 =	vadd.f32 v33, v31;
	v32 =	vadd.f32 v23, v21;
	s18 =	spop (v2sf);
	s2 =	sadd.f32 s9, s11  }
0x145: {  	v35 =	vld [tilespmem:s29+$0xD640];
	v9 =	vmul.f32 v9, v9;
	(v2sf) =	vpush v2, $0x0;
	v5 =	vadd.f32 v5, v7;
	s15 =	sadd.f32 s18, s15  }
0x146: {  	v41 =	vld [tilespmem:s29+$0x5680];
	v10 =	vadd.f32 v47, v46;
	(v2sf) =	vpush v2, $0x1;
	v7 =	vmul.f32 v32, v32;
	s7 =	sadd.f32 s12, s10  }
0x147: {  	v43 =	vld [tilespmem:s29+$0xD680];
	(v2sf) =	vpush v2, $0x2;
	v5 =	vadd.f32 v29, v5;
	s10 =	sld [smem:$0x7F1]  }
0x148: {  	v4 =	vmul.f32 v4, v4;
	(v2sf) =	vpush v2, $0x3;
	v7 =	vadd.f32 v9, v7;
	s1 =	sadd.f32 s21, s14  }
0x149: {  	v49 =	vld [tilespmem:s29+$0xD6B0];
	v8 =	vmul.f32 v8, v8;
	v9 =	vadd.f32 v39, v38;
	(v2sf) =	vpush v2, $0x4;
	s3 =	sadd.f32 s3, s2  }
0x14a: {  	v13 =	vmul.f32 v13, v13;
	v48 =	vld [tilespmem:s29+$0x56B0];
	v4 =	vadd.f32 v4, v5;
	(v2sf) =	vpush v2, $0x5;
	s21 =	sld [smem:$0x7F5]  }
0x14b: {  	v40 =	vld [tilespmem:s29+$0x5670];
	v42 =	vperm.xlane v3, v0;
	v7 =	vadd.f32 v8, v7;
	v5 =	vadd.f32 v35, v34;
	s2 =	sadd.f32 s28, s4  }
0x14c: {  	v44 =	vld [tilespmem:s29+$0x5690];
	v6 =	vmul.f32 v6, v6;
	v8 =	vadd.f32 v43, v41;
	(v2sf) =	vpush v2, $0x6;
	s19 =	spop (v2sf);
	s4 =	sld [smem:$0x7F7]  }
0x14d: {  	(v2sf) =	vpush v2, $0x7;
	v2 =	vadd.f32 v3, v42;
	v3 =	vld [tilespmem:s29+$0xD690];
	s16 =	spop (v2sf);
	s12 =	sadd.f32 s10, s8  }
0x14e: {  	v45 =	vld [tilespmem:s29+$0xD670];
	v4 =	vadd.f32 v13, v4;
	v6 =	vadd.f32 v6, v7;
	v5 =	vmul.f32 v5, v5;
	s17 =	spop (v2sf);
	[smem:$0x7FD] =	sst s7  }
0x14f: {  	v12 =	vmul.f32 v12, v12;
	v7 =	vadd.f32 v49, v48;
	(v2sf) =	vpush v2, $0x0;
	s13 =	spop (v2sf);
	s8 =	sadd.f32 s1, s12  }
0x150: {  	v11 =	vmul.f32 v11, v11;
	v5 =	vadd.f32 v5, v6;
	(v2sf) =	vpush v2, $0x1;
	s14 =	spop (v2sf);
	s12 =	sld [smem:$0x7F4]  }
0x151: {  	v51 =	vld [tilespmem:s29+$0xD6C0];
	v9 =	vmul.f32 v9, v9;
	v4 =	vadd.f32 v12, v4;
	(v2sf) =	vpush v2, $0x2;
	s9 =	spop (v2sf);
	s1 =	sadd.f32 s0, s21  }
0x152: {  	v50 =	vld [tilespmem:s29+$0x56C0];
	v8 =	vmul.f32 v8, v8;
	v5 =	vadd.f32 v11, v5;
	v3 =	vadd.f32 v3, v44;
	s11 =	spop (v2sf);
	s0 =	sadd.f32 s30, s2  }
0x153: {  	v53 =	vld [tilespmem:s29+$0x56D0];
	v6 =	vadd.f32 v45, v40;
	v52 =	vperm.xlane v4, v0;
	(v2sf) =	vpush v2, $0x3;
	s10 =	spop (v2sf);
	s21 =	sadd.f32 s3, s8  }
0x154: {  	v54 =	vld [tilespmem:s29+$0xD6D0];
	(v2sf) =	vpush v2, $0x4;
	v5 =	vadd.f32 v9, v5;
	v3 =	vmul.f32 v3, v3;
	s6 =	spop (v2sf);
	s12 =	sadd.f32 s5, s12  }
0x155: {  	v57 =	vld [tilespmem:s29+$0xD6E0];
	v6 =	vmul.f32 v6, v6;
	v4 =	vadd.f32 v4, v52;
	(v2sf) =	vpush v2, $0x5;
	s3 =	sld [smem:$0x7F6];
	s7 =	spop (v2sf)  }
0x156: {  	v56 =	vld [tilespmem:s29+$0x56E0];
	v10 =	vmul.f32 v10, v10;
	(v2sf) =	vpush v2, $0x6;
	v3 =	vadd.f32 v3, v8;
	s5 =	spop (v2sf);
	s1 =	sadd.f32 s1, s12  }
0x157: {  	s2 =	sld [smem:$0x7F8];
	v5 =	vadd.f32 v6, v5;
	(v2sf) =	vpush v2, $0x7;
	s28 =	spop (v2sf)  }
0x158: {  	v55 =	vmul.f32 v7, v7;
	v2 =	vadd.f32 v51, v50;
	v3 =	vadd.f32 v10, v3;
	s24 =	spop (v2sf);
	s12 =	sadd.f32 s0, s1  }
0x159: {  	v59 =	vld [tilespmem:s29+$0x56F0];
	v8 =	vadd.f32 v54, v53;
	(v2sf) =	vpush v4, $0x0;
	s30 =	spop (v2sf);
	s1 =	sadd.f32 s4, s3  }
0x15a: {  	v60 =	vld [tilespmem:s29+$0xD6F0];
	v2 =	vmul.f32 v2, v2;
	v3 =	vadd.f32 v55, v3;
	(v2sf) =	vpush v4, $0x1;
	s3 =	sld [smem:$0x7F9];
	s29 =	spop (v2sf)  }
0x15b: {  	v7 =	vadd.f32 v57, v56;
	s16 =	sadd.f32 s16, s19;
	v58 =	vperm.xlane v5, v0;
	(v2sf) =	vpush v4, $0x2;
	s8 =	spop (v2sf)  }
0x15c: {  	s13 =	sadd.f32 s13, s17;
	v2 =	vadd.f32 v2, v3;
	v3 =	vmul.f32 v8, v8;
	(v2sf) =	vpush v4, $0x3;
	s4 =	spop (v2sf)  }
0x15d: {  	v5 =	vadd.f32 v5, v58;
	s0 =	sadd.f32 s3, s2;
	(v2sf) =	vpush v4, $0x4;
	s3 =	spop (v2sf)  }
0x15e: {  	s15 =	sadd.f32 s15, s22;
	v2 =	vadd.f32 v3, v2;
	(v2sf) =	vpush v4, $0x5;
	s25 =	spop (v2sf)  }
0x15f: {  	v61 =	vmul.f32 v7, v7;
	s16 =	sadd.f32 s13, s16;
	v3 =	vadd.f32 v60, v59;
	(v2sf) =	vpush v4, $0x6;
	s2 =	spop (v2sf)  }
0x160: {  	s0 =	sadd.f32 s0, s1;
	(v2sf) =	vpush v4, $0x7;
	s20 =	spop (v2sf)  }
0x161: {  	s1 =	sadd.f32 s23, s26;
	v2 =	vadd.f32 v61, v2;
	v3 =	vmul.f32 v3, v3;
	(v2sf) =	vpush v5, $0x0;
	s23 =	spop (v2sf)  }
0x162: {  	s9 =	sadd.f32 s9, s14;
	(v2sf) =	vpush v5, $0x1;
	s26 =	spop (v2sf)  }
0x163: {  	s10 =	sadd.f32 s10, s11;
	v2 =	vadd.f32 v3, v2;
	(v2sf) =	vpush v5, $0x2;
	s18 =	spop (v2sf)  }
0x164: {  	s6 =	sadd.f32 s7, s6;
	(v2sf) =	vpush v5, $0x3;
	s19 =	spop (v2sf)  }
0x165: {  	s5 =	sadd.f32 s28, s5;
	v3 =	vperm.xlane v2, v0;
	(v2sf) =	vpush v5, $0x4;
	s17 =	spop (v2sf)  }
0x166: {  	s9 =	sadd.f32 s10, s9;
	(v2sf) =	vpush v5, $0x5;
	s22 =	spop (v2sf)  }
0x167: {  	s5 =	sadd.f32 s5, s6;
	v2 =	vadd.f32 v2, v3;
	(v2sf) =	vpush v5, $0x6;
	s31 =	spop (v2sf)  }
0x168: {  	s13 =	sadd.f32 s1, s0;
	(v2sf) =	vpush v5, $0x7;
	s1 =	spop (v2sf)  }
0x169: {  	s0 =	sadd.f32 s16, s15;
	(v2sf) =	vpush v2, $0x0;
	s15 =	spop (v2sf)  }
0x16a: {  	s24 =	sadd.f32 s30, s24;
	(v2sf) =	vpush v2, $0x1;
	s14 =	spop (v2sf)  }
0x16b: {  	s8 =	sadd.f32 s8, s29;
	(v2sf) =	vpush v2, $0x2;
	s11 =	spop (v2sf)  }
0x16c: {  	s5 =	sadd.f32 s5, s9;
	(v2sf) =	vpush v2, $0x3;
	s7 =	spop (v2sf)  }
0x16d: {  	s3 =	sadd.f32 s3, s4;
	(v2sf) =	vpush v2, $0x4;
	s16 =	spop (v2sf)  }
0x16e: {  	s2 =	sadd.f32 s2, s25;
	(v2sf) =	vpush v2, $0x5;
	s10 =	spop (v2sf)  }
0x16f: {  	s8 =	sadd.f32 s8, s24;
	(v2sf) =	vpush v2, $0x6;
	s6 =	spop (v2sf)  }
0x170: {  	s2 =	sadd.f32 s2, s3;
	(v2sf) =	vpush v2, $0x7;
	s28 =	spop (v2sf)  }
0x171: {  	s20 =	sadd.f32 s23, s20;
	s29 =	spop (v2sf)  }
0x172: {  	s2 =	sadd.f32 s2, s8;
	s4 =	spop (v2sf)  }
0x173: {  	s18 =	sadd.f32 s18, s26;
	s25 =	spop (v2sf)  }
0x174: {  	s17 =	sadd.f32 s17, s19;
	s24 =	spop (v2sf)  }
0x175: {  	s22 =	sadd.f32 s31, s22;
	s3 =	spop (v2sf)  }
0x176: {  	s18 =	sadd.f32 s18, s20;
	s9 =	spop (v2sf)  }
0x177: {  	s17 =	sadd.f32 s22, s17;
	s8 =	spop (v2sf)  }
0x178: {  	s1 =	sadd.f32 s15, s1;
	s23 =	spop (v2sf)  }
0x179: {  	s22 =	sld [smem:$0x7FB];
	s26 =	spop (v2sf)  }
0x17a: {  	s17 =	sadd.f32 s17, s18;
	s19 =	spop (v2sf)  }
0x17b: {  	s11 =	sadd.f32 s11, s14;
	s30 =	spop (v2sf)  }
0x17c: {  	s18 =	rddreg [dreg:$0x12];
	s20 =	spop (v2sf)  }
0x17d: {  	s23 =	sadd.f32 s26, s23;
	s31 =	spop (v2sf)  }
0x17e: {  	s19 =	sadd.f32 s30, s19;
	s30 =	spop (v2sf)  }
0x17f: {  	s20 =	sadd.f32 s31, s20;
	s31 =	spop (v2sf)  }
0x180: {  	s26 =	sadd.f32 s31, s30  }
0x181: {  	s19 =	sadd.f32 s19, s23  }
0x182: {  	s20 =	sadd.f32 s26, s20  }
0x183: {  	s7 =	sadd.f32 s16, s7  }
0x184: {  	s19 =	sadd.f32 s20, s19  }
0x185: {  	s23 =	sld [smem:$0x7FC]  }
0x186: {  	s20 =	sld [smem:$0x7FA];
	v2 =	vmov s19  }
0x187: {  	s19 =	rddreg [dreg:$0x14];
	v2 =	vsel vm0, s18, v2  }
0x188: {  	s26 =	sadd.f32 s29, s28;
	v2 =	vsel vm1, s19, v2  }
0x189: {  	s28 =	sld [smem:$0x7FD];
	v2 =	vsel vm2, s20, v2  }
0x18a: {  	s6 =	sadd.f32 s6, s10;
	v2 =	vsel vm3, s22, v2  }
0x18b: {  	s1 =	sadd.f32 s11, s1;
	v2 =	vsel vm4, s23, v2  }
0x18c: {  	s6 =	sadd.f32 s6, s7;
	v2 =	vsel vm5, s28, v2  }
0x18d: {  	s3 =	sadd.f32 s3, s24;
	v2 =	vsel vm6, s21, v2  }
0x18e: {  	s8 =	sadd.f32 s8, s9;
	v2 =	vsel vm7, s12, v2  }
0x18f: {  	s4 =	sadd.f32 s25, s4;
	v2 =	vsel vm8, s13, v2  }
0x190: {  	s29 =	sadd.f32 s8, s3;
	v2 =	vsel vm9, s0, v2  }
0x191: {  	s4 =	sadd.f32 s4, s26;
	v2 =	vsel vm10, s5, v2  }
0x192: {  	s1 =	sadd.f32 s6, s1;
	v2 =	vsel vm11, s2, v2  }
0x193: {  	s0 =	sadd.f32 s29, s4;
	v2 =	vsel vm12, s17, v2  }
0x194: {  	v2 =	vsel vm13, s1, v2  }
0x195: {  	v2 =	vsel vm14, s0, v2  }
0x196: {  	v2 =	vmax.f32 v2, $9.999999680e-21  }
0x197: {  	v3 =	vshra.s32 v2, $0x1;
	v62 =	vmul.f32 $5.000000000e-01, v2  }
0x198: {  	v3 =	vsub.s32 $0x5F3759DF, v3  }
0x199: {  	v63 =	vmul.f32 v3, v62;
	_ =	sdelay $0x1  }
0x19a: {  	v5 =	vmul.f32 v3, v63;
	_ =	sdelay $0x1  }
0x19b: {  	v5 =	vsub.f32 $1.500000000e+00, v5;
	_ =	sdelay $0x1  }
0x19c: {  	v3 =	vmul.f32 v3, v5;
	_ =	sdelay $0x1  }
0x19d: {  	v5 =	vmul.f32 v3, v62;
	_ =	sdelay $0x1  }
0x19e: {  	v5 =	vmul.f32 v5, v3;
	_ =	sdelay $0x1  }
0x19f: {  	v5 =	vsub.f32 $1.500000000e+00, v5;
	_ =	sdelay $0x1  }
0x1a0: {  	v3 =	vmul.f32 v5, v3;
	_ =	sdelay $0x1  }
0x1a1: {  	v4 =	vmul.f32 v3, v62;
	_ =	sdelay $0x1  }
0x1a2: {  	v4 =	vmul.f32 v4, v3;
	_ =	sdelay $0x1  }
0x1a3: {  	v4 =	vsub.f32 $1.500000000e+00, v4;
	_ =	sdelay $0x1  }
0x1a4: {  	v2 =	vmul.f32 $-5.000000000e-01, v2;
	v3 =	vmul.f32 v4, v3;
	_ =	sdelay $0x1  }
0x1a5: {  	v2 =	vmul.f32 v3, v2;
	_ =	sdelay $0x1  }
0x1a6: {  	v2 =	vmul.f32 $1.442695020e+00, v2;
	_ =	sdelay $0x1  }
0x1a7: {  	(erf) = vpow2.f32 v2;
	_ =	sdelay $0x3  }
0x1a8: {  	s30 =	rddreg [dreg:$0x10]  }
0x1a9: {  	p1 =	sne.s32 s30, $0x7  }
.Ltmp6:
0x1aa: {  	_ = 	snop;
	(pc) =	sbr.rel @p1 .LBB2_6-.Ltmp6, $4  }
0x1ab: {  	_ = 	snop  }
0x1ac: {  	s31 =	sshll.u32 s30, $0x4  }
0x1ad: {  	s0 =	sand.u32 $0x3FFFFFF0, s31;
	v2 =	vpop (erf)  }
0x1ae: {  	s1 =	sadd.s32 $0x1, s30;
	[tilespmem:v1+s0+$0x0 ss:$0x1] =	vst.idx.msk $0xffff, v2  }
0x1af: {  	s8 =	rddreg [dreg:$0xf]  }
0x1b0: {  	s5 =	rddreg [dreg:$0x5]  }
0x1b1: {  	s3 =	rddreg [dreg:$0x4];
	s0 =	sadd.s32 $0x2, s8  }
0x1b2: {  	s7 =	simm.s32 $0x0;
	s4 =	simm.s32 $0x3;
	p1 =	sge.u32 s0, s5  }
0x1b3: {  	s0 =	sshll.u32 @!p1 s0, $0x7;
	s1 =	simm.s32 @!p1 $0x80;
	s2 =	simm.s32 @!p1 $0x4F00  }
0x1b4: {  	[tilespmem:s2], [sflag:$0x1] =	stream.indirect.gather @!p1 [hbm4b:s3+s1], $0x80, s0, s1, $0xb8;
	[tilespmem:$0x17700] =	vst v63  }
0x1b5: {  	s6 =	rddreg [dreg:$0xe];
	s0 =	sadd.s32 @!p1 $0x2780, s0;
	s2 =	simm.s32 @!p1 $0xCF00  }
0x1b6: {  	[tilespmem:s2], [sflag:$0x1] =	stream.indirect.gather @!p1 [hbm4b:s3+s1], $0x80, s0, s1, $0xb8;
	[tilespmem:$0x17700] =	vst v63  }
.LBB2_8:
0x1b7: {  	s0 =	sor.u32 $0x1, s8  }
0x1b8: {  	p1 =	sge.u32 s0, s5  }
.Ltmp7:
0x1b9: {  	_ = 	snop;
	(pc) =	sbr.rel @p1 .LBB2_12-.Ltmp7, $1  }
0x1ba: {  	_ =	sdelay $0x3  }
0x1bb: {  	s1 =	simm.s32 $0x2  }
0x1bc: {  	_ =	swait.ge [sflag:s1], $0x4000  }
0x1bd: {  	[sflag:s1] =	ssyncset.done $0x0  }
0x1be: {  	s0 =	sshll.u32 s0, $0x7;
	[sflag:s1] =	ssyncadd.s32 $0xFFFFC000  }
0x1bf: {  	s0 =	sand.u32 $0x3FFFFF80, s0;
	_ =	swait.ge [sflag:s1], $0x4000  }
0x1c0: {  	s0 =	sadd.s32 $0x14F00, s0;
	[sflag:s1] =	ssyncset.done $0x0  }
0x1c1: {  	v1 =	vmov s0;
	[sflag:s1] =	ssyncadd.s32 $0xFFFFC000;
	s1 =	simm.s32 $0x0  }
.LBB2_10:
0x1c2: {  	s29 =	sshll.u32 s1, $0xB  }
0x1c3: {  	v2 =	vld [tilespmem:s29+$0x8F00]  }
0x1c4: {  	v3 =	vld [tilespmem:s29+$0x10F00]  }
0x1c5: {  	v4 =	vld [tilespmem:s29+$0x8F10]  }
0x1c6: {  	v5 =	vld [tilespmem:s29+$0x10F10]  }
0x1c7: {  	v6 =	vld [tilespmem:s29+$0x8F20]  }
0x1c8: {  	v7 =	vld [tilespmem:s29+$0x10F20]  }
0x1c9: {  	v8 =	vld [tilespmem:s29+$0x8F30]  }
0x1ca: {  	v9 =	vld [tilespmem:s29+$0x10F30]  }
0x1cb: {  	v10 =	vld [tilespmem:s29+$0x8F40]  }
0x1cc: {  	v11 =	vld [tilespmem:s29+$0x10F40]  }
0x1cd: {  	v12 =	vld [tilespmem:s29+$0x8F50]  }
0x1ce: {  	v13 =	vld [tilespmem:s29+$0x10F50]  }
0x1cf: {  	v14 =	vld [tilespmem:s29+$0x8F60]  }
0x1d0: {  	v15 =	vld [tilespmem:s29+$0x10F60]  }
0x1d1: {  	v16 =	vld [tilespmem:s29+$0x8F70]  }
0x1d2: {  	v17 =	vld [tilespmem:s29+$0x10F70]  }
0x1d3: {  	v18 =	vld [tilespmem:s29+$0x8F80]  }
0x1d4: {  	v19 =	vld [tilespmem:s29+$0x10F80]  }
0x1d5: {  	v20 =	vld [tilespmem:s29+$0x8F90]  }
0x1d6: {  	v21 =	vld [tilespmem:s29+$0x10F90]  }
0x1d7: {  	v22 =	vld [tilespmem:s29+$0x8FA0]  }
0x1d8: {  	v23 =	vld [tilespmem:s29+$0x10FA0]  }
0x1d9: {  	v24 =	vld [tilespmem:s29+$0x8FB0]  }
0x1da: {  	v25 =	vld [tilespmem:s29+$0x10FB0]  }
0x1db: {  	v26 =	vld [tilespmem:s29+$0x8FC0]  }
0x1dc: {  	v27 =	vld [tilespmem:s29+$0x10FC0]  }
0x1dd: {  	v28 =	vld [tilespmem:s29+$0x8FD0]  }
0x1de: {  	v29 =	vld [tilespmem:s29+$0x10FD0]  }
0x1df: {  	v30 =	vld [tilespmem:s29+$0x8FE0]  }
0x1e0: {  	v31 =	vld [tilespmem:s29+$0x10FE0]  }
0x1e1: {  	v32 =	vld [tilespmem:s29+$0x8FF0]  }
0x1e2: {  	v33 =	vld [tilespmem:s29+$0x10FF0]  }
0x1e3: {  	v34 =	vld [tilespmem:s29+$0x9000]  }
0x1e4: {  	v35 =	vld [tilespmem:s29+$0x11000]  }
0x1e5: {  	v36 =	vld [tilespmem:s29+$0x9010]  }
0x1e6: {  	v37 =	vld [tilespmem:s29+$0x11010]  }
0x1e7: {  	v38 =	vld [tilespmem:s29+$0x9020]  }
0x1e8: {  	v39 =	vld [tilespmem:s29+$0x11020]  }
0x1e9: {  	v40 =	vld [tilespmem:s29+$0x9030]  }
0x1ea: {  	v41 =	vld [tilespmem:s29+$0x11030]  }
0x1eb: {  	v42 =	vld [tilespmem:s29+$0x9040]  }
0x1ec: {  	v43 =	vld [tilespmem:s29+$0x11040]  }
0x1ed: {  	v44 =	vld [tilespmem:s29+$0x9050]  }
0x1ee: {  	v45 =	vld [tilespmem:s29+$0x11050]  }
0x1ef: {  	v46 =	vld [tilespmem:s29+$0x9060]  }
0x1f0: {  	v47 =	vld [tilespmem:s29+$0x11060]  }
0x1f1: {  	v48 =	vld [tilespmem:s29+$0x9070]  }
0x1f2: {  	v49 =	vld [tilespmem:s29+$0x11070]  }
0x1f3: {  	v50 =	vld [tilespmem:s29+$0x9080]  }
0x1f4: {  	v51 =	vld [tilespmem:s29+$0x11080]  }
0x1f5: {  	v52 =	vld [tilespmem:s29+$0x9090]  }
0x1f6: {  	v53 =	vld [tilespmem:s29+$0x11090]  }
0x1f7: {  	v54 =	vld [tilespmem:s29+$0x90A0]  }
0x1f8: {  	v55 =	vld [tilespmem:s29+$0x90B0]  }
0x1f9: {  	v56 =	vld [tilespmem:s29+$0x90C0]  }
0x1fa: {  	v57 =	vld [tilespmem:s29+$0x90D0];
	v2 =	vadd.f32 v3, v2;
	v3 =	vadd.f32 v5, v4  }
0x1fb: {  	v59 =	vadd.f32 v7, v6;
	v6 =	vld [tilespmem:s29+$0x110A0]  }
0x1fc: {  	v60 =	vadd.f32 v9, v8;
	v9 =	vld [tilespmem:s29+$0x110B0];
	v2 =	vmul.f32 v2, v2;
	v3 =	vmul.f32 v3, v3  }
0x1fd: {  	v61 =	vadd.f32 v11, v10;
	v11 =	vld [tilespmem:s29+$0x110C0]  }
0x1fe: {  	v62 =	vadd.f32 v13, v12;
	v13 =	vld [tilespmem:s29+$0x110D0];
	v2 =	vadd.f32 v3, v2;
	v3 =	vmul.f32 v59, v59  }
0x1ff: {  	v4 =	vld [tilespmem:s29+$0x90E0]  }
0x200: {  	v7 =	vld [tilespmem:s29+$0x110E0];
	v2 =	vadd.f32 v3, v2;
	v3 =	vmul.f32 v60, v60  }
0x201: {  	v63 =	vadd.f32 v19, v18;
	v10 =	vld [tilespmem:s29+$0x90F0]  }
0x202: {  	v18 =	vadd.f32 v15, v14;
	v15 =	vld [tilespmem:s29+$0x110F0];
	v2 =	vadd.f32 v3, v2;
	v3 =	vmul.f32 v61, v61  }
0x203: {  	v12 =	vadd.f32 v21, v20;
	v21 =	vadd.f32 v17, v16;
	v16 =	vld [tilespmem:s29+$0x9100]  }
0x204: {  	v17 =	vld [tilespmem:s29+$0x11100];
	v2 =	vadd.f32 v3, v2;
	v3 =	vmul.f32 v62, v62  }
0x205: {  	v20 =	vadd.f32 v23, v22;
	v27 =	vadd.f32 v27, v26;
	v14 =	vld [tilespmem:s29+$0x9110]  }
0x206: {  	v26 =	vld [tilespmem:s29+$0x9150];
	v8 =	vmul.f32 v63, v63;
	v2 =	vadd.f32 v3, v2;
	v3 =	vmul.f32 v18, v18  }
0x207: {  	v19 =	vmul.f32 v12, v12;
	v22 =	vmul.f32 v20, v20;
	v20 =	vld [tilespmem:s29+$0x11120]  }
0x208: {  	v12 =	vld [tilespmem:s29+$0x11170];
	v2 =	vadd.f32 v3, v2;
	v3 =	vmul.f32 v21, v21  }
0x209: {  	v8 =	vadd.f32 v19, v8;
	v19 =	vld [tilespmem:s29+$0x9120]  }
0x20a: {  	v59 =	vadd.f32 v29, v28;
	v28 =	vld [tilespmem:s29+$0x11150];
	v2 =	vadd.f32 v3, v2  }
0x20b: {  	v23 =	vadd.f32 v25, v24;
	v24 =	vadd.f32 v22, v8;
	v22 =	vld [tilespmem:s29+$0x11130]  }
0x20c: {  	v8 =	vld [tilespmem:s29+$0x9170];
	v60 =	vperm.xlane v2, v0  }
0x20d: {  	v25 =	vmul.f32 v23, v23;
	v63 =	vadd.f32 v37, v36;
	v18 =	vld [tilespmem:s29+$0x11110]  }
0x20e: {  	v37 =	vadd.f32 v39, v38;
	v21 =	vld [tilespmem:s29+$0x9130];
	v62 =	vadd.f32 v2, v60  }
0x20f: {  	v38 =	vadd.f32 v41, v40;
	v3 =	vadd.f32 v25, v24;
	v24 =	vld [tilespmem:s29+$0x9140]  }
0x210: {  	v58 =	vmul.f32 v27, v27;
	v25 =	vld [tilespmem:s29+$0x11140];
	v2 =	vadd.f32 v35, v34;
	(v2sf) =	vpush v62, $0x0  }
0x211: {  	v35 =	vadd.f32 v33, v32;
	v32 =	vld [tilespmem:s29+$0x9180];
	(v2sf) =	vpush v62, $0x1  }
0x212: {  	v3 =	vadd.f32 v58, v3;
	v33 =	vld [tilespmem:s29+$0x9190];
	(v2sf) =	vpush v62, $0x2  }
0x213: {  	v61 =	vmul.f32 v59, v59;
	v34 =	vadd.f32 v31, v30;
	v31 =	vld [tilespmem:s29+$0x91A0];
	(v2sf) =	vpush v62, $0x3  }
0x214: {  	v5 =	vmul.f32 v63, v63;
	v36 =	vmul.f32 v2, v2;
	v2 =	vld [tilespmem:s29+$0x9160];
	(v2sf) =	vpush v62, $0x4  }
0x215: {  	v3 =	vadd.f32 v61, v3;
	v30 =	vmul.f32 v34, v34;
	v34 =	vld [tilespmem:s29+$0x11190];
	(v2sf) =	vpush v62, $0x5  }
0x216: {  	[dreg:$0x11] =	wrdreg s1;
	v27 =	vadd.f32 v5, v36;
	v5 =	vld [tilespmem:s29+$0x11160];
	(v2sf) =	vpush v62, $0x6  }
0x217: {  	v29 =	vmul.f32 v37, v37;
	v3 =	vadd.f32 v30, v3;
	v30 =	vld [tilespmem:s29+$0x11180];
	(v2sf) =	vpush v62, $0x7  }
0x218: {  	v39 =	vmul.f32 v35, v35;
	v23 =	vld [tilespmem:s29+$0x111A0]  }
0x219: {  	v41 =	vadd.f32 v43, v42;
	v40 =	vmul.f32 v38, v38;
	v27 =	vadd.f32 v29, v27;
	v29 =	vld [tilespmem:s29+$0x91B0]  }
0x21a: {  	v3 =	vadd.f32 v39, v3;
	v37 =	vld [tilespmem:s29+$0x111B0]  }
0x21b: {  	v42 =	vmul.f32 v41, v41;
	v27 =	vadd.f32 v40, v27;
	v39 =	vld [tilespmem:s29+$0x91C0]  }
0x21c: {  	v43 =	vadd.f32 v45, v44;
	v44 =	vperm.xlane v3, v0;
	v41 =	vld [tilespmem:s29+$0x111C0]  }
0x21d: {  	v6 =	vadd.f32 v6, v54;
	v27 =	vadd.f32 v42, v27;
	v42 =	vld [tilespmem:s29+$0x91D0]  }
0x21e: {  	v45 =	vmul.f32 v43, v43;
	v9 =	vadd.f32 v9, v55;
	v35 =	vadd.f32 v3, v44;
	v43 =	vld [tilespmem:s29+$0x111D0]  }
0x21f: {  	v3 =	vadd.f32 v51, v50;
	v50 =	vadd.f32 v53, v52;
	v53 =	vmul.f32 v6, v6;
	v6 =	vld [tilespmem:s29+$0x111E0]  }
0x220: {  	v55 =	vmul.f32 v9, v9;
	v9 =	vld [tilespmem:s29+$0x91F0]  }
0x221: {  	v58 =	vadd.f32 v11, v56;
	v11 =	vld [tilespmem:s29+$0x111F0]  }
0x222: {  	v13 =	vadd.f32 v13, v57;
	v16 =	vadd.f32 v17, v16;
	v40 =	vld [tilespmem:s29+$0x9200]  }
0x223: {  	v4 =	vadd.f32 v7, v4;
	v14 =	vadd.f32 v18, v14;
	v44 =	vld [tilespmem:s29+$0x11200]  }
0x224: {  	v63 =	vadd.f32 v20, v19;
	v8 =	vadd.f32 v12, v8;
	v17 =	vld [tilespmem:s29+$0x11220]  }
0x225: {  	v14 =	vmul.f32 v14, v14;
	v61 =	vadd.f32 v15, v10;
	v2 =	vadd.f32 v5, v2;
	v18 =	vld [tilespmem:s29+$0x9230]  }
0x226: {  	v62 =	vmul.f32 v16, v16;
	v51 =	vadd.f32 v47, v46;
	v52 =	vadd.f32 v49, v48;
	v15 =	vld [tilespmem:s29+$0x11230]  }
0x227: {  	v19 =	vld [tilespmem:s29+$0x9240];
	v47 =	vadd.f32 v25, v24;
	v49 =	vadd.f32 v28, v26  }
0x228: {  	v16 =	vmul.f32 v63, v63;
	v25 =	vld [tilespmem:s29+$0x9280];
	v10 =	vadd.f32 v14, v62;
	v27 =	vadd.f32 v45, v27  }
0x229: {  	v5 =	vld [tilespmem:s29+$0x92A0];
	(v2sf) =	vpush v35, $0x0;
	v3 =	vmul.f32 v3, v3;
	v36 =	vmul.f32 v50, v50  }
0x22a: {  	v28 =	vld [tilespmem:s29+$0x112A0];
	v54 =	vmul.f32 v52, v52;
	v45 =	vadd.f32 v22, v21;
	v52 =	vadd.f32 v30, v32  }
0x22b: {  	v26 =	vld [tilespmem:s29+$0x112B0];
	v38 =	vmul.f32 v51, v51;
	(v2sf) =	vpush v35, $0x1;
	v10 =	vadd.f32 v16, v10  }
0x22c: {  	v14 =	vld [tilespmem:s29+$0x11240];
	(v2sf) =	vpush v35, $0x2;
	v36 =	vadd.f32 v36, v3  }
0x22d: {  	v21 =	vld [tilespmem:s29+$0x9250];
	v27 =	vadd.f32 v38, v27;
	(v2sf) =	vpush v35, $0x3  }
0x22e: {  	v22 =	vld [tilespmem:s29+$0x11250];
	v23 =	vadd.f32 v23, v31;
	v29 =	vadd.f32 v37, v29  }
0x22f: {  	v30 =	vld [tilespmem:s29+$0x11290];
	v57 =	vadd.f32 v41, v39;
	v62 =	vadd.f32 v44, v40  }
0x230: {  	v20 =	vmul.f32 v47, v47;
	v32 =	vld [tilespmem:s29+$0x92C0];
	v9 =	vadd.f32 v11, v9;
	v15 =	vadd.f32 v15, v18  }
0x231: {  	v47 =	vld [tilespmem:s29+$0x9340];
	v46 =	vmul.f32 v45, v45;
	v5 =	vadd.f32 v28, v5;
	(v2sf) =	vpush v35, $0x4  }
0x232: {  	v3 =	vld [tilespmem:s29+$0x91E0];
	v36 =	vadd.f32 v53, v36;
	v27 =	vadd.f32 v54, v27  }
0x233: {  	v59 =	vmul.f32 v58, v58;
	v38 =	vld [tilespmem:s29+$0x9210];
	v16 =	vadd.f32 v46, v10;
	v53 =	vadd.f32 v34, v33  }
0x234: {  	v51 =	vmul.f32 v49, v49;
	v31 =	vld [tilespmem:s29+$0x92B0];
	v14 =	vadd.f32 v14, v19;
	(v2sf) =	vpush v35, $0x5  }
0x235: {  	v37 =	vld [tilespmem:s29+$0x112E0];
	v54 =	vmul.f32 v52, v52;
	v49 =	vadd.f32 v22, v21;
	v36 =	vadd.f32 v55, v36  }
0x236: {  	v34 =	vld [tilespmem:s29+$0x92E0];
	(v2sf) =	vpush v35, $0x6;
	v60 =	vperm.xlane v27, v0;
	v16 =	vadd.f32 v20, v16  }
0x237: {  	v45 =	vld [tilespmem:s29+$0x9330];
	v55 =	vmul.f32 v53, v53;
	(v2sf) =	vpush v35, $0x7;
	v3 =	vadd.f32 v6, v3  }
0x238: {  	v44 =	vld [tilespmem:s29+$0x11320];
	v36 =	vadd.f32 v59, v36;
	v27 =	vadd.f32 v27, v60  }
0x239: {  	v13 =	vmul.f32 v13, v13;
	v20 =	vld [tilespmem:s29+$0x9290];
	v16 =	vadd.f32 v51, v16;
	v12 =	vadd.f32 v55, v54  }
0x23a: {  	v2 =	vmul.f32 v2, v2;
	v35 =	vld [tilespmem:s29+$0x11210];
	v59 =	vadd.f32 v43, v42;
	v26 =	vadd.f32 v26, v31  }
0x23b: {  	v23 =	vmul.f32 v23, v23;
	v6 =	vld [tilespmem:s29+$0x9310];
	v41 =	vadd.f32 v37, v34;
	v13 =	vadd.f32 v13, v36  }
0x23c: {  	v4 =	vmul.f32 v4, v4;
	v42 =	vld [tilespmem:s29+$0x11310];
	(v2sf) =	vpush v27, $0x0;
	v2 =	vadd.f32 v2, v16  }
0x23d: {  	v8 =	vmul.f32 v8, v8;
	v43 =	vld [tilespmem:s29+$0x9320];
	v12 =	vadd.f32 v23, v12;
	(v2sf) =	vpush v27, $0x1  }
0x23e: {  	v28 =	vld [tilespmem:s29+$0x93A0];
	s0 =	spop (v2sf);
	v56 =	vmul.f32 v29, v29;
	v20 =	vadd.f32 v30, v20;
	(v2sf) =	vpush v27, $0x2  }
0x23f: {  	s1 =	spop (v2sf);
	v36 =	vld [tilespmem:s29+$0x9220];
	v13 =	vadd.f32 v4, v13;
	v2 =	vadd.f32 v8, v2  }
0x240: {  	v7 =	vmul.f32 v61, v61;
	s2 =	spop (v2sf);
	v16 =	vld [tilespmem:s29+$0x112C0];
	v12 =	vadd.f32 v56, v12;
	v35 =	vadd.f32 v35, v38  }
0x241: {  	v40 =	vld [tilespmem:s29+$0x93D0];
	v58 =	vmul.f32 v57, v57;
	s3 =	spop (v2sf);
	(v2sf) =	vpush v27, $0x3;
	v6 =	vadd.f32 v42, v6  }
0x242: {  	v33 =	vld [tilespmem:s29+$0x92D0];
	v63 =	vmul.f32 v62, v62;
	s4 =	spop (v2sf);
	v42 =	vadd.f32 v44, v43;
	v48 =	vadd.f32 v7, v13  }
0x243: {  	s5 =	spop (v2sf);
	v23 =	vld [tilespmem:s29+$0x9300];
	(v2sf) =	vpush v27, $0x4;
	v60 =	vperm.xlane v2, v0;
	v12 =	vadd.f32 v58, v12  }
0x244: {  	s8 =	spop (v2sf);
	v8 =	vld [tilespmem:s29+$0x112D0];
	(v2sf) =	vpush v27, $0x5;
	v17 =	vadd.f32 v17, v36;
	v50 =	vperm.xlane v48, v0  }
0x245: {  	s0 =	sadd.f32 s1, s0;
	v61 =	vmul.f32 v59, v59;
	s16 =	spop (v2sf);
	v38 =	vld [tilespmem:s29+$0x11300];
	v16 =	vadd.f32 v16, v32;
	(v2sf) =	vpush v27, $0x6  }
0x246: {  	v10 =	vld [tilespmem:s29+$0x9270];
	s2 =	sadd.f32 s3, s2;
	v35 =	vmul.f32 v35, v35;
	s7 =	spop (v2sf);
	v2 =	vadd.f32 v2, v60;
	v24 =	vadd.f32 v48, v50  }
0x247: {  	s4 =	sadd.f32 s5, s4;
	v4 =	vld [tilespmem:s29+$0x9260];
	s10 =	spop (v2sf);
	v12 =	vadd.f32 v61, v12;
	(v2sf) =	vpush v27, $0x7  }
0x248: {  	s16 =	sadd.f32 s16, s8;
	v7 =	vld [tilespmem:s29+$0x11260];
	v11 =	vadd.f32 v35, v63;
	s13 =	spop (v2sf);
	(v2sf) =	vpush v24, $0x0  }
0x249: {  	v3 =	vmul.f32 v3, v3;
	s1 =	sadd.f32 s2, s0;
	v13 =	vld [tilespmem:s29+$0x11270];
	v8 =	vadd.f32 v8, v33;
	s19 =	spop (v2sf);
	(v2sf) =	vpush v24, $0x1  }
0x24a: {  	v46 =	vld [tilespmem:s29+$0x11330];
	s2 =	sadd.f32 s16, s4;
	v17 =	vmul.f32 v17, v17;
	v23 =	vadd.f32 v38, v23;
	s21 =	spop (v2sf);
	(v2sf) =	vpush v24, $0x2  }
0x24b: {  	v29 =	vld [tilespmem:s29+$0x92F0];
	s7 =	sadd.f32 s10, s7;
	v3 =	vadd.f32 v3, v12;
	s24 =	spop (v2sf);
	(v2sf) =	vpush v24, $0x3  }
0x24c: {  	v9 =	vmul.f32 v9, v9;
	v27 =	vld [tilespmem:s29+$0x11280];
	v11 =	vadd.f32 v17, v11;
	s13 =	sadd.f32 s19, s13;
	s25 =	spop (v2sf);
	(v2sf) =	vpush v24, $0x4  }
0x24d: {  	v15 =	vmul.f32 v15, v15;
	v22 =	vld [tilespmem:s29+$0x11380];
	v4 =	vadd.f32 v7, v4;
	s16 =	sadd.f32 s24, s21;
	s30 =	spop (v2sf);
	(v2sf) =	vpush v24, $0x5  }
0x24e: {  	v57 =	vld [tilespmem:s29+$0x11390];
	v5 =	vmul.f32 v5, v5;
	v10 =	vadd.f32 v13, v10;
	s19 =	sadd.f32 s30, s25;
	(v2sf) =	vpush v24, $0x6  }
0x24f: {  	v62 =	vld [tilespmem:s29+$0x93C0];
	v14 =	vmul.f32 v14, v14;
	v3 =	vadd.f32 v9, v3;
	s7 =	sadd.f32 s13, s7;
	s17 =	spop (v2sf);
	(v2sf) =	vpush v24, $0x7  }
0x250: {  	v21 =	vld [tilespmem:s29+$0x94F0];
	v53 =	vmul.f32 v49, v49;
	v11 =	vadd.f32 v15, v11;
	s21 =	sadd.f32 s19, s16;
	s20 =	spop (v2sf);
	(v2sf) =	vpush v2, $0x0  }
0x251: {  	v49 =	vld [tilespmem:s29+$0x9430];
	s1 =	sadd.f32 s2, s1;
	v52 =	vperm.xlane v3, v0;
	v54 =	vadd.f32 v27, v25;
	s23 =	spop (v2sf);
	(v2sf) =	vpush v2, $0x1  }
0x252: {  	v51 =	vld [tilespmem:s29+$0x11350];
	v20 =	vmul.f32 v20, v20;
	v11 =	vadd.f32 v14, v11;
	s2 =	sadd.f32 s21, s7;
	s31 =	spop (v2sf);
	(v2sf) =	vpush v2, $0x2  }
0x253: {  	v31 =	vld [tilespmem:s29+$0x113E0];
	[dreg:$0x13] =	wrdreg s1;
	v3 =	vadd.f32 v3, v52;
	v55 =	vmul.f32 v54, v54;
	s6 =	spop (v2sf);
	(v2sf) =	vpush v2, $0x3  }
0x254: {  	v37 =	vld [tilespmem:s29+$0x94A0];
	v4 =	vmul.f32 v4, v4;
	v11 =	vadd.f32 v53, v11;
	[dreg:$0x15] =	wrdreg s2;
	s12 =	spop (v2sf);
	(v2sf) =	vpush v2, $0x4  }
0x255: {  	v59 =	vld [tilespmem:s29+$0x93B0];
	v58 =	vmul.f32 v26, v26;
	v13 =	vadd.f32 v20, v55;
	s31 =	sadd.f32 s31, s23;
	s14 =	spop (v2sf);
	(v2sf) =	vpush v2, $0x5  }
0x256: {  	v30 =	vld [tilespmem:s29+$0x11620];
	v10 =	vmul.f32 v10, v10;
	v4 =	vadd.f32 v4, v11;
	[dreg:$0x17] =	wrdreg s6;
	s15 =	spop (v2sf);
	(v2sf) =	vpush v2, $0x6  }
0x257: {  	v6 =	vmul.f32 v6, v6;
	v24 =	vld [tilespmem:s29+$0x112F0];
	v5 =	vadd.f32 v5, v13;
	[dreg:$0x1b] =	wrdreg s12;
	(v2sf) =	vpush v2, $0x7;
	s18 =	spop (v2sf)  }
0x258: {  	v56 =	vld [tilespmem:s29+$0x9390];
	v32 =	vmul.f32 v41, v41;
	v4 =	vadd.f32 v10, v4;
	s13 =	rddreg [dreg:$0x17];
	(v2sf) =	vpush v3, $0x0;
	s22 =	spop (v2sf)  }
0x259: {  	v43 =	vld [tilespmem:s29+$0x11400];
	v61 =	vmul.f32 v16, v16;
	v5 =	vadd.f32 v58, v5;
	[dreg:$0x1d] =	wrdreg s14;
	(v2sf) =	vpush v3, $0x1;
	s26 =	spop (v2sf)  }
0x25a: {  	v44 =	vld [tilespmem:s29+$0x9410];
	v34 =	vmul.f32 v42, v42;
	v12 =	vadd.f32 v46, v45;
	s16 =	rddreg [dreg:$0x1b];
	(v2sf) =	vpush v3, $0x2;
	s28 =	spop (v2sf)  }
0x25b: {  	v26 =	vld [tilespmem:s29+$0x11610];
	v33 =	vperm.xlane v4, v0;
	v5 =	vadd.f32 v61, v5;
	[dreg:$0x1f] =	wrdreg s15;
	(v2sf) =	vpush v3, $0x3;
	s9 =	spop (v2sf)  }
0x25c: {  	v41 =	vld [tilespmem:s29+$0x114B0];
	v8 =	vmul.f32 v8, v8;
	v24 =	vadd.f32 v24, v29;
	s19 =	rddreg [dreg:$0x1d];
	(v2sf) =	vpush v3, $0x4;
	s11 =	spop (v2sf)  }
0x25d: {  	v42 =	vld [tilespmem:s29+$0x94C0];
	v23 =	vmul.f32 v23, v23;
	v4 =	vadd.f32 v4, v33;
	[dreg:$0x19] =	wrdreg s18;
	(v2sf) =	vpush v3, $0x5;
	s12 =	spop (v2sf)  }
0x25e: {  	v48 =	vld [tilespmem:s29+$0x11340];
	v5 =	vadd.f32 v8, v5;
	[smem:$0x7C1] =	sst s26;
	(v2sf) =	vpush v3, $0x6;
	s26 =	spop (v2sf)  }
0x25f: {  	v50 =	vld [tilespmem:s29+$0x9350];
	v6 =	vadd.f32 v6, v23;
	[smem:$0x7C0] =	sst s22;
	(v2sf) =	vpush v3, $0x7;
	s14 =	spop (v2sf)  }
0x260: {  	v60 =	vld [tilespmem:s29+$0x113B0];
	v24 =	vmul.f32 v24, v24;
	v5 =	vadd.f32 v32, v5;
	s23 =	rddreg [dreg:$0x19];
	(v2sf) =	vpush v4, $0x0;
	s15 =	spop (v2sf)  }
0x261: {  	v15 =	vld [tilespmem:s29+$0x9360];
	v6 =	vadd.f32 v34, v6;
	[smem:$0x7C2] =	sst s28;
	(v2sf) =	vpush v4, $0x1;
	s18 =	spop (v2sf)  }
0x262: {  	v25 =	vld [tilespmem:s29+$0x11370];
	v5 =	vadd.f32 v24, v5;
	[smem:$0x7C3] =	sst s9;
	(v2sf) =	vpush v4, $0x2;
	s22 =	spop (v2sf)  }
0x263: {  	v12 =	vmul.f32 v12, v12;
	v9 =	vadd.f32 v48, v47;
	v2 =	vld [tilespmem:s29+$0x11360];
	[smem:$0x7C4] =	sst s11;
	(v2sf) =	vpush v4, $0x3;
	s28 =	spop (v2sf)  }
0x264: {  	v14 =	vld [tilespmem:s29+$0x9370];
	v48 =	vadd.f32 v51, v50;
	v51 =	vperm.xlane v5, v0;
	[smem:$0x7C5] =	sst s12;
	(v2sf) =	vpush v4, $0x4;
	s9 =	spop (v2sf)  }
0x265: {  	v63 =	vld [tilespmem:s29+$0x113C0];
	v6 =	vadd.f32 v12, v6;
	v9 =	vmul.f32 v9, v9;
	[smem:$0x7C6] =	sst s14;
	(v2sf) =	vpush v4, $0x5;
	s11 =	spop (v2sf)  }
0x266: {  	v35 =	vld [tilespmem:s29+$0x9400];
	v5 =	vadd.f32 v5, v51;
	[smem:$0x7C9] =	sst s22;
	(v2sf) =	vpush v4, $0x6;
	s22 =	spop (v2sf)  }
0x267: {  	v38 =	vld [tilespmem:s29+$0x114A0];
	v6 =	vadd.f32 v9, v6;
	[smem:$0x7C7] =	sst s15;
	(v2sf) =	vpush v4, $0x7;
	s12 =	spop (v2sf)  }
0x268: {  	v45 =	vld [tilespmem:s29+$0x11410];
	v52 =	vmul.f32 v48, v48;
	v2 =	vadd.f32 v2, v15;
	[smem:$0x7C8] =	sst s18;
	(v2sf) =	vpush v5, $0x0;
	s14 =	spop (v2sf)  }
0x269: {  	v46 =	vld [tilespmem:s29+$0x9420];
	v14 =	vadd.f32 v25, v14;
	[smem:$0x7CA] =	sst s28;
	(v2sf) =	vpush v5, $0x1;
	s15 =	spop (v2sf)  }
0x26a: {  	v7 =	vld [tilespmem:s29+$0x9380];
	v6 =	vadd.f32 v52, v6;
	v2 =	vmul.f32 v2, v2;
	[smem:$0x7CB] =	sst s9;
	(v2sf) =	vpush v5, $0x2;
	s18 =	spop (v2sf)  }
0x26b: {  	v62 =	vadd.f32 v63, v62;
	v63 =	vld [tilespmem:s29+$0x9490];
	v23 =	vadd.f32 v43, v35;
	[smem:$0x7D0] =	sst s18;
	s18 =	spop (v2sf)  }
0x26c: {  	v43 =	vld [tilespmem:s29+$0x114C0];
	v10 =	vadd.f32 v60, v59;
	v60 =	vmul.f32 v14, v14;
	v2 =	vadd.f32 v2, v6;
	[smem:$0x7CF] =	sst s15;
	s15 =	spop (v2sf)  }
0x26d: {  	v35 =	vld [tilespmem:s29+$0x11550];
	[smem:$0x7CE] =	sst s14;
	s14 =	spop (v2sf)  }
0x26e: {  	v27 =	vld [tilespmem:s29+$0x9470];
	v2 =	vadd.f32 v60, v2;
	[smem:$0x7CD] =	sst s12;
	s12 =	spop (v2sf)  }
0x26f: {  	v47 =	vld [tilespmem:s29+$0x11420];
	[smem:$0x7CC] =	sst s11;
	(v2sf) =	vpush v5, $0x3;
	s28 =	spop (v2sf)  }
0x270: {  	v50 =	vld [tilespmem:s29+$0x11430];
	v39 =	vperm.xlane v2, v0;
	(v2sf) =	vpush v5, $0x4;
	s1 =	sadd.f32 s15, s18;
	s9 =	spop (v2sf)  }
0x271: {  	v34 =	vld [tilespmem:s29+$0x11490];
	v18 =	vadd.f32 v45, v44;
	(v2sf) =	vpush v5, $0x5;
	s12 =	sadd.f32 s12, s14;
	s11 =	spop (v2sf)  }
0x272: {  	v44 =	vld [tilespmem:s29+$0x94D0];
	v2 =	vadd.f32 v2, v39;
	(v2sf) =	vpush v5, $0x6;
	[smem:$0x7D1] =	sst s28;
	s28 =	spop (v2sf)  }
0x273: {  	v45 =	vld [tilespmem:s29+$0x114D0];
	(v2sf) =	vpush v5, $0x7;
	[smem:$0x7D3] =	sst s11;
	s11 =	spop (v2sf)  }
0x274: {  	v36 =	vmul.f32 v62, v62;
	v62 =	vld [tilespmem:s29+$0x11530];
	(v2sf) =	vpush v2, $0x0;
	[smem:$0x7D2] =	sst s9;
	s9 =	spop (v2sf)  }
0x275: {  	v54 =	vld [tilespmem:s29+$0x11440];
	(v2sf) =	vpush v2, $0x1;
	s12 =	sadd.f32 s12, s1;
	s6 =	spop (v2sf)  }
0x276: {  	v53 =	vld [tilespmem:s29+$0x9440];
	[smem:$0x7D4] =	sst s28;
	s3 =	spop (v2sf)  }
0x277: {  	v48 =	vld [tilespmem:s29+$0x114E0];
	s14 =	sld [smem:$0x7D3];
	s28 =	spop (v2sf)  }
0x278: {  	v55 =	vld [tilespmem:s29+$0x9450];
	s3 =	sadd.f32 s3, s6;
	s5 =	spop (v2sf)  }
0x279: {  	v20 =	vadd.f32 v57, v56;
	v56 =	vld [tilespmem:s29+$0x11450];
	[smem:$0x7D5] =	sst s28;
	s8 =	spop (v2sf)  }
0x27a: {  	v23 =	vmul.f32 v23, v23;
	v18 =	vmul.f32 v18, v18;
	v57 =	vld [tilespmem:s29+$0x9460];
	[smem:$0x7D6] =	sst s8  }
0x27b: {  	v11 =	vld [tilespmem:s29+$0x113A0];
	s8 =	sadd.f32 s20, s17  }
0x27c: {  	v7 =	vadd.f32 v22, v7;
	v18 =	vadd.f32 v18, v23;
	v23 =	vld [tilespmem:s29+$0x114F0];
	s17 =	sadd.f32 s16, s13  }
0x27d: {  	v59 =	vld [tilespmem:s29+$0x9480];
	(v2sf) =	vpush v2, $0x2;
	s20 =	rddreg [dreg:$0x1f]  }
0x27e: {  	v7 =	vmul.f32 v7, v7;
	v20 =	vmul.f32 v20, v20;
	v52 =	vld [tilespmem:s29+$0x11500];
	s0 =	spop (v2sf);
	s13 =	sld [smem:$0x7C1]  }
0x27f: {  	v58 =	vld [tilespmem:s29+$0x11460];
	s16 =	sld [smem:$0x7C2];
	s4 =	spop (v2sf)  }
0x280: {  	v7 =	vadd.f32 v20, v7;
	v20 =	vld [tilespmem:s29+$0x11470];
	(v2sf) =	vpush v2, $0x3;
	s21 =	sadd.f32 s20, s19;
	s28 =	spop (v2sf)  }
0x281: {  	v9 =	vadd.f32 v56, v55;
	v55 =	vld [tilespmem:s29+$0x11510];
	s19 =	sld [smem:$0x7C3];
	s30 =	spop (v2sf)  }
0x282: {  	v17 =	vadd.f32 v47, v46;
	v61 =	vld [tilespmem:s29+$0x11480];
	s20 =	sld [smem:$0x7C4];
	s24 =	spop (v2sf)  }
0x283: {  	v29 =	vld [tilespmem:s29+$0x113F0];
	s25 =	spop (v2sf);
	s30 =	sadd.f32 s24, s30  }
0x284: {  	v17 =	vmul.f32 v17, v17;
	v11 =	vadd.f32 v11, v28;
	v33 =	vld [tilespmem:s29+$0x93F0];
	[smem:$0x7D7] =	sst s25;
	s7 =	spop (v2sf)  }
0x285: {  	v8 =	vld [tilespmem:s29+$0x93E0];
	[smem:$0x7D8] =	sst s7  }
0x286: {  	v19 =	vadd.f32 v50, v49;
	v49 =	vadd.f32 v17, v18;
	v11 =	vmul.f32 v11, v11;
	v3 =	vld [tilespmem:s29+$0x113D0];
	s7 =	sadd.f32 s31, s8  }
0x287: {  	v21 =	vadd.f32 v23, v21;
	v14 =	vadd.f32 v61, v59;
	v59 =	vld [tilespmem:s29+$0x9530];
	s8 =	sadd.f32 s21, s17  }
0x288: {  	v57 =	vadd.f32 v58, v57;
	v7 =	vadd.f32 v11, v7;
	v51 =	vld [tilespmem:s29+$0x9500];
	s17 =	sadd.f32 s16, s13  }
0x289: {  	v10 =	vmul.f32 v10, v10;
	v11 =	vadd.f32 v38, v37;
	v29 =	vadd.f32 v29, v33;
	v33 =	vld [tilespmem:s29+$0x11540];
	s21 =	sadd.f32 s20, s19  }
0x28a: {  	v61 =	vadd.f32 v20, v27;
	v6 =	vadd.f32 v34, v63;
	v63 =	vld [tilespmem:s29+$0x9540];
	s13 =	sld [smem:$0x7C8]  }
0x28b: {  	v56 =	vmul.f32 v9, v9;
	v7 =	vadd.f32 v10, v7;
	v34 =	vld [tilespmem:s29+$0x9550];
	v3 =	vadd.f32 v3, v40;
	s16 =	sld [smem:$0x7C9]  }
0x28c: {  	v37 =	vld [tilespmem:s29+$0x11560];
	v8 =	vadd.f32 v31, v8;
	v14 =	vmul.f32 v14, v14;
	v6 =	vmul.f32 v6, v6;
	s25 =	spop (v2sf);
	s19 =	sld [smem:$0x7CA]  }
0x28d: {  	v7 =	vadd.f32 v36, v7;
	v12 =	vadd.f32 v52, v51;
	v51 =	vld [tilespmem:s29+$0x95C0];
	v3 =	vmul.f32 v3, v3;
	[smem:$0x7D9] =	sst s25  }
0x28e: {  	v11 =	vmul.f32 v11, v11;
	v16 =	vadd.f32 v62, v59;
	v52 =	vld [tilespmem:s29+$0x115C0];
	v6 =	vadd.f32 v6, v14;
	s25 =	sld [smem:$0x7C0]  }
0x28f: {  	v36 =	vld [tilespmem:s29+$0x9560];
	v8 =	vmul.f32 v8, v8;
	v9 =	vadd.f32 v33, v63;
	v3 =	vadd.f32 v3, v7;
	s20 =	sld [smem:$0x7CB];
	s10 =	spop (v2sf)  }
0x290: {  	v50 =	vmul.f32 v19, v19;
	v10 =	vadd.f32 v35, v34;
	v4 =	vadd.f32 v54, v53;
	v54 =	vld [tilespmem:s29+$0x9510];
	[smem:$0x7DA] =	sst s10  }
0x291: {  	v46 =	vld [tilespmem:s29+$0x94E0];
	v47 =	vmul.f32 v29, v29;
	v6 =	vadd.f32 v11, v6;
	v3 =	vadd.f32 v8, v3;
	s31 =	sadd.f32 s25, s23  }
0x292: {  	v40 =	vld [tilespmem:s29+$0x94B0];
	v7 =	vadd.f32 v43, v42;
	v4 =	vmul.f32 v4, v4;
	v8 =	vadd.f32 v50, v49;
	s23 =	sld [smem:$0x7C5]  }
0x293: {  	v58 =	vld [tilespmem:s29+$0x11520];
	v25 =	vadd.f32 v52, v51;
	v3 =	vadd.f32 v47, v3;
	s10 =	sadd.f32 s17, s31  }
0x294: {  	v4 =	vadd.f32 v4, v8;
	v8 =	vadd.f32 v37, v36;
	v36 =	vld [tilespmem:s29+$0x9650];
	s31 =	sadd.f32 s8, s7  }
0x295: {  	v60 =	vmul.f32 v57, v57;
	v17 =	vadd.f32 v55, v54;
	v37 =	vld [tilespmem:s29+$0x11650];
	(v2sf) =	vpush v2, $0x4;
	s7 =	sld [smem:$0x7C6]  }
0x296: {  	v12 =	vmul.f32 v12, v12;
	v39 =	vld [tilespmem:s29+$0x9570];
	v4 =	vadd.f32 v56, v4;
	(v2sf) =	vpush v2, $0x5;
	s8 =	sld [smem:$0x7C7]  }
0x297: {  	v42 =	vld [tilespmem:s29+$0x9580];
	v53 =	vperm.xlane v3, v0;
	v5 =	vadd.f32 v41, v40;
	(v2sf) =	vpush v2, $0x6;
	s17 =	sadd.f32 s16, s13  }
0x298: {  	v17 =	vmul.f32 v17, v17;
	v40 =	vadd.f32 v45, v44;
	v44 =	vld [tilespmem:s29+$0x11580];
	(v2sf) =	vpush v2, $0x7;
	s13 =	sld [smem:$0x7CE]  }
0x299: {  	v32 =	vmul.f32 v61, v61;
	v41 =	vld [tilespmem:s29+$0x11570];
	v4 =	vadd.f32 v60, v4;
	v2 =	vadd.f32 v3, v53;
	s25 =	sadd.f32 s26, s23  }
0x29a: {  	v12 =	vadd.f32 v17, v12;
	v5 =	vmul.f32 v5, v5;
	v11 =	vadd.f32 v37, v36;
	v3 =	vld [tilespmem:s29+$0x9520];
	[smem:$0x7DB] =	sst s31  }
0x29b: {  	v23 =	vld [tilespmem:s29+$0x11600];
	v4 =	vadd.f32 v32, v4;
	(v2sf) =	vpush v2, $0x0;
	s31 =	sld [smem:$0x7CC]  }
0x29c: {  	v28 =	vld [tilespmem:s29+$0x9620];
	v5 =	vadd.f32 v5, v6;
	(v2sf) =	vpush v2, $0x1;
	s26 =	sadd.f32 s25, s21  }
0x29d: {  	v59 =	vld [tilespmem:s29+$0x95F0];
	v57 =	vadd.f32 v44, v42;
	(v2sf) =	vpush v2, $0x2;
	s21 =	sadd.f32 s20, s19  }
0x29e: {  	v62 =	vld [tilespmem:s29+$0x115F0];
	v7 =	vmul.f32 v7, v7;
	v6 =	vadd.f32 v41, v39;
	(v2sf) =	vpush v2, $0x3;
	s19 =	sld [smem:$0x7D0]  }
0x29f: {  	v56 =	vld [tilespmem:s29+$0x95E0];
	v38 =	vperm.xlane v4, v0;
	v3 =	vadd.f32 v58, v3;
	(v2sf) =	vpush v2, $0x4;
	s2 =	sadd.f32 s26, s10  }
0x2a0: {  	v43 =	vmul.f32 v40, v40;
	v5 =	vadd.f32 v7, v5;
	v58 =	vld [tilespmem:s29+$0x115E0];
	(v2sf) =	vpush v2, $0x5;
	s10 =	sadd.f32 s8, s7  }
0x2a1: {  	v24 =	vld [tilespmem:s29+$0x9610];
	v4 =	vadd.f32 v4, v38;
	v3 =	vmul.f32 v3, v3;
	(v2sf) =	vpush v2, $0x6;
	[smem:$0x7DC] =	sst s2  }
0x2a2: {  	v49 =	vld [tilespmem:s29+$0x95B0];
	v5 =	vadd.f32 v43, v5;
	(v2sf) =	vpush v2, $0x7;
	s2 =	sadd.f32 s22, s31  }
0x2a3: {  	v50 =	vld [tilespmem:s29+$0x115B0];
	v2 =	vadd.f32 v48, v46;
	v3 =	vadd.f32 v3, v12;
	s7 =	sadd.f32 s17, s10  }
0x2a4: {  	v55 =	vmul.f32 v16, v16;
	v45 =	vld [tilespmem:s29+$0x9590];
	v12 =	vadd.f32 v62, v59;
	(v2sf) =	vpush v4, $0x0;
	s26 =	spop (v2sf);
	s10 =	sld [smem:$0x7CD]  }
0x2a5: {  	v46 =	vld [tilespmem:s29+$0x11590];
	v13 =	vadd.f32 v58, v56;
	(v2sf) =	vpush v4, $0x1;
	v2 =	vmul.f32 v2, v2;
	s25 =	spop (v2sf);
	s17 =	sld [smem:$0x7CF]  }
0x2a6: {  	v9 =	vmul.f32 v9, v9;
	v47 =	vld [tilespmem:s29+$0x95A0];
	v3 =	vadd.f32 v55, v3;
	(v2sf) =	vpush v4, $0x2;
	s23 =	spop (v2sf);
	s26 =	sadd.f32 s25, s26  }
0x2a7: {  	v21 =	vmul.f32 v21, v21;
	v48 =	vld [tilespmem:s29+$0x115A0];
	(v2sf) =	vpush v4, $0x3;
	v2 =	vadd.f32 v2, v5;
	s20 =	spop (v2sf);
	s8 =	sadd.f32 s2, s21  }
0x2a8: {  	v63 =	vmul.f32 v10, v10;
	v54 =	vld [tilespmem:s29+$0x115D0];
	v3 =	vadd.f32 v9, v3;
	v5 =	vadd.f32 v50, v49;
	s23 =	sadd.f32 s20, s23  }
0x2a9: {  	v8 =	vmul.f32 v8, v8;
	v53 =	vld [tilespmem:s29+$0x95D0];
	v9 =	vadd.f32 v26, v24;
	(v2sf) =	vpush v4, $0x4;
	s16 =	sadd.f32 s13, s10  }
0x2aa: {  	v31 =	vld [tilespmem:s29+$0x9630];
	v60 =	vmul.f32 v57, v57;
	v7 =	vadd.f32 v46, v45;
	(v2sf) =	vpush v4, $0x5;
	s21 =	sadd.f32 s19, s17  }
0x2ab: {  	v33 =	vld [tilespmem:s29+$0x11630];
	v6 =	vmul.f32 v6, v6;
	v2 =	vadd.f32 v21, v2;
	v3 =	vadd.f32 v63, v3;
	s31 =	spop (v2sf);
	s2 =	sadd.f32 s8, s7  }
0x2ac: {  	v61 =	vadd.f32 v48, v47;
	v21 =	vld [tilespmem:s29+$0x9600];
	(v2sf) =	vpush v4, $0x6;
	v7 =	vmul.f32 v7, v7;
	s22 =	spop (v2sf);
	s8 =	sld [smem:$0x7D1]  }
0x2ad: {  	v46 =	vld [tilespmem:s29+$0x96A0];
	(v2sf) =	vpush v4, $0x7;
	v27 =	vperm.xlane v2, v0;
	v3 =	vadd.f32 v8, v3;
	s22 =	sadd.f32 s22, s31  }
0x2ae: {  	v47 =	vld [tilespmem:s29+$0x116A0];
	v22 =	vmul.f32 v61, v61;
	v4 =	vadd.f32 v54, v53;
	v7 =	vadd.f32 v7, v60;
	s10 =	sadd.f32 s21, s16  }
0x2af: {  	v34 =	vld [tilespmem:s29+$0x9640];
	v8 =	vadd.f32 v30, v28;
	v2 =	vadd.f32 v2, v27;
	s21 =	sld [smem:$0x7D4]  }
0x2b0: {  	v39 =	vld [tilespmem:s29+$0x11660];
	v5 =	vmul.f32 v5, v5;
	v3 =	vadd.f32 v6, v3;
	v7 =	vadd.f32 v22, v7;
	s15 =	spop (v2sf);
	[smem:$0x7DD] =	sst s2  }
0x2b1: {  	v29 =	vmul.f32 v25, v25;
	v38 =	vld [tilespmem:s29+$0x9660];
	v6 =	vadd.f32 v33, v31;
	v32 =	vadd.f32 v23, v21;
	s18 =	spop (v2sf);
	s2 =	sadd.f32 s9, s11  }
0x2b2: {  	v35 =	vld [tilespmem:s29+$0x11640];
	v9 =	vmul.f32 v9, v9;
	(v2sf) =	vpush v2, $0x0;
	v5 =	vadd.f32 v5, v7;
	s15 =	sadd.f32 s18, s15  }
0x2b3: {  	v41 =	vld [tilespmem:s29+$0x9680];
	v10 =	vadd.f32 v47, v46;
	(v2sf) =	vpush v2, $0x1;
	v7 =	vmul.f32 v32, v32;
	s7 =	sadd.f32 s12, s10  }
0x2b4: {  	v43 =	vld [tilespmem:s29+$0x11680];
	(v2sf) =	vpush v2, $0x2;
	v5 =	vadd.f32 v29, v5;
	s10 =	sld [smem:$0x7D2]  }
0x2b5: {  	v4 =	vmul.f32 v4, v4;
	(v2sf) =	vpush v2, $0x3;
	v7 =	vadd.f32 v9, v7;
	s1 =	sadd.f32 s21, s14  }
0x2b6: {  	v49 =	vld [tilespmem:s29+$0x116B0];
	v8 =	vmul.f32 v8, v8;
	v9 =	vadd.f32 v39, v38;
	(v2sf) =	vpush v2, $0x4;
	s3 =	sadd.f32 s3, s2  }
0x2b7: {  	v13 =	vmul.f32 v13, v13;
	v48 =	vld [tilespmem:s29+$0x96B0];
	v4 =	vadd.f32 v4, v5;
	(v2sf) =	vpush v2, $0x5;
	s21 =	sld [smem:$0x7D6]  }
0x2b8: {  	v40 =	vld [tilespmem:s29+$0x9670];
	v42 =	vperm.xlane v3, v0;
	v7 =	vadd.f32 v8, v7;
	v5 =	vadd.f32 v35, v34;
	s2 =	sadd.f32 s28, s4  }
0x2b9: {  	v44 =	vld [tilespmem:s29+$0x9690];
	v6 =	vmul.f32 v6, v6;
	v8 =	vadd.f32 v43, v41;
	(v2sf) =	vpush v2, $0x6;
	s19 =	spop (v2sf);
	s4 =	sld [smem:$0x7D8]  }
0x2ba: {  	(v2sf) =	vpush v2, $0x7;
	v2 =	vadd.f32 v3, v42;
	v3 =	vld [tilespmem:s29+$0x11690];
	s16 =	spop (v2sf);
	s12 =	sadd.f32 s10, s8  }
0x2bb: {  	v45 =	vld [tilespmem:s29+$0x11670];
	v4 =	vadd.f32 v13, v4;
	v6 =	vadd.f32 v6, v7;
	v5 =	vmul.f32 v5, v5;
	s17 =	spop (v2sf);
	[smem:$0x7DE] =	sst s7  }
0x2bc: {  	v12 =	vmul.f32 v12, v12;
	v7 =	vadd.f32 v49, v48;
	(v2sf) =	vpush v2, $0x0;
	s13 =	spop (v2sf);
	s8 =	sadd.f32 s1, s12  }
0x2bd: {  	v11 =	vmul.f32 v11, v11;
	v5 =	vadd.f32 v5, v6;
	(v2sf) =	vpush v2, $0x1;
	s14 =	spop (v2sf);
	s12 =	sld [smem:$0x7D5]  }
0x2be: {  	v51 =	vld [tilespmem:s29+$0x116C0];
	v9 =	vmul.f32 v9, v9;
	v4 =	vadd.f32 v12, v4;
	(v2sf) =	vpush v2, $0x2;
	s9 =	spop (v2sf);
	s1 =	sadd.f32 s0, s21  }
0x2bf: {  	v50 =	vld [tilespmem:s29+$0x96C0];
	v8 =	vmul.f32 v8, v8;
	v5 =	vadd.f32 v11, v5;
	v3 =	vadd.f32 v3, v44;
	s11 =	spop (v2sf);
	s0 =	sadd.f32 s30, s2  }
0x2c0: {  	v53 =	vld [tilespmem:s29+$0x96D0];
	v6 =	vadd.f32 v45, v40;
	v52 =	vperm.xlane v4, v0;
	(v2sf) =	vpush v2, $0x3;
	s10 =	spop (v2sf);
	s21 =	sadd.f32 s3, s8  }
0x2c1: {  	v54 =	vld [tilespmem:s29+$0x116D0];
	(v2sf) =	vpush v2, $0x4;
	v5 =	vadd.f32 v9, v5;
	v3 =	vmul.f32 v3, v3;
	s6 =	spop (v2sf);
	s12 =	sadd.f32 s5, s12  }
0x2c2: {  	v57 =	vld [tilespmem:s29+$0x116E0];
	v6 =	vmul.f32 v6, v6;
	v4 =	vadd.f32 v4, v52;
	(v2sf) =	vpush v2, $0x5;
	s3 =	sld [smem:$0x7D7];
	s7 =	spop (v2sf)  }
0x2c3: {  	v56 =	vld [tilespmem:s29+$0x96E0];
	v10 =	vmul.f32 v10, v10;
	(v2sf) =	vpush v2, $0x6;
	v3 =	vadd.f32 v3, v8;
	s5 =	spop (v2sf);
	s1 =	sadd.f32 s1, s12  }
0x2c4: {  	s2 =	sld [smem:$0x7D9];
	v5 =	vadd.f32 v6, v5;
	(v2sf) =	vpush v2, $0x7;
	s28 =	spop (v2sf)  }
0x2c5: {  	v55 =	vmul.f32 v7, v7;
	v2 =	vadd.f32 v51, v50;
	v3 =	vadd.f32 v10, v3;
	s24 =	spop (v2sf);
	s12 =	sadd.f32 s0, s1  }
0x2c6: {  	v59 =	vld [tilespmem:s29+$0x96F0];
	v8 =	vadd.f32 v54, v53;
	(v2sf) =	vpush v4, $0x0;
	s30 =	spop (v2sf);
	s1 =	sadd.f32 s4, s3  }
0x2c7: {  	v60 =	vld [tilespmem:s29+$0x116F0];
	v2 =	vmul.f32 v2, v2;
	v3 =	vadd.f32 v55, v3;
	(v2sf) =	vpush v4, $0x1;
	s3 =	sld [smem:$0x7DA];
	s29 =	spop (v2sf)  }
0x2c8: {  	v7 =	vadd.f32 v57, v56;
	s16 =	sadd.f32 s16, s19;
	v58 =	vperm.xlane v5, v0;
	(v2sf) =	vpush v4, $0x2;
	s8 =	spop (v2sf)  }
0x2c9: {  	s13 =	sadd.f32 s13, s17;
	v2 =	vadd.f32 v2, v3;
	v3 =	vmul.f32 v8, v8;
	(v2sf) =	vpush v4, $0x3;
	s4 =	spop (v2sf)  }
0x2ca: {  	v5 =	vadd.f32 v5, v58;
	s0 =	sadd.f32 s3, s2;
	(v2sf) =	vpush v4, $0x4;
	s3 =	spop (v2sf)  }
0x2cb: {  	s15 =	sadd.f32 s15, s22;
	v2 =	vadd.f32 v3, v2;
	(v2sf) =	vpush v4, $0x5;
	s25 =	spop (v2sf)  }
0x2cc: {  	v61 =	vmul.f32 v7, v7;
	s16 =	sadd.f32 s13, s16;
	v3 =	vadd.f32 v60, v59;
	(v2sf) =	vpush v4, $0x6;
	s2 =	spop (v2sf)  }
0x2cd: {  	s0 =	sadd.f32 s0, s1;
	(v2sf) =	vpush v4, $0x7;
	s20 =	spop (v2sf)  }
0x2ce: {  	s1 =	sadd.f32 s23, s26;
	v2 =	vadd.f32 v61, v2;
	v3 =	vmul.f32 v3, v3;
	(v2sf) =	vpush v5, $0x0;
	s23 =	spop (v2sf)  }
0x2cf: {  	s9 =	sadd.f32 s9, s14;
	(v2sf) =	vpush v5, $0x1;
	s26 =	spop (v2sf)  }
0x2d0: {  	s10 =	sadd.f32 s10, s11;
	v2 =	vadd.f32 v3, v2;
	(v2sf) =	vpush v5, $0x2;
	s18 =	spop (v2sf)  }
0x2d1: {  	s6 =	sadd.f32 s7, s6;
	(v2sf) =	vpush v5, $0x3;
	s19 =	spop (v2sf)  }
0x2d2: {  	s5 =	sadd.f32 s28, s5;
	v3 =	vperm.xlane v2, v0;
	(v2sf) =	vpush v5, $0x4;
	s17 =	spop (v2sf)  }
0x2d3: {  	s9 =	sadd.f32 s10, s9;
	(v2sf) =	vpush v5, $0x5;
	s22 =	spop (v2sf)  }
0x2d4: {  	s5 =	sadd.f32 s5, s6;
	v2 =	vadd.f32 v2, v3;
	(v2sf) =	vpush v5, $0x6;
	s31 =	spop (v2sf)  }
0x2d5: {  	s13 =	sadd.f32 s1, s0;
	(v2sf) =	vpush v5, $0x7;
	s1 =	spop (v2sf)  }
0x2d6: {  	s0 =	sadd.f32 s16, s15;
	(v2sf) =	vpush v2, $0x0;
	s15 =	spop (v2sf)  }
0x2d7: {  	s24 =	sadd.f32 s30, s24;
	(v2sf) =	vpush v2, $0x1;
	s14 =	spop (v2sf)  }
0x2d8: {  	s8 =	sadd.f32 s8, s29;
	(v2sf) =	vpush v2, $0x2;
	s11 =	spop (v2sf)  }
0x2d9: {  	s5 =	sadd.f32 s5, s9;
	(v2sf) =	vpush v2, $0x3;
	s7 =	spop (v2sf)  }
0x2da: {  	s3 =	sadd.f32 s3, s4;
	(v2sf) =	vpush v2, $0x4;
	s16 =	spop (v2sf)  }
0x2db: {  	s2 =	sadd.f32 s2, s25;
	(v2sf) =	vpush v2, $0x5;
	s10 =	spop (v2sf)  }
0x2dc: {  	s8 =	sadd.f32 s8, s24;
	(v2sf) =	vpush v2, $0x6;
	s6 =	spop (v2sf)  }
0x2dd: {  	s2 =	sadd.f32 s2, s3;
	(v2sf) =	vpush v2, $0x7;
	s28 =	spop (v2sf)  }
0x2de: {  	s20 =	sadd.f32 s23, s20;
	s29 =	spop (v2sf)  }
0x2df: {  	s2 =	sadd.f32 s2, s8;
	s4 =	spop (v2sf)  }
0x2e0: {  	s18 =	sadd.f32 s18, s26;
	s25 =	spop (v2sf)  }
0x2e1: {  	s17 =	sadd.f32 s17, s19;
	s24 =	spop (v2sf)  }
0x2e2: {  	s22 =	sadd.f32 s31, s22;
	s3 =	spop (v2sf)  }
0x2e3: {  	s18 =	sadd.f32 s18, s20;
	s9 =	spop (v2sf)  }
0x2e4: {  	s17 =	sadd.f32 s22, s17;
	s8 =	spop (v2sf)  }
0x2e5: {  	s1 =	sadd.f32 s15, s1;
	s23 =	spop (v2sf)  }
0x2e6: {  	s22 =	sld [smem:$0x7DC];
	s26 =	spop (v2sf)  }
0x2e7: {  	s17 =	sadd.f32 s17, s18;
	s19 =	spop (v2sf)  }
0x2e8: {  	s11 =	sadd.f32 s11, s14;
	s30 =	spop (v2sf)  }
0x2e9: {  	s18 =	rddreg [dreg:$0x13];
	s20 =	spop (v2sf)  }
0x2ea: {  	s23 =	sadd.f32 s26, s23;
	s31 =	spop (v2sf)  }
0x2eb: {  	s19 =	sadd.f32 s30, s19;
	s30 =	spop (v2sf)  }
0x2ec: {  	s20 =	sadd.f32 s31, s20;
	s31 =	spop (v2sf)  }
0x2ed: {  	s26 =	sadd.f32 s31, s30  }
0x2ee: {  	s19 =	sadd.f32 s19, s23  }
0x2ef: {  	s20 =	sadd.f32 s26, s20  }
0x2f0: {  	s7 =	sadd.f32 s16, s7  }
0x2f1: {  	s19 =	sadd.f32 s20, s19  }
0x2f2: {  	s23 =	sld [smem:$0x7DD]  }
0x2f3: {  	s20 =	sld [smem:$0x7DB];
	v2 =	vmov s19  }
0x2f4: {  	s19 =	rddreg [dreg:$0x15];
	v2 =	vsel vm0, s18, v2  }
0x2f5: {  	s26 =	sadd.f32 s29, s28;
	v2 =	vsel vm1, s19, v2  }
0x2f6: {  	s28 =	sld [smem:$0x7DE];
	v2 =	vsel vm2, s20, v2  }
0x2f7: {  	s6 =	sadd.f32 s6, s10;
	v2 =	vsel vm3, s22, v2  }
0x2f8: {  	s1 =	sadd.f32 s11, s1;
	v2 =	vsel vm4, s23, v2  }
0x2f9: {  	s6 =	sadd.f32 s6, s7;
	v2 =	vsel vm5, s28, v2  }
0x2fa: {  	s3 =	sadd.f32 s3, s24;
	v2 =	vsel vm6, s21, v2  }
0x2fb: {  	s8 =	sadd.f32 s8, s9;
	v2 =	vsel vm7, s12, v2  }
0x2fc: {  	s4 =	sadd.f32 s25, s4;
	v2 =	vsel vm8, s13, v2  }
0x2fd: {  	s29 =	sadd.f32 s8, s3;
	v2 =	vsel vm9, s0, v2  }
0x2fe: {  	s4 =	sadd.f32 s4, s26;
	v2 =	vsel vm10, s5, v2  }
0x2ff: {  	s1 =	sadd.f32 s6, s1;
	v2 =	vsel vm11, s2, v2  }
0x300: {  	s0 =	sadd.f32 s29, s4;
	v2 =	vsel vm12, s17, v2  }
0x301: {  	v2 =	vsel vm13, s1, v2  }
0x302: {  	v2 =	vsel vm14, s0, v2  }
0x303: {  	v2 =	vmax.f32 v2, $9.999999680e-21  }
0x304: {  	v3 =	vshra.s32 v2, $0x1;
	v62 =	vmul.f32 $5.000000000e-01, v2  }
0x305: {  	v3 =	vsub.s32 $0x5F3759DF, v3  }
0x306: {  	v63 =	vmul.f32 v3, v62;
	_ =	sdelay $0x1  }
0x307: {  	v5 =	vmul.f32 v3, v63;
	_ =	sdelay $0x1  }
0x308: {  	v5 =	vsub.f32 $1.500000000e+00, v5;
	_ =	sdelay $0x1  }
0x309: {  	v3 =	vmul.f32 v3, v5;
	_ =	sdelay $0x1  }
0x30a: {  	v5 =	vmul.f32 v3, v62;
	_ =	sdelay $0x1  }
0x30b: {  	v5 =	vmul.f32 v5, v3;
	_ =	sdelay $0x1  }
0x30c: {  	v5 =	vsub.f32 $1.500000000e+00, v5;
	_ =	sdelay $0x1  }
0x30d: {  	v3 =	vmul.f32 v5, v3;
	_ =	sdelay $0x1  }
0x30e: {  	v4 =	vmul.f32 v3, v62;
	_ =	sdelay $0x1  }
0x30f: {  	v4 =	vmul.f32 v4, v3;
	_ =	sdelay $0x1  }
0x310: {  	v4 =	vsub.f32 $1.500000000e+00, v4;
	_ =	sdelay $0x1  }
0x311: {  	v2 =	vmul.f32 $-5.000000000e-01, v2;
	v3 =	vmul.f32 v4, v3;
	_ =	sdelay $0x1  }
0x312: {  	v2 =	vmul.f32 v3, v2;
	_ =	sdelay $0x1  }
0x313: {  	v2 =	vmul.f32 $1.442695020e+00, v2;
	_ =	sdelay $0x1  }
0x314: {  	(erf) = vpow2.f32 v2;
	_ =	sdelay $0x3  }
0x315: {  	s30 =	rddreg [dreg:$0x11]  }
0x316: {  	p1 =	sne.s32 s30, $0x7  }
.Ltmp8:
0x317: {  	_ = 	snop;
	(pc) =	sbr.rel @p1 .LBB2_10-.Ltmp8, $4  }
0x318: {  	_ = 	snop  }
0x319: {  	s31 =	sshll.u32 s30, $0x4  }
0x31a: {  	s0 =	sand.u32 $0x3FFFFFF0, s31;
	v2 =	vpop (erf)  }
0x31b: {  	s1 =	sadd.s32 $0x1, s30;
	[tilespmem:v1+s0+$0x0 ss:$0x1] =	vst.idx.msk $0xffff, v2  }
0x31c: {  	s0 =	rddreg [dreg:$0xf]  }
0x31d: {  	s5 =	rddreg [dreg:$0x5]  }
0x31e: {  	s3 =	rddreg [dreg:$0x4];
	s7 =	simm.s32 $0x0;
	s0 =	sadd.s32 $0x3, s0  }
.Ltmp9:
0x31f: {  	s4 =	simm.s32 $0x3;
	p1 =	sge.u32 s0, s5;
	(pc) =	sbr.rel .LBB2_12-.Ltmp9, $4  }
0x320: {  	s0 =	sshll.u32 @!p1 s0, $0x7;
	s1 =	simm.s32 @!p1 $0x80;
	s2 =	simm.s32 @!p1 $0x8F00  }
0x321: {  	[tilespmem:s2], [sflag:$0x2] =	stream.indirect.gather @!p1 [hbm4b:s3+s1], $0x80, s0, s1, $0xb8;
	[tilespmem:$0x17700] =	vst v63  }
0x322: {  	s6 =	rddreg [dreg:$0xe];
	s0 =	sadd.s32 @!p1 $0x2780, s0;
	s2 =	simm.s32 @!p1 $0x10F00  }
0x323: {  	[tilespmem:s2], [sflag:$0x2] =	stream.indirect.gather @!p1 [hbm4b:s3+s1], $0x80, s0, s1, $0xb8;
	[tilespmem:$0x17700] =	vst v63  }
.LBB2_14:
0x324: {  	_ =	sfence.sel $0x180000  }
0x325: {  	[bflag:$0x0] =	sbarrier.arrive $0xFFFF  }
0x326: {  	_ =	strace $0x90000047  }
0x327: {  	s0 =	stileid.u32;
	[bflag:$0x2] =	sbarrier.arrive $0xFFFF  }
0x328: {  	p0 =	sne.s32 s0, $0x0;
	s0 =	rddreg [dreg:$0x3]  }
0x329: {  	s0 =	sadd.s32 @!p0 $0x100000, s0  }
0x32a: {  	[sflag:s0] =	ssyncadd.tile.s32 @!p0 $0x1;
	_ =	shalt  }
.Lfunc_end2:
_tile_overlayer_lowered:
.L_overlay_start_2:
0x32b: {  	(tag) =	ssettag $0x2  }
0x32c: {  	s0 =	rddreg [dreg:$0x0];
	s2 =	stileid.u32  }
0x32d: {  	s1 =	rddreg [dreg:$0x1];
	p0 =	sne.s32 s2, $0x0  }
0x32e: {  	s3 =	rddreg [dreg:$0x2];
	[bflag:$0x3] =	sbarrier.arrive $0xFFFF;
	s2 =	simm.s32 @!p0 $0x1C03  }
0x32f: {  	[timem:s3], [sflag:s2] =	dma.local @!p0 [hbm:s0], s1  }
0x330: {  	s0 =	simm.s32 @!p0 $0x3  }
0x331: {  	_ =	swait.ge @!p0 [sflag:s0], s1  }
0x332: {  	s1 =	ssub.s32 @!p0 $0x0, s1;
	[sflag:s0] =	ssyncset.done @!p0 $0x0  }
0x333: {  	[sflag:s0] =	ssyncadd.s32 @!p0 s1  }
0x334: {  	[bflag:$0x3] =	sbarrier.arrive $0xFFFF  }
0x335: {  	_ =	shalt  }

</sc_bundles>
